<compile_context>
chip_gen: v7x
topology: tpu7x:2x2x1
jax: 0.10.2.dev20260603
libtpu: 0.0.44.dev20260713+nightly
codegen_flags: <defaults>
</compile_context>

<pallas_src>
import functools

import jax
import jax.numpy as jnp
import numpy as np
from jax import lax
from jax.experimental import pallas as pl
from jax.experimental.pallas import tpu as pltpu
from jax.experimental.pallas import tpu_sc as plsc

N = 10000
NPAD = 10240
HID = 128
LAYERS = 4
HEADS = 8
BASES = 4
F = HID // HEADS
DESC = 200
NGRAPH = 128

NC = 2
NS = 16
NW = NC * NS
CH = 128


def _sc_degree_kernel(epw_chunks):
    mesh = plsc.VectorSubcoreMesh(core_axis_name="c", subcore_axis_name="s")
    rows_per_s = NPAD // NS

    @functools.partial(
        pl.kernel,
        mesh=mesh,
        out_type=jax.ShapeDtypeStruct((NC, NPAD), jnp.float32),
        scratch_types=[
            pltpu.VMEM((epw_chunks, CH), jnp.int32),
            pltpu.VMEM((CH,), jnp.float32),
            pltpu.VMEM((rows_per_s,), jnp.float32),
            pltpu.VMEM_SHARED((NPAD,), jnp.float32),
        ],
    )
    def k(dst_hbm, out_hbm, idx_v, ones_v, zeros_v, cnt_sh):
        c = lax.axis_index("c")
        s = lax.axis_index("s")
        wid = s * NC + c
        for i in range(CH // 16):
            ones_v[pl.ds(i * 16, 16)] = jnp.ones((16,), jnp.float32)

        def zbody(i, carry):
            zeros_v[pl.ds(i * 16, 16)] = jnp.zeros((16,), jnp.float32)
            return carry

        lax.fori_loop(0, rows_per_s // 16, zbody, 0)
        pltpu.sync_copy(zeros_v, cnt_sh.at[pl.ds(s * rows_per_s, rows_per_s)])
        pltpu.sync_copy(dst_hbm.at[wid], idx_v)
        plsc.subcore_barrier()

        def body(j, carry):
            pltpu.sync_copy(ones_v, cnt_sh.at[idx_v.at[j]], add=True)
            return carry

        lax.fori_loop(0, epw_chunks, body, 0)
        plsc.subcore_barrier()
        pltpu.sync_copy(
            cnt_sh.at[pl.ds(s * rows_per_s, rows_per_s)],
            out_hbm.at[c, pl.ds(s * rows_per_s, rows_per_s)],
        )

    return k


def _sc_layer_kernel(epw_chunks):
    mesh = plsc.VectorSubcoreMesh(core_axis_name="c", subcore_axis_name="s")
    rows_per_s = NPAD // NS

    @functools.partial(
        pl.kernel,
        mesh=mesh,
        out_type=jax.ShapeDtypeStruct((NC, NPAD, BASES * F), jnp.float32),
        compiler_params=pltpu.CompilerParams(use_tc_tiling_on_sc=False),
        scratch_types=[
            pltpu.VMEM((epw_chunks, CH), jnp.int32),
            pltpu.VMEM((epw_chunks, CH), jnp.int32),
            pltpu.VMEM((CH, BASES * F), jnp.float32),
            pltpu.VMEM((CH, BASES * F), jnp.float32),
            pltpu.VMEM((CH, BASES * F), jnp.float32),
            pltpu.VMEM((CH, BASES * F), jnp.float32),
            pltpu.VMEM_SHARED((NPAD, BASES * F), jnp.float32),
            pltpu.SemaphoreType.DMA,
            pltpu.SemaphoreType.DMA,
            pltpu.SemaphoreType.DMA,
        ],
    )
    def k(src_hbm, dst_hbm, bases_hbm, out_hbm, sidx_v, didx_v, zeros_v,
          rows0_v, rows1_v, rows2_v, agg_sh, sem0, sem1, sem2):
        c = lax.axis_index("c")
        s = lax.axis_index("s")
        wid = s * NC + c

        def zb(i, carry):
            def zb2(j, carry2):
                zeros_v[i, pl.ds(j * 16, 16)] = jnp.zeros((16,), jnp.float32)
                return carry2
            return lax.fori_loop(0, (BASES * F) // 16, zb2, carry)

        lax.fori_loop(0, CH, zb, 0)
        def zcopy(i, carry):
            pltpu.sync_copy(zeros_v, agg_sh.at[pl.ds(s * rows_per_s + i * CH, CH)])
            return carry

        lax.fori_loop(0, rows_per_s // CH, zcopy, 0)
        pltpu.sync_copy(src_hbm.at[wid], sidx_v)
        pltpu.sync_copy(dst_hbm.at[wid], didx_v)
        plsc.subcore_barrier()

        bufs = ((rows0_v, sem0), (rows1_v, sem1), (rows2_v, sem2))
        pltpu.async_copy(bases_hbm.at[sidx_v.at[0]], rows0_v, sem0)
        pltpu.async_copy(bases_hbm.at[sidx_v.at[1]], rows1_v, sem1)

        def body(j3, carry):
            j = j3 * 3
            for k in range(3):
                buf, sem = bufs[k]
                nbuf, nsem = bufs[(k + 2) % 3]
                if k == 0:
                    pltpu.async_copy(bases_hbm.at[sidx_v.at[j + 2]], nbuf,
                                     nsem)
                else:
                    @pl.when(j + k + 2 < epw_chunks)
                    def _():
                        pltpu.async_copy(bases_hbm.at[sidx_v.at[j + k + 2]],
                                         nbuf, nsem)

                pltpu.make_async_copy(bases_hbm.at[sidx_v.at[j + k]], buf,
                                      sem).wait()
                pltpu.sync_copy(buf, agg_sh.at[didx_v.at[j + k]], add=True)
            return carry

        lax.fori_loop(0, epw_chunks // 3, body, 0)
        plsc.subcore_barrier()
        pltpu.sync_copy(
            agg_sh.at[pl.ds(s * rows_per_s, rows_per_s)],
            out_hbm.at[c, pl.ds(s * rows_per_s, rows_per_s)],
        )

    return k


def _pad_edges(idx, total):
    pad = total - idx.shape[0]
    pad_rows = jnp.asarray(N + (np.arange(pad) % (NPAD - N)), jnp.int32)
    return jnp.concatenate([idx, pad_rows])


def _bn(x, g, b, eps=1e-5):
    mu = jnp.mean(x, axis=0, keepdims=True)
    var = jnp.mean((x - mu) * (x - mu), axis=0, keepdims=True)
    return (x - mu) * lax.rsqrt(var + eps) * g + b


def _dot(a, b):
    return jax.lax.dot_general(
        a, b, (((1,), (0,)), ((), ())),
        preferred_element_type=jnp.float32)


def _dotT(a, b):
    return jax.lax.dot_general(
        a, b, (((0,), (0,)), ((), ())),
        preferred_element_type=jnp.float32)


_S_EXPAND = np.zeros((BASES, BASES * HEADS, HID), np.float32)
_T_EXPAND = np.zeros((BASES, BASES * F, HID), np.float32)
for _b in range(BASES):
    for _h in range(HEADS):
        for _f in range(F):
            _S_EXPAND[_b, _h * BASES + _b, _h * F + _f] = 1.0
            _T_EXPAND[_b, _b * F + _f, _h * F + _f] = 1.0


RB = 2000
NBLK = N // RB


def _blk(cols):
    return pl.BlockSpec((RB, cols), lambda i: (i, 0))


def _full(shape):
    nd = len(shape)
    return pl.BlockSpec(shape, lambda i: (0,) * nd)


def _tc_embed_a(xp, w1p, b1):
    def body(x_r, w1_r, b1_r, t_r, ps_r, pss_r):
        t = _dot(x_r[...], w1_r[...]) + b1_r[...]
        t_r[...] = t
        mb = jnp.sum(t, axis=0, keepdims=True) / RB
        d = t - mb
        ps_r[...] = mb.reshape(1, 1, HID)
        pss_r[...] = jnp.sum(d * d, axis=0, keepdims=True).reshape(1, 1, HID)

    return pl.pallas_call(
        body,
        grid=(NBLK,),
        in_specs=[_blk(32), _full((32, HID)), _full((1, HID))],
        out_specs=[_blk(HID), pl.BlockSpec((1, 1, HID), lambda i: (i, 0, 0)),
                   pl.BlockSpec((1, 1, HID), lambda i: (i, 0, 0))],
        out_shape=[
            jax.ShapeDtypeStruct((N, HID), jnp.float32),
            jax.ShapeDtypeStruct((NBLK, 1, HID), jnp.float32),
            jax.ShapeDtypeStruct((NBLK, 1, HID), jnp.float32),
        ],
    )(xp, w1p, b1)


def _finalize_stats(ps, pss, eps=1e-5):
    mu = jnp.sum(ps[...], axis=0) / NBLK
    dm = ps[...] - mu
    var = (jnp.sum(pss[...], axis=0) + RB * jnp.sum(dm * dm, axis=0)) / N
    return mu, lax.rsqrt(var + eps)


def _tc_embed_b(t, ps, pss, g1, be1, d0, d1, wb, wc, bc):
    def body(t_r, ps_r, pss_r, g_r, be_r, d0_r, d1_r, wb_r, wc_r, bc_r,
             h_r, dinv_r, bases_r, wt_r):
        mu, rstd = _finalize_stats(ps_r, pss_r)
        h = jax.nn.relu((t_r[...] - mu) * rstd * g_r[...] + be_r[...])
        h_r[...] = h
        dinv = lax.rsqrt(1.0 + d0_r[...] + d1_r[...])
        dinv_r[...] = dinv
        bases_r[...] = dinv * _dot(h, wb_r[...])
        wt_r[...] = _dot(h, wc_r[...]) + bc_r[...]

    return pl.pallas_call(
        body,
        grid=(NBLK,),
        in_specs=[_blk(HID), _full((NBLK, 1, HID)), _full((NBLK, 1, HID)),
                  _full((1, HID)), _full((1, HID)), _blk(1), _blk(1),
                  _full((HID, BASES * F)), _full((HID, HEADS * BASES)),
                  _full((1, HEADS * BASES))],
        out_specs=[_blk(HID), _blk(1), _blk(BASES * F), _blk(HEADS * BASES)],
        out_shape=[
            jax.ShapeDtypeStruct((N, HID), jnp.float32),
            jax.ShapeDtypeStruct((N, 1), jnp.float32),
            jax.ShapeDtypeStruct((N, BASES * F), jnp.float32),
            jax.ShapeDtypeStruct((N, HEADS * BASES), jnp.float32),
        ],
    )(t, ps, pss, g1, be1, d0, d1, wb, wc, bc)


def _tc_tail_a(dinv, wt, p0, p1, bias, s_e, t_e):
    def body(dinv_r, wt_r, p0_r, p1_r, bias_r, s_r, t_r, o_r, ps_r, pss_r):
        agg = dinv_r[...] * (p0_r[...] + p1_r[...])
        wt = wt_r[...]
        o = bias_r[...] + _dot(wt, s_r[0]) * _dot(agg, t_r[0])
        for b in range(1, BASES):
            o = o + _dot(wt, s_r[b]) * _dot(agg, t_r[b])
        o_r[...] = o
        mb = jnp.sum(o, axis=0, keepdims=True) / RB
        d = o - mb
        ps_r[...] = mb.reshape(1, 1, HID)
        pss_r[...] = jnp.sum(d * d, axis=0, keepdims=True).reshape(1, 1, HID)

    return pl.pallas_call(
        body,
        grid=(NBLK,),
        in_specs=[_blk(1), _blk(HEADS * BASES), _blk(BASES * F),
                  _blk(BASES * F), _full((1, HID)),
                  _full((BASES, HEADS * BASES, HID)),
                  _full((BASES, BASES * F, HID))],
        out_specs=[_blk(HID), pl.BlockSpec((1, 1, HID), lambda i: (i, 0, 0)),
                   pl.BlockSpec((1, 1, HID), lambda i: (i, 0, 0))],
        out_shape=[
            jax.ShapeDtypeStruct((N, HID), jnp.float32),
            jax.ShapeDtypeStruct((NBLK, 1, HID), jnp.float32),
            jax.ShapeDtypeStruct((NBLK, 1, HID), jnp.float32),
        ],
    )(dinv, wt, p0, p1, bias, s_e, t_e)


def _tc_tail_b(h, o, ps, pss, g, be, dinv, wb, wc, bc):
    def body(h_r, o_r, ps_r, pss_r, g_r, be_r, dinv_r, wb_r, wc_r, bc_r,
             hn_r, bases_r, wt_r):
        mu, rstd = _finalize_stats(ps_r, pss_r)
        hn = h_r[...] + jax.nn.relu((o_r[...] - mu) * rstd * g_r[...]
                                    + be_r[...])
        hn_r[...] = hn
        bases_r[...] = dinv_r[...] * _dot(hn, wb_r[...])
        wt_r[...] = _dot(hn, wc_r[...]) + bc_r[...]

    return pl.pallas_call(
        body,
        grid=(NBLK,),
        in_specs=[_blk(HID), _blk(HID), _full((NBLK, 1, HID)),
                  _full((NBLK, 1, HID)), _full((1, HID)), _full((1, HID)),
                  _blk(1), _full((HID, BASES * F)),
                  _full((HID, HEADS * BASES)), _full((1, HEADS * BASES))],
        out_specs=[_blk(HID), _blk(BASES * F), _blk(HEADS * BASES)],
        out_shape=[
            jax.ShapeDtypeStruct((N, HID), jnp.float32),
            jax.ShapeDtypeStruct((N, BASES * F), jnp.float32),
            jax.ShapeDtypeStruct((N, HEADS * BASES), jnp.float32),
        ],
    )(h, o, ps, pss, g, be, dinv, wb, wc, bc)


def _tc_pool(hn, batch_col):
    def body(h_r, batch_r, ssum_r, cnt_r):
        i = pl.program_id(0)
        gids = jax.lax.broadcasted_iota(jnp.int32, (1, NGRAPH), 1)
        onehot = (batch_r[...] == gids).astype(jnp.float32)

        @pl.when(i == 0)
        def _():
            ssum_r[...] = jnp.zeros((NGRAPH, HID), jnp.float32)
            cnt_r[...] = jnp.zeros((NGRAPH, 1), jnp.float32)

        ssum_r[...] += _dotT(onehot, h_r[...])
        cnt_r[...] += _dotT(onehot, jnp.ones((RB, 1), jnp.float32))

    return pl.pallas_call(
        body,
        grid=(NBLK,),
        in_specs=[_blk(HID), _blk(1)],
        out_specs=[_full((NGRAPH, HID)), _full((NGRAPH, 1))],
        out_shape=[
            jax.ShapeDtypeStruct((NGRAPH, HID), jnp.float32),
            jax.ShapeDtypeStruct((NGRAPH, 1), jnp.float32),
        ],
    )(hn, batch_col)


def _tc_head(ssum, cnt, descriptors, Wm1, gm1, bm1, Wm2, gm2, bm2, W2m,
             W2d, b2, g3, be3, Wout, bout):
    def body(ssum_r, cnt_r, desc_r, wm1_r, gm1_r, bm1_r, wm2_r, gm2_r,
             bm2_r, w2m_r, w2d_r, b2_r, g3_r, be3_r, wout_r, bout_r, out_r):
        pooled = ssum_r[...] * (1.0 / jnp.maximum(cnt_r[...], 1.0))
        m = jax.nn.relu(_bn(_dot(pooled, wm1_r[...]), gm1_r[...], bm1_r[...]))
        m = jax.nn.relu(_bn(_dot(m, wm2_r[...]), gm2_r[...], bm2_r[...]))
        z = jax.nn.relu(_dot(m, w2m_r[...]) + _dot(desc_r[...], w2d_r[...])
                        + b2_r[...])
        z = _bn(z, g3_r[...], be3_r[...])
        out_r[...] = _dot(z, wout_r[...]) + bout_r[...]

    return pl.pallas_call(
        body,
        out_shape=jax.ShapeDtypeStruct((NGRAPH, 1), jnp.float32),
    )(ssum, cnt, descriptors, Wm1, gm1, bm1, Wm2, gm2, bm2, W2m, W2d,
      b2, g3, be3, Wout, bout)


def kernel(x, edge_index, batch, descriptors, W1, b1, g1, be1, convWb, convWc,
           convbc, convbias, convg, convbe, Wm1, gm1, bm1, Wm2, gm2, bm2, W2,
           b2, g3, be3, Wout, bout):
    n = N
    E = edge_index.shape[1]
    epd = ((E + NW * CH - 1) // (NW * CH)) * (NW * CH)
    dst3d = _pad_edges(edge_index[1], epd).reshape(NW, epd // (NW * CH), CH)
    parts = _sc_degree_kernel(epd // (NW * CH))(dst3d)
    deg = 1.0 + parts[0, :N] + parts[1, :N]
    dinv = lax.rsqrt(deg)

    loop = jnp.arange(n, dtype=edge_index.dtype)
    etot = E + n
    ep = ((etot + 3 * NW * CH - 1) // (3 * NW * CH)) * (3 * NW * CH)
    npad_e = ep - etot
    src_pad = jnp.asarray((np.arange(npad_e) * 61) % N, jnp.int32)
    dst_pad = jnp.asarray(N + (np.arange(npad_e) % (NPAD - N)), jnp.int32)
    epw_chunks = ep // (NW * CH)
    src3d = jnp.concatenate([edge_index[0], loop, src_pad]).reshape(NW, epw_chunks, CH)
    dst3d = jnp.concatenate([edge_index[1], loop, dst_pad]).reshape(NW, epw_chunks, CH)
    layer_scatter = _sc_layer_kernel(epw_chunks)

    xp = jnp.pad(x, ((0, 0), (0, 5)))
    w1p = jnp.pad(W1, ((0, 5), (0, 0)))
    s_e = jnp.asarray(_S_EXPAND)
    t_e = jnp.asarray(_T_EXPAND)
    d0 = parts[0, :N, None]
    d1 = parts[1, :N, None]
    t0, eps_, epss_ = _tc_embed_a(xp, w1p, b1[None, :])
    h, dinv2, bases, wt = _tc_embed_b(
        t0, eps_, epss_, g1[None, :], be1[None, :], d0, d1,
        convWb[0], convWc[0], convbc[0][None, :])
    for l in range(LAYERS):
        ps = layer_scatter(src3d, dst3d, bases)
        o, ops_, opss_ = _tc_tail_a(
            dinv2, wt, ps[0, :N], ps[1, :N], convbias[l][None, :], s_e, t_e)
        ln = min(l + 1, LAYERS - 1)
        h, bases, wt = _tc_tail_b(
            h, o, ops_, opss_, convg[l][None, :], convbe[l][None, :], dinv2,
            convWb[ln], convWc[ln], convbc[ln][None, :])
    ssum, cnt = _tc_pool(h, batch[:, None])
    return _tc_head(
        ssum, cnt, descriptors, Wm1, gm1[None, :], bm1[None, :],
        Wm2, gm2[None, :], bm2[None, :], W2[:HID // 4], W2[HID // 4:],
        b2[None, :], g3[None, :], be3[None, :], Wout, bout[None, :])

# --- scband reference (transcript-rebuilt; emitter-appended) ---
"""Pipeline reference for scband-egconv-net-39779987095820 (READ-ONLY COPY).

The authoritative reference and input builder live on the scoring server;
editing this copy changes nothing except your own understanding.
"""

import jax, jax.numpy as jnp
import numpy as np

N = 10000
E = 320000
HID = 128
LAYERS = 4
HEADS = 8
BASES = 4
F = HID // HEADS
DESC = 200
NGRAPH = 128

def _bn(x, g, b, eps=1e-5):
    mu = jnp.mean(x, axis=0)
    var = jnp.var(x, axis=0)
    return (x - mu) * jax.lax.rsqrt(var + eps) * g + b

def setup_inputs(seed: int = 0):
    key = jax.random.key(seed)
    ks = jax.random.split(key, 16)
    inp = {}
    inp["x"] = jax.random.normal(ks[0], (N, 27), jnp.float32)
    inp["edge_index"] = jax.random.randint(ks[1], (2, E), 0, N, jnp.int32)
    inp["batch"] = jnp.sort(jax.random.randint(ks[2], (N,), 0, NGRAPH, jnp.int32))
    inp["descriptors"] = jax.random.normal(ks[3], (NGRAPH, DESC), jnp.float32)
    inp["W1"] = jax.random.normal(ks[4], (27, HID), jnp.float32) / np.sqrt(27.0)
    inp["b1"] = jnp.zeros((HID,), jnp.float32)
    inp["g1"] = jnp.ones((HID,), jnp.float32)
    inp["be1"] = jnp.zeros((HID,), jnp.float32)
    inp["convWb"] = jax.random.normal(ks[5], (LAYERS, HID, BASES * F), jnp.float32) / np.sqrt(HID)
    inp["convWc"] = jax.random.normal(ks[6], (LAYERS, HID, HEADS * BASES), jnp.float32) / np.sqrt(HID)
    inp["convbc"] = jnp.zeros((LAYERS, HEADS * BASES), jnp.float32)
    inp["convbias"] = jnp.zeros((LAYERS, HID), jnp.float32)
    inp["convg"] = jnp.ones((LAYERS, HID), jnp.float32)
    inp["convbe"] = jnp.zeros((LAYERS, HID), jnp.float32)
    inp["Wm1"] = jax.random.normal(ks[7], (HID, HID // 2), jnp.float32) / np.sqrt(HID)
    inp["gm1"] = jnp.ones((HID // 2,), jnp.float32)
    inp["bm1"] = jnp.zeros((HID // 2,), jnp.float32)
    inp["Wm2"] = jax.random.normal(ks[8], (HID // 2, HID // 4), jnp.float32) / np.sqrt(HID // 2)
    inp["gm2"] = jnp.ones((HID // 4,), jnp.float32)
    inp["bm2"] = jnp.zeros((HID // 4,), jnp.float32)
    inp["W2"] = jax.random.normal(ks[9], (HID // 4 + DESC, 128), jnp.float32) / np.sqrt(HID // 4 + DESC)
    inp["b2"] = jnp.zeros((128,), jnp.float32)
    inp["g3"] = jnp.ones((128,), jnp.float32)
    inp["be3"] = jnp.zeros((128,), jnp.float32)
    inp["Wout"] = jax.random.normal(ks[10], (128, 1), jnp.float32) / np.sqrt(128.0)
    inp["bout"] = jnp.zeros((1,), jnp.float32)
    return inp

def reference(x, edge_index, batch, descriptors, W1, b1, g1, be1, convWb, convWc, convbc, convbias, convg, convbe, Wm1, gm1, bm1, Wm2, gm2, bm2, W2, b2, g3, be3, Wout, bout):
    n = x.shape[0]
    loop = jnp.arange(n, dtype=edge_index.dtype)
    src = jnp.concatenate([edge_index[0], loop])
    dst = jnp.concatenate([edge_index[1], loop])
    deg = jnp.zeros((n,), x.dtype).at[dst].add(1.0)
    dinv = jnp.where(deg > 0, jax.lax.rsqrt(jnp.maximum(deg, 1e-12)), 0.0)
    w = dinv[src] * dinv[dst]
    h = jax.nn.relu(_bn(x @ W1 + b1, g1, be1))
    for l in range(LAYERS):
        bases = h @ convWb[l]
        wt = (h @ convWc[l] + convbc[l]).reshape(n, HEADS, BASES)
        agg = jnp.zeros((n, BASES * F), h.dtype).at[dst].add(w[:, None] * bases[src])
        agg = agg.reshape(n, BASES, F)
        o = jnp.einsum('nhb,nbf->nhf', wt, agg).reshape(n, HID) + convbias[l]
        h = h + jax.nn.relu(_bn(o, convg[l], convbe[l]))
    ssum = jax.ops.segment_sum(h, batch, num_segments=NGRAPH)
    cnt = jax.ops.segment_sum(jnp.ones((n,), h.dtype), batch, num_segments=NGRAPH)
    pooled = ssum / jnp.maximum(cnt, 1.0)[:, None]
    m = jax.nn.relu(_bn(pooled @ Wm1, gm1, bm1))
    m = jax.nn.relu(_bn(m @ Wm2, gm2, bm2))
    z = jnp.concatenate([m, descriptors], axis=1)
    z = jax.nn.relu(z @ W2 + b2)
    z = _bn(z, g3, be3)
    return z @ Wout + bout

if __name__ == "__main__":
    import jax
    _d = setup_inputs()
    print(jax.jit(kernel)(*tuple(_d.values())))

</pallas_src>

<mosaic_0001>
#map = affine_map<(d0, d1) -> (0, 0, 0)>
#map1 = affine_map<(d0, d1) -> (0, 0)>
module attributes {stable_mosaic.version = 14 : i64} {
  func.func @k(%arg0: i32, %arg1: i32, %arg2: memref<32x79x128xi32, #tpu.memory_space<hbm>>, %arg3: memref<2x10240xf32, #tpu.memory_space<hbm>>, %arg4: memref<79x128xi32, #tpu.memory_space<vmem>>, %arg5: memref<128xf32, #tpu.memory_space<vmem>>, %arg6: memref<640xf32, #tpu.memory_space<vmem>>, %arg7: memref<10240xf32, #tpu.memory_space<vmem_shared>>) attributes {dimension_semantics = [#tpu.dimension_semantics<core_parallel>, #tpu.dimension_semantics<subcore_parallel>], iteration_bounds = array<i64: 2, 16>, scalar_prefetch = 0 : i64, scratch_operands = 4 : i64, tpu.core_type = #tpu.core_type<sc_vector_subcore>, window_params = [{transform_indices = #map}, {transform_indices = #map1}]} {
    %mul3A = arith.constant 2 : i32
    %mul3A_0 = arith.muli %arg1, %mul3A : i32
    %add3A = arith.addi %mul3A_0, %arg0 : i32
    %broadcast_in_dim3A = arith.constant 1.000000e+00 : f32
    %broadcast_in_dim3A_1 = vector.broadcast %broadcast_in_dim3A : f32 to vector<16xf32>
    %swap3A = arith.constant 0 : index
    %swap3A_2 = tpu.vector_load %arg5[%swap3A] {strides = array<i32>} : memref<128xf32, #tpu.memory_space<vmem>>, vector<16xf32>,
    %swap3A_3 = vector.shape_cast %swap3A_2 : vector<16xf32> to vector<16xf32>
    %swap3A_4 = vector.shape_cast %broadcast_in_dim3A_1 : vector<16xf32> to vector<16xf32>
    tpu.vector_store %arg5[%swap3A], %swap3A_4 {strides = array<i32>} : memref<128xf32, #tpu.memory_space<vmem>>, vector<16xf32>,
    %broadcast_in_dim3A_5 = arith.constant 1.000000e+00 : f32
    %broadcast_in_dim3A_6 = vector.broadcast %broadcast_in_dim3A_5 : f32 to vector<16xf32>
    %swap3A_7 = arith.constant 16 : index
    %swap3A_8 = tpu.vector_load %arg5[%swap3A_7] {strides = array<i32>} : memref<128xf32, #tpu.memory_space<vmem>>, vector<16xf32>,
    %swap3A_9 = vector.shape_cast %swap3A_8 : vector<16xf32> to vector<16xf32>
    %swap3A_10 = vector.shape_cast %broadcast_in_dim3A_6 : vector<16xf32> to vector<16xf32>
    tpu.vector_store %arg5[%swap3A_7], %swap3A_10 {strides = array<i32>} : memref<128xf32, #tpu.memory_space<vmem>>, vector<16xf32>,
    %broadcast_in_dim3A_11 = arith.constant 1.000000e+00 : f32
    %broadcast_in_dim3A_12 = vector.broadcast %broadcast_in_dim3A_11 : f32 to vector<16xf32>
    %swap3A_13 = arith.constant 32 : index
    %swap3A_14 = tpu.vector_load %arg5[%swap3A_13] {strides = array<i32>} : memref<128xf32, #tpu.memory_space<vmem>>, vector<16xf32>,
    %swap3A_15 = vector.shape_cast %swap3A_14 : vector<16xf32> to vector<16xf32>
    %swap3A_16 = vector.shape_cast %broadcast_in_dim3A_12 : vector<16xf32> to vector<16xf32>
    tpu.vector_store %arg5[%swap3A_13], %swap3A_16 {strides = array<i32>} : memref<128xf32, #tpu.memory_space<vmem>>, vector<16xf32>,
    %broadcast_in_dim3A_17 = arith.constant 1.000000e+00 : f32
    %broadcast_in_dim3A_18 = vector.broadcast %broadcast_in_dim3A_17 : f32 to vector<16xf32>
    %swap3A_19 = arith.constant 48 : index
    %swap3A_20 = tpu.vector_load %arg5[%swap3A_19] {strides = array<i32>} : memref<128xf32, #tpu.memory_space<vmem>>, vector<16xf32>,
    %swap3A_21 = vector.shape_cast %swap3A_20 : vector<16xf32> to vector<16xf32>
    %swap3A_22 = vector.shape_cast %broadcast_in_dim3A_18 : vector<16xf32> to vector<16xf32>
    tpu.vector_store %arg5[%swap3A_19], %swap3A_22 {strides = array<i32>} : memref<128xf32, #tpu.memory_space<vmem>>, vector<16xf32>,
    %broadcast_in_dim3A_23 = arith.constant 1.000000e+00 : f32
    %broadcast_in_dim3A_24 = vector.broadcast %broadcast_in_dim3A_23 : f32 to vector<16xf32>
    %swap3A_25 = arith.constant 64 : index
    %swap3A_26 = tpu.vector_load %arg5[%swap3A_25] {strides = array<i32>} : memref<128xf32, #tpu.memory_space<vmem>>, vector<16xf32>,
    %swap3A_27 = vector.shape_cast %swap3A_26 : vector<16xf32> to vector<16xf32>
    %swap3A_28 = vector.shape_cast %broadcast_in_dim3A_24 : vector<16xf32> to vector<16xf32>
    tpu.vector_store %arg5[%swap3A_25], %swap3A_28 {strides = array<i32>} : memref<128xf32, #tpu.memory_space<vmem>>, vector<16xf32>,
    %broadcast_in_dim3A_29 = arith.constant 1.000000e+00 : f32
    %broadcast_in_dim3A_30 = vector.broadcast %broadcast_in_dim3A_29 : f32 to vector<16xf32>
    %swap3A_31 = arith.constant 80 : index
    %swap3A_32 = tpu.vector_load %arg5[%swap3A_31] {strides = array<i32>} : memref<128xf32, #tpu.memory_space<vmem>>, vector<16xf32>,
    %swap3A_33 = vector.shape_cast %swap3A_32 : vector<16xf32> to vector<16xf32>
    %swap3A_34 = vector.shape_cast %broadcast_in_dim3A_30 : vector<16xf32> to vector<16xf32>
    tpu.vector_store %arg5[%swap3A_31], %swap3A_34 {strides = array<i32>} : memref<128xf32, #tpu.memory_space<vmem>>, vector<16xf32>,
    %broadcast_in_dim3A_35 = arith.constant 1.000000e+00 : f32
    %broadcast_in_dim3A_36 = vector.broadcast %broadcast_in_dim3A_35 : f32 to vector<16xf32>
    %swap3A_37 = arith.constant 96 : index
    %swap3A_38 = tpu.vector_load %arg5[%swap3A_37] {strides = array<i32>} : memref<128xf32, #tpu.memory_space<vmem>>, vector<16xf32>,
    %swap3A_39 = vector.shape_cast %swap3A_38 : vector<16xf32> to vector<16xf32>
    %swap3A_40 = vector.shape_cast %broadcast_in_dim3A_36 : vector<16xf32> to vector<16xf32>
    tpu.vector_store %arg5[%swap3A_37], %swap3A_40 {strides = array<i32>} : memref<128xf32, #tpu.memory_space<vmem>>, vector<16xf32>,
    %broadcast_in_dim3A_41 = arith.constant 1.000000e+00 : f32
    %broadcast_in_dim3A_42 = vector.broadcast %broadcast_in_dim3A_41 : f32 to vector<16xf32>
    %swap3A_43 = arith.constant 112 : index
    %swap3A_44 = tpu.vector_load %arg5[%swap3A_43] {strides = array<i32>} : memref<128xf32, #tpu.memory_space<vmem>>, vector<16xf32>,
    %swap3A_45 = vector.shape_cast %swap3A_44 : vector<16xf32> to vector<16xf32>
    %swap3A_46 = vector.shape_cast %broadcast_in_dim3A_42 : vector<16xf32> to vector<16xf32>
    tpu.vector_store %arg5[%swap3A_43], %swap3A_46 {strides = array<i32>} : memref<128xf32, #tpu.memory_space<vmem>>, vector<16xf32>,
    %scan3A = arith.constant 0 : i32
    %scan3A_47 = arith.constant 0 : i32
    %scan3A_48 = arith.constant 40 : i32
    %scan3A_49 = arith.addi %scan3A_47, %scan3A_48 : i32
    %scan3A_50 = arith.constant 1 : i32
    scf.for %scan3A_65 = %scan3A_47 to %scan3A_49 step %scan3A_50  : i32 {
      %broadcast_in_dim3A_66 = arith.constant 0.000000e+00 : f32
      %broadcast_in_dim3A_67 = vector.broadcast %broadcast_in_dim3A_66 : f32 to vector<16xf32>
      %mul3A_68 = arith.constant 16 : i32
      %mul3A_69 = arith.muli %scan3A_65, %mul3A_68 : i32
      %swap3A_70 = arith.index_cast %mul3A_69 : i32 to index
      %swap3A_71 = tpu.vector_load %arg6[%swap3A_70] {strides = array<i32>} : memref<640xf32, #tpu.memory_space<vmem>>, vector<16xf32>,
      %swap3A_72 = vector.shape_cast %swap3A_71 : vector<16xf32> to vector<16xf32>
      %swap3A_73 = vector.shape_cast %broadcast_in_dim3A_67 : vector<16xf32> to vector<16xf32>
      tpu.vector_store %arg6[%swap3A_70], %swap3A_73 {strides = array<i32>} : memref<640xf32, #tpu.memory_space<vmem>>, vector<16xf32>,
    }
    %scan3A_51 = arith.constant 40 : i32
    %mul3A_52 = arith.constant 640 : i32
    %mul3A_53 = arith.muli %arg1, %mul3A_52 : i32
    "tpu.region"() ({
      %run_scoped3A = tpu.sem_alloc : memref<!tpu.dma_semaphore, #tpu.memory_space<semaphore_mem>>
      %dma_start3A = tpu.memref_slice %arg7[%mul3A_53] : memref<10240xf32, #tpu.memory_space<vmem_shared>> -> memref<640xf32, #tpu.memory_space<vmem_shared>>
      %dma_start3A_65 = tpu.memref_slice %arg7[%mul3A_53] : memref<10240xf32, #tpu.memory_space<vmem_shared>> -> memref<640xf32, #tpu.memory_space<vmem_shared>>
      tpu.enqueue_dma source(%arg6 : memref<640xf32, #tpu.memory_space<vmem>>) target(%dma_start3A_65 : memref<640xf32, #tpu.memory_space<vmem_shared>>) target_semaphore(%run_scoped3A : memref<!tpu.dma_semaphore, #tpu.memory_space<semaphore_mem>>)
      %dma_wait3A = tpu.memref_slice %arg7[%mul3A_53] : memref<10240xf32, #tpu.memory_space<vmem_shared>> -> memref<640xf32, #tpu.memory_space<vmem_shared>>
      %dma_wait3A_66 = tpu.memref_slice %arg7[%mul3A_53] : memref<10240xf32, #tpu.memory_space<vmem_shared>> -> memref<640xf32, #tpu.memory_space<vmem_shared>>
      tpu.wait_dma2 semaphore(%run_scoped3A : memref<!tpu.dma_semaphore, #tpu.memory_space<semaphore_mem>>) src(%arg6 : memref<640xf32, #tpu.memory_space<vmem>>) dst(%dma_wait3A_66 : memref<640xf32, #tpu.memory_space<vmem_shared>>)
      tpu.yield
    }) : () -> ()
    "tpu.region"() ({
      %run_scoped3A = tpu.sem_alloc : memref<!tpu.dma_semaphore, #tpu.memory_space<semaphore_mem>>
      %dma_start3A = arith.constant 0 : i32
      %dma_start3A_65 = arith.constant 0 : i32
      %dma_start3A_66 = tpu.memref_slice %arg2[%add3A, %dma_start3A, %dma_start3A_65] : memref<32x79x128xi32, #tpu.memory_space<hbm>> -> memref<1x79x128xi32, #tpu.memory_space<hbm>>
      %dma_start3A_67 = tpu.memref_squeeze %dma_start3A_66 : memref<1x79x128xi32, #tpu.memory_space<hbm>> -> memref<79x128xi32, #tpu.memory_space<hbm>>
      %dma_start3A_68 = arith.constant 0 : i32
      %dma_start3A_69 = arith.constant 0 : i32
      %dma_start3A_70 = tpu.memref_slice %arg2[%add3A, %dma_start3A_68, %dma_start3A_69] : memref<32x79x128xi32, #tpu.memory_space<hbm>> -> memref<1x79x128xi32, #tpu.memory_space<hbm>>
      %dma_start3A_71 = tpu.memref_squeeze %dma_start3A_70 : memref<1x79x128xi32, #tpu.memory_space<hbm>> -> memref<79x128xi32, #tpu.memory_space<hbm>>
      tpu.enqueue_dma source(%dma_start3A_71 : memref<79x128xi32, #tpu.memory_space<hbm>>) target(%arg4 : memref<79x128xi32, #tpu.memory_space<vmem>>) target_semaphore(%run_scoped3A : memref<!tpu.dma_semaphore, #tpu.memory_space<semaphore_mem>>)
      %dma_wait3A = arith.constant 0 : i32
      %dma_wait3A_72 = arith.constant 0 : i32
      %dma_wait3A_73 = tpu.memref_slice %arg2[%add3A, %dma_wait3A, %dma_wait3A_72] : memref<32x79x128xi32, #tpu.memory_space<hbm>> -> memref<1x79x128xi32, #tpu.memory_space<hbm>>
      %dma_wait3A_74 = tpu.memref_squeeze %dma_wait3A_73 : memref<1x79x128xi32, #tpu.memory_space<hbm>> -> memref<79x128xi32, #tpu.memory_space<hbm>>
      %dma_wait3A_75 = arith.constant 0 : i32
      %dma_wait3A_76 = arith.constant 0 : i32
      %dma_wait3A_77 = tpu.memref_slice %arg2[%add3A, %dma_wait3A_75, %dma_wait3A_76] : memref<32x79x128xi32, #tpu.memory_space<hbm>> -> memref<1x79x128xi32, #tpu.memory_space<hbm>>
      %dma_wait3A_78 = tpu.memref_squeeze %dma_wait3A_77 : memref<1x79x128xi32, #tpu.memory_space<hbm>> -> memref<79x128xi32, #tpu.memory_space<hbm>>
      tpu.wait_dma2 semaphore(%run_scoped3A : memref<!tpu.dma_semaphore, #tpu.memory_space<semaphore_mem>>) src(%dma_wait3A_78 : memref<79x128xi32, #tpu.memory_space<hbm>>) dst(%arg4 : memref<79x128xi32, #tpu.memory_space<vmem>>)
      tpu.yield
    }) : () -> ()
    %barrier3A = arith.constant 0 : index
    tpu.barrier barrier_id(%barrier3A)
    %scan3A_54 = arith.constant 0 : i32
    %scan3A_55 = arith.constant 0 : i32
    %scan3A_56 = arith.constant 79 : i32
    %scan3A_57 = arith.addi %scan3A_55, %scan3A_56 : i32
    %scan3A_58 = arith.constant 1 : i32
    scf.for %scan3A_65 = %scan3A_55 to %scan3A_57 step %scan3A_58  : i32 {
      "tpu.region"() ({
        %run_scoped3A = tpu.sem_alloc : memref<!tpu.dma_semaphore, #tpu.memory_space<semaphore_mem>>
        %dma_start3A = arith.constant 0 : i32
        %dma_start3A_66 = tpu.memref_slice %arg4[%scan3A_65, %dma_start3A] : memref<79x128xi32, #tpu.memory_space<vmem>> -> memref<1x128xi32, #tpu.memory_space<vmem>>
        %dma_start3A_67 = tpu.memref_squeeze %dma_start3A_66 : memref<1x128xi32, #tpu.memory_space<vmem>> -> memref<128xi32, #tpu.memory_space<vmem>>
        %dma_start3A_68 = arith.constant 0 : i32
        %dma_start3A_69 = tpu.memref_slice %arg7[%dma_start3A_68] : memref<10240xf32, #tpu.memory_space<vmem_shared>> -> memref<10240xf32, #tpu.memory_space<vmem_shared>>
        tpu.enqueue_indirect_dma source(%arg5 : memref<128xf32, #tpu.memory_space<vmem>>) target(%dma_start3A_69 : memref<10240xf32, #tpu.memory_space<vmem_shared>>) offsets(%dma_start3A_67 : memref<128xi32, #tpu.memory_space<vmem>>) semaphore(%run_scoped3A : memref<!tpu.dma_semaphore, #tpu.memory_space<semaphore_mem>>) {add = true}
        %dma_wait3A = arith.constant 0 : i32
        %dma_wait3A_70 = tpu.memref_slice %arg4[%scan3A_65, %dma_wait3A] : memref<79x128xi32, #tpu.memory_space<vmem>> -> memref<1x128xi32, #tpu.memory_space<vmem>>
        %dma_wait3A_71 = tpu.memref_squeeze %dma_wait3A_70 : memref<1x128xi32, #tpu.memory_space<vmem>> -> memref<128xi32, #tpu.memory_space<vmem>>
        %dma_wait3A_72 = arith.constant 0 : i32
        %dma_wait3A_73 = tpu.memref_slice %arg7[%dma_wait3A_72] : memref<10240xf32, #tpu.memory_space<vmem_shared>> -> memref<10240xf32, #tpu.memory_space<vmem_shared>>
        tpu.wait_indirect_dma semaphore(%run_scoped3A : memref<!tpu.dma_semaphore, #tpu.memory_space<semaphore_mem>>) src(%arg5 : memref<128xf32, #tpu.memory_space<vmem>>) dst(%dma_wait3A_73 : memref<10240xf32, #tpu.memory_space<vmem_shared>>)
        tpu.yield
      }) : () -> ()
    }
    %scan3A_59 = arith.constant 79 : i32
    %barrier3A_60 = arith.constant 0 : index
    tpu.barrier barrier_id(%barrier3A_60)
    %mul3A_61 = arith.constant 640 : i32
    %mul3A_62 = arith.muli %arg1, %mul3A_61 : i32
    %mul3A_63 = arith.constant 640 : i32
    %mul3A_64 = arith.muli %arg1, %mul3A_63 : i32
    "tpu.region"() ({
      %run_scoped3A = tpu.sem_alloc : memref<!tpu.dma_semaphore, #tpu.memory_space<semaphore_mem>>
      %dma_start3A = tpu.memref_slice %arg3[%arg0, %mul3A_64] : memref<2x10240xf32, #tpu.memory_space<hbm>> -> memref<1x640xf32, #tpu.memory_space<hbm>>
      %dma_start3A_65 = tpu.memref_squeeze %dma_start3A : memref<1x640xf32, #tpu.memory_space<hbm>> -> memref<640xf32, #tpu.memory_space<hbm>>
      %dma_start3A_66 = tpu.memref_slice %arg7[%mul3A_62] : memref<10240xf32, #tpu.memory_space<vmem_shared>> -> memref<640xf32, #tpu.memory_space<vmem_shared>>
      tpu.enqueue_dma source(%dma_start3A_66 : memref<640xf32, #tpu.memory_space<vmem_shared>>) target(%dma_start3A_65 : memref<640xf32, #tpu.memory_space<hbm>>) target_semaphore(%run_scoped3A : memref<!tpu.dma_semaphore, #tpu.memory_space<semaphore_mem>>)
      %dma_wait3A = tpu.memref_slice %arg3[%arg0, %mul3A_64] : memref<2x10240xf32, #tpu.memory_space<hbm>> -> memref<1x640xf32, #tpu.memory_space<hbm>>
      %dma_wait3A_67 = tpu.memref_squeeze %dma_wait3A : memref<1x640xf32, #tpu.memory_space<hbm>> -> memref<640xf32, #tpu.memory_space<hbm>>
      %dma_wait3A_68 = tpu.memref_slice %arg7[%mul3A_62] : memref<10240xf32, #tpu.memory_space<vmem_shared>> -> memref<640xf32, #tpu.memory_space<vmem_shared>>
      tpu.wait_dma2 semaphore(%run_scoped3A : memref<!tpu.dma_semaphore, #tpu.memory_space<semaphore_mem>>) src(%dma_wait3A_68 : memref<640xf32, #tpu.memory_space<vmem_shared>>) dst(%dma_wait3A_67 : memref<640xf32, #tpu.memory_space<hbm>>)
      tpu.yield
    }) : () -> ()
    return
  }
}

#map = affine_map<(d0, d1) -> (0, 0, 0)>
#map1 = affine_map<(d0, d1) -> (0, 0)>
module attributes {stable_mosaic.version = 14 : i64} {
  func.func @k(%arg0: i32, %arg1: i32, %arg2: memref<32x81x128xi32, #tpu.memory_space<hbm>>, %arg3: memref<32x81x128xi32, #tpu.memory_space<hbm>>, %arg4: memref<10000x64xf32, #tpu.memory_space<hbm>>, %arg5: memref<2x10240x64xf32, #tpu.memory_space<hbm>>, %arg6: memref<81x128xi32, #tpu.memory_space<vmem>>, %arg7: memref<81x128xi32, #tpu.memory_space<vmem>>, %arg8: memref<128x64xf32, #tpu.memory_space<vmem>>, %arg9: memref<128x64xf32, #tpu.memory_space<vmem>>, %arg10: memref<128x64xf32, #tpu.memory_space<vmem>>, %arg11: memref<128x64xf32, #tpu.memory_space<vmem>>, %arg12: memref<10240x64xf32, #tpu.memory_space<vmem_shared>>, %arg13: memref<!tpu.dma_semaphore, #tpu.memory_space<semaphore_mem>>, %arg14: memref<!tpu.dma_semaphore, #tpu.memory_space<semaphore_mem>>, %arg15: memref<!tpu.dma_semaphore, #tpu.memory_space<semaphore_mem>>) attributes {dimension_semantics = [#tpu.dimension_semantics<core_parallel>, #tpu.dimension_semantics<subcore_parallel>], iteration_bounds = array<i64: 2, 16>, scalar_prefetch = 0 : i64, scratch_operands = 10 : i64, tpu.core_type = #tpu.core_type<sc_vector_subcore>, window_params = [{transform_indices = #map}, {transform_indices = #map}, {transform_indices = #map1}, {transform_indices = #map}]} {
    %mul3A = arith.constant 2 : i32
    %mul3A_0 = arith.muli %arg1, %mul3A : i32
    %add3A = arith.addi %mul3A_0, %arg0 : i32
    %scan3A = arith.constant 0 : i32
    %scan3A_1 = arith.constant 0 : i32
    %scan3A_2 = arith.constant 128 : i32
    %scan3A_3 = arith.addi %scan3A_1, %scan3A_2 : i32
    %scan3A_4 = arith.constant 1 : i32
    scf.for %scan3A_36 = %scan3A_1 to %scan3A_3 step %scan3A_4  : i32 {
      %scan3A_37 = arith.constant 0 : i32
      %scan3A_38 = arith.constant 4 : i32
      %scan3A_39 = arith.addi %scan3A_37, %scan3A_38 : i32
      %scan3A_40 = arith.constant 1 : i32
      scf.for %scan3A_42 = %scan3A_37 to %scan3A_39 step %scan3A_40  : i32 {
        %broadcast_in_dim3A = arith.constant 0.000000e+00 : f32
        %broadcast_in_dim3A_43 = vector.broadcast %broadcast_in_dim3A : f32 to vector<16xf32>
        %mul3A_44 = arith.constant 16 : i32
        %mul3A_45 = arith.muli %scan3A_42, %mul3A_44 : i32
        %swap3A = arith.index_cast %scan3A_36 : i32 to index
        %swap3A_46 = arith.index_cast %mul3A_45 : i32 to index
        %swap3A_47 = tpu.vector_load %arg8[%swap3A, %swap3A_46] {strides = array<i32>} : memref<128x64xf32, #tpu.memory_space<vmem>>, vector<1x16xf32>,
        %swap3A_48 = vector.shape_cast %swap3A_47 : vector<1x16xf32> to vector<16xf32>
        %swap3A_49 = vector.shape_cast %broadcast_in_dim3A_43 : vector<16xf32> to vector<1x16xf32>
        tpu.vector_store %arg8[%swap3A, %swap3A_46], %swap3A_49 {strides = array<i32>} : memref<128x64xf32, #tpu.memory_space<vmem>>, vector<1x16xf32>,
      }
      %scan3A_41 = arith.constant 4 : i32
    }
    %scan3A_5 = arith.constant 128 : i32
    %scan3A_6 = arith.constant 0 : i32
    %scan3A_7 = arith.constant 0 : i32
    %scan3A_8 = arith.constant 5 : i32
    %scan3A_9 = arith.addi %scan3A_7, %scan3A_8 : i32
    %scan3A_10 = arith.constant 1 : i32
    scf.for %scan3A_36 = %scan3A_7 to %scan3A_9 step %scan3A_10  : i32 {
      %mul3A_37 = arith.constant 640 : i32
      %mul3A_38 = arith.muli %arg1, %mul3A_37 : i32
      %mul3A_39 = arith.constant 128 : i32
      %mul3A_40 = arith.muli %scan3A_36, %mul3A_39 : i32
      %add3A_41 = arith.addi %mul3A_38, %mul3A_40 : i32
      "tpu.region"() ({
        %run_scoped3A = tpu.sem_alloc : memref<!tpu.dma_semaphore, #tpu.memory_space<semaphore_mem>>
        %dma_start3A_42 = arith.constant 0 : i32
        %dma_start3A_43 = tpu.memref_slice %arg12[%add3A_41, %dma_start3A_42] : memref<10240x64xf32, #tpu.memory_space<vmem_shared>> -> memref<128x64xf32, #tpu.memory_space<vmem_shared>>
        %dma_start3A_44 = arith.constant 0 : i32
        %dma_start3A_45 = tpu.memref_slice %arg12[%add3A_41, %dma_start3A_44] : memref<10240x64xf32, #tpu.memory_space<vmem_shared>> -> memref<128x64xf32, #tpu.memory_space<vmem_shared>>
        tpu.enqueue_dma source(%arg8 : memref<128x64xf32, #tpu.memory_space<vmem>>) target(%dma_start3A_45 : memref<128x64xf32, #tpu.memory_space<vmem_shared>>) target_semaphore(%run_scoped3A : memref<!tpu.dma_semaphore, #tpu.memory_space<semaphore_mem>>)
        %dma_wait3A = arith.constant 0 : i32
        %dma_wait3A_46 = tpu.memref_slice %arg12[%add3A_41, %dma_wait3A] : memref<10240x64xf32, #tpu.memory_space<vmem_shared>> -> memref<128x64xf32, #tpu.memory_space<vmem_shared>>
        %dma_wait3A_47 = arith.constant 0 : i32
        %dma_wait3A_48 = tpu.memref_slice %arg12[%add3A_41, %dma_wait3A_47] : memref<10240x64xf32, #tpu.memory_space<vmem_shared>> -> memref<128x64xf32, #tpu.memory_space<vmem_shared>>
        tpu.wait_dma2 semaphore(%run_scoped3A : memref<!tpu.dma_semaphore, #tpu.memory_space<semaphore_mem>>) src(%arg8 : memref<128x64xf32, #tpu.memory_space<vmem>>) dst(%dma_wait3A_48 : memref<128x64xf32, #tpu.memory_space<vmem_shared>>)
        tpu.yield
      }) : () -> ()
    }
    %scan3A_11 = arith.constant 5 : i32
    "tpu.region"() ({
      %run_scoped3A = tpu.sem_alloc : memref<!tpu.dma_semaphore, #tpu.memory_space<semaphore_mem>>
      %dma_start3A_36 = arith.constant 0 : i32
      %dma_start3A_37 = arith.constant 0 : i32
      %dma_start3A_38 = tpu.memref_slice %arg2[%add3A, %dma_start3A_36, %dma_start3A_37] : memref<32x81x128xi32, #tpu.memory_space<hbm>> -> memref<1x81x128xi32, #tpu.memory_space<hbm>>
      %dma_start3A_39 = tpu.memref_squeeze %dma_start3A_38 : memref<1x81x128xi32, #tpu.memory_space<hbm>> -> memref<81x128xi32, #tpu.memory_space<hbm>>
      %dma_start3A_40 = arith.constant 0 : i32
      %dma_start3A_41 = arith.constant 0 : i32
      %dma_start3A_42 = tpu.memref_slice %arg2[%add3A, %dma_start3A_40, %dma_start3A_41] : memref<32x81x128xi32, #tpu.memory_space<hbm>> -> memref<1x81x128xi32, #tpu.memory_space<hbm>>
      %dma_start3A_43 = tpu.memref_squeeze %dma_start3A_42 : memref<1x81x128xi32, #tpu.memory_space<hbm>> -> memref<81x128xi32, #tpu.memory_space<hbm>>
      tpu.enqueue_dma source(%dma_start3A_43 : memref<81x128xi32, #tpu.memory_space<hbm>>) target(%arg6 : memref<81x128xi32, #tpu.memory_space<vmem>>) target_semaphore(%run_scoped3A : memref<!tpu.dma_semaphore, #tpu.memory_space<semaphore_mem>>)
      %dma_wait3A = arith.constant 0 : i32
      %dma_wait3A_44 = arith.constant 0 : i32
      %dma_wait3A_45 = tpu.memref_slice %arg2[%add3A, %dma_wait3A, %dma_wait3A_44] : memref<32x81x128xi32, #tpu.memory_space<hbm>> -> memref<1x81x128xi32, #tpu.memory_space<hbm>>
      %dma_wait3A_46 = tpu.memref_squeeze %dma_wait3A_45 : memref<1x81x128xi32, #tpu.memory_space<hbm>> -> memref<81x128xi32, #tpu.memory_space<hbm>>
      %dma_wait3A_47 = arith.constant 0 : i32
      %dma_wait3A_48 = arith.constant 0 : i32
      %dma_wait3A_49 = tpu.memref_slice %arg2[%add3A, %dma_wait3A_47, %dma_wait3A_48] : memref<32x81x128xi32, #tpu.memory_space<hbm>> -> memref<1x81x128xi32, #tpu.memory_space<hbm>>
      %dma_wait3A_50 = tpu.memref_squeeze %dma_wait3A_49 : memref<1x81x128xi32, #tpu.memory_space<hbm>> -> memref<81x128xi32, #tpu.memory_space<hbm>>
      tpu.wait_dma2 semaphore(%run_scoped3A : memref<!tpu.dma_semaphore, #tpu.memory_space<semaphore_mem>>) src(%dma_wait3A_50 : memref<81x128xi32, #tpu.memory_space<hbm>>) dst(%arg6 : memref<81x128xi32, #tpu.memory_space<vmem>>)
      tpu.yield
    }) : () -> ()
    "tpu.region"() ({
      %run_scoped3A = tpu.sem_alloc : memref<!tpu.dma_semaphore, #tpu.memory_space<semaphore_mem>>
      %dma_start3A_36 = arith.constant 0 : i32
      %dma_start3A_37 = arith.constant 0 : i32
      %dma_start3A_38 = tpu.memref_slice %arg3[%add3A, %dma_start3A_36, %dma_start3A_37] : memref<32x81x128xi32, #tpu.memory_space<hbm>> -> memref<1x81x128xi32, #tpu.memory_space<hbm>>
      %dma_start3A_39 = tpu.memref_squeeze %dma_start3A_38 : memref<1x81x128xi32, #tpu.memory_space<hbm>> -> memref<81x128xi32, #tpu.memory_space<hbm>>
      %dma_start3A_40 = arith.constant 0 : i32
      %dma_start3A_41 = arith.constant 0 : i32
      %dma_start3A_42 = tpu.memref_slice %arg3[%add3A, %dma_start3A_40, %dma_start3A_41] : memref<32x81x128xi32, #tpu.memory_space<hbm>> -> memref<1x81x128xi32, #tpu.memory_space<hbm>>
      %dma_start3A_43 = tpu.memref_squeeze %dma_start3A_42 : memref<1x81x128xi32, #tpu.memory_space<hbm>> -> memref<81x128xi32, #tpu.memory_space<hbm>>
      tpu.enqueue_dma source(%dma_start3A_43 : memref<81x128xi32, #tpu.memory_space<hbm>>) target(%arg7 : memref<81x128xi32, #tpu.memory_space<vmem>>) target_semaphore(%run_scoped3A : memref<!tpu.dma_semaphore, #tpu.memory_space<semaphore_mem>>)
      %dma_wait3A = arith.constant 0 : i32
      %dma_wait3A_44 = arith.constant 0 : i32
      %dma_wait3A_45 = tpu.memref_slice %arg3[%add3A, %dma_wait3A, %dma_wait3A_44] : memref<32x81x128xi32, #tpu.memory_space<hbm>> -> memref<1x81x128xi32, #tpu.memory_space<hbm>>
      %dma_wait3A_46 = tpu.memref_squeeze %dma_wait3A_45 : memref<1x81x128xi32, #tpu.memory_space<hbm>> -> memref<81x128xi32, #tpu.memory_space<hbm>>
      %dma_wait3A_47 = arith.constant 0 : i32
      %dma_wait3A_48 = arith.constant 0 : i32
      %dma_wait3A_49 = tpu.memref_slice %arg3[%add3A, %dma_wait3A_47, %dma_wait3A_48] : memref<32x81x128xi32, #tpu.memory_space<hbm>> -> memref<1x81x128xi32, #tpu.memory_space<hbm>>
      %dma_wait3A_50 = tpu.memref_squeeze %dma_wait3A_49 : memref<1x81x128xi32, #tpu.memory_space<hbm>> -> memref<81x128xi32, #tpu.memory_space<hbm>>
      tpu.wait_dma2 semaphore(%run_scoped3A : memref<!tpu.dma_semaphore, #tpu.memory_space<semaphore_mem>>) src(%dma_wait3A_50 : memref<81x128xi32, #tpu.memory_space<hbm>>) dst(%arg7 : memref<81x128xi32, #tpu.memory_space<vmem>>)
      tpu.yield
    }) : () -> ()
    %barrier3A = arith.constant 0 : index
    tpu.barrier barrier_id(%barrier3A)
    %dma_start3A = arith.constant 0 : i32
    %dma_start3A_12 = arith.constant 0 : i32
    %dma_start3A_13 = tpu.memref_slice %arg6[%dma_start3A, %dma_start3A_12] : memref<81x128xi32, #tpu.memory_space<vmem>> -> memref<1x128xi32, #tpu.memory_space<vmem>>
    %dma_start3A_14 = tpu.memref_squeeze %dma_start3A_13 : memref<1x128xi32, #tpu.memory_space<vmem>> -> memref<128xi32, #tpu.memory_space<vmem>>
    %dma_start3A_15 = arith.constant 0 : i32
    %dma_start3A_16 = arith.constant 0 : i32
    %dma_start3A_17 = tpu.memref_slice %arg4[%dma_start3A_15, %dma_start3A_16] : memref<10000x64xf32, #tpu.memory_space<hbm>> -> memref<10000x64xf32, #tpu.memory_space<hbm>>
    tpu.enqueue_indirect_dma source(%dma_start3A_17 : memref<10000x64xf32, #tpu.memory_space<hbm>>) target(%arg9 : memref<128x64xf32, #tpu.memory_space<vmem>>) offsets(%dma_start3A_14 : memref<128xi32, #tpu.memory_space<vmem>>) semaphore(%arg13 : memref<!tpu.dma_semaphore, #tpu.memory_space<semaphore_mem>>)
    %dma_start3A_18 = arith.constant 1 : i32
    %dma_start3A_19 = arith.constant 0 : i32
    %dma_start3A_20 = tpu.memref_slice %arg6[%dma_start3A_18, %dma_start3A_19] : memref<81x128xi32, #tpu.memory_space<vmem>> -> memref<1x128xi32, #tpu.memory_space<vmem>>
    %dma_start3A_21 = tpu.memref_squeeze %dma_start3A_20 : memref<1x128xi32, #tpu.memory_space<vmem>> -> memref<128xi32, #tpu.memory_space<vmem>>
    %dma_start3A_22 = arith.constant 0 : i32
    %dma_start3A_23 = arith.constant 0 : i32
    %dma_start3A_24 = tpu.memref_slice %arg4[%dma_start3A_22, %dma_start3A_23] : memref<10000x64xf32, #tpu.memory_space<hbm>> -> memref<10000x64xf32, #tpu.memory_space<hbm>>
    tpu.enqueue_indirect_dma source(%dma_start3A_24 : memref<10000x64xf32, #tpu.memory_space<hbm>>) target(%arg10 : memref<128x64xf32, #tpu.memory_space<vmem>>) offsets(%dma_start3A_21 : memref<128xi32, #tpu.memory_space<vmem>>) semaphore(%arg14 : memref<!tpu.dma_semaphore, #tpu.memory_space<semaphore_mem>>)
    %scan3A_25 = arith.constant 0 : i32
    %scan3A_26 = arith.constant 0 : i32
    %scan3A_27 = arith.constant 27 : i32
    %scan3A_28 = arith.addi %scan3A_26, %scan3A_27 : i32
    %scan3A_29 = arith.constant 1 : i32
    scf.for %scan3A_36 = %scan3A_26 to %scan3A_28 step %scan3A_29  : i32 {
      %mul3A_37 = arith.constant 3 : i32
      %mul3A_38 = arith.muli %scan3A_36, %mul3A_37 : i32
      %add3A_39 = arith.constant 2 : i32
      %add3A_40 = arith.addi %mul3A_38, %add3A_39 : i32
      %dma_start3A_41 = arith.constant 0 : i32
      %dma_start3A_42 = tpu.memref_slice %arg6[%add3A_40, %dma_start3A_41] : memref<81x128xi32, #tpu.memory_space<vmem>> -> memref<1x128xi32, #tpu.memory_space<vmem>>
      %dma_start3A_43 = tpu.memref_squeeze %dma_start3A_42 : memref<1x128xi32, #tpu.memory_space<vmem>> -> memref<128xi32, #tpu.memory_space<vmem>>
      %dma_start3A_44 = arith.constant 0 : i32
      %dma_start3A_45 = arith.constant 0 : i32
      %dma_start3A_46 = tpu.memref_slice %arg4[%dma_start3A_44, %dma_start3A_45] : memref<10000x64xf32, #tpu.memory_space<hbm>> -> memref<10000x64xf32, #tpu.memory_space<hbm>>
      tpu.enqueue_indirect_dma source(%dma_start3A_46 : memref<10000x64xf32, #tpu.memory_space<hbm>>) target(%arg11 : memref<128x64xf32, #tpu.memory_space<vmem>>) offsets(%dma_start3A_43 : memref<128xi32, #tpu.memory_space<vmem>>) semaphore(%arg15 : memref<!tpu.dma_semaphore, #tpu.memory_space<semaphore_mem>>)
      %add3A_47 = arith.constant 0 : i32
      %add3A_48 = arith.addi %mul3A_38, %add3A_47 : i32
      %dma_wait3A = arith.constant 0 : i32
      %dma_wait3A_49 = tpu.memref_slice %arg6[%add3A_48, %dma_wait3A] : memref<81x128xi32, #tpu.memory_space<vmem>> -> memref<1x128xi32, #tpu.memory_space<vmem>>
      %dma_wait3A_50 = tpu.memref_squeeze %dma_wait3A_49 : memref<1x128xi32, #tpu.memory_space<vmem>> -> memref<128xi32, #tpu.memory_space<vmem>>
      %dma_wait3A_51 = arith.constant 0 : i32
      %dma_wait3A_52 = arith.constant 0 : i32
      %dma_wait3A_53 = tpu.memref_slice %arg4[%dma_wait3A_51, %dma_wait3A_52] : memref<10000x64xf32, #tpu.memory_space<hbm>> -> memref<10000x64xf32, #tpu.memory_space<hbm>>
      tpu.wait_indirect_dma semaphore(%arg13 : memref<!tpu.dma_semaphore, #tpu.memory_space<semaphore_mem>>) src(%dma_wait3A_53 : memref<10000x64xf32, #tpu.memory_space<hbm>>) dst(%arg9 : memref<128x64xf32, #tpu.memory_space<vmem>>)
      %add3A_54 = arith.constant 0 : i32
      %add3A_55 = arith.addi %mul3A_38, %add3A_54 : i32
      "tpu.region"() ({
        %run_scoped3A = tpu.sem_alloc : memref<!tpu.dma_semaphore, #tpu.memory_space<semaphore_mem>>
        %dma_start3A_91 = arith.constant 0 : i32
        %dma_start3A_92 = tpu.memref_slice %arg7[%add3A_55, %dma_start3A_91] : memref<81x128xi32, #tpu.memory_space<vmem>> -> memref<1x128xi32, #tpu.memory_space<vmem>>
        %dma_start3A_93 = tpu.memref_squeeze %dma_start3A_92 : memref<1x128xi32, #tpu.memory_space<vmem>> -> memref<128xi32, #tpu.memory_space<vmem>>
        %dma_start3A_94 = arith.constant 0 : i32
        %dma_start3A_95 = arith.constant 0 : i32
        %dma_start3A_96 = tpu.memref_slice %arg12[%dma_start3A_94, %dma_start3A_95] : memref<10240x64xf32, #tpu.memory_space<vmem_shared>> -> memref<10240x64xf32, #tpu.memory_space<vmem_shared>>
        tpu.enqueue_indirect_dma source(%arg9 : memref<128x64xf32, #tpu.memory_space<vmem>>) target(%dma_start3A_96 : memref<10240x64xf32, #tpu.memory_space<vmem_shared>>) offsets(%dma_start3A_93 : memref<128xi32, #tpu.memory_space<vmem>>) semaphore(%run_scoped3A : memref<!tpu.dma_semaphore, #tpu.memory_space<semaphore_mem>>) {add = true}
        %dma_wait3A_97 = arith.constant 0 : i32
        %dma_wait3A_98 = tpu.memref_slice %arg7[%add3A_55, %dma_wait3A_97] : memref<81x128xi32, #tpu.memory_space<vmem>> -> memref<1x128xi32, #tpu.memory_space<vmem>>
        %dma_wait3A_99 = tpu.memref_squeeze %dma_wait3A_98 : memref<1x128xi32, #tpu.memory_space<vmem>> -> memref<128xi32, #tpu.memory_space<vmem>>
        %dma_wait3A_100 = arith.constant 0 : i32
        %dma_wait3A_101 = arith.constant 0 : i32
        %dma_wait3A_102 = tpu.memref_slice %arg12[%dma_wait3A_100, %dma_wait3A_101] : memref<10240x64xf32, #tpu.memory_space<vmem_shared>> -> memref<10240x64xf32, #tpu.memory_space<vmem_shared>>
        tpu.wait_indirect_dma semaphore(%run_scoped3A : memref<!tpu.dma_semaphore, #tpu.memory_space<semaphore_mem>>) src(%arg9 : memref<128x64xf32, #tpu.memory_space<vmem>>) dst(%dma_wait3A_102 : memref<10240x64xf32, #tpu.memory_space<vmem_shared>>)
        tpu.yield
      }) : () -> ()
      %add3A_56 = arith.constant 1 : i32
      %add3A_57 = arith.addi %mul3A_38, %add3A_56 : i32
      %add3A_58 = arith.constant 2 : i32
      %add3A_59 = arith.addi %add3A_57, %add3A_58 : i32
      %lt3A = arith.constant 81 : i32
      %lt3A_60 = arith.cmpi slt, %add3A_59, %lt3A : i32
      %convert_element_type3A = arith.extui %lt3A_60 : i1 to i32
      %cond3A = arith.constant 0 : i32
      %cond3A_61 = arith.cmpi ne, %convert_element_type3A, %cond3A : i32
      scf.if %cond3A_61 {
        %add3A_91 = arith.constant 1 : i32
        %add3A_92 = arith.addi %mul3A_38, %add3A_91 : i32
        %add3A_93 = arith.constant 2 : i32
        %add3A_94 = arith.addi %add3A_92, %add3A_93 : i32
        %dma_start3A_95 = arith.constant 0 : i32
        %dma_start3A_96 = tpu.memref_slice %arg6[%add3A_94, %dma_start3A_95] : memref<81x128xi32, #tpu.memory_space<vmem>> -> memref<1x128xi32, #tpu.memory_space<vmem>>
        %dma_start3A_97 = tpu.memref_squeeze %dma_start3A_96 : memref<1x128xi32, #tpu.memory_space<vmem>> -> memref<128xi32, #tpu.memory_space<vmem>>
        %dma_start3A_98 = arith.constant 0 : i32
        %dma_start3A_99 = arith.constant 0 : i32
        %dma_start3A_100 = tpu.memref_slice %arg4[%dma_start3A_98, %dma_start3A_99] : memref<10000x64xf32, #tpu.memory_space<hbm>> -> memref<10000x64xf32, #tpu.memory_space<hbm>>
        tpu.enqueue_indirect_dma source(%dma_start3A_100 : memref<10000x64xf32, #tpu.memory_space<hbm>>) target(%arg9 : memref<128x64xf32, #tpu.memory_space<vmem>>) offsets(%dma_start3A_97 : memref<128xi32, #tpu.memory_space<vmem>>) semaphore(%arg13 : memref<!tpu.dma_semaphore, #tpu.memory_space<semaphore_mem>>)
      } else {
      }
      %add3A_62 = arith.constant 1 : i32
      %add3A_63 = arith.addi %mul3A_38, %add3A_62 : i32
      %dma_wait3A_64 = arith.constant 0 : i32
      %dma_wait3A_65 = tpu.memref_slice %arg6[%add3A_63, %dma_wait3A_64] : memref<81x128xi32, #tpu.memory_space<vmem>> -> memref<1x128xi32, #tpu.memory_space<vmem>>
      %dma_wait3A_66 = tpu.memref_squeeze %dma_wait3A_65 : memref<1x128xi32, #tpu.memory_space<vmem>> -> memref<128xi32, #tpu.memory_space<vmem>>
      %dma_wait3A_67 = arith.constant 0 : i32
      %dma_wait3A_68 = arith.constant 0 : i32
      %dma_wait3A_69 = tpu.memref_slice %arg4[%dma_wait3A_67, %dma_wait3A_68] : memref<10000x64xf32, #tpu.memory_space<hbm>> -> memref<10000x64xf32, #tpu.memory_space<hbm>>
      tpu.wait_indirect_dma semaphore(%arg14 : memref<!tpu.dma_semaphore, #tpu.memory_space<semaphore_mem>>) src(%dma_wait3A_69 : memref<10000x64xf32, #tpu.memory_space<hbm>>) dst(%arg10 : memref<128x64xf32, #tpu.memory_space<vmem>>)
      %add3A_70 = arith.constant 1 : i32
      %add3A_71 = arith.addi %mul3A_38, %add3A_70 : i32
      "tpu.region"() ({
        %run_scoped3A = tpu.sem_alloc : memref<!tpu.dma_semaphore, #tpu.memory_space<semaphore_mem>>
        %dma_start3A_91 = arith.constant 0 : i32
        %dma_start3A_92 = tpu.memref_slice %arg7[%add3A_71, %dma_start3A_91] : memref<81x128xi32, #tpu.memory_space<vmem>> -> memref<1x128xi32, #tpu.memory_space<vmem>>
        %dma_start3A_93 = tpu.memref_squeeze %dma_start3A_92 : memref<1x128xi32, #tpu.memory_space<vmem>> -> memref<128xi32, #tpu.memory_space<vmem>>
        %dma_start3A_94 = arith.constant 0 : i32
        %dma_start3A_95 = arith.constant 0 : i32
        %dma_start3A_96 = tpu.memref_slice %arg12[%dma_start3A_94, %dma_start3A_95] : memref<10240x64xf32, #tpu.memory_space<vmem_shared>> -> memref<10240x64xf32, #tpu.memory_space<vmem_shared>>
        tpu.enqueue_indirect_dma source(%arg10 : memref<128x64xf32, #tpu.memory_space<vmem>>) target(%dma_start3A_96 : memref<10240x64xf32, #tpu.memory_space<vmem_shared>>) offsets(%dma_start3A_93 : memref<128xi32, #tpu.memory_space<vmem>>) semaphore(%run_scoped3A : memref<!tpu.dma_semaphore, #tpu.memory_space<semaphore_mem>>) {add = true}
        %dma_wait3A_97 = arith.constant 0 : i32
        %dma_wait3A_98 = tpu.memref_slice %arg7[%add3A_71, %dma_wait3A_97] : memref<81x128xi32, #tpu.memory_space<vmem>> -> memref<1x128xi32, #tpu.memory_space<vmem>>
        %dma_wait3A_99 = tpu.memref_squeeze %dma_wait3A_98 : memref<1x128xi32, #tpu.memory_space<vmem>> -> memref<128xi32, #tpu.memory_space<vmem>>
        %dma_wait3A_100 = arith.constant 0 : i32
        %dma_wait3A_101 = arith.constant 0 : i32
        %dma_wait3A_102 = tpu.memref_slice %arg12[%dma_wait3A_100, %dma_wait3A_101] : memref<10240x64xf32, #tpu.memory_space<vmem_shared>> -> memref<10240x64xf32, #tpu.memory_space<vmem_shared>>
        tpu.wait_indirect_dma semaphore(%run_scoped3A : memref<!tpu.dma_semaphore, #tpu.memory_space<semaphore_mem>>) src(%arg10 : memref<128x64xf32, #tpu.memory_space<vmem>>) dst(%dma_wait3A_102 : memref<10240x64xf32, #tpu.memory_space<vmem_shared>>)
        tpu.yield
      }) : () -> ()
      %add3A_72 = arith.constant 2 : i32
      %add3A_73 = arith.addi %mul3A_38, %add3A_72 : i32
      %add3A_74 = arith.constant 2 : i32
      %add3A_75 = arith.addi %add3A_73, %add3A_74 : i32
      %lt3A_76 = arith.constant 81 : i32
      %lt3A_77 = arith.cmpi slt, %add3A_75, %lt3A_76 : i32
      %convert_element_type3A_78 = arith.extui %lt3A_77 : i1 to i32
      %cond3A_79 = arith.constant 0 : i32
      %cond3A_80 = arith.cmpi ne, %convert_element_type3A_78, %cond3A_79 : i32
      scf.if %cond3A_80 {
        %add3A_91 = arith.constant 2 : i32
        %add3A_92 = arith.addi %mul3A_38, %add3A_91 : i32
        %add3A_93 = arith.constant 2 : i32
        %add3A_94 = arith.addi %add3A_92, %add3A_93 : i32
        %dma_start3A_95 = arith.constant 0 : i32
        %dma_start3A_96 = tpu.memref_slice %arg6[%add3A_94, %dma_start3A_95] : memref<81x128xi32, #tpu.memory_space<vmem>> -> memref<1x128xi32, #tpu.memory_space<vmem>>
        %dma_start3A_97 = tpu.memref_squeeze %dma_start3A_96 : memref<1x128xi32, #tpu.memory_space<vmem>> -> memref<128xi32, #tpu.memory_space<vmem>>
        %dma_start3A_98 = arith.constant 0 : i32
        %dma_start3A_99 = arith.constant 0 : i32
        %dma_start3A_100 = tpu.memref_slice %arg4[%dma_start3A_98, %dma_start3A_99] : memref<10000x64xf32, #tpu.memory_space<hbm>> -> memref<10000x64xf32, #tpu.memory_space<hbm>>
        tpu.enqueue_indirect_dma source(%dma_start3A_100 : memref<10000x64xf32, #tpu.memory_space<hbm>>) target(%arg10 : memref<128x64xf32, #tpu.memory_space<vmem>>) offsets(%dma_start3A_97 : memref<128xi32, #tpu.memory_space<vmem>>) semaphore(%arg14 : memref<!tpu.dma_semaphore, #tpu.memory_space<semaphore_mem>>)
      } else {
      }
      %add3A_81 = arith.constant 2 : i32
      %add3A_82 = arith.addi %mul3A_38, %add3A_81 : i32
      %dma_wait3A_83 = arith.constant 0 : i32
      %dma_wait3A_84 = tpu.memref_slice %arg6[%add3A_82, %dma_wait3A_83] : memref<81x128xi32, #tpu.memory_space<vmem>> -> memref<1x128xi32, #tpu.memory_space<vmem>>
      %dma_wait3A_85 = tpu.memref_squeeze %dma_wait3A_84 : memref<1x128xi32, #tpu.memory_space<vmem>> -> memref<128xi32, #tpu.memory_space<vmem>>
      %dma_wait3A_86 = arith.constant 0 : i32
      %dma_wait3A_87 = arith.constant 0 : i32
      %dma_wait3A_88 = tpu.memref_slice %arg4[%dma_wait3A_86, %dma_wait3A_87] : memref<10000x64xf32, #tpu.memory_space<hbm>> -> memref<10000x64xf32, #tpu.memory_space<hbm>>
      tpu.wait_indirect_dma semaphore(%arg15 : memref<!tpu.dma_semaphore, #tpu.memory_space<semaphore_mem>>) src(%dma_wait3A_88 : memref<10000x64xf32, #tpu.memory_space<hbm>>) dst(%arg11 : memref<128x64xf32, #tpu.memory_space<vmem>>)
      %add3A_89 = arith.constant 2 : i32
      %add3A_90 = arith.addi %mul3A_38, %add3A_89 : i32
      "tpu.region"() ({
        %run_scoped3A = tpu.sem_alloc : memref<!tpu.dma_semaphore, #tpu.memory_space<semaphore_mem>>
        %dma_start3A_91 = arith.constant 0 : i32
        %dma_start3A_92 = tpu.memref_slice %arg7[%add3A_90, %dma_start3A_91] : memref<81x128xi32, #tpu.memory_space<vmem>> -> memref<1x128xi32, #tpu.memory_space<vmem>>
        %dma_start3A_93 = tpu.memref_squeeze %dma_start3A_92 : memref<1x128xi32, #tpu.memory_space<vmem>> -> memref<128xi32, #tpu.memory_space<vmem>>
        %dma_start3A_94 = arith.constant 0 : i32
        %dma_start3A_95 = arith.constant 0 : i32
        %dma_start3A_96 = tpu.memref_slice %arg12[%dma_start3A_94, %dma_start3A_95] : memref<10240x64xf32, #tpu.memory_space<vmem_shared>> -> memref<10240x64xf32, #tpu.memory_space<vmem_shared>>
        tpu.enqueue_indirect_dma source(%arg11 : memref<128x64xf32, #tpu.memory_space<vmem>>) target(%dma_start3A_96 : memref<10240x64xf32, #tpu.memory_space<vmem_shared>>) offsets(%dma_start3A_93 : memref<128xi32, #tpu.memory_space<vmem>>) semaphore(%run_scoped3A : memref<!tpu.dma_semaphore, #tpu.memory_space<semaphore_mem>>) {add = true}
        %dma_wait3A_97 = arith.constant 0 : i32
        %dma_wait3A_98 = tpu.memref_slice %arg7[%add3A_90, %dma_wait3A_97] : memref<81x128xi32, #tpu.memory_space<vmem>> -> memref<1x128xi32, #tpu.memory_space<vmem>>
        %dma_wait3A_99 = tpu.memref_squeeze %dma_wait3A_98 : memref<1x128xi32, #tpu.memory_space<vmem>> -> memref<128xi32, #tpu.memory_space<vmem>>
        %dma_wait3A_100 = arith.constant 0 : i32
        %dma_wait3A_101 = arith.constant 0 : i32
        %dma_wait3A_102 = tpu.memref_slice %arg12[%dma_wait3A_100, %dma_wait3A_101] : memref<10240x64xf32, #tpu.memory_space<vmem_shared>> -> memref<10240x64xf32, #tpu.memory_space<vmem_shared>>
        tpu.wait_indirect_dma semaphore(%run_scoped3A : memref<!tpu.dma_semaphore, #tpu.memory_space<semaphore_mem>>) src(%arg11 : memref<128x64xf32, #tpu.memory_space<vmem>>) dst(%dma_wait3A_102 : memref<10240x64xf32, #tpu.memory_space<vmem_shared>>)
        tpu.yield
      }) : () -> ()
    }
    %scan3A_30 = arith.constant 27 : i32
    %barrier3A_31 = arith.constant 0 : index
    tpu.barrier barrier_id(%barrier3A_31)
    %mul3A_32 = arith.constant 640 : i32
    %mul3A_33 = arith.muli %arg1, %mul3A_32 : i32
    %mul3A_34 = arith.constant 640 : i32
    %mul3A_35 = arith.muli %arg1, %mul3A_34 : i32
    "tpu.region"() ({
      %run_scoped3A = tpu.sem_alloc : memref<!tpu.dma_semaphore, #tpu.memory_space<semaphore_mem>>
      %dma_start3A_36 = arith.constant 0 : i32
      %dma_start3A_37 = tpu.memref_slice %arg5[%arg0, %mul3A_35, %dma_start3A_36] : memref<2x10240x64xf32, #tpu.memory_space<hbm>> -> memref<1x640x64xf32, #tpu.memory_space<hbm>>
      %dma_start3A_38 = tpu.memref_squeeze %dma_start3A_37 : memref<1x640x64xf32, #tpu.memory_space<hbm>> -> memref<640x64xf32, #tpu.memory_space<hbm>>
      %dma_start3A_39 = arith.constant 0 : i32
      %dma_start3A_40 = tpu.memref_slice %arg12[%mul3A_33, %dma_start3A_39] : memref<10240x64xf32, #tpu.memory_space<vmem_shared>> -> memref<640x64xf32, #tpu.memory_space<vmem_shared>>
      tpu.enqueue_dma source(%dma_start3A_40 : memref<640x64xf32, #tpu.memory_space<vmem_shared>>) target(%dma_start3A_38 : memref<640x64xf32, #tpu.memory_space<hbm>>) target_semaphore(%run_scoped3A : memref<!tpu.dma_semaphore, #tpu.memory_space<semaphore_mem>>)
      %dma_wait3A = arith.constant 0 : i32
      %dma_wait3A_41 = tpu.memref_slice %arg5[%arg0, %mul3A_35, %dma_wait3A] : memref<2x10240x64xf32, #tpu.memory_space<hbm>> -> memref<1x640x64xf32, #tpu.memory_space<hbm>>
      %dma_wait3A_42 = tpu.memref_squeeze %dma_wait3A_41 : memref<1x640x64xf32, #tpu.memory_space<hbm>> -> memref<640x64xf32, #tpu.memory_space<hbm>>
      %dma_wait3A_43 = arith.constant 0 : i32
      %dma_wait3A_44 = tpu.memref_slice %arg12[%mul3A_33, %dma_wait3A_43] : memref<10240x64xf32, #tpu.memory_space<vmem_shared>> -> memref<640x64xf32, #tpu.memory_space<vmem_shared>>
      tpu.wait_dma2 semaphore(%run_scoped3A : memref<!tpu.dma_semaphore, #tpu.memory_space<semaphore_mem>>) src(%dma_wait3A_44 : memref<640x64xf32, #tpu.memory_space<vmem_shared>>) dst(%dma_wait3A_42 : memref<640x64xf32, #tpu.memory_space<hbm>>)
      tpu.yield
    }) : () -> ()
    return
  }
}

#map = affine_map<(d0, d1) -> (0, 0, 0)>
#map1 = affine_map<(d0, d1) -> (0, 0)>
module attributes {stable_mosaic.version = 14 : i64} {
  func.func @k(%arg0: i32, %arg1: i32, %arg2: memref<32x81x128xi32, #tpu.memory_space<hbm>>, %arg3: memref<32x81x128xi32, #tpu.memory_space<hbm>>, %arg4: memref<10000x64xf32, #tpu.memory_space<hbm>>, %arg5: memref<2x10240x64xf32, #tpu.memory_space<hbm>>, %arg6: memref<81x128xi32, #tpu.memory_space<vmem>>, %arg7: memref<81x128xi32, #tpu.memory_space<vmem>>, %arg8: memref<128x64xf32, #tpu.memory_space<vmem>>, %arg9: memref<128x64xf32, #tpu.memory_space<vmem>>, %arg10: memref<128x64xf32, #tpu.memory_space<vmem>>, %arg11: memref<128x64xf32, #tpu.memory_space<vmem>>, %arg12: memref<10240x64xf32, #tpu.memory_space<vmem_shared>>, %arg13: memref<!tpu.dma_semaphore, #tpu.memory_space<semaphore_mem>>, %arg14: memref<!tpu.dma_semaphore, #tpu.memory_space<semaphore_mem>>, %arg15: memref<!tpu.dma_semaphore, #tpu.memory_space<semaphore_mem>>) attributes {dimension_semantics = [#tpu.dimension_semantics<core_parallel>, #tpu.dimension_semantics<subcore_parallel>], iteration_bounds = array<i64: 2, 16>, scalar_prefetch = 0 : i64, scratch_operands = 10 : i64, tpu.core_type = #tpu.core_type<sc_vector_subcore>, window_params = [{transform_indices = #map}, {transform_indices = #map}, {transform_indices = #map1}, {transform_indices = #map}]} {
    %mul3A = arith.constant 2 : i32
    %mul3A_0 = arith.muli %arg1, %mul3A : i32
    %add3A = arith.addi %mul3A_0, %arg0 : i32
    %scan3A = arith.constant 0 : i32
    %scan3A_1 = arith.constant 0 : i32
    %scan3A_2 = arith.constant 128 : i32
    %scan3A_3 = arith.addi %scan3A_1, %scan3A_2 : i32
    %scan3A_4 = arith.constant 1 : i32
    scf.for %scan3A_36 = %scan3A_1 to %scan3A_3 step %scan3A_4  : i32 {
      %scan3A_37 = arith.constant 0 : i32
      %scan3A_38 = arith.constant 4 : i32
      %scan3A_39 = arith.addi %scan3A_37, %scan3A_38 : i32
      %scan3A_40 = arith.constant 1 : i32
      scf.for %scan3A_42 = %scan3A_37 to %scan3A_39 step %scan3A_40  : i32 {
        %broadcast_in_dim3A = arith.constant 0.000000e+00 : f32
        %broadcast_in_dim3A_43 = vector.broadcast %broadcast_in_dim3A : f32 to vector<16xf32>
        %mul3A_44 = arith.constant 16 : i32
        %mul3A_45 = arith.muli %scan3A_42, %mul3A_44 : i32
        %swap3A = arith.index_cast %scan3A_36 : i32 to index
        %swap3A_46 = arith.index_cast %mul3A_45 : i32 to index
        %swap3A_47 = tpu.vector_load %arg8[%swap3A, %swap3A_46] {strides = array<i32>} : memref<128x64xf32, #tpu.memory_space<vmem>>, vector<1x16xf32>,
        %swap3A_48 = vector.shape_cast %swap3A_47 : vector<1x16xf32> to vector<16xf32>
        %swap3A_49 = vector.shape_cast %broadcast_in_dim3A_43 : vector<16xf32> to vector<1x16xf32>
        tpu.vector_store %arg8[%swap3A, %swap3A_46], %swap3A_49 {strides = array<i32>} : memref<128x64xf32, #tpu.memory_space<vmem>>, vector<1x16xf32>,
      }
      %scan3A_41 = arith.constant 4 : i32
    }
    %scan3A_5 = arith.constant 128 : i32
    %scan3A_6 = arith.constant 0 : i32
    %scan3A_7 = arith.constant 0 : i32
    %scan3A_8 = arith.constant 5 : i32
    %scan3A_9 = arith.addi %scan3A_7, %scan3A_8 : i32
    %scan3A_10 = arith.constant 1 : i32
    scf.for %scan3A_36 = %scan3A_7 to %scan3A_9 step %scan3A_10  : i32 {
      %mul3A_37 = arith.constant 640 : i32
      %mul3A_38 = arith.muli %arg1, %mul3A_37 : i32
      %mul3A_39 = arith.constant 128 : i32
      %mul3A_40 = arith.muli %scan3A_36, %mul3A_39 : i32
      %add3A_41 = arith.addi %mul3A_38, %mul3A_40 : i32
      "tpu.region"() ({
        %run_scoped3A = tpu.sem_alloc : memref<!tpu.dma_semaphore, #tpu.memory_space<semaphore_mem>>
        %dma_start3A_42 = arith.constant 0 : i32
        %dma_start3A_43 = tpu.memref_slice %arg12[%add3A_41, %dma_start3A_42] : memref<10240x64xf32, #tpu.memory_space<vmem_shared>> -> memref<128x64xf32, #tpu.memory_space<vmem_shared>>
        %dma_start3A_44 = arith.constant 0 : i32
        %dma_start3A_45 = tpu.memref_slice %arg12[%add3A_41, %dma_start3A_44] : memref<10240x64xf32, #tpu.memory_space<vmem_shared>> -> memref<128x64xf32, #tpu.memory_space<vmem_shared>>
        tpu.enqueue_dma source(%arg8 : memref<128x64xf32, #tpu.memory_space<vmem>>) target(%dma_start3A_45 : memref<128x64xf32, #tpu.memory_space<vmem_shared>>) target_semaphore(%run_scoped3A : memref<!tpu.dma_semaphore, #tpu.memory_space<semaphore_mem>>)
        %dma_wait3A = arith.constant 0 : i32
        %dma_wait3A_46 = tpu.memref_slice %arg12[%add3A_41, %dma_wait3A] : memref<10240x64xf32, #tpu.memory_space<vmem_shared>> -> memref<128x64xf32, #tpu.memory_space<vmem_shared>>
        %dma_wait3A_47 = arith.constant 0 : i32
        %dma_wait3A_48 = tpu.memref_slice %arg12[%add3A_41, %dma_wait3A_47] : memref<10240x64xf32, #tpu.memory_space<vmem_shared>> -> memref<128x64xf32, #tpu.memory_space<vmem_shared>>
        tpu.wait_dma2 semaphore(%run_scoped3A : memref<!tpu.dma_semaphore, #tpu.memory_space<semaphore_mem>>) src(%arg8 : memref<128x64xf32, #tpu.memory_space<vmem>>) dst(%dma_wait3A_48 : memref<128x64xf32, #tpu.memory_space<vmem_shared>>)
        tpu.yield
      }) : () -> ()
    }
    %scan3A_11 = arith.constant 5 : i32
    "tpu.region"() ({
      %run_scoped3A = tpu.sem_alloc : memref<!tpu.dma_semaphore, #tpu.memory_space<semaphore_mem>>
      %dma_start3A_36 = arith.constant 0 : i32
      %dma_start3A_37 = arith.constant 0 : i32
      %dma_start3A_38 = tpu.memref_slice %arg2[%add3A, %dma_start3A_36, %dma_start3A_37] : memref<32x81x128xi32, #tpu.memory_space<hbm>> -> memref<1x81x128xi32, #tpu.memory_space<hbm>>
      %dma_start3A_39 = tpu.memref_squeeze %dma_start3A_38 : memref<1x81x128xi32, #tpu.memory_space<hbm>> -> memref<81x128xi32, #tpu.memory_space<hbm>>
      %dma_start3A_40 = arith.constant 0 : i32
      %dma_start3A_41 = arith.constant 0 : i32
      %dma_start3A_42 = tpu.memref_slice %arg2[%add3A, %dma_start3A_40, %dma_start3A_41] : memref<32x81x128xi32, #tpu.memory_space<hbm>> -> memref<1x81x128xi32, #tpu.memory_space<hbm>>
      %dma_start3A_43 = tpu.memref_squeeze %dma_start3A_42 : memref<1x81x128xi32, #tpu.memory_space<hbm>> -> memref<81x128xi32, #tpu.memory_space<hbm>>
      tpu.enqueue_dma source(%dma_start3A_43 : memref<81x128xi32, #tpu.memory_space<hbm>>) target(%arg6 : memref<81x128xi32, #tpu.memory_space<vmem>>) target_semaphore(%run_scoped3A : memref<!tpu.dma_semaphore, #tpu.memory_space<semaphore_mem>>)
      %dma_wait3A = arith.constant 0 : i32
      %dma_wait3A_44 = arith.constant 0 : i32
      %dma_wait3A_45 = tpu.memref_slice %arg2[%add3A, %dma_wait3A, %dma_wait3A_44] : memref<32x81x128xi32, #tpu.memory_space<hbm>> -> memref<1x81x128xi32, #tpu.memory_space<hbm>>
      %dma_wait3A_46 = tpu.memref_squeeze %dma_wait3A_45 : memref<1x81x128xi32, #tpu.memory_space<hbm>> -> memref<81x128xi32, #tpu.memory_space<hbm>>
      %dma_wait3A_47 = arith.constant 0 : i32
      %dma_wait3A_48 = arith.constant 0 : i32
      %dma_wait3A_49 = tpu.memref_slice %arg2[%add3A, %dma_wait3A_47, %dma_wait3A_48] : memref<32x81x128xi32, #tpu.memory_space<hbm>> -> memref<1x81x128xi32, #tpu.memory_space<hbm>>
      %dma_wait3A_50 = tpu.memref_squeeze %dma_wait3A_49 : memref<1x81x128xi32, #tpu.memory_space<hbm>> -> memref<81x128xi32, #tpu.memory_space<hbm>>
      tpu.wait_dma2 semaphore(%run_scoped3A : memref<!tpu.dma_semaphore, #tpu.memory_space<semaphore_mem>>) src(%dma_wait3A_50 : memref<81x128xi32, #tpu.memory_space<hbm>>) dst(%arg6 : memref<81x128xi32, #tpu.memory_space<vmem>>)
      tpu.yield
    }) : () -> ()
    "tpu.region"() ({
      %run_scoped3A = tpu.sem_alloc : memref<!tpu.dma_semaphore, #tpu.memory_space<semaphore_mem>>
      %dma_start3A_36 = arith.constant 0 : i32
      %dma_start3A_37 = arith.constant 0 : i32
      %dma_start3A_38 = tpu.memref_slice %arg3[%add3A, %dma_start3A_36, %dma_start3A_37] : memref<32x81x128xi32, #tpu.memory_space<hbm>> -> memref<1x81x128xi32, #tpu.memory_space<hbm>>
      %dma_start3A_39 = tpu.memref_squeeze %dma_start3A_38 : memref<1x81x128xi32, #tpu.memory_space<hbm>> -> memref<81x128xi32, #tpu.memory_space<hbm>>
      %dma_start3A_40 = arith.constant 0 : i32
      %dma_start3A_41 = arith.constant 0 : i32
      %dma_start3A_42 = tpu.memref_slice %arg3[%add3A, %dma_start3A_40, %dma_start3A_41] : memref<32x81x128xi32, #tpu.memory_space<hbm>> -> memref<1x81x128xi32, #tpu.memory_space<hbm>>
      %dma_start3A_43 = tpu.memref_squeeze %dma_start3A_42 : memref<1x81x128xi32, #tpu.memory_space<hbm>> -> memref<81x128xi32, #tpu.memory_space<hbm>>
      tpu.enqueue_dma source(%dma_start3A_43 : memref<81x128xi32, #tpu.memory_space<hbm>>) target(%arg7 : memref<81x128xi32, #tpu.memory_space<vmem>>) target_semaphore(%run_scoped3A : memref<!tpu.dma_semaphore, #tpu.memory_space<semaphore_mem>>)
      %dma_wait3A = arith.constant 0 : i32
      %dma_wait3A_44 = arith.constant 0 : i32
      %dma_wait3A_45 = tpu.memref_slice %arg3[%add3A, %dma_wait3A, %dma_wait3A_44] : memref<32x81x128xi32, #tpu.memory_space<hbm>> -> memref<1x81x128xi32, #tpu.memory_space<hbm>>
      %dma_wait3A_46 = tpu.memref_squeeze %dma_wait3A_45 : memref<1x81x128xi32, #tpu.memory_space<hbm>> -> memref<81x128xi32, #tpu.memory_space<hbm>>
      %dma_wait3A_47 = arith.constant 0 : i32
      %dma_wait3A_48 = arith.constant 0 : i32
      %dma_wait3A_49 = tpu.memref_slice %arg3[%add3A, %dma_wait3A_47, %dma_wait3A_48] : memref<32x81x128xi32, #tpu.memory_space<hbm>> -> memref<1x81x128xi32, #tpu.memory_space<hbm>>
      %dma_wait3A_50 = tpu.memref_squeeze %dma_wait3A_49 : memref<1x81x128xi32, #tpu.memory_space<hbm>> -> memref<81x128xi32, #tpu.memory_space<hbm>>
      tpu.wait_dma2 semaphore(%run_scoped3A : memref<!tpu.dma_semaphore, #tpu.memory_space<semaphore_mem>>) src(%dma_wait3A_50 : memref<81x128xi32, #tpu.memory_space<hbm>>) dst(%arg7 : memref<81x128xi32, #tpu.memory_space<vmem>>)
      tpu.yield
    }) : () -> ()
    %barrier3A = arith.constant 0 : index
    tpu.barrier barrier_id(%barrier3A)
    %dma_start3A = arith.constant 0 : i32
    %dma_start3A_12 = arith.constant 0 : i32
    %dma_start3A_13 = tpu.memref_slice %arg6[%dma_start3A, %dma_start3A_12] : memref<81x128xi32, #tpu.memory_space<vmem>> -> memref<1x128xi32, #tpu.memory_space<vmem>>
    %dma_start3A_14 = tpu.memref_squeeze %dma_start3A_13 : memref<1x128xi32, #tpu.memory_space<vmem>> -> memref<128xi32, #tpu.memory_space<vmem>>
    %dma_start3A_15 = arith.constant 0 : i32
    %dma_start3A_16 = arith.constant 0 : i32
    %dma_start3A_17 = tpu.memref_slice %arg4[%dma_start3A_15, %dma_start3A_16] : memref<10000x64xf32, #tpu.memory_space<hbm>> -> memref<10000x64xf32, #tpu.memory_space<hbm>>
    tpu.enqueue_indirect_dma source(%dma_start3A_17 : memref<10000x64xf32, #tpu.memory_space<hbm>>) target(%arg9 : memref<128x64xf32, #tpu.memory_space<vmem>>) offsets(%dma_start3A_14 : memref<128xi32, #tpu.memory_space<vmem>>) semaphore(%arg13 : memref<!tpu.dma_semaphore, #tpu.memory_space<semaphore_mem>>)
    %dma_start3A_18 = arith.constant 1 : i32
    %dma_start3A_19 = arith.constant 0 : i32
    %dma_start3A_20 = tpu.memref_slice %arg6[%dma_start3A_18, %dma_start3A_19] : memref<81x128xi32, #tpu.memory_space<vmem>> -> memref<1x128xi32, #tpu.memory_space<vmem>>
    %dma_start3A_21 = tpu.memref_squeeze %dma_start3A_20 : memref<1x128xi32, #tpu.memory_space<vmem>> -> memref<128xi32, #tpu.memory_space<vmem>>
    %dma_start3A_22 = arith.constant 0 : i32
    %dma_start3A_23 = arith.constant 0 : i32
    %dma_start3A_24 = tpu.memref_slice %arg4[%dma_start3A_22, %dma_start3A_23] : memref<10000x64xf32, #tpu.memory_space<hbm>> -> memref<10000x64xf32, #tpu.memory_space<hbm>>
    tpu.enqueue_indirect_dma source(%dma_start3A_24 : memref<10000x64xf32, #tpu.memory_space<hbm>>) target(%arg10 : memref<128x64xf32, #tpu.memory_space<vmem>>) offsets(%dma_start3A_21 : memref<128xi32, #tpu.memory_space<vmem>>) semaphore(%arg14 : memref<!tpu.dma_semaphore, #tpu.memory_space<semaphore_mem>>)
    %scan3A_25 = arith.constant 0 : i32
    %scan3A_26 = arith.constant 0 : i32
    %scan3A_27 = arith.constant 27 : i32
    %scan3A_28 = arith.addi %scan3A_26, %scan3A_27 : i32
    %scan3A_29 = arith.constant 1 : i32
    scf.for %scan3A_36 = %scan3A_26 to %scan3A_28 step %scan3A_29  : i32 {
      %mul3A_37 = arith.constant 3 : i32
      %mul3A_38 = arith.muli %scan3A_36, %mul3A_37 : i32
      %add3A_39 = arith.constant 2 : i32
      %add3A_40 = arith.addi %mul3A_38, %add3A_39 : i32
      %dma_start3A_41 = arith.constant 0 : i32
      %dma_start3A_42 = tpu.memref_slice %arg6[%add3A_40, %dma_start3A_41] : memref<81x128xi32, #tpu.memory_space<vmem>> -> memref<1x128xi32, #tpu.memory_space<vmem>>
      %dma_start3A_43 = tpu.memref_squeeze %dma_start3A_42 : memref<1x128xi32, #tpu.memory_space<vmem>> -> memref<128xi32, #tpu.memory_space<vmem>>
      %dma_start3A_44 = arith.constant 0 : i32
      %dma_start3A_45 = arith.constant 0 : i32
      %dma_start3A_46 = tpu.memref_slice %arg4[%dma_start3A_44, %dma_start3A_45] : memref<10000x64xf32, #tpu.memory_space<hbm>> -> memref<10000x64xf32, #tpu.memory_space<hbm>>
      tpu.enqueue_indirect_dma source(%dma_start3A_46 : memref<10000x64xf32, #tpu.memory_space<hbm>>) target(%arg11 : memref<128x64xf32, #tpu.memory_space<vmem>>) offsets(%dma_start3A_43 : memref<128xi32, #tpu.memory_space<vmem>>) semaphore(%arg15 : memref<!tpu.dma_semaphore, #tpu.memory_space<semaphore_mem>>)
      %add3A_47 = arith.constant 0 : i32
      %add3A_48 = arith.addi %mul3A_38, %add3A_47 : i32
      %dma_wait3A = arith.constant 0 : i32
      %dma_wait3A_49 = tpu.memref_slice %arg6[%add3A_48, %dma_wait3A] : memref<81x128xi32, #tpu.memory_space<vmem>> -> memref<1x128xi32, #tpu.memory_space<vmem>>
      %dma_wait3A_50 = tpu.memref_squeeze %dma_wait3A_49 : memref<1x128xi32, #tpu.memory_space<vmem>> -> memref<128xi32, #tpu.memory_space<vmem>>
      %dma_wait3A_51 = arith.constant 0 : i32
      %dma_wait3A_52 = arith.constant 0 : i32
      %dma_wait3A_53 = tpu.memref_slice %arg4[%dma_wait3A_51, %dma_wait3A_52] : memref<10000x64xf32, #tpu.memory_space<hbm>> -> memref<10000x64xf32, #tpu.memory_space<hbm>>
      tpu.wait_indirect_dma semaphore(%arg13 : memref<!tpu.dma_semaphore, #tpu.memory_space<semaphore_mem>>) src(%dma_wait3A_53 : memref<10000x64xf32, #tpu.memory_space<hbm>>) dst(%arg9 : memref<128x64xf32, #tpu.memory_space<vmem>>)
      %add3A_54 = arith.constant 0 : i32
      %add3A_55 = arith.addi %mul3A_38, %add3A_54 : i32
      "tpu.region"() ({
        %run_scoped3A = tpu.sem_alloc : memref<!tpu.dma_semaphore, #tpu.memory_space<semaphore_mem>>
        %dma_start3A_91 = arith.constant 0 : i32
        %dma_start3A_92 = tpu.memref_slice %arg7[%add3A_55, %dma_start3A_91] : memref<81x128xi32, #tpu.memory_space<vmem>> -> memref<1x128xi32, #tpu.memory_space<vmem>>
        %dma_start3A_93 = tpu.memref_squeeze %dma_start3A_92 : memref<1x128xi32, #tpu.memory_space<vmem>> -> memref<128xi32, #tpu.memory_space<vmem>>
        %dma_start3A_94 = arith.constant 0 : i32
        %dma_start3A_95 = arith.constant 0 : i32
        %dma_start3A_96 = tpu.memref_slice %arg12[%dma_start3A_94, %dma_start3A_95] : memref<10240x64xf32, #tpu.memory_space<vmem_shared>> -> memref<10240x64xf32, #tpu.memory_space<vmem_shared>>
        tpu.enqueue_indirect_dma source(%arg9 : memref<128x64xf32, #tpu.memory_space<vmem>>) target(%dma_start3A_96 : memref<10240x64xf32, #tpu.memory_space<vmem_shared>>) offsets(%dma_start3A_93 : memref<128xi32, #tpu.memory_space<vmem>>) semaphore(%run_scoped3A : memref<!tpu.dma_semaphore, #tpu.memory_space<semaphore_mem>>) {add = true}
        %dma_wait3A_97 = arith.constant 0 : i32
        %dma_wait3A_98 = tpu.memref_slice %arg7[%add3A_55, %dma_wait3A_97] : memref<81x128xi32, #tpu.memory_space<vmem>> -> memref<1x128xi32, #tpu.memory_space<vmem>>
        %dma_wait3A_99 = tpu.memref_squeeze %dma_wait3A_98 : memref<1x128xi32, #tpu.memory_space<vmem>> -> memref<128xi32, #tpu.memory_space<vmem>>
        %dma_wait3A_100 = arith.constant 0 : i32
        %dma_wait3A_101 = arith.constant 0 : i32
        %dma_wait3A_102 = tpu.memref_slice %arg12[%dma_wait3A_100, %dma_wait3A_101] : memref<10240x64xf32, #tpu.memory_space<vmem_shared>> -> memref<10240x64xf32, #tpu.memory_space<vmem_shared>>
        tpu.wait_indirect_dma semaphore(%run_scoped3A : memref<!tpu.dma_semaphore, #tpu.memory_space<semaphore_mem>>) src(%arg9 : memref<128x64xf32, #tpu.memory_space<vmem>>) dst(%dma_wait3A_102 : memref<10240x64xf32, #tpu.memory_space<vmem_shared>>)
        tpu.yield
      }) : () -> ()
      %add3A_56 = arith.constant 1 : i32
      %add3A_57 = arith.addi %mul3A_38, %add3A_56 : i32
      %add3A_58 = arith.constant 2 : i32
      %add3A_59 = arith.addi %add3A_57, %add3A_58 : i32
      %lt3A = arith.constant 81 : i32
      %lt3A_60 = arith.cmpi slt, %add3A_59, %lt3A : i32
      %convert_element_type3A = arith.extui %lt3A_60 : i1 to i32
      %cond3A = arith.constant 0 : i32
      %cond3A_61 = arith.cmpi ne, %convert_element_type3A, %cond3A : i32
      scf.if %cond3A_61 {
        %add3A_91 = arith.constant 1 : i32
        %add3A_92 = arith.addi %mul3A_38, %add3A_91 : i32
        %add3A_93 = arith.constant 2 : i32
        %add3A_94 = arith.addi %add3A_92, %add3A_93 : i32
        %dma_start3A_95 = arith.constant 0 : i32
        %dma_start3A_96 = tpu.memref_slice %arg6[%add3A_94, %dma_start3A_95] : memref<81x128xi32, #tpu.memory_space<vmem>> -> memref<1x128xi32, #tpu.memory_space<vmem>>
        %dma_start3A_97 = tpu.memref_squeeze %dma_start3A_96 : memref<1x128xi32, #tpu.memory_space<vmem>> -> memref<128xi32, #tpu.memory_space<vmem>>
        %dma_start3A_98 = arith.constant 0 : i32
        %dma_start3A_99 = arith.constant 0 : i32
        %dma_start3A_100 = tpu.memref_slice %arg4[%dma_start3A_98, %dma_start3A_99] : memref<10000x64xf32, #tpu.memory_space<hbm>> -> memref<10000x64xf32, #tpu.memory_space<hbm>>
        tpu.enqueue_indirect_dma source(%dma_start3A_100 : memref<10000x64xf32, #tpu.memory_space<hbm>>) target(%arg9 : memref<128x64xf32, #tpu.memory_space<vmem>>) offsets(%dma_start3A_97 : memref<128xi32, #tpu.memory_space<vmem>>) semaphore(%arg13 : memref<!tpu.dma_semaphore, #tpu.memory_space<semaphore_mem>>)
      } else {
      }
      %add3A_62 = arith.constant 1 : i32
      %add3A_63 = arith.addi %mul3A_38, %add3A_62 : i32
      %dma_wait3A_64 = arith.constant 0 : i32
      %dma_wait3A_65 = tpu.memref_slice %arg6[%add3A_63, %dma_wait3A_64] : memref<81x128xi32, #tpu.memory_space<vmem>> -> memref<1x128xi32, #tpu.memory_space<vmem>>
      %dma_wait3A_66 = tpu.memref_squeeze %dma_wait3A_65 : memref<1x128xi32, #tpu.memory_space<vmem>> -> memref<128xi32, #tpu.memory_space<vmem>>
      %dma_wait3A_67 = arith.constant 0 : i32
      %dma_wait3A_68 = arith.constant 0 : i32
      %dma_wait3A_69 = tpu.memref_slice %arg4[%dma_wait3A_67, %dma_wait3A_68] : memref<10000x64xf32, #tpu.memory_space<hbm>> -> memref<10000x64xf32, #tpu.memory_space<hbm>>
      tpu.wait_indirect_dma semaphore(%arg14 : memref<!tpu.dma_semaphore, #tpu.memory_space<semaphore_mem>>) src(%dma_wait3A_69 : memref<10000x64xf32, #tpu.memory_space<hbm>>) dst(%arg10 : memref<128x64xf32, #tpu.memory_space<vmem>>)
      %add3A_70 = arith.constant 1 : i32
      %add3A_71 = arith.addi %mul3A_38, %add3A_70 : i32
      "tpu.region"() ({
        %run_scoped3A = tpu.sem_alloc : memref<!tpu.dma_semaphore, #tpu.memory_space<semaphore_mem>>
        %dma_start3A_91 = arith.constant 0 : i32
        %dma_start3A_92 = tpu.memref_slice %arg7[%add3A_71, %dma_start3A_91] : memref<81x128xi32, #tpu.memory_space<vmem>> -> memref<1x128xi32, #tpu.memory_space<vmem>>
        %dma_start3A_93 = tpu.memref_squeeze %dma_start3A_92 : memref<1x128xi32, #tpu.memory_space<vmem>> -> memref<128xi32, #tpu.memory_space<vmem>>
        %dma_start3A_94 = arith.constant 0 : i32
        %dma_start3A_95 = arith.constant 0 : i32
        %dma_start3A_96 = tpu.memref_slice %arg12[%dma_start3A_94, %dma_start3A_95] : memref<10240x64xf32, #tpu.memory_space<vmem_shared>> -> memref<10240x64xf32, #tpu.memory_space<vmem_shared>>
        tpu.enqueue_indirect_dma source(%arg10 : memref<128x64xf32, #tpu.memory_space<vmem>>) target(%dma_start3A_96 : memref<10240x64xf32, #tpu.memory_space<vmem_shared>>) offsets(%dma_start3A_93 : memref<128xi32, #tpu.memory_space<vmem>>) semaphore(%run_scoped3A : memref<!tpu.dma_semaphore, #tpu.memory_space<semaphore_mem>>) {add = true}
        %dma_wait3A_97 = arith.constant 0 : i32
        %dma_wait3A_98 = tpu.memref_slice %arg7[%add3A_71, %dma_wait3A_97] : memref<81x128xi32, #tpu.memory_space<vmem>> -> memref<1x128xi32, #tpu.memory_space<vmem>>
        %dma_wait3A_99 = tpu.memref_squeeze %dma_wait3A_98 : memref<1x128xi32, #tpu.memory_space<vmem>> -> memref<128xi32, #tpu.memory_space<vmem>>
        %dma_wait3A_100 = arith.constant 0 : i32
        %dma_wait3A_101 = arith.constant 0 : i32
        %dma_wait3A_102 = tpu.memref_slice %arg12[%dma_wait3A_100, %dma_wait3A_101] : memref<10240x64xf32, #tpu.memory_space<vmem_shared>> -> memref<10240x64xf32, #tpu.memory_space<vmem_shared>>
        tpu.wait_indirect_dma semaphore(%run_scoped3A : memref<!tpu.dma_semaphore, #tpu.memory_space<semaphore_mem>>) src(%arg10 : memref<128x64xf32, #tpu.memory_space<vmem>>) dst(%dma_wait3A_102 : memref<10240x64xf32, #tpu.memory_space<vmem_shared>>)
        tpu.yield
      }) : () -> ()
      %add3A_72 = arith.constant 2 : i32
      %add3A_73 = arith.addi %mul3A_38, %add3A_72 : i32
      %add3A_74 = arith.constant 2 : i32
      %add3A_75 = arith.addi %add3A_73, %add3A_74 : i32
      %lt3A_76 = arith.constant 81 : i32
      %lt3A_77 = arith.cmpi slt, %add3A_75, %lt3A_76 : i32
      %convert_element_type3A_78 = arith.extui %lt3A_77 : i1 to i32
      %cond3A_79 = arith.constant 0 : i32
      %cond3A_80 = arith.cmpi ne, %convert_element_type3A_78, %cond3A_79 : i32
      scf.if %cond3A_80 {
        %add3A_91 = arith.constant 2 : i32
        %add3A_92 = arith.addi %mul3A_38, %add3A_91 : i32
        %add3A_93 = arith.constant 2 : i32
        %add3A_94 = arith.addi %add3A_92, %add3A_93 : i32
        %dma_start3A_95 = arith.constant 0 : i32
        %dma_start3A_96 = tpu.memref_slice %arg6[%add3A_94, %dma_start3A_95] : memref<81x128xi32, #tpu.memory_space<vmem>> -> memref<1x128xi32, #tpu.memory_space<vmem>>
        %dma_start3A_97 = tpu.memref_squeeze %dma_start3A_96 : memref<1x128xi32, #tpu.memory_space<vmem>> -> memref<128xi32, #tpu.memory_space<vmem>>
        %dma_start3A_98 = arith.constant 0 : i32
        %dma_start3A_99 = arith.constant 0 : i32
        %dma_start3A_100 = tpu.memref_slice %arg4[%dma_start3A_98, %dma_start3A_99] : memref<10000x64xf32, #tpu.memory_space<hbm>> -> memref<10000x64xf32, #tpu.memory_space<hbm>>
        tpu.enqueue_indirect_dma source(%dma_start3A_100 : memref<10000x64xf32, #tpu.memory_space<hbm>>) target(%arg10 : memref<128x64xf32, #tpu.memory_space<vmem>>) offsets(%dma_start3A_97 : memref<128xi32, #tpu.memory_space<vmem>>) semaphore(%arg14 : memref<!tpu.dma_semaphore, #tpu.memory_space<semaphore_mem>>)
      } else {
      }
      %add3A_81 = arith.constant 2 : i32
      %add3A_82 = arith.addi %mul3A_38, %add3A_81 : i32
      %dma_wait3A_83 = arith.constant 0 : i32
      %dma_wait3A_84 = tpu.memref_slice %arg6[%add3A_82, %dma_wait3A_83] : memref<81x128xi32, #tpu.memory_space<vmem>> -> memref<1x128xi32, #tpu.memory_space<vmem>>
      %dma_wait3A_85 = tpu.memref_squeeze %dma_wait3A_84 : memref<1x128xi32, #tpu.memory_space<vmem>> -> memref<128xi32, #tpu.memory_space<vmem>>
      %dma_wait3A_86 = arith.constant 0 : i32
      %dma_wait3A_87 = arith.constant 0 : i32
      %dma_wait3A_88 = tpu.memref_slice %arg4[%dma_wait3A_86, %dma_wait3A_87] : memref<10000x64xf32, #tpu.memory_space<hbm>> -> memref<10000x64xf32, #tpu.memory_space<hbm>>
      tpu.wait_indirect_dma semaphore(%arg15 : memref<!tpu.dma_semaphore, #tpu.memory_space<semaphore_mem>>) src(%dma_wait3A_88 : memref<10000x64xf32, #tpu.memory_space<hbm>>) dst(%arg11 : memref<128x64xf32, #tpu.memory_space<vmem>>)
      %add3A_89 = arith.constant 2 : i32
      %add3A_90 = arith.addi %mul3A_38, %add3A_89 : i32
      "tpu.region"() ({
        %run_scoped3A = tpu.sem_alloc : memref<!tpu.dma_semaphore, #tpu.memory_space<semaphore_mem>>
        %dma_start3A_91 = arith.constant 0 : i32
        %dma_start3A_92 = tpu.memref_slice %arg7[%add3A_90, %dma_start3A_91] : memref<81x128xi32, #tpu.memory_space<vmem>> -> memref<1x128xi32, #tpu.memory_space<vmem>>
        %dma_start3A_93 = tpu.memref_squeeze %dma_start3A_92 : memref<1x128xi32, #tpu.memory_space<vmem>> -> memref<128xi32, #tpu.memory_space<vmem>>
        %dma_start3A_94 = arith.constant 0 : i32
        %dma_start3A_95 = arith.constant 0 : i32
        %dma_start3A_96 = tpu.memref_slice %arg12[%dma_start3A_94, %dma_start3A_95] : memref<10240x64xf32, #tpu.memory_space<vmem_shared>> -> memref<10240x64xf32, #tpu.memory_space<vmem_shared>>
        tpu.enqueue_indirect_dma source(%arg11 : memref<128x64xf32, #tpu.memory_space<vmem>>) target(%dma_start3A_96 : memref<10240x64xf32, #tpu.memory_space<vmem_shared>>) offsets(%dma_start3A_93 : memref<128xi32, #tpu.memory_space<vmem>>) semaphore(%run_scoped3A : memref<!tpu.dma_semaphore, #tpu.memory_space<semaphore_mem>>) {add = true}
        %dma_wait3A_97 = arith.constant 0 : i32
        %dma_wait3A_98 = tpu.memref_slice %arg7[%add3A_90, %dma_wait3A_97] : memref<81x128xi32, #tpu.memory_space<vmem>> -> memref<1x128xi32, #tpu.memory_space<vmem>>
        %dma_wait3A_99 = tpu.memref_squeeze %dma_wait3A_98 : memref<1x128xi32, #tpu.memory_space<vmem>> -> memref<128xi32, #tpu.memory_space<vmem>>
        %dma_wait3A_100 = arith.constant 0 : i32
        %dma_wait3A_101 = arith.constant 0 : i32
        %dma_wait3A_102 = tpu.memref_slice %arg12[%dma_wait3A_100, %dma_wait3A_101] : memref<10240x64xf32, #tpu.memory_space<vmem_shared>> -> memref<10240x64xf32, #tpu.memory_space<vmem_shared>>
        tpu.wait_indirect_dma semaphore(%run_scoped3A : memref<!tpu.dma_semaphore, #tpu.memory_space<semaphore_mem>>) src(%arg11 : memref<128x64xf32, #tpu.memory_space<vmem>>) dst(%dma_wait3A_102 : memref<10240x64xf32, #tpu.memory_space<vmem_shared>>)
        tpu.yield
      }) : () -> ()
    }
    %scan3A_30 = arith.constant 27 : i32
    %barrier3A_31 = arith.constant 0 : index
    tpu.barrier barrier_id(%barrier3A_31)
    %mul3A_32 = arith.constant 640 : i32
    %mul3A_33 = arith.muli %arg1, %mul3A_32 : i32
    %mul3A_34 = arith.constant 640 : i32
    %mul3A_35 = arith.muli %arg1, %mul3A_34 : i32
    "tpu.region"() ({
      %run_scoped3A = tpu.sem_alloc : memref<!tpu.dma_semaphore, #tpu.memory_space<semaphore_mem>>
      %dma_start3A_36 = arith.constant 0 : i32
      %dma_start3A_37 = tpu.memref_slice %arg5[%arg0, %mul3A_35, %dma_start3A_36] : memref<2x10240x64xf32, #tpu.memory_space<hbm>> -> memref<1x640x64xf32, #tpu.memory_space<hbm>>
      %dma_start3A_38 = tpu.memref_squeeze %dma_start3A_37 : memref<1x640x64xf32, #tpu.memory_space<hbm>> -> memref<640x64xf32, #tpu.memory_space<hbm>>
      %dma_start3A_39 = arith.constant 0 : i32
      %dma_start3A_40 = tpu.memref_slice %arg12[%mul3A_33, %dma_start3A_39] : memref<10240x64xf32, #tpu.memory_space<vmem_shared>> -> memref<640x64xf32, #tpu.memory_space<vmem_shared>>
      tpu.enqueue_dma source(%dma_start3A_40 : memref<640x64xf32, #tpu.memory_space<vmem_shared>>) target(%dma_start3A_38 : memref<640x64xf32, #tpu.memory_space<hbm>>) target_semaphore(%run_scoped3A : memref<!tpu.dma_semaphore, #tpu.memory_space<semaphore_mem>>)
      %dma_wait3A = arith.constant 0 : i32
      %dma_wait3A_41 = tpu.memref_slice %arg5[%arg0, %mul3A_35, %dma_wait3A] : memref<2x10240x64xf32, #tpu.memory_space<hbm>> -> memref<1x640x64xf32, #tpu.memory_space<hbm>>
      %dma_wait3A_42 = tpu.memref_squeeze %dma_wait3A_41 : memref<1x640x64xf32, #tpu.memory_space<hbm>> -> memref<640x64xf32, #tpu.memory_space<hbm>>
      %dma_wait3A_43 = arith.constant 0 : i32
      %dma_wait3A_44 = tpu.memref_slice %arg12[%mul3A_33, %dma_wait3A_43] : memref<10240x64xf32, #tpu.memory_space<vmem_shared>> -> memref<640x64xf32, #tpu.memory_space<vmem_shared>>
      tpu.wait_dma2 semaphore(%run_scoped3A : memref<!tpu.dma_semaphore, #tpu.memory_space<semaphore_mem>>) src(%dma_wait3A_44 : memref<640x64xf32, #tpu.memory_space<vmem_shared>>) dst(%dma_wait3A_42 : memref<640x64xf32, #tpu.memory_space<hbm>>)
      tpu.yield
    }) : () -> ()
    return
  }
}

#map = affine_map<(d0, d1) -> (0, 0, 0)>
#map1 = affine_map<(d0, d1) -> (0, 0)>
module attributes {stable_mosaic.version = 14 : i64} {
  func.func @k(%arg0: i32, %arg1: i32, %arg2: memref<32x81x128xi32, #tpu.memory_space<hbm>>, %arg3: memref<32x81x128xi32, #tpu.memory_space<hbm>>, %arg4: memref<10000x64xf32, #tpu.memory_space<hbm>>, %arg5: memref<2x10240x64xf32, #tpu.memory_space<hbm>>, %arg6: memref<81x128xi32, #tpu.memory_space<vmem>>, %arg7: memref<81x128xi32, #tpu.memory_space<vmem>>, %arg8: memref<128x64xf32, #tpu.memory_space<vmem>>, %arg9: memref<128x64xf32, #tpu.memory_space<vmem>>, %arg10: memref<128x64xf32, #tpu.memory_space<vmem>>, %arg11: memref<128x64xf32, #tpu.memory_space<vmem>>, %arg12: memref<10240x64xf32, #tpu.memory_space<vmem_shared>>, %arg13: memref<!tpu.dma_semaphore, #tpu.memory_space<semaphore_mem>>, %arg14: memref<!tpu.dma_semaphore, #tpu.memory_space<semaphore_mem>>, %arg15: memref<!tpu.dma_semaphore, #tpu.memory_space<semaphore_mem>>) attributes {dimension_semantics = [#tpu.dimension_semantics<core_parallel>, #tpu.dimension_semantics<subcore_parallel>], iteration_bounds = array<i64: 2, 16>, scalar_prefetch = 0 : i64, scratch_operands = 10 : i64, tpu.core_type = #tpu.core_type<sc_vector_subcore>, window_params = [{transform_indices = #map}, {transform_indices = #map}, {transform_indices = #map1}, {transform_indices = #map}]} {
    %mul3A = arith.constant 2 : i32
    %mul3A_0 = arith.muli %arg1, %mul3A : i32
    %add3A = arith.addi %mul3A_0, %arg0 : i32
    %scan3A = arith.constant 0 : i32
    %scan3A_1 = arith.constant 0 : i32
    %scan3A_2 = arith.constant 128 : i32
    %scan3A_3 = arith.addi %scan3A_1, %scan3A_2 : i32
    %scan3A_4 = arith.constant 1 : i32
    scf.for %scan3A_36 = %scan3A_1 to %scan3A_3 step %scan3A_4  : i32 {
      %scan3A_37 = arith.constant 0 : i32
      %scan3A_38 = arith.constant 4 : i32
      %scan3A_39 = arith.addi %scan3A_37, %scan3A_38 : i32
      %scan3A_40 = arith.constant 1 : i32
      scf.for %scan3A_42 = %scan3A_37 to %scan3A_39 step %scan3A_40  : i32 {
        %broadcast_in_dim3A = arith.constant 0.000000e+00 : f32
        %broadcast_in_dim3A_43 = vector.broadcast %broadcast_in_dim3A : f32 to vector<16xf32>
        %mul3A_44 = arith.constant 16 : i32
        %mul3A_45 = arith.muli %scan3A_42, %mul3A_44 : i32
        %swap3A = arith.index_cast %scan3A_36 : i32 to index
        %swap3A_46 = arith.index_cast %mul3A_45 : i32 to index
        %swap3A_47 = tpu.vector_load %arg8[%swap3A, %swap3A_46] {strides = array<i32>} : memref<128x64xf32, #tpu.memory_space<vmem>>, vector<1x16xf32>,
        %swap3A_48 = vector.shape_cast %swap3A_47 : vector<1x16xf32> to vector<16xf32>
        %swap3A_49 = vector.shape_cast %broadcast_in_dim3A_43 : vector<16xf32> to vector<1x16xf32>
        tpu.vector_store %arg8[%swap3A, %swap3A_46], %swap3A_49 {strides = array<i32>} : memref<128x64xf32, #tpu.memory_space<vmem>>, vector<1x16xf32>,
      }
      %scan3A_41 = arith.constant 4 : i32
    }
    %scan3A_5 = arith.constant 128 : i32
    %scan3A_6 = arith.constant 0 : i32
    %scan3A_7 = arith.constant 0 : i32
    %scan3A_8 = arith.constant 5 : i32
    %scan3A_9 = arith.addi %scan3A_7, %scan3A_8 : i32
    %scan3A_10 = arith.constant 1 : i32
    scf.for %scan3A_36 = %scan3A_7 to %scan3A_9 step %scan3A_10  : i32 {
      %mul3A_37 = arith.constant 640 : i32
      %mul3A_38 = arith.muli %arg1, %mul3A_37 : i32
      %mul3A_39 = arith.constant 128 : i32
      %mul3A_40 = arith.muli %scan3A_36, %mul3A_39 : i32
      %add3A_41 = arith.addi %mul3A_38, %mul3A_40 : i32
      "tpu.region"() ({
        %run_scoped3A = tpu.sem_alloc : memref<!tpu.dma_semaphore, #tpu.memory_space<semaphore_mem>>
        %dma_start3A_42 = arith.constant 0 : i32
        %dma_start3A_43 = tpu.memref_slice %arg12[%add3A_41, %dma_start3A_42] : memref<10240x64xf32, #tpu.memory_space<vmem_shared>> -> memref<128x64xf32, #tpu.memory_space<vmem_shared>>
        %dma_start3A_44 = arith.constant 0 : i32
        %dma_start3A_45 = tpu.memref_slice %arg12[%add3A_41, %dma_start3A_44] : memref<10240x64xf32, #tpu.memory_space<vmem_shared>> -> memref<128x64xf32, #tpu.memory_space<vmem_shared>>
        tpu.enqueue_dma source(%arg8 : memref<128x64xf32, #tpu.memory_space<vmem>>) target(%dma_start3A_45 : memref<128x64xf32, #tpu.memory_space<vmem_shared>>) target_semaphore(%run_scoped3A : memref<!tpu.dma_semaphore, #tpu.memory_space<semaphore_mem>>)
        %dma_wait3A = arith.constant 0 : i32
        %dma_wait3A_46 = tpu.memref_slice %arg12[%add3A_41, %dma_wait3A] : memref<10240x64xf32, #tpu.memory_space<vmem_shared>> -> memref<128x64xf32, #tpu.memory_space<vmem_shared>>
        %dma_wait3A_47 = arith.constant 0 : i32
        %dma_wait3A_48 = tpu.memref_slice %arg12[%add3A_41, %dma_wait3A_47] : memref<10240x64xf32, #tpu.memory_space<vmem_shared>> -> memref<128x64xf32, #tpu.memory_space<vmem_shared>>
        tpu.wait_dma2 semaphore(%run_scoped3A : memref<!tpu.dma_semaphore, #tpu.memory_space<semaphore_mem>>) src(%arg8 : memref<128x64xf32, #tpu.memory_space<vmem>>) dst(%dma_wait3A_48 : memref<128x64xf32, #tpu.memory_space<vmem_shared>>)
        tpu.yield
      }) : () -> ()
    }
    %scan3A_11 = arith.constant 5 : i32
    "tpu.region"() ({
      %run_scoped3A = tpu.sem_alloc : memref<!tpu.dma_semaphore, #tpu.memory_space<semaphore_mem>>
      %dma_start3A_36 = arith.constant 0 : i32
      %dma_start3A_37 = arith.constant 0 : i32
      %dma_start3A_38 = tpu.memref_slice %arg2[%add3A, %dma_start3A_36, %dma_start3A_37] : memref<32x81x128xi32, #tpu.memory_space<hbm>> -> memref<1x81x128xi32, #tpu.memory_space<hbm>>
      %dma_start3A_39 = tpu.memref_squeeze %dma_start3A_38 : memref<1x81x128xi32, #tpu.memory_space<hbm>> -> memref<81x128xi32, #tpu.memory_space<hbm>>
      %dma_start3A_40 = arith.constant 0 : i32
      %dma_start3A_41 = arith.constant 0 : i32
      %dma_start3A_42 = tpu.memref_slice %arg2[%add3A, %dma_start3A_40, %dma_start3A_41] : memref<32x81x128xi32, #tpu.memory_space<hbm>> -> memref<1x81x128xi32, #tpu.memory_space<hbm>>
      %dma_start3A_43 = tpu.memref_squeeze %dma_start3A_42 : memref<1x81x128xi32, #tpu.memory_space<hbm>> -> memref<81x128xi32, #tpu.memory_space<hbm>>
      tpu.enqueue_dma source(%dma_start3A_43 : memref<81x128xi32, #tpu.memory_space<hbm>>) target(%arg6 : memref<81x128xi32, #tpu.memory_space<vmem>>) target_semaphore(%run_scoped3A : memref<!tpu.dma_semaphore, #tpu.memory_space<semaphore_mem>>)
      %dma_wait3A = arith.constant 0 : i32
      %dma_wait3A_44 = arith.constant 0 : i32
      %dma_wait3A_45 = tpu.memref_slice %arg2[%add3A, %dma_wait3A, %dma_wait3A_44] : memref<32x81x128xi32, #tpu.memory_space<hbm>> -> memref<1x81x128xi32, #tpu.memory_space<hbm>>
      %dma_wait3A_46 = tpu.memref_squeeze %dma_wait3A_45 : memref<1x81x128xi32, #tpu.memory_space<hbm>> -> memref<81x128xi32, #tpu.memory_space<hbm>>
      %dma_wait3A_47 = arith.constant 0 : i32
      %dma_wait3A_48 = arith.constant 0 : i32
      %dma_wait3A_49 = tpu.memref_slice %arg2[%add3A, %dma_wait3A_47, %dma_wait3A_48] : memref<32x81x128xi32, #tpu.memory_space<hbm>> -> memref<1x81x128xi32, #tpu.memory_space<hbm>>
      %dma_wait3A_50 = tpu.memref_squeeze %dma_wait3A_49 : memref<1x81x128xi32, #tpu.memory_space<hbm>> -> memref<81x128xi32, #tpu.memory_space<hbm>>
      tpu.wait_dma2 semaphore(%run_scoped3A : memref<!tpu.dma_semaphore, #tpu.memory_space<semaphore_mem>>) src(%dma_wait3A_50 : memref<81x128xi32, #tpu.memory_space<hbm>>) dst(%arg6 : memref<81x128xi32, #tpu.memory_space<vmem>>)
      tpu.yield
    }) : () -> ()
    "tpu.region"() ({
      %run_scoped3A = tpu.sem_alloc : memref<!tpu.dma_semaphore, #tpu.memory_space<semaphore_mem>>
      %dma_start3A_36 = arith.constant 0 : i32
      %dma_start3A_37 = arith.constant 0 : i32
      %dma_start3A_38 = tpu.memref_slice %arg3[%add3A, %dma_start3A_36, %dma_start3A_37] : memref<32x81x128xi32, #tpu.memory_space<hbm>> -> memref<1x81x128xi32, #tpu.memory_space<hbm>>
      %dma_start3A_39 = tpu.memref_squeeze %dma_start3A_38 : memref<1x81x128xi32, #tpu.memory_space<hbm>> -> memref<81x128xi32, #tpu.memory_space<hbm>>
      %dma_start3A_40 = arith.constant 0 : i32
      %dma_start3A_41 = arith.constant 0 : i32
      %dma_start3A_42 = tpu.memref_slice %arg3[%add3A, %dma_start3A_40, %dma_start3A_41] : memref<32x81x128xi32, #tpu.memory_space<hbm>> -> memref<1x81x128xi32, #tpu.memory_space<hbm>>
      %dma_start3A_43 = tpu.memref_squeeze %dma_start3A_42 : memref<1x81x128xi32, #tpu.memory_space<hbm>> -> memref<81x128xi32, #tpu.memory_space<hbm>>
      tpu.enqueue_dma source(%dma_start3A_43 : memref<81x128xi32, #tpu.memory_space<hbm>>) target(%arg7 : memref<81x128xi32, #tpu.memory_space<vmem>>) target_semaphore(%run_scoped3A : memref<!tpu.dma_semaphore, #tpu.memory_space<semaphore_mem>>)
      %dma_wait3A = arith.constant 0 : i32
      %dma_wait3A_44 = arith.constant 0 : i32
      %dma_wait3A_45 = tpu.memref_slice %arg3[%add3A, %dma_wait3A, %dma_wait3A_44] : memref<32x81x128xi32, #tpu.memory_space<hbm>> -> memref<1x81x128xi32, #tpu.memory_space<hbm>>
      %dma_wait3A_46 = tpu.memref_squeeze %dma_wait3A_45 : memref<1x81x128xi32, #tpu.memory_space<hbm>> -> memref<81x128xi32, #tpu.memory_space<hbm>>
      %dma_wait3A_47 = arith.constant 0 : i32
      %dma_wait3A_48 = arith.constant 0 : i32
      %dma_wait3A_49 = tpu.memref_slice %arg3[%add3A, %dma_wait3A_47, %dma_wait3A_48] : memref<32x81x128xi32, #tpu.memory_space<hbm>> -> memref<1x81x128xi32, #tpu.memory_space<hbm>>
      %dma_wait3A_50 = tpu.memref_squeeze %dma_wait3A_49 : memref<1x81x128xi32, #tpu.memory_space<hbm>> -> memref<81x128xi32, #tpu.memory_space<hbm>>
      tpu.wait_dma2 semaphore(%run_scoped3A : memref<!tpu.dma_semaphore, #tpu.memory_space<semaphore_mem>>) src(%dma_wait3A_50 : memref<81x128xi32, #tpu.memory_space<hbm>>) dst(%arg7 : memref<81x128xi32, #tpu.memory_space<vmem>>)
      tpu.yield
    }) : () -> ()
    %barrier3A = arith.constant 0 : index
    tpu.barrier barrier_id(%barrier3A)
    %dma_start3A = arith.constant 0 : i32
    %dma_start3A_12 = arith.constant 0 : i32
    %dma_start3A_13 = tpu.memref_slice %arg6[%dma_start3A, %dma_start3A_12] : memref<81x128xi32, #tpu.memory_space<vmem>> -> memref<1x128xi32, #tpu.memory_space<vmem>>
    %dma_start3A_14 = tpu.memref_squeeze %dma_start3A_13 : memref<1x128xi32, #tpu.memory_space<vmem>> -> memref<128xi32, #tpu.memory_space<vmem>>
    %dma_start3A_15 = arith.constant 0 : i32
    %dma_start3A_16 = arith.constant 0 : i32
    %dma_start3A_17 = tpu.memref_slice %arg4[%dma_start3A_15, %dma_start3A_16] : memref<10000x64xf32, #tpu.memory_space<hbm>> -> memref<10000x64xf32, #tpu.memory_space<hbm>>
    tpu.enqueue_indirect_dma source(%dma_start3A_17 : memref<10000x64xf32, #tpu.memory_space<hbm>>) target(%arg9 : memref<128x64xf32, #tpu.memory_space<vmem>>) offsets(%dma_start3A_14 : memref<128xi32, #tpu.memory_space<vmem>>) semaphore(%arg13 : memref<!tpu.dma_semaphore, #tpu.memory_space<semaphore_mem>>)
    %dma_start3A_18 = arith.constant 1 : i32
    %dma_start3A_19 = arith.constant 0 : i32
    %dma_start3A_20 = tpu.memref_slice %arg6[%dma_start3A_18, %dma_start3A_19] : memref<81x128xi32, #tpu.memory_space<vmem>> -> memref<1x128xi32, #tpu.memory_space<vmem>>
    %dma_start3A_21 = tpu.memref_squeeze %dma_start3A_20 : memref<1x128xi32, #tpu.memory_space<vmem>> -> memref<128xi32, #tpu.memory_space<vmem>>
    %dma_start3A_22 = arith.constant 0 : i32
    %dma_start3A_23 = arith.constant 0 : i32
    %dma_start3A_24 = tpu.memref_slice %arg4[%dma_start3A_22, %dma_start3A_23] : memref<10000x64xf32, #tpu.memory_space<hbm>> -> memref<10000x64xf32, #tpu.memory_space<hbm>>
    tpu.enqueue_indirect_dma source(%dma_start3A_24 : memref<10000x64xf32, #tpu.memory_space<hbm>>) target(%arg10 : memref<128x64xf32, #tpu.memory_space<vmem>>) offsets(%dma_start3A_21 : memref<128xi32, #tpu.memory_space<vmem>>) semaphore(%arg14 : memref<!tpu.dma_semaphore, #tpu.memory_space<semaphore_mem>>)
    %scan3A_25 = arith.constant 0 : i32
    %scan3A_26 = arith.constant 0 : i32
    %scan3A_27 = arith.constant 27 : i32
    %scan3A_28 = arith.addi %scan3A_26, %scan3A_27 : i32
    %scan3A_29 = arith.constant 1 : i32
    scf.for %scan3A_36 = %scan3A_26 to %scan3A_28 step %scan3A_29  : i32 {
      %mul3A_37 = arith.constant 3 : i32
      %mul3A_38 = arith.muli %scan3A_36, %mul3A_37 : i32
      %add3A_39 = arith.constant 2 : i32
      %add3A_40 = arith.addi %mul3A_38, %add3A_39 : i32
      %dma_start3A_41 = arith.constant 0 : i32
      %dma_start3A_42 = tpu.memref_slice %arg6[%add3A_40, %dma_start3A_41] : memref<81x128xi32, #tpu.memory_space<vmem>> -> memref<1x128xi32, #tpu.memory_space<vmem>>
      %dma_start3A_43 = tpu.memref_squeeze %dma_start3A_42 : memref<1x128xi32, #tpu.memory_space<vmem>> -> memref<128xi32, #tpu.memory_space<vmem>>
      %dma_start3A_44 = arith.constant 0 : i32
      %dma_start3A_45 = arith.constant 0 : i32
      %dma_start3A_46 = tpu.memref_slice %arg4[%dma_start3A_44, %dma_start3A_45] : memref<10000x64xf32, #tpu.memory_space<hbm>> -> memref<10000x64xf32, #tpu.memory_space<hbm>>
      tpu.enqueue_indirect_dma source(%dma_start3A_46 : memref<10000x64xf32, #tpu.memory_space<hbm>>) target(%arg11 : memref<128x64xf32, #tpu.memory_space<vmem>>) offsets(%dma_start3A_43 : memref<128xi32, #tpu.memory_space<vmem>>) semaphore(%arg15 : memref<!tpu.dma_semaphore, #tpu.memory_space<semaphore_mem>>)
      %add3A_47 = arith.constant 0 : i32
      %add3A_48 = arith.addi %mul3A_38, %add3A_47 : i32
      %dma_wait3A = arith.constant 0 : i32
      %dma_wait3A_49 = tpu.memref_slice %arg6[%add3A_48, %dma_wait3A] : memref<81x128xi32, #tpu.memory_space<vmem>> -> memref<1x128xi32, #tpu.memory_space<vmem>>
      %dma_wait3A_50 = tpu.memref_squeeze %dma_wait3A_49 : memref<1x128xi32, #tpu.memory_space<vmem>> -> memref<128xi32, #tpu.memory_space<vmem>>
      %dma_wait3A_51 = arith.constant 0 : i32
      %dma_wait3A_52 = arith.constant 0 : i32
      %dma_wait3A_53 = tpu.memref_slice %arg4[%dma_wait3A_51, %dma_wait3A_52] : memref<10000x64xf32, #tpu.memory_space<hbm>> -> memref<10000x64xf32, #tpu.memory_space<hbm>>
      tpu.wait_indirect_dma semaphore(%arg13 : memref<!tpu.dma_semaphore, #tpu.memory_space<semaphore_mem>>) src(%dma_wait3A_53 : memref<10000x64xf32, #tpu.memory_space<hbm>>) dst(%arg9 : memref<128x64xf32, #tpu.memory_space<vmem>>)
      %add3A_54 = arith.constant 0 : i32
      %add3A_55 = arith.addi %mul3A_38, %add3A_54 : i32
      "tpu.region"() ({
        %run_scoped3A = tpu.sem_alloc : memref<!tpu.dma_semaphore, #tpu.memory_space<semaphore_mem>>
        %dma_start3A_91 = arith.constant 0 : i32
        %dma_start3A_92 = tpu.memref_slice %arg7[%add3A_55, %dma_start3A_91] : memref<81x128xi32, #tpu.memory_space<vmem>> -> memref<1x128xi32, #tpu.memory_space<vmem>>
        %dma_start3A_93 = tpu.memref_squeeze %dma_start3A_92 : memref<1x128xi32, #tpu.memory_space<vmem>> -> memref<128xi32, #tpu.memory_space<vmem>>
        %dma_start3A_94 = arith.constant 0 : i32
        %dma_start3A_95 = arith.constant 0 : i32
        %dma_start3A_96 = tpu.memref_slice %arg12[%dma_start3A_94, %dma_start3A_95] : memref<10240x64xf32, #tpu.memory_space<vmem_shared>> -> memref<10240x64xf32, #tpu.memory_space<vmem_shared>>
        tpu.enqueue_indirect_dma source(%arg9 : memref<128x64xf32, #tpu.memory_space<vmem>>) target(%dma_start3A_96 : memref<10240x64xf32, #tpu.memory_space<vmem_shared>>) offsets(%dma_start3A_93 : memref<128xi32, #tpu.memory_space<vmem>>) semaphore(%run_scoped3A : memref<!tpu.dma_semaphore, #tpu.memory_space<semaphore_mem>>) {add = true}
        %dma_wait3A_97 = arith.constant 0 : i32
        %dma_wait3A_98 = tpu.memref_slice %arg7[%add3A_55, %dma_wait3A_97] : memref<81x128xi32, #tpu.memory_space<vmem>> -> memref<1x128xi32, #tpu.memory_space<vmem>>
        %dma_wait3A_99 = tpu.memref_squeeze %dma_wait3A_98 : memref<1x128xi32, #tpu.memory_space<vmem>> -> memref<128xi32, #tpu.memory_space<vmem>>
        %dma_wait3A_100 = arith.constant 0 : i32
        %dma_wait3A_101 = arith.constant 0 : i32
        %dma_wait3A_102 = tpu.memref_slice %arg12[%dma_wait3A_100, %dma_wait3A_101] : memref<10240x64xf32, #tpu.memory_space<vmem_shared>> -> memref<10240x64xf32, #tpu.memory_space<vmem_shared>>
        tpu.wait_indirect_dma semaphore(%run_scoped3A : memref<!tpu.dma_semaphore, #tpu.memory_space<semaphore_mem>>) src(%arg9 : memref<128x64xf32, #tpu.memory_space<vmem>>) dst(%dma_wait3A_102 : memref<10240x64xf32, #tpu.memory_space<vmem_shared>>)
        tpu.yield
      }) : () -> ()
      %add3A_56 = arith.constant 1 : i32
      %add3A_57 = arith.addi %mul3A_38, %add3A_56 : i32
      %add3A_58 = arith.constant 2 : i32
      %add3A_59 = arith.addi %add3A_57, %add3A_58 : i32
      %lt3A = arith.constant 81 : i32
      %lt3A_60 = arith.cmpi slt, %add3A_59, %lt3A : i32
      %convert_element_type3A = arith.extui %lt3A_60 : i1 to i32
      %cond3A = arith.constant 0 : i32
      %cond3A_61 = arith.cmpi ne, %convert_element_type3A, %cond3A : i32
      scf.if %cond3A_61 {
        %add3A_91 = arith.constant 1 : i32
        %add3A_92 = arith.addi %mul3A_38, %add3A_91 : i32
        %add3A_93 = arith.constant 2 : i32
        %add3A_94 = arith.addi %add3A_92, %add3A_93 : i32
        %dma_start3A_95 = arith.constant 0 : i32
        %dma_start3A_96 = tpu.memref_slice %arg6[%add3A_94, %dma_start3A_95] : memref<81x128xi32, #tpu.memory_space<vmem>> -> memref<1x128xi32, #tpu.memory_space<vmem>>
        %dma_start3A_97 = tpu.memref_squeeze %dma_start3A_96 : memref<1x128xi32, #tpu.memory_space<vmem>> -> memref<128xi32, #tpu.memory_space<vmem>>
        %dma_start3A_98 = arith.constant 0 : i32
        %dma_start3A_99 = arith.constant 0 : i32
        %dma_start3A_100 = tpu.memref_slice %arg4[%dma_start3A_98, %dma_start3A_99] : memref<10000x64xf32, #tpu.memory_space<hbm>> -> memref<10000x64xf32, #tpu.memory_space<hbm>>
        tpu.enqueue_indirect_dma source(%dma_start3A_100 : memref<10000x64xf32, #tpu.memory_space<hbm>>) target(%arg9 : memref<128x64xf32, #tpu.memory_space<vmem>>) offsets(%dma_start3A_97 : memref<128xi32, #tpu.memory_space<vmem>>) semaphore(%arg13 : memref<!tpu.dma_semaphore, #tpu.memory_space<semaphore_mem>>)
      } else {
      }
      %add3A_62 = arith.constant 1 : i32
      %add3A_63 = arith.addi %mul3A_38, %add3A_62 : i32
      %dma_wait3A_64 = arith.constant 0 : i32
      %dma_wait3A_65 = tpu.memref_slice %arg6[%add3A_63, %dma_wait3A_64] : memref<81x128xi32, #tpu.memory_space<vmem>> -> memref<1x128xi32, #tpu.memory_space<vmem>>
      %dma_wait3A_66 = tpu.memref_squeeze %dma_wait3A_65 : memref<1x128xi32, #tpu.memory_space<vmem>> -> memref<128xi32, #tpu.memory_space<vmem>>
      %dma_wait3A_67 = arith.constant 0 : i32
      %dma_wait3A_68 = arith.constant 0 : i32
      %dma_wait3A_69 = tpu.memref_slice %arg4[%dma_wait3A_67, %dma_wait3A_68] : memref<10000x64xf32, #tpu.memory_space<hbm>> -> memref<10000x64xf32, #tpu.memory_space<hbm>>
      tpu.wait_indirect_dma semaphore(%arg14 : memref<!tpu.dma_semaphore, #tpu.memory_space<semaphore_mem>>) src(%dma_wait3A_69 : memref<10000x64xf32, #tpu.memory_space<hbm>>) dst(%arg10 : memref<128x64xf32, #tpu.memory_space<vmem>>)
      %add3A_70 = arith.constant 1 : i32
      %add3A_71 = arith.addi %mul3A_38, %add3A_70 : i32
      "tpu.region"() ({
        %run_scoped3A = tpu.sem_alloc : memref<!tpu.dma_semaphore, #tpu.memory_space<semaphore_mem>>
        %dma_start3A_91 = arith.constant 0 : i32
        %dma_start3A_92 = tpu.memref_slice %arg7[%add3A_71, %dma_start3A_91] : memref<81x128xi32, #tpu.memory_space<vmem>> -> memref<1x128xi32, #tpu.memory_space<vmem>>
        %dma_start3A_93 = tpu.memref_squeeze %dma_start3A_92 : memref<1x128xi32, #tpu.memory_space<vmem>> -> memref<128xi32, #tpu.memory_space<vmem>>
        %dma_start3A_94 = arith.constant 0 : i32
        %dma_start3A_95 = arith.constant 0 : i32
        %dma_start3A_96 = tpu.memref_slice %arg12[%dma_start3A_94, %dma_start3A_95] : memref<10240x64xf32, #tpu.memory_space<vmem_shared>> -> memref<10240x64xf32, #tpu.memory_space<vmem_shared>>
        tpu.enqueue_indirect_dma source(%arg10 : memref<128x64xf32, #tpu.memory_space<vmem>>) target(%dma_start3A_96 : memref<10240x64xf32, #tpu.memory_space<vmem_shared>>) offsets(%dma_start3A_93 : memref<128xi32, #tpu.memory_space<vmem>>) semaphore(%run_scoped3A : memref<!tpu.dma_semaphore, #tpu.memory_space<semaphore_mem>>) {add = true}
        %dma_wait3A_97 = arith.constant 0 : i32
        %dma_wait3A_98 = tpu.memref_slice %arg7[%add3A_71, %dma_wait3A_97] : memref<81x128xi32, #tpu.memory_space<vmem>> -> memref<1x128xi32, #tpu.memory_space<vmem>>
        %dma_wait3A_99 = tpu.memref_squeeze %dma_wait3A_98 : memref<1x128xi32, #tpu.memory_space<vmem>> -> memref<128xi32, #tpu.memory_space<vmem>>
        %dma_wait3A_100 = arith.constant 0 : i32
        %dma_wait3A_101 = arith.constant 0 : i32
        %dma_wait3A_102 = tpu.memref_slice %arg12[%dma_wait3A_100, %dma_wait3A_101] : memref<10240x64xf32, #tpu.memory_space<vmem_shared>> -> memref<10240x64xf32, #tpu.memory_space<vmem_shared>>
        tpu.wait_indirect_dma semaphore(%run_scoped3A : memref<!tpu.dma_semaphore, #tpu.memory_space<semaphore_mem>>) src(%arg10 : memref<128x64xf32, #tpu.memory_space<vmem>>) dst(%dma_wait3A_102 : memref<10240x64xf32, #tpu.memory_space<vmem_shared>>)
        tpu.yield
      }) : () -> ()
      %add3A_72 = arith.constant 2 : i32
      %add3A_73 = arith.addi %mul3A_38, %add3A_72 : i32
      %add3A_74 = arith.constant 2 : i32
      %add3A_75 = arith.addi %add3A_73, %add3A_74 : i32
      %lt3A_76 = arith.constant 81 : i32
      %lt3A_77 = arith.cmpi slt, %add3A_75, %lt3A_76 : i32
      %convert_element_type3A_78 = arith.extui %lt3A_77 : i1 to i32
      %cond3A_79 = arith.constant 0 : i32
      %cond3A_80 = arith.cmpi ne, %convert_element_type3A_78, %cond3A_79 : i32
      scf.if %cond3A_80 {
        %add3A_91 = arith.constant 2 : i32
        %add3A_92 = arith.addi %mul3A_38, %add3A_91 : i32
        %add3A_93 = arith.constant 2 : i32
        %add3A_94 = arith.addi %add3A_92, %add3A_93 : i32
        %dma_start3A_95 = arith.constant 0 : i32
        %dma_start3A_96 = tpu.memref_slice %arg6[%add3A_94, %dma_start3A_95] : memref<81x128xi32, #tpu.memory_space<vmem>> -> memref<1x128xi32, #tpu.memory_space<vmem>>
        %dma_start3A_97 = tpu.memref_squeeze %dma_start3A_96 : memref<1x128xi32, #tpu.memory_space<vmem>> -> memref<128xi32, #tpu.memory_space<vmem>>
        %dma_start3A_98 = arith.constant 0 : i32
        %dma_start3A_99 = arith.constant 0 : i32
        %dma_start3A_100 = tpu.memref_slice %arg4[%dma_start3A_98, %dma_start3A_99] : memref<10000x64xf32, #tpu.memory_space<hbm>> -> memref<10000x64xf32, #tpu.memory_space<hbm>>
        tpu.enqueue_indirect_dma source(%dma_start3A_100 : memref<10000x64xf32, #tpu.memory_space<hbm>>) target(%arg10 : memref<128x64xf32, #tpu.memory_space<vmem>>) offsets(%dma_start3A_97 : memref<128xi32, #tpu.memory_space<vmem>>) semaphore(%arg14 : memref<!tpu.dma_semaphore, #tpu.memory_space<semaphore_mem>>)
      } else {
      }
      %add3A_81 = arith.constant 2 : i32
      %add3A_82 = arith.addi %mul3A_38, %add3A_81 : i32
      %dma_wait3A_83 = arith.constant 0 : i32
      %dma_wait3A_84 = tpu.memref_slice %arg6[%add3A_82, %dma_wait3A_83] : memref<81x128xi32, #tpu.memory_space<vmem>> -> memref<1x128xi32, #tpu.memory_space<vmem>>
      %dma_wait3A_85 = tpu.memref_squeeze %dma_wait3A_84 : memref<1x128xi32, #tpu.memory_space<vmem>> -> memref<128xi32, #tpu.memory_space<vmem>>
      %dma_wait3A_86 = arith.constant 0 : i32
      %dma_wait3A_87 = arith.constant 0 : i32
      %dma_wait3A_88 = tpu.memref_slice %arg4[%dma_wait3A_86, %dma_wait3A_87] : memref<10000x64xf32, #tpu.memory_space<hbm>> -> memref<10000x64xf32, #tpu.memory_space<hbm>>
      tpu.wait_indirect_dma semaphore(%arg15 : memref<!tpu.dma_semaphore, #tpu.memory_space<semaphore_mem>>) src(%dma_wait3A_88 : memref<10000x64xf32, #tpu.memory_space<hbm>>) dst(%arg11 : memref<128x64xf32, #tpu.memory_space<vmem>>)
      %add3A_89 = arith.constant 2 : i32
      %add3A_90 = arith.addi %mul3A_38, %add3A_89 : i32
      "tpu.region"() ({
        %run_scoped3A = tpu.sem_alloc : memref<!tpu.dma_semaphore, #tpu.memory_space<semaphore_mem>>
        %dma_start3A_91 = arith.constant 0 : i32
        %dma_start3A_92 = tpu.memref_slice %arg7[%add3A_90, %dma_start3A_91] : memref<81x128xi32, #tpu.memory_space<vmem>> -> memref<1x128xi32, #tpu.memory_space<vmem>>
        %dma_start3A_93 = tpu.memref_squeeze %dma_start3A_92 : memref<1x128xi32, #tpu.memory_space<vmem>> -> memref<128xi32, #tpu.memory_space<vmem>>
        %dma_start3A_94 = arith.constant 0 : i32
        %dma_start3A_95 = arith.constant 0 : i32
        %dma_start3A_96 = tpu.memref_slice %arg12[%dma_start3A_94, %dma_start3A_95] : memref<10240x64xf32, #tpu.memory_space<vmem_shared>> -> memref<10240x64xf32, #tpu.memory_space<vmem_shared>>
        tpu.enqueue_indirect_dma source(%arg11 : memref<128x64xf32, #tpu.memory_space<vmem>>) target(%dma_start3A_96 : memref<10240x64xf32, #tpu.memory_space<vmem_shared>>) offsets(%dma_start3A_93 : memref<128xi32, #tpu.memory_space<vmem>>) semaphore(%run_scoped3A : memref<!tpu.dma_semaphore, #tpu.memory_space<semaphore_mem>>) {add = true}
        %dma_wait3A_97 = arith.constant 0 : i32
        %dma_wait3A_98 = tpu.memref_slice %arg7[%add3A_90, %dma_wait3A_97] : memref<81x128xi32, #tpu.memory_space<vmem>> -> memref<1x128xi32, #tpu.memory_space<vmem>>
        %dma_wait3A_99 = tpu.memref_squeeze %dma_wait3A_98 : memref<1x128xi32, #tpu.memory_space<vmem>> -> memref<128xi32, #tpu.memory_space<vmem>>
        %dma_wait3A_100 = arith.constant 0 : i32
        %dma_wait3A_101 = arith.constant 0 : i32
        %dma_wait3A_102 = tpu.memref_slice %arg12[%dma_wait3A_100, %dma_wait3A_101] : memref<10240x64xf32, #tpu.memory_space<vmem_shared>> -> memref<10240x64xf32, #tpu.memory_space<vmem_shared>>
        tpu.wait_indirect_dma semaphore(%run_scoped3A : memref<!tpu.dma_semaphore, #tpu.memory_space<semaphore_mem>>) src(%arg11 : memref<128x64xf32, #tpu.memory_space<vmem>>) dst(%dma_wait3A_102 : memref<10240x64xf32, #tpu.memory_space<vmem_shared>>)
        tpu.yield
      }) : () -> ()
    }
    %scan3A_30 = arith.constant 27 : i32
    %barrier3A_31 = arith.constant 0 : index
    tpu.barrier barrier_id(%barrier3A_31)
    %mul3A_32 = arith.constant 640 : i32
    %mul3A_33 = arith.muli %arg1, %mul3A_32 : i32
    %mul3A_34 = arith.constant 640 : i32
    %mul3A_35 = arith.muli %arg1, %mul3A_34 : i32
    "tpu.region"() ({
      %run_scoped3A = tpu.sem_alloc : memref<!tpu.dma_semaphore, #tpu.memory_space<semaphore_mem>>
      %dma_start3A_36 = arith.constant 0 : i32
      %dma_start3A_37 = tpu.memref_slice %arg5[%arg0, %mul3A_35, %dma_start3A_36] : memref<2x10240x64xf32, #tpu.memory_space<hbm>> -> memref<1x640x64xf32, #tpu.memory_space<hbm>>
      %dma_start3A_38 = tpu.memref_squeeze %dma_start3A_37 : memref<1x640x64xf32, #tpu.memory_space<hbm>> -> memref<640x64xf32, #tpu.memory_space<hbm>>
      %dma_start3A_39 = arith.constant 0 : i32
      %dma_start3A_40 = tpu.memref_slice %arg12[%mul3A_33, %dma_start3A_39] : memref<10240x64xf32, #tpu.memory_space<vmem_shared>> -> memref<640x64xf32, #tpu.memory_space<vmem_shared>>
      tpu.enqueue_dma source(%dma_start3A_40 : memref<640x64xf32, #tpu.memory_space<vmem_shared>>) target(%dma_start3A_38 : memref<640x64xf32, #tpu.memory_space<hbm>>) target_semaphore(%run_scoped3A : memref<!tpu.dma_semaphore, #tpu.memory_space<semaphore_mem>>)
      %dma_wait3A = arith.constant 0 : i32
      %dma_wait3A_41 = tpu.memref_slice %arg5[%arg0, %mul3A_35, %dma_wait3A] : memref<2x10240x64xf32, #tpu.memory_space<hbm>> -> memref<1x640x64xf32, #tpu.memory_space<hbm>>
      %dma_wait3A_42 = tpu.memref_squeeze %dma_wait3A_41 : memref<1x640x64xf32, #tpu.memory_space<hbm>> -> memref<640x64xf32, #tpu.memory_space<hbm>>
      %dma_wait3A_43 = arith.constant 0 : i32
      %dma_wait3A_44 = tpu.memref_slice %arg12[%mul3A_33, %dma_wait3A_43] : memref<10240x64xf32, #tpu.memory_space<vmem_shared>> -> memref<640x64xf32, #tpu.memory_space<vmem_shared>>
      tpu.wait_dma2 semaphore(%run_scoped3A : memref<!tpu.dma_semaphore, #tpu.memory_space<semaphore_mem>>) src(%dma_wait3A_44 : memref<640x64xf32, #tpu.memory_space<vmem_shared>>) dst(%dma_wait3A_42 : memref<640x64xf32, #tpu.memory_space<hbm>>)
      tpu.yield
    }) : () -> ()
    return
  }
}

#map = affine_map<(d0, d1) -> (0, 0, 0)>
#map1 = affine_map<(d0, d1) -> (0, 0)>
module attributes {stable_mosaic.version = 14 : i64} {
  func.func @k(%arg0: i32, %arg1: i32, %arg2: memref<32x81x128xi32, #tpu.memory_space<hbm>>, %arg3: memref<32x81x128xi32, #tpu.memory_space<hbm>>, %arg4: memref<10000x64xf32, #tpu.memory_space<hbm>>, %arg5: memref<2x10240x64xf32, #tpu.memory_space<hbm>>, %arg6: memref<81x128xi32, #tpu.memory_space<vmem>>, %arg7: memref<81x128xi32, #tpu.memory_space<vmem>>, %arg8: memref<128x64xf32, #tpu.memory_space<vmem>>, %arg9: memref<128x64xf32, #tpu.memory_space<vmem>>, %arg10: memref<128x64xf32, #tpu.memory_space<vmem>>, %arg11: memref<128x64xf32, #tpu.memory_space<vmem>>, %arg12: memref<10240x64xf32, #tpu.memory_space<vmem_shared>>, %arg13: memref<!tpu.dma_semaphore, #tpu.memory_space<semaphore_mem>>, %arg14: memref<!tpu.dma_semaphore, #tpu.memory_space<semaphore_mem>>, %arg15: memref<!tpu.dma_semaphore, #tpu.memory_space<semaphore_mem>>) attributes {dimension_semantics = [#tpu.dimension_semantics<core_parallel>, #tpu.dimension_semantics<subcore_parallel>], iteration_bounds = array<i64: 2, 16>, scalar_prefetch = 0 : i64, scratch_operands = 10 : i64, tpu.core_type = #tpu.core_type<sc_vector_subcore>, window_params = [{transform_indices = #map}, {transform_indices = #map}, {transform_indices = #map1}, {transform_indices = #map}]} {
    %mul3A = arith.constant 2 : i32
    %mul3A_0 = arith.muli %arg1, %mul3A : i32
    %add3A = arith.addi %mul3A_0, %arg0 : i32
    %scan3A = arith.constant 0 : i32
    %scan3A_1 = arith.constant 0 : i32
    %scan3A_2 = arith.constant 128 : i32
    %scan3A_3 = arith.addi %scan3A_1, %scan3A_2 : i32
    %scan3A_4 = arith.constant 1 : i32
    scf.for %scan3A_36 = %scan3A_1 to %scan3A_3 step %scan3A_4  : i32 {
      %scan3A_37 = arith.constant 0 : i32
      %scan3A_38 = arith.constant 4 : i32
      %scan3A_39 = arith.addi %scan3A_37, %scan3A_38 : i32
      %scan3A_40 = arith.constant 1 : i32
      scf.for %scan3A_42 = %scan3A_37 to %scan3A_39 step %scan3A_40  : i32 {
        %broadcast_in_dim3A = arith.constant 0.000000e+00 : f32
        %broadcast_in_dim3A_43 = vector.broadcast %broadcast_in_dim3A : f32 to vector<16xf32>
        %mul3A_44 = arith.constant 16 : i32
        %mul3A_45 = arith.muli %scan3A_42, %mul3A_44 : i32
        %swap3A = arith.index_cast %scan3A_36 : i32 to index
        %swap3A_46 = arith.index_cast %mul3A_45 : i32 to index
        %swap3A_47 = tpu.vector_load %arg8[%swap3A, %swap3A_46] {strides = array<i32>} : memref<128x64xf32, #tpu.memory_space<vmem>>, vector<1x16xf32>,
        %swap3A_48 = vector.shape_cast %swap3A_47 : vector<1x16xf32> to vector<16xf32>
        %swap3A_49 = vector.shape_cast %broadcast_in_dim3A_43 : vector<16xf32> to vector<1x16xf32>
        tpu.vector_store %arg8[%swap3A, %swap3A_46], %swap3A_49 {strides = array<i32>} : memref<128x64xf32, #tpu.memory_space<vmem>>, vector<1x16xf32>,
      }
      %scan3A_41 = arith.constant 4 : i32
    }
    %scan3A_5 = arith.constant 128 : i32
    %scan3A_6 = arith.constant 0 : i32
    %scan3A_7 = arith.constant 0 : i32
    %scan3A_8 = arith.constant 5 : i32
    %scan3A_9 = arith.addi %scan3A_7, %scan3A_8 : i32
    %scan3A_10 = arith.constant 1 : i32
    scf.for %scan3A_36 = %scan3A_7 to %scan3A_9 step %scan3A_10  : i32 {
      %mul3A_37 = arith.constant 640 : i32
      %mul3A_38 = arith.muli %arg1, %mul3A_37 : i32
      %mul3A_39 = arith.constant 128 : i32
      %mul3A_40 = arith.muli %scan3A_36, %mul3A_39 : i32
      %add3A_41 = arith.addi %mul3A_38, %mul3A_40 : i32
      "tpu.region"() ({
        %run_scoped3A = tpu.sem_alloc : memref<!tpu.dma_semaphore, #tpu.memory_space<semaphore_mem>>
        %dma_start3A_42 = arith.constant 0 : i32
        %dma_start3A_43 = tpu.memref_slice %arg12[%add3A_41, %dma_start3A_42] : memref<10240x64xf32, #tpu.memory_space<vmem_shared>> -> memref<128x64xf32, #tpu.memory_space<vmem_shared>>
        %dma_start3A_44 = arith.constant 0 : i32
        %dma_start3A_45 = tpu.memref_slice %arg12[%add3A_41, %dma_start3A_44] : memref<10240x64xf32, #tpu.memory_space<vmem_shared>> -> memref<128x64xf32, #tpu.memory_space<vmem_shared>>
        tpu.enqueue_dma source(%arg8 : memref<128x64xf32, #tpu.memory_space<vmem>>) target(%dma_start3A_45 : memref<128x64xf32, #tpu.memory_space<vmem_shared>>) target_semaphore(%run_scoped3A : memref<!tpu.dma_semaphore, #tpu.memory_space<semaphore_mem>>)
        %dma_wait3A = arith.constant 0 : i32
        %dma_wait3A_46 = tpu.memref_slice %arg12[%add3A_41, %dma_wait3A] : memref<10240x64xf32, #tpu.memory_space<vmem_shared>> -> memref<128x64xf32, #tpu.memory_space<vmem_shared>>
        %dma_wait3A_47 = arith.constant 0 : i32
        %dma_wait3A_48 = tpu.memref_slice %arg12[%add3A_41, %dma_wait3A_47] : memref<10240x64xf32, #tpu.memory_space<vmem_shared>> -> memref<128x64xf32, #tpu.memory_space<vmem_shared>>
        tpu.wait_dma2 semaphore(%run_scoped3A : memref<!tpu.dma_semaphore, #tpu.memory_space<semaphore_mem>>) src(%arg8 : memref<128x64xf32, #tpu.memory_space<vmem>>) dst(%dma_wait3A_48 : memref<128x64xf32, #tpu.memory_space<vmem_shared>>)
        tpu.yield
      }) : () -> ()
    }
    %scan3A_11 = arith.constant 5 : i32
    "tpu.region"() ({
      %run_scoped3A = tpu.sem_alloc : memref<!tpu.dma_semaphore, #tpu.memory_space<semaphore_mem>>
      %dma_start3A_36 = arith.constant 0 : i32
      %dma_start3A_37 = arith.constant 0 : i32
      %dma_start3A_38 = tpu.memref_slice %arg2[%add3A, %dma_start3A_36, %dma_start3A_37] : memref<32x81x128xi32, #tpu.memory_space<hbm>> -> memref<1x81x128xi32, #tpu.memory_space<hbm>>
      %dma_start3A_39 = tpu.memref_squeeze %dma_start3A_38 : memref<1x81x128xi32, #tpu.memory_space<hbm>> -> memref<81x128xi32, #tpu.memory_space<hbm>>
      %dma_start3A_40 = arith.constant 0 : i32
      %dma_start3A_41 = arith.constant 0 : i32
      %dma_start3A_42 = tpu.memref_slice %arg2[%add3A, %dma_start3A_40, %dma_start3A_41] : memref<32x81x128xi32, #tpu.memory_space<hbm>> -> memref<1x81x128xi32, #tpu.memory_space<hbm>>
      %dma_start3A_43 = tpu.memref_squeeze %dma_start3A_42 : memref<1x81x128xi32, #tpu.memory_space<hbm>> -> memref<81x128xi32, #tpu.memory_space<hbm>>
      tpu.enqueue_dma source(%dma_start3A_43 : memref<81x128xi32, #tpu.memory_space<hbm>>) target(%arg6 : memref<81x128xi32, #tpu.memory_space<vmem>>) target_semaphore(%run_scoped3A : memref<!tpu.dma_semaphore, #tpu.memory_space<semaphore_mem>>)
      %dma_wait3A = arith.constant 0 : i32
      %dma_wait3A_44 = arith.constant 0 : i32
      %dma_wait3A_45 = tpu.memref_slice %arg2[%add3A, %dma_wait3A, %dma_wait3A_44] : memref<32x81x128xi32, #tpu.memory_space<hbm>> -> memref<1x81x128xi32, #tpu.memory_space<hbm>>
      %dma_wait3A_46 = tpu.memref_squeeze %dma_wait3A_45 : memref<1x81x128xi32, #tpu.memory_space<hbm>> -> memref<81x128xi32, #tpu.memory_space<hbm>>
      %dma_wait3A_47 = arith.constant 0 : i32
      %dma_wait3A_48 = arith.constant 0 : i32
      %dma_wait3A_49 = tpu.memref_slice %arg2[%add3A, %dma_wait3A_47, %dma_wait3A_48] : memref<32x81x128xi32, #tpu.memory_space<hbm>> -> memref<1x81x128xi32, #tpu.memory_space<hbm>>
      %dma_wait3A_50 = tpu.memref_squeeze %dma_wait3A_49 : memref<1x81x128xi32, #tpu.memory_space<hbm>> -> memref<81x128xi32, #tpu.memory_space<hbm>>
      tpu.wait_dma2 semaphore(%run_scoped3A : memref<!tpu.dma_semaphore, #tpu.memory_space<semaphore_mem>>) src(%dma_wait3A_50 : memref<81x128xi32, #tpu.memory_space<hbm>>) dst(%arg6 : memref<81x128xi32, #tpu.memory_space<vmem>>)
      tpu.yield
    }) : () -> ()
    "tpu.region"() ({
      %run_scoped3A = tpu.sem_alloc : memref<!tpu.dma_semaphore, #tpu.memory_space<semaphore_mem>>
      %dma_start3A_36 = arith.constant 0 : i32
      %dma_start3A_37 = arith.constant 0 : i32
      %dma_start3A_38 = tpu.memref_slice %arg3[%add3A, %dma_start3A_36, %dma_start3A_37] : memref<32x81x128xi32, #tpu.memory_space<hbm>> -> memref<1x81x128xi32, #tpu.memory_space<hbm>>
      %dma_start3A_39 = tpu.memref_squeeze %dma_start3A_38 : memref<1x81x128xi32, #tpu.memory_space<hbm>> -> memref<81x128xi32, #tpu.memory_space<hbm>>
      %dma_start3A_40 = arith.constant 0 : i32
      %dma_start3A_41 = arith.constant 0 : i32
      %dma_start3A_42 = tpu.memref_slice %arg3[%add3A, %dma_start3A_40, %dma_start3A_41] : memref<32x81x128xi32, #tpu.memory_space<hbm>> -> memref<1x81x128xi32, #tpu.memory_space<hbm>>
      %dma_start3A_43 = tpu.memref_squeeze %dma_start3A_42 : memref<1x81x128xi32, #tpu.memory_space<hbm>> -> memref<81x128xi32, #tpu.memory_space<hbm>>
      tpu.enqueue_dma source(%dma_start3A_43 : memref<81x128xi32, #tpu.memory_space<hbm>>) target(%arg7 : memref<81x128xi32, #tpu.memory_space<vmem>>) target_semaphore(%run_scoped3A : memref<!tpu.dma_semaphore, #tpu.memory_space<semaphore_mem>>)
      %dma_wait3A = arith.constant 0 : i32
      %dma_wait3A_44 = arith.constant 0 : i32
      %dma_wait3A_45 = tpu.memref_slice %arg3[%add3A, %dma_wait3A, %dma_wait3A_44] : memref<32x81x128xi32, #tpu.memory_space<hbm>> -> memref<1x81x128xi32, #tpu.memory_space<hbm>>
      %dma_wait3A_46 = tpu.memref_squeeze %dma_wait3A_45 : memref<1x81x128xi32, #tpu.memory_space<hbm>> -> memref<81x128xi32, #tpu.memory_space<hbm>>
      %dma_wait3A_47 = arith.constant 0 : i32
      %dma_wait3A_48 = arith.constant 0 : i32
      %dma_wait3A_49 = tpu.memref_slice %arg3[%add3A, %dma_wait3A_47, %dma_wait3A_48] : memref<32x81x128xi32, #tpu.memory_space<hbm>> -> memref<1x81x128xi32, #tpu.memory_space<hbm>>
      %dma_wait3A_50 = tpu.memref_squeeze %dma_wait3A_49 : memref<1x81x128xi32, #tpu.memory_space<hbm>> -> memref<81x128xi32, #tpu.memory_space<hbm>>
      tpu.wait_dma2 semaphore(%run_scoped3A : memref<!tpu.dma_semaphore, #tpu.memory_space<semaphore_mem>>) src(%dma_wait3A_50 : memref<81x128xi32, #tpu.memory_space<hbm>>) dst(%arg7 : memref<81x128xi32, #tpu.memory_space<vmem>>)
      tpu.yield
    }) : () -> ()
    %barrier3A = arith.constant 0 : index
    tpu.barrier barrier_id(%barrier3A)
    %dma_start3A = arith.constant 0 : i32
    %dma_start3A_12 = arith.constant 0 : i32
    %dma_start3A_13 = tpu.memref_slice %arg6[%dma_start3A, %dma_start3A_12] : memref<81x128xi32, #tpu.memory_space<vmem>> -> memref<1x128xi32, #tpu.memory_space<vmem>>
    %dma_start3A_14 = tpu.memref_squeeze %dma_start3A_13 : memref<1x128xi32, #tpu.memory_space<vmem>> -> memref<128xi32, #tpu.memory_space<vmem>>
    %dma_start3A_15 = arith.constant 0 : i32
    %dma_start3A_16 = arith.constant 0 : i32
    %dma_start3A_17 = tpu.memref_slice %arg4[%dma_start3A_15, %dma_start3A_16] : memref<10000x64xf32, #tpu.memory_space<hbm>> -> memref<10000x64xf32, #tpu.memory_space<hbm>>
    tpu.enqueue_indirect_dma source(%dma_start3A_17 : memref<10000x64xf32, #tpu.memory_space<hbm>>) target(%arg9 : memref<128x64xf32, #tpu.memory_space<vmem>>) offsets(%dma_start3A_14 : memref<128xi32, #tpu.memory_space<vmem>>) semaphore(%arg13 : memref<!tpu.dma_semaphore, #tpu.memory_space<semaphore_mem>>)
    %dma_start3A_18 = arith.constant 1 : i32
    %dma_start3A_19 = arith.constant 0 : i32
    %dma_start3A_20 = tpu.memref_slice %arg6[%dma_start3A_18, %dma_start3A_19] : memref<81x128xi32, #tpu.memory_space<vmem>> -> memref<1x128xi32, #tpu.memory_space<vmem>>
    %dma_start3A_21 = tpu.memref_squeeze %dma_start3A_20 : memref<1x128xi32, #tpu.memory_space<vmem>> -> memref<128xi32, #tpu.memory_space<vmem>>
    %dma_start3A_22 = arith.constant 0 : i32
    %dma_start3A_23 = arith.constant 0 : i32
    %dma_start3A_24 = tpu.memref_slice %arg4[%dma_start3A_22, %dma_start3A_23] : memref<10000x64xf32, #tpu.memory_space<hbm>> -> memref<10000x64xf32, #tpu.memory_space<hbm>>
    tpu.enqueue_indirect_dma source(%dma_start3A_24 : memref<10000x64xf32, #tpu.memory_space<hbm>>) target(%arg10 : memref<128x64xf32, #tpu.memory_space<vmem>>) offsets(%dma_start3A_21 : memref<128xi32, #tpu.memory_space<vmem>>) semaphore(%arg14 : memref<!tpu.dma_semaphore, #tpu.memory_space<semaphore_mem>>)
    %scan3A_25 = arith.constant 0 : i32
    %scan3A_26 = arith.constant 0 : i32
    %scan3A_27 = arith.constant 27 : i32
    %scan3A_28 = arith.addi %scan3A_26, %scan3A_27 : i32
    %scan3A_29 = arith.constant 1 : i32
    scf.for %scan3A_36 = %scan3A_26 to %scan3A_28 step %scan3A_29  : i32 {
      %mul3A_37 = arith.constant 3 : i32
      %mul3A_38 = arith.muli %scan3A_36, %mul3A_37 : i32
      %add3A_39 = arith.constant 2 : i32
      %add3A_40 = arith.addi %mul3A_38, %add3A_39 : i32
      %dma_start3A_41 = arith.constant 0 : i32
      %dma_start3A_42 = tpu.memref_slice %arg6[%add3A_40, %dma_start3A_41] : memref<81x128xi32, #tpu.memory_space<vmem>> -> memref<1x128xi32, #tpu.memory_space<vmem>>
      %dma_start3A_43 = tpu.memref_squeeze %dma_start3A_42 : memref<1x128xi32, #tpu.memory_space<vmem>> -> memref<128xi32, #tpu.memory_space<vmem>>
      %dma_start3A_44 = arith.constant 0 : i32
      %dma_start3A_45 = arith.constant 0 : i32
      %dma_start3A_46 = tpu.memref_slice %arg4[%dma_start3A_44, %dma_start3A_45] : memref<10000x64xf32, #tpu.memory_space<hbm>> -> memref<10000x64xf32, #tpu.memory_space<hbm>>
      tpu.enqueue_indirect_dma source(%dma_start3A_46 : memref<10000x64xf32, #tpu.memory_space<hbm>>) target(%arg11 : memref<128x64xf32, #tpu.memory_space<vmem>>) offsets(%dma_start3A_43 : memref<128xi32, #tpu.memory_space<vmem>>) semaphore(%arg15 : memref<!tpu.dma_semaphore, #tpu.memory_space<semaphore_mem>>)
      %add3A_47 = arith.constant 0 : i32
      %add3A_48 = arith.addi %mul3A_38, %add3A_47 : i32
      %dma_wait3A = arith.constant 0 : i32
      %dma_wait3A_49 = tpu.memref_slice %arg6[%add3A_48, %dma_wait3A] : memref<81x128xi32, #tpu.memory_space<vmem>> -> memref<1x128xi32, #tpu.memory_space<vmem>>
      %dma_wait3A_50 = tpu.memref_squeeze %dma_wait3A_49 : memref<1x128xi32, #tpu.memory_space<vmem>> -> memref<128xi32, #tpu.memory_space<vmem>>
      %dma_wait3A_51 = arith.constant 0 : i32
      %dma_wait3A_52 = arith.constant 0 : i32
      %dma_wait3A_53 = tpu.memref_slice %arg4[%dma_wait3A_51, %dma_wait3A_52] : memref<10000x64xf32, #tpu.memory_space<hbm>> -> memref<10000x64xf32, #tpu.memory_space<hbm>>
      tpu.wait_indirect_dma semaphore(%arg13 : memref<!tpu.dma_semaphore, #tpu.memory_space<semaphore_mem>>) src(%dma_wait3A_53 : memref<10000x64xf32, #tpu.memory_space<hbm>>) dst(%arg9 : memref<128x64xf32, #tpu.memory_space<vmem>>)
      %add3A_54 = arith.constant 0 : i32
      %add3A_55 = arith.addi %mul3A_38, %add3A_54 : i32
      "tpu.region"() ({
        %run_scoped3A = tpu.sem_alloc : memref<!tpu.dma_semaphore, #tpu.memory_space<semaphore_mem>>
        %dma_start3A_91 = arith.constant 0 : i32
        %dma_start3A_92 = tpu.memref_slice %arg7[%add3A_55, %dma_start3A_91] : memref<81x128xi32, #tpu.memory_space<vmem>> -> memref<1x128xi32, #tpu.memory_space<vmem>>
        %dma_start3A_93 = tpu.memref_squeeze %dma_start3A_92 : memref<1x128xi32, #tpu.memory_space<vmem>> -> memref<128xi32, #tpu.memory_space<vmem>>
        %dma_start3A_94 = arith.constant 0 : i32
        %dma_start3A_95 = arith.constant 0 : i32
        %dma_start3A_96 = tpu.memref_slice %arg12[%dma_start3A_94, %dma_start3A_95] : memref<10240x64xf32, #tpu.memory_space<vmem_shared>> -> memref<10240x64xf32, #tpu.memory_space<vmem_shared>>
        tpu.enqueue_indirect_dma source(%arg9 : memref<128x64xf32, #tpu.memory_space<vmem>>) target(%dma_start3A_96 : memref<10240x64xf32, #tpu.memory_space<vmem_shared>>) offsets(%dma_start3A_93 : memref<128xi32, #tpu.memory_space<vmem>>) semaphore(%run_scoped3A : memref<!tpu.dma_semaphore, #tpu.memory_space<semaphore_mem>>) {add = true}
        %dma_wait3A_97 = arith.constant 0 : i32
        %dma_wait3A_98 = tpu.memref_slice %arg7[%add3A_55, %dma_wait3A_97] : memref<81x128xi32, #tpu.memory_space<vmem>> -> memref<1x128xi32, #tpu.memory_space<vmem>>
        %dma_wait3A_99 = tpu.memref_squeeze %dma_wait3A_98 : memref<1x128xi32, #tpu.memory_space<vmem>> -> memref<128xi32, #tpu.memory_space<vmem>>
        %dma_wait3A_100 = arith.constant 0 : i32
        %dma_wait3A_101 = arith.constant 0 : i32
        %dma_wait3A_102 = tpu.memref_slice %arg12[%dma_wait3A_100, %dma_wait3A_101] : memref<10240x64xf32, #tpu.memory_space<vmem_shared>> -> memref<10240x64xf32, #tpu.memory_space<vmem_shared>>
        tpu.wait_indirect_dma semaphore(%run_scoped3A : memref<!tpu.dma_semaphore, #tpu.memory_space<semaphore_mem>>) src(%arg9 : memref<128x64xf32, #tpu.memory_space<vmem>>) dst(%dma_wait3A_102 : memref<10240x64xf32, #tpu.memory_space<vmem_shared>>)
        tpu.yield
      }) : () -> ()
      %add3A_56 = arith.constant 1 : i32
      %add3A_57 = arith.addi %mul3A_38, %add3A_56 : i32
      %add3A_58 = arith.constant 2 : i32
      %add3A_59 = arith.addi %add3A_57, %add3A_58 : i32
      %lt3A = arith.constant 81 : i32
      %lt3A_60 = arith.cmpi slt, %add3A_59, %lt3A : i32
      %convert_element_type3A = arith.extui %lt3A_60 : i1 to i32
      %cond3A = arith.constant 0 : i32
      %cond3A_61 = arith.cmpi ne, %convert_element_type3A, %cond3A : i32
      scf.if %cond3A_61 {
        %add3A_91 = arith.constant 1 : i32
        %add3A_92 = arith.addi %mul3A_38, %add3A_91 : i32
        %add3A_93 = arith.constant 2 : i32
        %add3A_94 = arith.addi %add3A_92, %add3A_93 : i32
        %dma_start3A_95 = arith.constant 0 : i32
        %dma_start3A_96 = tpu.memref_slice %arg6[%add3A_94, %dma_start3A_95] : memref<81x128xi32, #tpu.memory_space<vmem>> -> memref<1x128xi32, #tpu.memory_space<vmem>>
        %dma_start3A_97 = tpu.memref_squeeze %dma_start3A_96 : memref<1x128xi32, #tpu.memory_space<vmem>> -> memref<128xi32, #tpu.memory_space<vmem>>
        %dma_start3A_98 = arith.constant 0 : i32
        %dma_start3A_99 = arith.constant 0 : i32
        %dma_start3A_100 = tpu.memref_slice %arg4[%dma_start3A_98, %dma_start3A_99] : memref<10000x64xf32, #tpu.memory_space<hbm>> -> memref<10000x64xf32, #tpu.memory_space<hbm>>
        tpu.enqueue_indirect_dma source(%dma_start3A_100 : memref<10000x64xf32, #tpu.memory_space<hbm>>) target(%arg9 : memref<128x64xf32, #tpu.memory_space<vmem>>) offsets(%dma_start3A_97 : memref<128xi32, #tpu.memory_space<vmem>>) semaphore(%arg13 : memref<!tpu.dma_semaphore, #tpu.memory_space<semaphore_mem>>)
      } else {
      }
      %add3A_62 = arith.constant 1 : i32
      %add3A_63 = arith.addi %mul3A_38, %add3A_62 : i32
      %dma_wait3A_64 = arith.constant 0 : i32
      %dma_wait3A_65 = tpu.memref_slice %arg6[%add3A_63, %dma_wait3A_64] : memref<81x128xi32, #tpu.memory_space<vmem>> -> memref<1x128xi32, #tpu.memory_space<vmem>>
      %dma_wait3A_66 = tpu.memref_squeeze %dma_wait3A_65 : memref<1x128xi32, #tpu.memory_space<vmem>> -> memref<128xi32, #tpu.memory_space<vmem>>
      %dma_wait3A_67 = arith.constant 0 : i32
      %dma_wait3A_68 = arith.constant 0 : i32
      %dma_wait3A_69 = tpu.memref_slice %arg4[%dma_wait3A_67, %dma_wait3A_68] : memref<10000x64xf32, #tpu.memory_space<hbm>> -> memref<10000x64xf32, #tpu.memory_space<hbm>>
      tpu.wait_indirect_dma semaphore(%arg14 : memref<!tpu.dma_semaphore, #tpu.memory_space<semaphore_mem>>) src(%dma_wait3A_69 : memref<10000x64xf32, #tpu.memory_space<hbm>>) dst(%arg10 : memref<128x64xf32, #tpu.memory_space<vmem>>)
      %add3A_70 = arith.constant 1 : i32
      %add3A_71 = arith.addi %mul3A_38, %add3A_70 : i32
      "tpu.region"() ({
        %run_scoped3A = tpu.sem_alloc : memref<!tpu.dma_semaphore, #tpu.memory_space<semaphore_mem>>
        %dma_start3A_91 = arith.constant 0 : i32
        %dma_start3A_92 = tpu.memref_slice %arg7[%add3A_71, %dma_start3A_91] : memref<81x128xi32, #tpu.memory_space<vmem>> -> memref<1x128xi32, #tpu.memory_space<vmem>>
        %dma_start3A_93 = tpu.memref_squeeze %dma_start3A_92 : memref<1x128xi32, #tpu.memory_space<vmem>> -> memref<128xi32, #tpu.memory_space<vmem>>
        %dma_start3A_94 = arith.constant 0 : i32
        %dma_start3A_95 = arith.constant 0 : i32
        %dma_start3A_96 = tpu.memref_slice %arg12[%dma_start3A_94, %dma_start3A_95] : memref<10240x64xf32, #tpu.memory_space<vmem_shared>> -> memref<10240x64xf32, #tpu.memory_space<vmem_shared>>
        tpu.enqueue_indirect_dma source(%arg10 : memref<128x64xf32, #tpu.memory_space<vmem>>) target(%dma_start3A_96 : memref<10240x64xf32, #tpu.memory_space<vmem_shared>>) offsets(%dma_start3A_93 : memref<128xi32, #tpu.memory_space<vmem>>) semaphore(%run_scoped3A : memref<!tpu.dma_semaphore, #tpu.memory_space<semaphore_mem>>) {add = true}
        %dma_wait3A_97 = arith.constant 0 : i32
        %dma_wait3A_98 = tpu.memref_slice %arg7[%add3A_71, %dma_wait3A_97] : memref<81x128xi32, #tpu.memory_space<vmem>> -> memref<1x128xi32, #tpu.memory_space<vmem>>
        %dma_wait3A_99 = tpu.memref_squeeze %dma_wait3A_98 : memref<1x128xi32, #tpu.memory_space<vmem>> -> memref<128xi32, #tpu.memory_space<vmem>>
        %dma_wait3A_100 = arith.constant 0 : i32
        %dma_wait3A_101 = arith.constant 0 : i32
        %dma_wait3A_102 = tpu.memref_slice %arg12[%dma_wait3A_100, %dma_wait3A_101] : memref<10240x64xf32, #tpu.memory_space<vmem_shared>> -> memref<10240x64xf32, #tpu.memory_space<vmem_shared>>
        tpu.wait_indirect_dma semaphore(%run_scoped3A : memref<!tpu.dma_semaphore, #tpu.memory_space<semaphore_mem>>) src(%arg10 : memref<128x64xf32, #tpu.memory_space<vmem>>) dst(%dma_wait3A_102 : memref<10240x64xf32, #tpu.memory_space<vmem_shared>>)
        tpu.yield
      }) : () -> ()
      %add3A_72 = arith.constant 2 : i32
      %add3A_73 = arith.addi %mul3A_38, %add3A_72 : i32
      %add3A_74 = arith.constant 2 : i32
      %add3A_75 = arith.addi %add3A_73, %add3A_74 : i32
      %lt3A_76 = arith.constant 81 : i32
      %lt3A_77 = arith.cmpi slt, %add3A_75, %lt3A_76 : i32
      %convert_element_type3A_78 = arith.extui %lt3A_77 : i1 to i32
      %cond3A_79 = arith.constant 0 : i32
      %cond3A_80 = arith.cmpi ne, %convert_element_type3A_78, %cond3A_79 : i32
      scf.if %cond3A_80 {
        %add3A_91 = arith.constant 2 : i32
        %add3A_92 = arith.addi %mul3A_38, %add3A_91 : i32
        %add3A_93 = arith.constant 2 : i32
        %add3A_94 = arith.addi %add3A_92, %add3A_93 : i32
        %dma_start3A_95 = arith.constant 0 : i32
        %dma_start3A_96 = tpu.memref_slice %arg6[%add3A_94, %dma_start3A_95] : memref<81x128xi32, #tpu.memory_space<vmem>> -> memref<1x128xi32, #tpu.memory_space<vmem>>
        %dma_start3A_97 = tpu.memref_squeeze %dma_start3A_96 : memref<1x128xi32, #tpu.memory_space<vmem>> -> memref<128xi32, #tpu.memory_space<vmem>>
        %dma_start3A_98 = arith.constant 0 : i32
        %dma_start3A_99 = arith.constant 0 : i32
        %dma_start3A_100 = tpu.memref_slice %arg4[%dma_start3A_98, %dma_start3A_99] : memref<10000x64xf32, #tpu.memory_space<hbm>> -> memref<10000x64xf32, #tpu.memory_space<hbm>>
        tpu.enqueue_indirect_dma source(%dma_start3A_100 : memref<10000x64xf32, #tpu.memory_space<hbm>>) target(%arg10 : memref<128x64xf32, #tpu.memory_space<vmem>>) offsets(%dma_start3A_97 : memref<128xi32, #tpu.memory_space<vmem>>) semaphore(%arg14 : memref<!tpu.dma_semaphore, #tpu.memory_space<semaphore_mem>>)
      } else {
      }
      %add3A_81 = arith.constant 2 : i32
      %add3A_82 = arith.addi %mul3A_38, %add3A_81 : i32
      %dma_wait3A_83 = arith.constant 0 : i32
      %dma_wait3A_84 = tpu.memref_slice %arg6[%add3A_82, %dma_wait3A_83] : memref<81x128xi32, #tpu.memory_space<vmem>> -> memref<1x128xi32, #tpu.memory_space<vmem>>
      %dma_wait3A_85 = tpu.memref_squeeze %dma_wait3A_84 : memref<1x128xi32, #tpu.memory_space<vmem>> -> memref<128xi32, #tpu.memory_space<vmem>>
      %dma_wait3A_86 = arith.constant 0 : i32
      %dma_wait3A_87 = arith.constant 0 : i32
      %dma_wait3A_88 = tpu.memref_slice %arg4[%dma_wait3A_86, %dma_wait3A_87] : memref<10000x64xf32, #tpu.memory_space<hbm>> -> memref<10000x64xf32, #tpu.memory_space<hbm>>
      tpu.wait_indirect_dma semaphore(%arg15 : memref<!tpu.dma_semaphore, #tpu.memory_space<semaphore_mem>>) src(%dma_wait3A_88 : memref<10000x64xf32, #tpu.memory_space<hbm>>) dst(%arg11 : memref<128x64xf32, #tpu.memory_space<vmem>>)
      %add3A_89 = arith.constant 2 : i32
      %add3A_90 = arith.addi %mul3A_38, %add3A_89 : i32
      "tpu.region"() ({
        %run_scoped3A = tpu.sem_alloc : memref<!tpu.dma_semaphore, #tpu.memory_space<semaphore_mem>>
        %dma_start3A_91 = arith.constant 0 : i32
        %dma_start3A_92 = tpu.memref_slice %arg7[%add3A_90, %dma_start3A_91] : memref<81x128xi32, #tpu.memory_space<vmem>> -> memref<1x128xi32, #tpu.memory_space<vmem>>
        %dma_start3A_93 = tpu.memref_squeeze %dma_start3A_92 : memref<1x128xi32, #tpu.memory_space<vmem>> -> memref<128xi32, #tpu.memory_space<vmem>>
        %dma_start3A_94 = arith.constant 0 : i32
        %dma_start3A_95 = arith.constant 0 : i32
        %dma_start3A_96 = tpu.memref_slice %arg12[%dma_start3A_94, %dma_start3A_95] : memref<10240x64xf32, #tpu.memory_space<vmem_shared>> -> memref<10240x64xf32, #tpu.memory_space<vmem_shared>>
        tpu.enqueue_indirect_dma source(%arg11 : memref<128x64xf32, #tpu.memory_space<vmem>>) target(%dma_start3A_96 : memref<10240x64xf32, #tpu.memory_space<vmem_shared>>) offsets(%dma_start3A_93 : memref<128xi32, #tpu.memory_space<vmem>>) semaphore(%run_scoped3A : memref<!tpu.dma_semaphore, #tpu.memory_space<semaphore_mem>>) {add = true}
        %dma_wait3A_97 = arith.constant 0 : i32
        %dma_wait3A_98 = tpu.memref_slice %arg7[%add3A_90, %dma_wait3A_97] : memref<81x128xi32, #tpu.memory_space<vmem>> -> memref<1x128xi32, #tpu.memory_space<vmem>>
        %dma_wait3A_99 = tpu.memref_squeeze %dma_wait3A_98 : memref<1x128xi32, #tpu.memory_space<vmem>> -> memref<128xi32, #tpu.memory_space<vmem>>
        %dma_wait3A_100 = arith.constant 0 : i32
        %dma_wait3A_101 = arith.constant 0 : i32
        %dma_wait3A_102 = tpu.memref_slice %arg12[%dma_wait3A_100, %dma_wait3A_101] : memref<10240x64xf32, #tpu.memory_space<vmem_shared>> -> memref<10240x64xf32, #tpu.memory_space<vmem_shared>>
        tpu.wait_indirect_dma semaphore(%run_scoped3A : memref<!tpu.dma_semaphore, #tpu.memory_space<semaphore_mem>>) src(%arg11 : memref<128x64xf32, #tpu.memory_space<vmem>>) dst(%dma_wait3A_102 : memref<10240x64xf32, #tpu.memory_space<vmem_shared>>)
        tpu.yield
      }) : () -> ()
    }
    %scan3A_30 = arith.constant 27 : i32
    %barrier3A_31 = arith.constant 0 : index
    tpu.barrier barrier_id(%barrier3A_31)
    %mul3A_32 = arith.constant 640 : i32
    %mul3A_33 = arith.muli %arg1, %mul3A_32 : i32
    %mul3A_34 = arith.constant 640 : i32
    %mul3A_35 = arith.muli %arg1, %mul3A_34 : i32
    "tpu.region"() ({
      %run_scoped3A = tpu.sem_alloc : memref<!tpu.dma_semaphore, #tpu.memory_space<semaphore_mem>>
      %dma_start3A_36 = arith.constant 0 : i32
      %dma_start3A_37 = tpu.memref_slice %arg5[%arg0, %mul3A_35, %dma_start3A_36] : memref<2x10240x64xf32, #tpu.memory_space<hbm>> -> memref<1x640x64xf32, #tpu.memory_space<hbm>>
      %dma_start3A_38 = tpu.memref_squeeze %dma_start3A_37 : memref<1x640x64xf32, #tpu.memory_space<hbm>> -> memref<640x64xf32, #tpu.memory_space<hbm>>
      %dma_start3A_39 = arith.constant 0 : i32
      %dma_start3A_40 = tpu.memref_slice %arg12[%mul3A_33, %dma_start3A_39] : memref<10240x64xf32, #tpu.memory_space<vmem_shared>> -> memref<640x64xf32, #tpu.memory_space<vmem_shared>>
      tpu.enqueue_dma source(%dma_start3A_40 : memref<640x64xf32, #tpu.memory_space<vmem_shared>>) target(%dma_start3A_38 : memref<640x64xf32, #tpu.memory_space<hbm>>) target_semaphore(%run_scoped3A : memref<!tpu.dma_semaphore, #tpu.memory_space<semaphore_mem>>)
      %dma_wait3A = arith.constant 0 : i32
      %dma_wait3A_41 = tpu.memref_slice %arg5[%arg0, %mul3A_35, %dma_wait3A] : memref<2x10240x64xf32, #tpu.memory_space<hbm>> -> memref<1x640x64xf32, #tpu.memory_space<hbm>>
      %dma_wait3A_42 = tpu.memref_squeeze %dma_wait3A_41 : memref<1x640x64xf32, #tpu.memory_space<hbm>> -> memref<640x64xf32, #tpu.memory_space<hbm>>
      %dma_wait3A_43 = arith.constant 0 : i32
      %dma_wait3A_44 = tpu.memref_slice %arg12[%mul3A_33, %dma_wait3A_43] : memref<10240x64xf32, #tpu.memory_space<vmem_shared>> -> memref<640x64xf32, #tpu.memory_space<vmem_shared>>
      tpu.wait_dma2 semaphore(%run_scoped3A : memref<!tpu.dma_semaphore, #tpu.memory_space<semaphore_mem>>) src(%dma_wait3A_44 : memref<640x64xf32, #tpu.memory_space<vmem_shared>>) dst(%dma_wait3A_42 : memref<640x64xf32, #tpu.memory_space<hbm>>)
      tpu.yield
    }) : () -> ()
    return
  }
}

module attributes {stable_mosaic.version = 14 : i64} {
  func.func @body(%arg0: i32, %arg1: memref<2000x32xf32, #tpu.memory_space<vmem>>, %arg2: memref<32x128xf32, #tpu.memory_space<vmem>>, %arg3: memref<1x128xf32, #tpu.memory_space<vmem>>, %arg4: memref<2000x128xf32, #tpu.memory_space<vmem>>, %arg5: memref<1x1x128xf32, #tpu.memory_space<vmem>>, %arg6: memref<1x1x128xf32, #tpu.memory_space<vmem>>) attributes {dimension_semantics = [#tpu.dimension_semantics<arbitrary>], iteration_bounds = array<i64: 5>, scalar_prefetch = 0 : i64, scratch_operands = 0 : i64, tpu.core_type = #tpu.core_type<tc>, window_params = [{transform_indices = @transform_0, window_bounds = array<i64: 2000, 32>}, {pipeline_mode = #tpu.pipeline_mode<synchronous>, transform_indices = @transform_1, window_bounds = array<i64: 32, 128>}, {pipeline_mode = #tpu.pipeline_mode<synchronous>, transform_indices = @transform_2, window_bounds = array<i64: 1, 128>}, {transform_indices = @transform_3, window_bounds = array<i64: 2000, 128>}, {transform_indices = @transform_4, window_bounds = array<i64: 1, 1, 128>}, {transform_indices = @transform_5, window_bounds = array<i64: 1, 1, 128>}]} {
    %get3A = arith.constant 0 : index
    %get3A_0 = arith.constant 0 : index
    %get3A_1 = vector.load %arg1[%get3A, %get3A_0] : memref<2000x32xf32, #tpu.memory_space<vmem>>, vector<2000x32xf32>
    %get3A_2 = arith.constant 0 : index
    %get3A_3 = arith.constant 0 : index
    %get3A_4 = vector.load %arg2[%get3A_2, %get3A_3] : memref<32x128xf32, #tpu.memory_space<vmem>>, vector<32x128xf32>
    %dot_general3A = arith.constant dense<0.000000e+00> : vector<2000x128xf32>
    %dot_general3A_5 = tpu.matmul %get3A_1, %get3A_4, %dot_general3A {dimension_numbers = #tpu.dot_dimension_numbers<[1], [0], [0], [1], [0, 0, 1, 1], [], []>, transpose_lhs_hint = false} : vector<2000x32xf32>, vector<32x128xf32>, vector<2000x128xf32> -> vector<2000x128xf32>
    %get3A_6 = arith.constant 0 : index
    %get3A_7 = arith.constant 0 : index
    %get3A_8 = vector.load %arg3[%get3A_6, %get3A_7] : memref<1x128xf32, #tpu.memory_space<vmem>>, vector<1x128xf32>
    %add3A = vector.broadcast %get3A_8 : vector<1x128xf32> to vector<2000x128xf32>
    %add3A_9 = arith.addf %dot_general3A_5, %add3A : vector<2000x128xf32>
    %swap3A = arith.constant 0 : index
    %swap3A_10 = arith.constant 0 : index
    %swap3A_11 = vector.load %arg4[%swap3A, %swap3A_10] : memref<2000x128xf32, #tpu.memory_space<vmem>>, vector<2000x128xf32>
    tpu.vector_store %arg4[%swap3A, %swap3A_10], %add3A_9 {strides = array<i32>} : memref<2000x128xf32, #tpu.memory_space<vmem>>, vector<2000x128xf32>,
    %reduce_sum3A = arith.constant dense<0.000000e+00> : vector<128xf32>
    %reduce_sum3A_12 = vector.multi_reduction <add>, %add3A_9, %reduce_sum3A [0] : vector<2000x128xf32> to vector<128xf32>
    %broadcast_in_dim3A = vector.shape_cast %reduce_sum3A_12 : vector<128xf32> to vector<1x128xf32>
    %div3A = arith.constant 2.000000e+03 : f32
    %div3A_13 = vector.broadcast %div3A : f32 to vector<1x128xf32>
    %div3A_14 = arith.divf %broadcast_in_dim3A, %div3A_13 : vector<1x128xf32>
    %sub3A = vector.broadcast %div3A_14 : vector<1x128xf32> to vector<2000x128xf32>
    %sub3A_15 = arith.subf %add3A_9, %sub3A : vector<2000x128xf32>
    %reshape3A = vector.shape_cast %div3A_14 : vector<1x128xf32> to vector<1x1x128xf32>
    %swap3A_16 = arith.constant 0 : index
    %swap3A_17 = arith.constant 0 : index
    %swap3A_18 = arith.constant 0 : index
    %swap3A_19 = vector.load %arg5[%swap3A_16, %swap3A_17, %swap3A_18] : memref<1x1x128xf32, #tpu.memory_space<vmem>>, vector<1x1x128xf32>
    tpu.vector_store %arg5[%swap3A_16, %swap3A_17, %swap3A_18], %reshape3A {strides = array<i32>} : memref<1x1x128xf32, #tpu.memory_space<vmem>>, vector<1x1x128xf32>,
    %mul3A = arith.mulf %sub3A_15, %sub3A_15 : vector<2000x128xf32>
    %reduce_sum3A_20 = arith.constant dense<0.000000e+00> : vector<128xf32>
    %reduce_sum3A_21 = vector.multi_reduction <add>, %mul3A, %reduce_sum3A_20 [0] : vector<2000x128xf32> to vector<128xf32>
    %broadcast_in_dim3A_22 = vector.shape_cast %reduce_sum3A_21 : vector<128xf32> to vector<1x128xf32>
    %reshape3A_23 = vector.shape_cast %broadcast_in_dim3A_22 : vector<1x128xf32> to vector<1x1x128xf32>
    %swap3A_24 = arith.constant 0 : index
    %swap3A_25 = arith.constant 0 : index
    %swap3A_26 = arith.constant 0 : index
    %swap3A_27 = vector.load %arg6[%swap3A_24, %swap3A_25, %swap3A_26] : memref<1x1x128xf32, #tpu.memory_space<vmem>>, vector<1x1x128xf32>
    tpu.vector_store %arg6[%swap3A_24, %swap3A_25, %swap3A_26], %reshape3A_23 {strides = array<i32>} : memref<1x1x128xf32, #tpu.memory_space<vmem>>, vector<1x1x128xf32>,
    return
  }
  func.func @transform_0(%arg0: i32) -> (i32, i32) {
    %c0_i32 = arith.constant 0 : i32
    %c0_i32_0 = arith.constant 0 : i32
    return %arg0, %c0_i32 : i32, i32
  }
  func.func @transform_1(%arg0: i32) -> (i32, i32) {
    %c0_i32 = arith.constant 0 : i32
    %c0_i32_0 = arith.constant 0 : i32
    %c0_i32_1 = arith.constant 0 : i32
    return %c0_i32, %c0_i32_0 : i32, i32
  }
  func.func @transform_2(%arg0: i32) -> (i32, i32) {
    %c0_i32 = arith.constant 0 : i32
    %c0_i32_0 = arith.constant 0 : i32
    %c0_i32_1 = arith.constant 0 : i32
    return %c0_i32, %c0_i32_0 : i32, i32
  }
  func.func @transform_3(%arg0: i32) -> (i32, i32) {
    %c0_i32 = arith.constant 0 : i32
    %c0_i32_0 = arith.constant 0 : i32
    return %arg0, %c0_i32 : i32, i32
  }
  func.func @transform_4(%arg0: i32) -> (i32, i32, i32) {
    %c0_i32 = arith.constant 0 : i32
    %c0_i32_0 = arith.constant 0 : i32
    %c0_i32_1 = arith.constant 0 : i32
    return %arg0, %c0_i32, %c0_i32_0 : i32, i32, i32
  }
  func.func @transform_5(%arg0: i32) -> (i32, i32, i32) {
    %c0_i32 = arith.constant 0 : i32
    %c0_i32_0 = arith.constant 0 : i32
    %c0_i32_1 = arith.constant 0 : i32
    return %arg0, %c0_i32, %c0_i32_0 : i32, i32, i32
  }
}

module attributes {stable_mosaic.version = 14 : i64} {
  func.func @body(%arg0: i32, %arg1: memref<2000x128xf32, #tpu.memory_space<vmem>>, %arg2: memref<5x1x128xf32, #tpu.memory_space<vmem>>, %arg3: memref<5x1x128xf32, #tpu.memory_space<vmem>>, %arg4: memref<1x128xf32, #tpu.memory_space<vmem>>, %arg5: memref<1x128xf32, #tpu.memory_space<vmem>>, %arg6: memref<2000x1xf32, #tpu.memory_space<vmem>>, %arg7: memref<2000x1xf32, #tpu.memory_space<vmem>>, %arg8: memref<128x64xf32, #tpu.memory_space<vmem>>, %arg9: memref<128x32xf32, #tpu.memory_space<vmem>>, %arg10: memref<1x32xf32, #tpu.memory_space<vmem>>, %arg11: memref<2000x128xf32, #tpu.memory_space<vmem>>, %arg12: memref<2000x1xf32, #tpu.memory_space<vmem>>, %arg13: memref<2000x64xf32, #tpu.memory_space<vmem>>, %arg14: memref<2000x32xf32, #tpu.memory_space<vmem>>) attributes {dimension_semantics = [#tpu.dimension_semantics<arbitrary>], iteration_bounds = array<i64: 5>, scalar_prefetch = 0 : i64, scratch_operands = 0 : i64, tpu.core_type = #tpu.core_type<tc>, window_params = [{transform_indices = @transform_0, window_bounds = array<i64: 2000, 128>}, {pipeline_mode = #tpu.pipeline_mode<synchronous>, transform_indices = @transform_1, window_bounds = array<i64: 5, 1, 128>}, {pipeline_mode = #tpu.pipeline_mode<synchronous>, transform_indices = @transform_2, window_bounds = array<i64: 5, 1, 128>}, {pipeline_mode = #tpu.pipeline_mode<synchronous>, transform_indices = @transform_3, window_bounds = array<i64: 1, 128>}, {pipeline_mode = #tpu.pipeline_mode<synchronous>, transform_indices = @transform_4, window_bounds = array<i64: 1, 128>}, {transform_indices = @transform_5, window_bounds = array<i64: 2000, 1>}, {transform_indices = @transform_6, window_bounds = array<i64: 2000, 1>}, {pipeline_mode = #tpu.pipeline_mode<synchronous>, transform_indices = @transform_7, window_bounds = array<i64: 128, 64>}, {pipeline_mode = #tpu.pipeline_mode<synchronous>, transform_indices = @transform_8, window_bounds = array<i64: 128, 32>}, {pipeline_mode = #tpu.pipeline_mode<synchronous>, transform_indices = @transform_9, window_bounds = array<i64: 1, 32>}, {transform_indices = @transform_10, window_bounds = array<i64: 2000, 128>}, {transform_indices = @transform_11, window_bounds = array<i64: 2000, 1>}, {transform_indices = @transform_12, window_bounds = array<i64: 2000, 64>}, {transform_indices = @transform_13, window_bounds = array<i64: 2000, 32>}]} {
    %get3A = arith.constant 0 : index
    %get3A_0 = arith.constant 0 : index
    %get3A_1 = arith.constant 0 : index
    %get3A_2 = vector.load %arg2[%get3A, %get3A_0, %get3A_1] : memref<5x1x128xf32, #tpu.memory_space<vmem>>, vector<5x1x128xf32>
    %reduce_sum3A = arith.constant dense<0.000000e+00> : vector<1x128xf32>
    %reduce_sum3A_3 = vector.multi_reduction <add>, %get3A_2, %reduce_sum3A [0] : vector<5x1x128xf32> to vector<1x128xf32>
    %div3A = arith.constant 5.000000e+00 : f32
    %div3A_4 = vector.broadcast %div3A : f32 to vector<1x128xf32>
    %div3A_5 = arith.divf %reduce_sum3A_3, %div3A_4 : vector<1x128xf32>
    %get3A_6 = arith.constant 0 : index
    %get3A_7 = arith.constant 0 : index
    %get3A_8 = arith.constant 0 : index
    %get3A_9 = vector.load %arg2[%get3A_6, %get3A_7, %get3A_8] : memref<5x1x128xf32, #tpu.memory_space<vmem>>, vector<5x1x128xf32>
    %broadcast_in_dim3A = vector.shape_cast %div3A_5 : vector<1x128xf32> to vector<1x1x128xf32>
    %sub3A = vector.broadcast %broadcast_in_dim3A : vector<1x1x128xf32> to vector<5x1x128xf32>
    %sub3A_10 = arith.subf %get3A_9, %sub3A : vector<5x1x128xf32>
    %get3A_11 = arith.constant 0 : index
    %get3A_12 = arith.constant 0 : index
    %get3A_13 = arith.constant 0 : index
    %get3A_14 = vector.load %arg3[%get3A_11, %get3A_12, %get3A_13] : memref<5x1x128xf32, #tpu.memory_space<vmem>>, vector<5x1x128xf32>
    %reduce_sum3A_15 = arith.constant dense<0.000000e+00> : vector<1x128xf32>
    %reduce_sum3A_16 = vector.multi_reduction <add>, %get3A_14, %reduce_sum3A_15 [0] : vector<5x1x128xf32> to vector<1x128xf32>
    %mul3A = arith.mulf %sub3A_10, %sub3A_10 : vector<5x1x128xf32>
    %reduce_sum3A_17 = arith.constant dense<0.000000e+00> : vector<1x128xf32>
    %reduce_sum3A_18 = vector.multi_reduction <add>, %mul3A, %reduce_sum3A_17 [0] : vector<5x1x128xf32> to vector<1x128xf32>
    %mul3A_19 = arith.constant 2.000000e+03 : f32
    %mul3A_20 = vector.broadcast %mul3A_19 : f32 to vector<1x128xf32>
    %mul3A_21 = arith.mulf %mul3A_20, %reduce_sum3A_18 : vector<1x128xf32>
    %add3A = arith.addf %reduce_sum3A_16, %mul3A_21 : vector<1x128xf32>
    %div3A_22 = arith.constant 1.000000e+04 : f32
    %div3A_23 = vector.broadcast %div3A_22 : f32 to vector<1x128xf32>
    %div3A_24 = arith.divf %add3A, %div3A_23 : vector<1x128xf32>
    %add3A_25 = arith.constant 9.99999974E-6 : f32
    %add3A_26 = vector.broadcast %add3A_25 : f32 to vector<1x128xf32>
    %add3A_27 = arith.addf %div3A_24, %add3A_26 : vector<1x128xf32>
    %rsqrt3A = math.rsqrt %add3A_27 : vector<1x128xf32>
    %get3A_28 = arith.constant 0 : index
    %get3A_29 = arith.constant 0 : index
    %get3A_30 = vector.load %arg1[%get3A_28, %get3A_29] : memref<2000x128xf32, #tpu.memory_space<vmem>>, vector<2000x128xf32>
    %sub3A_31 = vector.broadcast %div3A_5 : vector<1x128xf32> to vector<2000x128xf32>
    %sub3A_32 = arith.subf %get3A_30, %sub3A_31 : vector<2000x128xf32>
    %mul3A_33 = vector.broadcast %rsqrt3A : vector<1x128xf32> to vector<2000x128xf32>
    %mul3A_34 = arith.mulf %sub3A_32, %mul3A_33 : vector<2000x128xf32>
    %get3A_35 = arith.constant 0 : index
    %get3A_36 = arith.constant 0 : index
    %get3A_37 = vector.load %arg4[%get3A_35, %get3A_36] : memref<1x128xf32, #tpu.memory_space<vmem>>, vector<1x128xf32>
    %mul3A_38 = vector.broadcast %get3A_37 : vector<1x128xf32> to vector<2000x128xf32>
    %mul3A_39 = arith.mulf %mul3A_34, %mul3A_38 : vector<2000x128xf32>
    %get3A_40 = arith.constant 0 : index
    %get3A_41 = arith.constant 0 : index
    %get3A_42 = vector.load %arg5[%get3A_40, %get3A_41] : memref<1x128xf32, #tpu.memory_space<vmem>>, vector<1x128xf32>
    %add3A_43 = vector.broadcast %get3A_42 : vector<1x128xf32> to vector<2000x128xf32>
    %add3A_44 = arith.addf %mul3A_39, %add3A_43 : vector<2000x128xf32>
    %max3A = arith.constant 0.000000e+00 : f32
    %max3A_45 = vector.broadcast %max3A : f32 to vector<2000x128xf32>
    %max3A_46 = arith.maximumf %add3A_44, %max3A_45 : vector<2000x128xf32>
    %swap3A = arith.constant 0 : index
    %swap3A_47 = arith.constant 0 : index
    %swap3A_48 = vector.load %arg11[%swap3A, %swap3A_47] : memref<2000x128xf32, #tpu.memory_space<vmem>>, vector<2000x128xf32>
    tpu.vector_store %arg11[%swap3A, %swap3A_47], %max3A_46 {strides = array<i32>} : memref<2000x128xf32, #tpu.memory_space<vmem>>, vector<2000x128xf32>,
    %get3A_49 = arith.constant 0 : index
    %get3A_50 = arith.constant 0 : index
    %get3A_51 = vector.load %arg6[%get3A_49, %get3A_50] : memref<2000x1xf32, #tpu.memory_space<vmem>>, vector<2000x1xf32>
    %add3A_52 = arith.constant 1.000000e+00 : f32
    %add3A_53 = vector.broadcast %add3A_52 : f32 to vector<2000x1xf32>
    %add3A_54 = arith.addf %add3A_53, %get3A_51 : vector<2000x1xf32>
    %get3A_55 = arith.constant 0 : index
    %get3A_56 = arith.constant 0 : index
    %get3A_57 = vector.load %arg7[%get3A_55, %get3A_56] : memref<2000x1xf32, #tpu.memory_space<vmem>>, vector<2000x1xf32>
    %add3A_58 = arith.addf %add3A_54, %get3A_57 : vector<2000x1xf32>
    %rsqrt3A_59 = math.rsqrt %add3A_58 : vector<2000x1xf32>
    %swap3A_60 = arith.constant 0 : index
    %swap3A_61 = arith.constant 0 : index
    %swap3A_62 = vector.load %arg12[%swap3A_60, %swap3A_61] : memref<2000x1xf32, #tpu.memory_space<vmem>>, vector<2000x1xf32>
    tpu.vector_store %arg12[%swap3A_60, %swap3A_61], %rsqrt3A_59 {strides = array<i32>} : memref<2000x1xf32, #tpu.memory_space<vmem>>, vector<2000x1xf32>,
    %get3A_63 = arith.constant 0 : index
    %get3A_64 = arith.constant 0 : index
    %get3A_65 = vector.load %arg8[%get3A_63, %get3A_64] : memref<128x64xf32, #tpu.memory_space<vmem>>, vector<128x64xf32>
    %dot_general3A = arith.constant dense<0.000000e+00> : vector<2000x64xf32>
    %dot_general3A_66 = tpu.matmul %max3A_46, %get3A_65, %dot_general3A {dimension_numbers = #tpu.dot_dimension_numbers<[1], [0], [0], [1], [0, 0, 1, 1], [], []>, transpose_lhs_hint = false} : vector<2000x128xf32>, vector<128x64xf32>, vector<2000x64xf32> -> vector<2000x64xf32>
    %mul3A_67 = vector.broadcast %rsqrt3A_59 : vector<2000x1xf32> to vector<2000x64xf32>
    %mul3A_68 = arith.mulf %mul3A_67, %dot_general3A_66 : vector<2000x64xf32>
    %swap3A_69 = arith.constant 0 : index
    %swap3A_70 = arith.constant 0 : index
    %swap3A_71 = vector.load %arg13[%swap3A_69, %swap3A_70] : memref<2000x64xf32, #tpu.memory_space<vmem>>, vector<2000x64xf32>
    tpu.vector_store %arg13[%swap3A_69, %swap3A_70], %mul3A_68 {strides = array<i32>} : memref<2000x64xf32, #tpu.memory_space<vmem>>, vector<2000x64xf32>,
    %get3A_72 = arith.constant 0 : index
    %get3A_73 = arith.constant 0 : index
    %get3A_74 = vector.load %arg9[%get3A_72, %get3A_73] : memref<128x32xf32, #tpu.memory_space<vmem>>, vector<128x32xf32>
    %dot_general3A_75 = arith.constant dense<0.000000e+00> : vector<2000x32xf32>
    %dot_general3A_76 = tpu.matmul %max3A_46, %get3A_74, %dot_general3A_75 {dimension_numbers = #tpu.dot_dimension_numbers<[1], [0], [0], [1], [0, 0, 1, 1], [], []>, transpose_lhs_hint = false} : vector<2000x128xf32>, vector<128x32xf32>, vector<2000x32xf32> -> vector<2000x32xf32>
    %get3A_77 = arith.constant 0 : index
    %get3A_78 = arith.constant 0 : index
    %get3A_79 = vector.load %arg10[%get3A_77, %get3A_78] : memref<1x32xf32, #tpu.memory_space<vmem>>, vector<1x32xf32>
    %add3A_80 = vector.broadcast %get3A_79 : vector<1x32xf32> to vector<2000x32xf32>
    %add3A_81 = arith.addf %dot_general3A_76, %add3A_80 : vector<2000x32xf32>
    %swap3A_82 = arith.constant 0 : index
    %swap3A_83 = arith.constant 0 : index
    %swap3A_84 = vector.load %arg14[%swap3A_82, %swap3A_83] : memref<2000x32xf32, #tpu.memory_space<vmem>>, vector<2000x32xf32>
    tpu.vector_store %arg14[%swap3A_82, %swap3A_83], %add3A_81 {strides = array<i32>} : memref<2000x32xf32, #tpu.memory_space<vmem>>, vector<2000x32xf32>,
    return
  }
  func.func @transform_0(%arg0: i32) -> (i32, i32) {
    %c0_i32 = arith.constant 0 : i32
    %c0_i32_0 = arith.constant 0 : i32
    return %arg0, %c0_i32 : i32, i32
  }
  func.func @transform_1(%arg0: i32) -> (i32, i32, i32) {
    %c0_i32 = arith.constant 0 : i32
    %c0_i32_0 = arith.constant 0 : i32
    %c0_i32_1 = arith.constant 0 : i32
    %c0_i32_2 = arith.constant 0 : i32
    return %c0_i32, %c0_i32_0, %c0_i32_1 : i32, i32, i32
  }
  func.func @transform_2(%arg0: i32) -> (i32, i32, i32) {
    %c0_i32 = arith.constant 0 : i32
    %c0_i32_0 = arith.constant 0 : i32
    %c0_i32_1 = arith.constant 0 : i32
    %c0_i32_2 = arith.constant 0 : i32
    return %c0_i32, %c0_i32_0, %c0_i32_1 : i32, i32, i32
  }
  func.func @transform_3(%arg0: i32) -> (i32, i32) {
    %c0_i32 = arith.constant 0 : i32
    %c0_i32_0 = arith.constant 0 : i32
    %c0_i32_1 = arith.constant 0 : i32
    return %c0_i32, %c0_i32_0 : i32, i32
  }
  func.func @transform_4(%arg0: i32) -> (i32, i32) {
    %c0_i32 = arith.constant 0 : i32
    %c0_i32_0 = arith.constant 0 : i32
    %c0_i32_1 = arith.constant 0 : i32
    return %c0_i32, %c0_i32_0 : i32, i32
  }
  func.func @transform_5(%arg0: i32) -> (i32, i32) {
    %c0_i32 = arith.constant 0 : i32
    %c0_i32_0 = arith.constant 0 : i32
    return %arg0, %c0_i32 : i32, i32
  }
  func.func @transform_6(%arg0: i32) -> (i32, i32) {
    %c0_i32 = arith.constant 0 : i32
    %c0_i32_0 = arith.constant 0 : i32
    return %arg0, %c0_i32 : i32, i32
  }
  func.func @transform_7(%arg0: i32) -> (i32, i32) {
    %c0_i32 = arith.constant 0 : i32
    %c0_i32_0 = arith.constant 0 : i32
    %c0_i32_1 = arith.constant 0 : i32
    return %c0_i32, %c0_i32_0 : i32, i32
  }
  func.func @transform_8(%arg0: i32) -> (i32, i32) {
    %c0_i32 = arith.constant 0 : i32
    %c0_i32_0 = arith.constant 0 : i32
    %c0_i32_1 = arith.constant 0 : i32
    return %c0_i32, %c0_i32_0 : i32, i32
  }
  func.func @transform_9(%arg0: i32) -> (i32, i32) {
    %c0_i32 = arith.constant 0 : i32
    %c0_i32_0 = arith.constant 0 : i32
    %c0_i32_1 = arith.constant 0 : i32
    return %c0_i32, %c0_i32_0 : i32, i32
  }
  func.func @transform_10(%arg0: i32) -> (i32, i32) {
    %c0_i32 = arith.constant 0 : i32
    %c0_i32_0 = arith.constant 0 : i32
    return %arg0, %c0_i32 : i32, i32
  }
  func.func @transform_11(%arg0: i32) -> (i32, i32) {
    %c0_i32 = arith.constant 0 : i32
    %c0_i32_0 = arith.constant 0 : i32
    return %arg0, %c0_i32 : i32, i32
  }
  func.func @transform_12(%arg0: i32) -> (i32, i32) {
    %c0_i32 = arith.constant 0 : i32
    %c0_i32_0 = arith.constant 0 : i32
    return %arg0, %c0_i32 : i32, i32
  }
  func.func @transform_13(%arg0: i32) -> (i32, i32) {
    %c0_i32 = arith.constant 0 : i32
    %c0_i32_0 = arith.constant 0 : i32
    return %arg0, %c0_i32 : i32, i32
  }
}

module attributes {stable_mosaic.version = 14 : i64} {
  func.func @body(%arg0: i32, %arg1: memref<2000x1xf32, #tpu.memory_space<vmem>>, %arg2: memref<2000x32xf32, #tpu.memory_space<vmem>>, %arg3: memref<2000x64xf32, #tpu.memory_space<vmem>>, %arg4: memref<2000x64xf32, #tpu.memory_space<vmem>>, %arg5: memref<1x128xf32, #tpu.memory_space<vmem>>, %arg6: memref<4x32x128xf32, #tpu.memory_space<vmem>>, %arg7: memref<4x64x128xf32, #tpu.memory_space<vmem>>, %arg8: memref<2000x128xf32, #tpu.memory_space<vmem>>, %arg9: memref<1x1x128xf32, #tpu.memory_space<vmem>>, %arg10: memref<1x1x128xf32, #tpu.memory_space<vmem>>) attributes {dimension_semantics = [#tpu.dimension_semantics<arbitrary>], iteration_bounds = array<i64: 5>, scalar_prefetch = 0 : i64, scratch_operands = 0 : i64, tpu.core_type = #tpu.core_type<tc>, window_params = [{transform_indices = @transform_0, window_bounds = array<i64: 2000, 1>}, {transform_indices = @transform_1, window_bounds = array<i64: 2000, 32>}, {transform_indices = @transform_2, window_bounds = array<i64: 2000, 64>}, {transform_indices = @transform_3, window_bounds = array<i64: 2000, 64>}, {pipeline_mode = #tpu.pipeline_mode<synchronous>, transform_indices = @transform_4, window_bounds = array<i64: 1, 128>}, {pipeline_mode = #tpu.pipeline_mode<synchronous>, transform_indices = @transform_5, window_bounds = array<i64: 4, 32, 128>}, {pipeline_mode = #tpu.pipeline_mode<synchronous>, transform_indices = @transform_6, window_bounds = array<i64: 4, 64, 128>}, {transform_indices = @transform_7, window_bounds = array<i64: 2000, 128>}, {transform_indices = @transform_8, window_bounds = array<i64: 1, 1, 128>}, {transform_indices = @transform_9, window_bounds = array<i64: 1, 1, 128>}]} {
    %get3A = arith.constant 0 : index
    %get3A_0 = arith.constant 0 : index
    %get3A_1 = vector.load %arg1[%get3A, %get3A_0] : memref<2000x1xf32, #tpu.memory_space<vmem>>, vector<2000x1xf32>
    %get3A_2 = arith.constant 0 : index
    %get3A_3 = arith.constant 0 : index
    %get3A_4 = vector.load %arg3[%get3A_2, %get3A_3] : memref<2000x64xf32, #tpu.memory_space<vmem>>, vector<2000x64xf32>
    %get3A_5 = arith.constant 0 : index
    %get3A_6 = arith.constant 0 : index
    %get3A_7 = vector.load %arg4[%get3A_5, %get3A_6] : memref<2000x64xf32, #tpu.memory_space<vmem>>, vector<2000x64xf32>
    %add3A = arith.addf %get3A_4, %get3A_7 : vector<2000x64xf32>
    %mul3A = vector.broadcast %get3A_1 : vector<2000x1xf32> to vector<2000x64xf32>
    %mul3A_8 = arith.mulf %mul3A, %add3A : vector<2000x64xf32>
    %get3A_9 = arith.constant 0 : index
    %get3A_10 = arith.constant 0 : index
    %get3A_11 = vector.load %arg2[%get3A_9, %get3A_10] : memref<2000x32xf32, #tpu.memory_space<vmem>>, vector<2000x32xf32>
    %get3A_12 = arith.constant 0 : index
    %get3A_13 = arith.constant 0 : index
    %get3A_14 = vector.load %arg5[%get3A_12, %get3A_13] : memref<1x128xf32, #tpu.memory_space<vmem>>, vector<1x128xf32>
    %get3A_15 = arith.constant 0 : index
    %get3A_16 = arith.constant 0 : index
    %get3A_17 = arith.constant 0 : index
    %get3A_18 = vector.load %arg6[%get3A_15, %get3A_16, %get3A_17] : memref<4x32x128xf32, #tpu.memory_space<vmem>>, vector<1x32x128xf32>
    %get3A_19 = vector.shape_cast %get3A_18 : vector<1x32x128xf32> to vector<32x128xf32>
    %dot_general3A = arith.constant dense<0.000000e+00> : vector<2000x128xf32>
    %dot_general3A_20 = tpu.matmul %get3A_11, %get3A_19, %dot_general3A {dimension_numbers = #tpu.dot_dimension_numbers<[1], [0], [0], [1], [0, 0, 1, 1], [], []>, transpose_lhs_hint = false} : vector<2000x32xf32>, vector<32x128xf32>, vector<2000x128xf32> -> vector<2000x128xf32>
    %get3A_21 = arith.constant 0 : index
    %get3A_22 = arith.constant 0 : index
    %get3A_23 = arith.constant 0 : index
    %get3A_24 = vector.load %arg7[%get3A_21, %get3A_22, %get3A_23] : memref<4x64x128xf32, #tpu.memory_space<vmem>>, vector<1x64x128xf32>
    %get3A_25 = vector.shape_cast %get3A_24 : vector<1x64x128xf32> to vector<64x128xf32>
    %dot_general3A_26 = arith.constant dense<0.000000e+00> : vector<2000x128xf32>
    %dot_general3A_27 = tpu.matmul %mul3A_8, %get3A_25, %dot_general3A_26 {dimension_numbers = #tpu.dot_dimension_numbers<[1], [0], [0], [1], [0, 0, 1, 1], [], []>, transpose_lhs_hint = false} : vector<2000x64xf32>, vector<64x128xf32>, vector<2000x128xf32> -> vector<2000x128xf32>
    %mul3A_28 = arith.mulf %dot_general3A_20, %dot_general3A_27 : vector<2000x128xf32>
    %add3A_29 = vector.broadcast %get3A_14 : vector<1x128xf32> to vector<2000x128xf32>
    %add3A_30 = arith.addf %add3A_29, %mul3A_28 : vector<2000x128xf32>
    %get3A_31 = arith.constant 1 : index
    %get3A_32 = arith.constant 0 : index
    %get3A_33 = arith.constant 0 : index
    %get3A_34 = vector.load %arg6[%get3A_31, %get3A_32, %get3A_33] : memref<4x32x128xf32, #tpu.memory_space<vmem>>, vector<1x32x128xf32>
    %get3A_35 = vector.shape_cast %get3A_34 : vector<1x32x128xf32> to vector<32x128xf32>
    %dot_general3A_36 = arith.constant dense<0.000000e+00> : vector<2000x128xf32>
    %dot_general3A_37 = tpu.matmul %get3A_11, %get3A_35, %dot_general3A_36 {dimension_numbers = #tpu.dot_dimension_numbers<[1], [0], [0], [1], [0, 0, 1, 1], [], []>, transpose_lhs_hint = false} : vector<2000x32xf32>, vector<32x128xf32>, vector<2000x128xf32> -> vector<2000x128xf32>
    %get3A_38 = arith.constant 1 : index
    %get3A_39 = arith.constant 0 : index
    %get3A_40 = arith.constant 0 : index
    %get3A_41 = vector.load %arg7[%get3A_38, %get3A_39, %get3A_40] : memref<4x64x128xf32, #tpu.memory_space<vmem>>, vector<1x64x128xf32>
    %get3A_42 = vector.shape_cast %get3A_41 : vector<1x64x128xf32> to vector<64x128xf32>
    %dot_general3A_43 = arith.constant dense<0.000000e+00> : vector<2000x128xf32>
    %dot_general3A_44 = tpu.matmul %mul3A_8, %get3A_42, %dot_general3A_43 {dimension_numbers = #tpu.dot_dimension_numbers<[1], [0], [0], [1], [0, 0, 1, 1], [], []>, transpose_lhs_hint = false} : vector<2000x64xf32>, vector<64x128xf32>, vector<2000x128xf32> -> vector<2000x128xf32>
    %mul3A_45 = arith.mulf %dot_general3A_37, %dot_general3A_44 : vector<2000x128xf32>
    %add3A_46 = arith.addf %add3A_30, %mul3A_45 : vector<2000x128xf32>
    %get3A_47 = arith.constant 2 : index
    %get3A_48 = arith.constant 0 : index
    %get3A_49 = arith.constant 0 : index
    %get3A_50 = vector.load %arg6[%get3A_47, %get3A_48, %get3A_49] : memref<4x32x128xf32, #tpu.memory_space<vmem>>, vector<1x32x128xf32>
    %get3A_51 = vector.shape_cast %get3A_50 : vector<1x32x128xf32> to vector<32x128xf32>
    %dot_general3A_52 = arith.constant dense<0.000000e+00> : vector<2000x128xf32>
    %dot_general3A_53 = tpu.matmul %get3A_11, %get3A_51, %dot_general3A_52 {dimension_numbers = #tpu.dot_dimension_numbers<[1], [0], [0], [1], [0, 0, 1, 1], [], []>, transpose_lhs_hint = false} : vector<2000x32xf32>, vector<32x128xf32>, vector<2000x128xf32> -> vector<2000x128xf32>
    %get3A_54 = arith.constant 2 : index
    %get3A_55 = arith.constant 0 : index
    %get3A_56 = arith.constant 0 : index
    %get3A_57 = vector.load %arg7[%get3A_54, %get3A_55, %get3A_56] : memref<4x64x128xf32, #tpu.memory_space<vmem>>, vector<1x64x128xf32>
    %get3A_58 = vector.shape_cast %get3A_57 : vector<1x64x128xf32> to vector<64x128xf32>
    %dot_general3A_59 = arith.constant dense<0.000000e+00> : vector<2000x128xf32>
    %dot_general3A_60 = tpu.matmul %mul3A_8, %get3A_58, %dot_general3A_59 {dimension_numbers = #tpu.dot_dimension_numbers<[1], [0], [0], [1], [0, 0, 1, 1], [], []>, transpose_lhs_hint = false} : vector<2000x64xf32>, vector<64x128xf32>, vector<2000x128xf32> -> vector<2000x128xf32>
    %mul3A_61 = arith.mulf %dot_general3A_53, %dot_general3A_60 : vector<2000x128xf32>
    %add3A_62 = arith.addf %add3A_46, %mul3A_61 : vector<2000x128xf32>
    %get3A_63 = arith.constant 3 : index
    %get3A_64 = arith.constant 0 : index
    %get3A_65 = arith.constant 0 : index
    %get3A_66 = vector.load %arg6[%get3A_63, %get3A_64, %get3A_65] : memref<4x32x128xf32, #tpu.memory_space<vmem>>, vector<1x32x128xf32>
    %get3A_67 = vector.shape_cast %get3A_66 : vector<1x32x128xf32> to vector<32x128xf32>
    %dot_general3A_68 = arith.constant dense<0.000000e+00> : vector<2000x128xf32>
    %dot_general3A_69 = tpu.matmul %get3A_11, %get3A_67, %dot_general3A_68 {dimension_numbers = #tpu.dot_dimension_numbers<[1], [0], [0], [1], [0, 0, 1, 1], [], []>, transpose_lhs_hint = false} : vector<2000x32xf32>, vector<32x128xf32>, vector<2000x128xf32> -> vector<2000x128xf32>
    %get3A_70 = arith.constant 3 : index
    %get3A_71 = arith.constant 0 : index
    %get3A_72 = arith.constant 0 : index
    %get3A_73 = vector.load %arg7[%get3A_70, %get3A_71, %get3A_72] : memref<4x64x128xf32, #tpu.memory_space<vmem>>, vector<1x64x128xf32>
    %get3A_74 = vector.shape_cast %get3A_73 : vector<1x64x128xf32> to vector<64x128xf32>
    %dot_general3A_75 = arith.constant dense<0.000000e+00> : vector<2000x128xf32>
    %dot_general3A_76 = tpu.matmul %mul3A_8, %get3A_74, %dot_general3A_75 {dimension_numbers = #tpu.dot_dimension_numbers<[1], [0], [0], [1], [0, 0, 1, 1], [], []>, transpose_lhs_hint = false} : vector<2000x64xf32>, vector<64x128xf32>, vector<2000x128xf32> -> vector<2000x128xf32>
    %mul3A_77 = arith.mulf %dot_general3A_69, %dot_general3A_76 : vector<2000x128xf32>
    %add3A_78 = arith.addf %add3A_62, %mul3A_77 : vector<2000x128xf32>
    %swap3A = arith.constant 0 : index
    %swap3A_79 = arith.constant 0 : index
    %swap3A_80 = vector.load %arg8[%swap3A, %swap3A_79] : memref<2000x128xf32, #tpu.memory_space<vmem>>, vector<2000x128xf32>
    tpu.vector_store %arg8[%swap3A, %swap3A_79], %add3A_78 {strides = array<i32>} : memref<2000x128xf32, #tpu.memory_space<vmem>>, vector<2000x128xf32>,
    %reduce_sum3A = arith.constant dense<0.000000e+00> : vector<128xf32>
    %reduce_sum3A_81 = vector.multi_reduction <add>, %add3A_78, %reduce_sum3A [0] : vector<2000x128xf32> to vector<128xf32>
    %broadcast_in_dim3A = vector.shape_cast %reduce_sum3A_81 : vector<128xf32> to vector<1x128xf32>
    %div3A = arith.constant 2.000000e+03 : f32
    %div3A_82 = vector.broadcast %div3A : f32 to vector<1x128xf32>
    %div3A_83 = arith.divf %broadcast_in_dim3A, %div3A_82 : vector<1x128xf32>
    %sub3A = vector.broadcast %div3A_83 : vector<1x128xf32> to vector<2000x128xf32>
    %sub3A_84 = arith.subf %add3A_78, %sub3A : vector<2000x128xf32>
    %reshape3A = vector.shape_cast %div3A_83 : vector<1x128xf32> to vector<1x1x128xf32>
    %swap3A_85 = arith.constant 0 : index
    %swap3A_86 = arith.constant 0 : index
    %swap3A_87 = arith.constant 0 : index
    %swap3A_88 = vector.load %arg9[%swap3A_85, %swap3A_86, %swap3A_87] : memref<1x1x128xf32, #tpu.memory_space<vmem>>, vector<1x1x128xf32>
    tpu.vector_store %arg9[%swap3A_85, %swap3A_86, %swap3A_87], %reshape3A {strides = array<i32>} : memref<1x1x128xf32, #tpu.memory_space<vmem>>, vector<1x1x128xf32>,
    %mul3A_89 = arith.mulf %sub3A_84, %sub3A_84 : vector<2000x128xf32>
    %reduce_sum3A_90 = arith.constant dense<0.000000e+00> : vector<128xf32>
    %reduce_sum3A_91 = vector.multi_reduction <add>, %mul3A_89, %reduce_sum3A_90 [0] : vector<2000x128xf32> to vector<128xf32>
    %broadcast_in_dim3A_92 = vector.shape_cast %reduce_sum3A_91 : vector<128xf32> to vector<1x128xf32>
    %reshape3A_93 = vector.shape_cast %broadcast_in_dim3A_92 : vector<1x128xf32> to vector<1x1x128xf32>
    %swap3A_94 = arith.constant 0 : index
    %swap3A_95 = arith.constant 0 : index
    %swap3A_96 = arith.constant 0 : index
    %swap3A_97 = vector.load %arg10[%swap3A_94, %swap3A_95, %swap3A_96] : memref<1x1x128xf32, #tpu.memory_space<vmem>>, vector<1x1x128xf32>
    tpu.vector_store %arg10[%swap3A_94, %swap3A_95, %swap3A_96], %reshape3A_93 {strides = array<i32>} : memref<1x1x128xf32, #tpu.memory_space<vmem>>, vector<1x1x128xf32>,
    return
  }
  func.func @transform_0(%arg0: i32) -> (i32, i32) {
    %c0_i32 = arith.constant 0 : i32
    %c0_i32_0 = arith.constant 0 : i32
    return %arg0, %c0_i32 : i32, i32
  }
  func.func @transform_1(%arg0: i32) -> (i32, i32) {
    %c0_i32 = arith.constant 0 : i32
    %c0_i32_0 = arith.constant 0 : i32
    return %arg0, %c0_i32 : i32, i32
  }
  func.func @transform_2(%arg0: i32) -> (i32, i32) {
    %c0_i32 = arith.constant 0 : i32
    %c0_i32_0 = arith.constant 0 : i32
    return %arg0, %c0_i32 : i32, i32
  }
  func.func @transform_3(%arg0: i32) -> (i32, i32) {
    %c0_i32 = arith.constant 0 : i32
    %c0_i32_0 = arith.constant 0 : i32
    return %arg0, %c0_i32 : i32, i32
  }
  func.func @transform_4(%arg0: i32) -> (i32, i32) {
    %c0_i32 = arith.constant 0 : i32
    %c0_i32_0 = arith.constant 0 : i32
    %c0_i32_1 = arith.constant 0 : i32
    return %c0_i32, %c0_i32_0 : i32, i32
  }
  func.func @transform_5(%arg0: i32) -> (i32, i32, i32) {
    %c0_i32 = arith.constant 0 : i32
    %c0_i32_0 = arith.constant 0 : i32
    %c0_i32_1 = arith.constant 0 : i32
    %c0_i32_2 = arith.constant 0 : i32
    return %c0_i32, %c0_i32_0, %c0_i32_1 : i32, i32, i32
  }
  func.func @transform_6(%arg0: i32) -> (i32, i32, i32) {
    %c0_i32 = arith.constant 0 : i32
    %c0_i32_0 = arith.constant 0 : i32
    %c0_i32_1 = arith.constant 0 : i32
    %c0_i32_2 = arith.constant 0 : i32
    return %c0_i32, %c0_i32_0, %c0_i32_1 : i32, i32, i32
  }
  func.func @transform_7(%arg0: i32) -> (i32, i32) {
    %c0_i32 = arith.constant 0 : i32
    %c0_i32_0 = arith.constant 0 : i32
    return %arg0, %c0_i32 : i32, i32
  }
  func.func @transform_8(%arg0: i32) -> (i32, i32, i32) {
    %c0_i32 = arith.constant 0 : i32
    %c0_i32_0 = arith.constant 0 : i32
    %c0_i32_1 = arith.constant 0 : i32
    return %arg0, %c0_i32, %c0_i32_0 : i32, i32, i32
  }
  func.func @transform_9(%arg0: i32) -> (i32, i32, i32) {
    %c0_i32 = arith.constant 0 : i32
    %c0_i32_0 = arith.constant 0 : i32
    %c0_i32_1 = arith.constant 0 : i32
    return %arg0, %c0_i32, %c0_i32_0 : i32, i32, i32
  }
}

module attributes {stable_mosaic.version = 14 : i64} {
  func.func @body(%arg0: i32, %arg1: memref<2000x128xf32, #tpu.memory_space<vmem>>, %arg2: memref<2000x128xf32, #tpu.memory_space<vmem>>, %arg3: memref<5x1x128xf32, #tpu.memory_space<vmem>>, %arg4: memref<5x1x128xf32, #tpu.memory_space<vmem>>, %arg5: memref<1x128xf32, #tpu.memory_space<vmem>>, %arg6: memref<1x128xf32, #tpu.memory_space<vmem>>, %arg7: memref<2000x1xf32, #tpu.memory_space<vmem>>, %arg8: memref<128x64xf32, #tpu.memory_space<vmem>>, %arg9: memref<128x32xf32, #tpu.memory_space<vmem>>, %arg10: memref<1x32xf32, #tpu.memory_space<vmem>>, %arg11: memref<2000x128xf32, #tpu.memory_space<vmem>>, %arg12: memref<2000x64xf32, #tpu.memory_space<vmem>>, %arg13: memref<2000x32xf32, #tpu.memory_space<vmem>>) attributes {dimension_semantics = [#tpu.dimension_semantics<arbitrary>], iteration_bounds = array<i64: 5>, scalar_prefetch = 0 : i64, scratch_operands = 0 : i64, tpu.core_type = #tpu.core_type<tc>, window_params = [{transform_indices = @transform_0, window_bounds = array<i64: 2000, 128>}, {transform_indices = @transform_1, window_bounds = array<i64: 2000, 128>}, {pipeline_mode = #tpu.pipeline_mode<synchronous>, transform_indices = @transform_2, window_bounds = array<i64: 5, 1, 128>}, {pipeline_mode = #tpu.pipeline_mode<synchronous>, transform_indices = @transform_3, window_bounds = array<i64: 5, 1, 128>}, {pipeline_mode = #tpu.pipeline_mode<synchronous>, transform_indices = @transform_4, window_bounds = array<i64: 1, 128>}, {pipeline_mode = #tpu.pipeline_mode<synchronous>, transform_indices = @transform_5, window_bounds = array<i64: 1, 128>}, {transform_indices = @transform_6, window_bounds = array<i64: 2000, 1>}, {pipeline_mode = #tpu.pipeline_mode<synchronous>, transform_indices = @transform_7, window_bounds = array<i64: 128, 64>}, {pipeline_mode = #tpu.pipeline_mode<synchronous>, transform_indices = @transform_8, window_bounds = array<i64: 128, 32>}, {pipeline_mode = #tpu.pipeline_mode<synchronous>, transform_indices = @transform_9, window_bounds = array<i64: 1, 32>}, {transform_indices = @transform_10, window_bounds = array<i64: 2000, 128>}, {transform_indices = @transform_11, window_bounds = array<i64: 2000, 64>}, {transform_indices = @transform_12, window_bounds = array<i64: 2000, 32>}]} {
    %get3A = arith.constant 0 : index
    %get3A_0 = arith.constant 0 : index
    %get3A_1 = arith.constant 0 : index
    %get3A_2 = vector.load %arg3[%get3A, %get3A_0, %get3A_1] : memref<5x1x128xf32, #tpu.memory_space<vmem>>, vector<5x1x128xf32>
    %reduce_sum3A = arith.constant dense<0.000000e+00> : vector<1x128xf32>
    %reduce_sum3A_3 = vector.multi_reduction <add>, %get3A_2, %reduce_sum3A [0] : vector<5x1x128xf32> to vector<1x128xf32>
    %div3A = arith.constant 5.000000e+00 : f32
    %div3A_4 = vector.broadcast %div3A : f32 to vector<1x128xf32>
    %div3A_5 = arith.divf %reduce_sum3A_3, %div3A_4 : vector<1x128xf32>
    %get3A_6 = arith.constant 0 : index
    %get3A_7 = arith.constant 0 : index
    %get3A_8 = arith.constant 0 : index
    %get3A_9 = vector.load %arg3[%get3A_6, %get3A_7, %get3A_8] : memref<5x1x128xf32, #tpu.memory_space<vmem>>, vector<5x1x128xf32>
    %broadcast_in_dim3A = vector.shape_cast %div3A_5 : vector<1x128xf32> to vector<1x1x128xf32>
    %sub3A = vector.broadcast %broadcast_in_dim3A : vector<1x1x128xf32> to vector<5x1x128xf32>
    %sub3A_10 = arith.subf %get3A_9, %sub3A : vector<5x1x128xf32>
    %get3A_11 = arith.constant 0 : index
    %get3A_12 = arith.constant 0 : index
    %get3A_13 = arith.constant 0 : index
    %get3A_14 = vector.load %arg4[%get3A_11, %get3A_12, %get3A_13] : memref<5x1x128xf32, #tpu.memory_space<vmem>>, vector<5x1x128xf32>
    %reduce_sum3A_15 = arith.constant dense<0.000000e+00> : vector<1x128xf32>
    %reduce_sum3A_16 = vector.multi_reduction <add>, %get3A_14, %reduce_sum3A_15 [0] : vector<5x1x128xf32> to vector<1x128xf32>
    %mul3A = arith.mulf %sub3A_10, %sub3A_10 : vector<5x1x128xf32>
    %reduce_sum3A_17 = arith.constant dense<0.000000e+00> : vector<1x128xf32>
    %reduce_sum3A_18 = vector.multi_reduction <add>, %mul3A, %reduce_sum3A_17 [0] : vector<5x1x128xf32> to vector<1x128xf32>
    %mul3A_19 = arith.constant 2.000000e+03 : f32
    %mul3A_20 = vector.broadcast %mul3A_19 : f32 to vector<1x128xf32>
    %mul3A_21 = arith.mulf %mul3A_20, %reduce_sum3A_18 : vector<1x128xf32>
    %add3A = arith.addf %reduce_sum3A_16, %mul3A_21 : vector<1x128xf32>
    %div3A_22 = arith.constant 1.000000e+04 : f32
    %div3A_23 = vector.broadcast %div3A_22 : f32 to vector<1x128xf32>
    %div3A_24 = arith.divf %add3A, %div3A_23 : vector<1x128xf32>
    %add3A_25 = arith.constant 9.99999974E-6 : f32
    %add3A_26 = vector.broadcast %add3A_25 : f32 to vector<1x128xf32>
    %add3A_27 = arith.addf %div3A_24, %add3A_26 : vector<1x128xf32>
    %rsqrt3A = math.rsqrt %add3A_27 : vector<1x128xf32>
    %get3A_28 = arith.constant 0 : index
    %get3A_29 = arith.constant 0 : index
    %get3A_30 = vector.load %arg1[%get3A_28, %get3A_29] : memref<2000x128xf32, #tpu.memory_space<vmem>>, vector<2000x128xf32>
    %get3A_31 = arith.constant 0 : index
    %get3A_32 = arith.constant 0 : index
    %get3A_33 = vector.load %arg2[%get3A_31, %get3A_32] : memref<2000x128xf32, #tpu.memory_space<vmem>>, vector<2000x128xf32>
    %sub3A_34 = vector.broadcast %div3A_5 : vector<1x128xf32> to vector<2000x128xf32>
    %sub3A_35 = arith.subf %get3A_33, %sub3A_34 : vector<2000x128xf32>
    %mul3A_36 = vector.broadcast %rsqrt3A : vector<1x128xf32> to vector<2000x128xf32>
    %mul3A_37 = arith.mulf %sub3A_35, %mul3A_36 : vector<2000x128xf32>
    %get3A_38 = arith.constant 0 : index
    %get3A_39 = arith.constant 0 : index
    %get3A_40 = vector.load %arg5[%get3A_38, %get3A_39] : memref<1x128xf32, #tpu.memory_space<vmem>>, vector<1x128xf32>
    %mul3A_41 = vector.broadcast %get3A_40 : vector<1x128xf32> to vector<2000x128xf32>
    %mul3A_42 = arith.mulf %mul3A_37, %mul3A_41 : vector<2000x128xf32>
    %get3A_43 = arith.constant 0 : index
    %get3A_44 = arith.constant 0 : index
    %get3A_45 = vector.load %arg6[%get3A_43, %get3A_44] : memref<1x128xf32, #tpu.memory_space<vmem>>, vector<1x128xf32>
    %add3A_46 = vector.broadcast %get3A_45 : vector<1x128xf32> to vector<2000x128xf32>
    %add3A_47 = arith.addf %mul3A_42, %add3A_46 : vector<2000x128xf32>
    %max3A = arith.constant 0.000000e+00 : f32
    %max3A_48 = vector.broadcast %max3A : f32 to vector<2000x128xf32>
    %max3A_49 = arith.maximumf %add3A_47, %max3A_48 : vector<2000x128xf32>
    %add3A_50 = arith.addf %get3A_30, %max3A_49 : vector<2000x128xf32>
    %swap3A = arith.constant 0 : index
    %swap3A_51 = arith.constant 0 : index
    %swap3A_52 = vector.load %arg11[%swap3A, %swap3A_51] : memref<2000x128xf32, #tpu.memory_space<vmem>>, vector<2000x128xf32>
    tpu.vector_store %arg11[%swap3A, %swap3A_51], %add3A_50 {strides = array<i32>} : memref<2000x128xf32, #tpu.memory_space<vmem>>, vector<2000x128xf32>,
    %get3A_53 = arith.constant 0 : index
    %get3A_54 = arith.constant 0 : index
    %get3A_55 = vector.load %arg7[%get3A_53, %get3A_54] : memref<2000x1xf32, #tpu.memory_space<vmem>>, vector<2000x1xf32>
    %get3A_56 = arith.constant 0 : index
    %get3A_57 = arith.constant 0 : index
    %get3A_58 = vector.load %arg8[%get3A_56, %get3A_57] : memref<128x64xf32, #tpu.memory_space<vmem>>, vector<128x64xf32>
    %dot_general3A = arith.constant dense<0.000000e+00> : vector<2000x64xf32>
    %dot_general3A_59 = tpu.matmul %add3A_50, %get3A_58, %dot_general3A {dimension_numbers = #tpu.dot_dimension_numbers<[1], [0], [0], [1], [0, 0, 1, 1], [], []>, transpose_lhs_hint = false} : vector<2000x128xf32>, vector<128x64xf32>, vector<2000x64xf32> -> vector<2000x64xf32>
    %mul3A_60 = vector.broadcast %get3A_55 : vector<2000x1xf32> to vector<2000x64xf32>
    %mul3A_61 = arith.mulf %mul3A_60, %dot_general3A_59 : vector<2000x64xf32>
    %swap3A_62 = arith.constant 0 : index
    %swap3A_63 = arith.constant 0 : index
    %swap3A_64 = vector.load %arg12[%swap3A_62, %swap3A_63] : memref<2000x64xf32, #tpu.memory_space<vmem>>, vector<2000x64xf32>
    tpu.vector_store %arg12[%swap3A_62, %swap3A_63], %mul3A_61 {strides = array<i32>} : memref<2000x64xf32, #tpu.memory_space<vmem>>, vector<2000x64xf32>,
    %get3A_65 = arith.constant 0 : index
    %get3A_66 = arith.constant 0 : index
    %get3A_67 = vector.load %arg9[%get3A_65, %get3A_66] : memref<128x32xf32, #tpu.memory_space<vmem>>, vector<128x32xf32>
    %dot_general3A_68 = arith.constant dense<0.000000e+00> : vector<2000x32xf32>
    %dot_general3A_69 = tpu.matmul %add3A_50, %get3A_67, %dot_general3A_68 {dimension_numbers = #tpu.dot_dimension_numbers<[1], [0], [0], [1], [0, 0, 1, 1], [], []>, transpose_lhs_hint = false} : vector<2000x128xf32>, vector<128x32xf32>, vector<2000x32xf32> -> vector<2000x32xf32>
    %get3A_70 = arith.constant 0 : index
    %get3A_71 = arith.constant 0 : index
    %get3A_72 = vector.load %arg10[%get3A_70, %get3A_71] : memref<1x32xf32, #tpu.memory_space<vmem>>, vector<1x32xf32>
    %add3A_73 = vector.broadcast %get3A_72 : vector<1x32xf32> to vector<2000x32xf32>
    %add3A_74 = arith.addf %dot_general3A_69, %add3A_73 : vector<2000x32xf32>
    %swap3A_75 = arith.constant 0 : index
    %swap3A_76 = arith.constant 0 : index
    %swap3A_77 = vector.load %arg13[%swap3A_75, %swap3A_76] : memref<2000x32xf32, #tpu.memory_space<vmem>>, vector<2000x32xf32>
    tpu.vector_store %arg13[%swap3A_75, %swap3A_76], %add3A_74 {strides = array<i32>} : memref<2000x32xf32, #tpu.memory_space<vmem>>, vector<2000x32xf32>,
    return
  }
  func.func @transform_0(%arg0: i32) -> (i32, i32) {
    %c0_i32 = arith.constant 0 : i32
    %c0_i32_0 = arith.constant 0 : i32
    return %arg0, %c0_i32 : i32, i32
  }
  func.func @transform_1(%arg0: i32) -> (i32, i32) {
    %c0_i32 = arith.constant 0 : i32
    %c0_i32_0 = arith.constant 0 : i32
    return %arg0, %c0_i32 : i32, i32
  }
  func.func @transform_2(%arg0: i32) -> (i32, i32, i32) {
    %c0_i32 = arith.constant 0 : i32
    %c0_i32_0 = arith.constant 0 : i32
    %c0_i32_1 = arith.constant 0 : i32
    %c0_i32_2 = arith.constant 0 : i32
    return %c0_i32, %c0_i32_0, %c0_i32_1 : i32, i32, i32
  }
  func.func @transform_3(%arg0: i32) -> (i32, i32, i32) {
    %c0_i32 = arith.constant 0 : i32
    %c0_i32_0 = arith.constant 0 : i32
    %c0_i32_1 = arith.constant 0 : i32
    %c0_i32_2 = arith.constant 0 : i32
    return %c0_i32, %c0_i32_0, %c0_i32_1 : i32, i32, i32
  }
  func.func @transform_4(%arg0: i32) -> (i32, i32) {
    %c0_i32 = arith.constant 0 : i32
    %c0_i32_0 = arith.constant 0 : i32
    %c0_i32_1 = arith.constant 0 : i32
    return %c0_i32, %c0_i32_0 : i32, i32
  }
  func.func @transform_5(%arg0: i32) -> (i32, i32) {
    %c0_i32 = arith.constant 0 : i32
    %c0_i32_0 = arith.constant 0 : i32
    %c0_i32_1 = arith.constant 0 : i32
    return %c0_i32, %c0_i32_0 : i32, i32
  }
  func.func @transform_6(%arg0: i32) -> (i32, i32) {
    %c0_i32 = arith.constant 0 : i32
    %c0_i32_0 = arith.constant 0 : i32
    return %arg0, %c0_i32 : i32, i32
  }
  func.func @transform_7(%arg0: i32) -> (i32, i32) {
    %c0_i32 = arith.constant 0 : i32
    %c0_i32_0 = arith.constant 0 : i32
    %c0_i32_1 = arith.constant 0 : i32
    return %c0_i32, %c0_i32_0 : i32, i32
  }
  func.func @transform_8(%arg0: i32) -> (i32, i32) {
    %c0_i32 = arith.constant 0 : i32
    %c0_i32_0 = arith.constant 0 : i32
    %c0_i32_1 = arith.constant 0 : i32
    return %c0_i32, %c0_i32_0 : i32, i32
  }
  func.func @transform_9(%arg0: i32) -> (i32, i32) {
    %c0_i32 = arith.constant 0 : i32
    %c0_i32_0 = arith.constant 0 : i32
    %c0_i32_1 = arith.constant 0 : i32
    return %c0_i32, %c0_i32_0 : i32, i32
  }
  func.func @transform_10(%arg0: i32) -> (i32, i32) {
    %c0_i32 = arith.constant 0 : i32
    %c0_i32_0 = arith.constant 0 : i32
    return %arg0, %c0_i32 : i32, i32
  }
  func.func @transform_11(%arg0: i32) -> (i32, i32) {
    %c0_i32 = arith.constant 0 : i32
    %c0_i32_0 = arith.constant 0 : i32
    return %arg0, %c0_i32 : i32, i32
  }
  func.func @transform_12(%arg0: i32) -> (i32, i32) {
    %c0_i32 = arith.constant 0 : i32
    %c0_i32_0 = arith.constant 0 : i32
    return %arg0, %c0_i32 : i32, i32
  }
}

module attributes {stable_mosaic.version = 14 : i64} {
  func.func @body(%arg0: i32, %arg1: memref<2000x128xf32, #tpu.memory_space<vmem>>, %arg2: memref<2000x128xf32, #tpu.memory_space<vmem>>, %arg3: memref<5x1x128xf32, #tpu.memory_space<vmem>>, %arg4: memref<5x1x128xf32, #tpu.memory_space<vmem>>, %arg5: memref<1x128xf32, #tpu.memory_space<vmem>>, %arg6: memref<1x128xf32, #tpu.memory_space<vmem>>, %arg7: memref<2000x1xf32, #tpu.memory_space<vmem>>, %arg8: memref<128x64xf32, #tpu.memory_space<vmem>>, %arg9: memref<128x32xf32, #tpu.memory_space<vmem>>, %arg10: memref<1x32xf32, #tpu.memory_space<vmem>>, %arg11: memref<2000x128xf32, #tpu.memory_space<vmem>>, %arg12: memref<2000x64xf32, #tpu.memory_space<vmem>>, %arg13: memref<2000x32xf32, #tpu.memory_space<vmem>>) attributes {dimension_semantics = [#tpu.dimension_semantics<arbitrary>], iteration_bounds = array<i64: 5>, scalar_prefetch = 0 : i64, scratch_operands = 0 : i64, tpu.core_type = #tpu.core_type<tc>, window_params = [{transform_indices = @transform_0, window_bounds = array<i64: 2000, 128>}, {transform_indices = @transform_1, window_bounds = array<i64: 2000, 128>}, {pipeline_mode = #tpu.pipeline_mode<synchronous>, transform_indices = @transform_2, window_bounds = array<i64: 5, 1, 128>}, {pipeline_mode = #tpu.pipeline_mode<synchronous>, transform_indices = @transform_3, window_bounds = array<i64: 5, 1, 128>}, {pipeline_mode = #tpu.pipeline_mode<synchronous>, transform_indices = @transform_4, window_bounds = array<i64: 1, 128>}, {pipeline_mode = #tpu.pipeline_mode<synchronous>, transform_indices = @transform_5, window_bounds = array<i64: 1, 128>}, {transform_indices = @transform_6, window_bounds = array<i64: 2000, 1>}, {pipeline_mode = #tpu.pipeline_mode<synchronous>, transform_indices = @transform_7, window_bounds = array<i64: 128, 64>}, {pipeline_mode = #tpu.pipeline_mode<synchronous>, transform_indices = @transform_8, window_bounds = array<i64: 128, 32>}, {pipeline_mode = #tpu.pipeline_mode<synchronous>, transform_indices = @transform_9, window_bounds = array<i64: 1, 32>}, {transform_indices = @transform_10, window_bounds = array<i64: 2000, 128>}, {transform_indices = @transform_11, window_bounds = array<i64: 2000, 64>}, {transform_indices = @transform_12, window_bounds = array<i64: 2000, 32>}]} {
    %get3A = arith.constant 0 : index
    %get3A_0 = arith.constant 0 : index
    %get3A_1 = arith.constant 0 : index
    %get3A_2 = vector.load %arg3[%get3A, %get3A_0, %get3A_1] : memref<5x1x128xf32, #tpu.memory_space<vmem>>, vector<5x1x128xf32>
    %reduce_sum3A = arith.constant dense<0.000000e+00> : vector<1x128xf32>
    %reduce_sum3A_3 = vector.multi_reduction <add>, %get3A_2, %reduce_sum3A [0] : vector<5x1x128xf32> to vector<1x128xf32>
    %div3A = arith.constant 5.000000e+00 : f32
    %div3A_4 = vector.broadcast %div3A : f32 to vector<1x128xf32>
    %div3A_5 = arith.divf %reduce_sum3A_3, %div3A_4 : vector<1x128xf32>
    %get3A_6 = arith.constant 0 : index
    %get3A_7 = arith.constant 0 : index
    %get3A_8 = arith.constant 0 : index
    %get3A_9 = vector.load %arg3[%get3A_6, %get3A_7, %get3A_8] : memref<5x1x128xf32, #tpu.memory_space<vmem>>, vector<5x1x128xf32>
    %broadcast_in_dim3A = vector.shape_cast %div3A_5 : vector<1x128xf32> to vector<1x1x128xf32>
    %sub3A = vector.broadcast %broadcast_in_dim3A : vector<1x1x128xf32> to vector<5x1x128xf32>
    %sub3A_10 = arith.subf %get3A_9, %sub3A : vector<5x1x128xf32>
    %get3A_11 = arith.constant 0 : index
    %get3A_12 = arith.constant 0 : index
    %get3A_13 = arith.constant 0 : index
    %get3A_14 = vector.load %arg4[%get3A_11, %get3A_12, %get3A_13] : memref<5x1x128xf32, #tpu.memory_space<vmem>>, vector<5x1x128xf32>
    %reduce_sum3A_15 = arith.constant dense<0.000000e+00> : vector<1x128xf32>
    %reduce_sum3A_16 = vector.multi_reduction <add>, %get3A_14, %reduce_sum3A_15 [0] : vector<5x1x128xf32> to vector<1x128xf32>
    %mul3A = arith.mulf %sub3A_10, %sub3A_10 : vector<5x1x128xf32>
    %reduce_sum3A_17 = arith.constant dense<0.000000e+00> : vector<1x128xf32>
    %reduce_sum3A_18 = vector.multi_reduction <add>, %mul3A, %reduce_sum3A_17 [0] : vector<5x1x128xf32> to vector<1x128xf32>
    %mul3A_19 = arith.constant 2.000000e+03 : f32
    %mul3A_20 = vector.broadcast %mul3A_19 : f32 to vector<1x128xf32>
    %mul3A_21 = arith.mulf %mul3A_20, %reduce_sum3A_18 : vector<1x128xf32>
    %add3A = arith.addf %reduce_sum3A_16, %mul3A_21 : vector<1x128xf32>
    %div3A_22 = arith.constant 1.000000e+04 : f32
    %div3A_23 = vector.broadcast %div3A_22 : f32 to vector<1x128xf32>
    %div3A_24 = arith.divf %add3A, %div3A_23 : vector<1x128xf32>
    %add3A_25 = arith.constant 9.99999974E-6 : f32
    %add3A_26 = vector.broadcast %add3A_25 : f32 to vector<1x128xf32>
    %add3A_27 = arith.addf %div3A_24, %add3A_26 : vector<1x128xf32>
    %rsqrt3A = math.rsqrt %add3A_27 : vector<1x128xf32>
    %get3A_28 = arith.constant 0 : index
    %get3A_29 = arith.constant 0 : index
    %get3A_30 = vector.load %arg1[%get3A_28, %get3A_29] : memref<2000x128xf32, #tpu.memory_space<vmem>>, vector<2000x128xf32>
    %get3A_31 = arith.constant 0 : index
    %get3A_32 = arith.constant 0 : index
    %get3A_33 = vector.load %arg2[%get3A_31, %get3A_32] : memref<2000x128xf32, #tpu.memory_space<vmem>>, vector<2000x128xf32>
    %sub3A_34 = vector.broadcast %div3A_5 : vector<1x128xf32> to vector<2000x128xf32>
    %sub3A_35 = arith.subf %get3A_33, %sub3A_34 : vector<2000x128xf32>
    %mul3A_36 = vector.broadcast %rsqrt3A : vector<1x128xf32> to vector<2000x128xf32>
    %mul3A_37 = arith.mulf %sub3A_35, %mul3A_36 : vector<2000x128xf32>
    %get3A_38 = arith.constant 0 : index
    %get3A_39 = arith.constant 0 : index
    %get3A_40 = vector.load %arg5[%get3A_38, %get3A_39] : memref<1x128xf32, #tpu.memory_space<vmem>>, vector<1x128xf32>
    %mul3A_41 = vector.broadcast %get3A_40 : vector<1x128xf32> to vector<2000x128xf32>
    %mul3A_42 = arith.mulf %mul3A_37, %mul3A_41 : vector<2000x128xf32>
    %get3A_43 = arith.constant 0 : index
    %get3A_44 = arith.constant 0 : index
    %get3A_45 = vector.load %arg6[%get3A_43, %get3A_44] : memref<1x128xf32, #tpu.memory_space<vmem>>, vector<1x128xf32>
    %add3A_46 = vector.broadcast %get3A_45 : vector<1x128xf32> to vector<2000x128xf32>
    %add3A_47 = arith.addf %mul3A_42, %add3A_46 : vector<2000x128xf32>
    %max3A = arith.constant 0.000000e+00 : f32
    %max3A_48 = vector.broadcast %max3A : f32 to vector<2000x128xf32>
    %max3A_49 = arith.maximumf %add3A_47, %max3A_48 : vector<2000x128xf32>
    %add3A_50 = arith.addf %get3A_30, %max3A_49 : vector<2000x128xf32>
    %swap3A = arith.constant 0 : index
    %swap3A_51 = arith.constant 0 : index
    %swap3A_52 = vector.load %arg11[%swap3A, %swap3A_51] : memref<2000x128xf32, #tpu.memory_space<vmem>>, vector<2000x128xf32>
    tpu.vector_store %arg11[%swap3A, %swap3A_51], %add3A_50 {strides = array<i32>} : memref<2000x128xf32, #tpu.memory_space<vmem>>, vector<2000x128xf32>,
    %get3A_53 = arith.constant 0 : index
    %get3A_54 = arith.constant 0 : index
    %get3A_55 = vector.load %arg7[%get3A_53, %get3A_54] : memref<2000x1xf32, #tpu.memory_space<vmem>>, vector<2000x1xf32>
    %get3A_56 = arith.constant 0 : index
    %get3A_57 = arith.constant 0 : index
    %get3A_58 = vector.load %arg8[%get3A_56, %get3A_57] : memref<128x64xf32, #tpu.memory_space<vmem>>, vector<128x64xf32>
    %dot_general3A = arith.constant dense<0.000000e+00> : vector<2000x64xf32>
    %dot_general3A_59 = tpu.matmul %add3A_50, %get3A_58, %dot_general3A {dimension_numbers = #tpu.dot_dimension_numbers<[1], [0], [0], [1], [0, 0, 1, 1], [], []>, transpose_lhs_hint = false} : vector<2000x128xf32>, vector<128x64xf32>, vector<2000x64xf32> -> vector<2000x64xf32>
    %mul3A_60 = vector.broadcast %get3A_55 : vector<2000x1xf32> to vector<2000x64xf32>
    %mul3A_61 = arith.mulf %mul3A_60, %dot_general3A_59 : vector<2000x64xf32>
    %swap3A_62 = arith.constant 0 : index
    %swap3A_63 = arith.constant 0 : index
    %swap3A_64 = vector.load %arg12[%swap3A_62, %swap3A_63] : memref<2000x64xf32, #tpu.memory_space<vmem>>, vector<2000x64xf32>
    tpu.vector_store %arg12[%swap3A_62, %swap3A_63], %mul3A_61 {strides = array<i32>} : memref<2000x64xf32, #tpu.memory_space<vmem>>, vector<2000x64xf32>,
    %get3A_65 = arith.constant 0 : index
    %get3A_66 = arith.constant 0 : index
    %get3A_67 = vector.load %arg9[%get3A_65, %get3A_66] : memref<128x32xf32, #tpu.memory_space<vmem>>, vector<128x32xf32>
    %dot_general3A_68 = arith.constant dense<0.000000e+00> : vector<2000x32xf32>
    %dot_general3A_69 = tpu.matmul %add3A_50, %get3A_67, %dot_general3A_68 {dimension_numbers = #tpu.dot_dimension_numbers<[1], [0], [0], [1], [0, 0, 1, 1], [], []>, transpose_lhs_hint = false} : vector<2000x128xf32>, vector<128x32xf32>, vector<2000x32xf32> -> vector<2000x32xf32>
    %get3A_70 = arith.constant 0 : index
    %get3A_71 = arith.constant 0 : index
    %get3A_72 = vector.load %arg10[%get3A_70, %get3A_71] : memref<1x32xf32, #tpu.memory_space<vmem>>, vector<1x32xf32>
    %add3A_73 = vector.broadcast %get3A_72 : vector<1x32xf32> to vector<2000x32xf32>
    %add3A_74 = arith.addf %dot_general3A_69, %add3A_73 : vector<2000x32xf32>
    %swap3A_75 = arith.constant 0 : index
    %swap3A_76 = arith.constant 0 : index
    %swap3A_77 = vector.load %arg13[%swap3A_75, %swap3A_76] : memref<2000x32xf32, #tpu.memory_space<vmem>>, vector<2000x32xf32>
    tpu.vector_store %arg13[%swap3A_75, %swap3A_76], %add3A_74 {strides = array<i32>} : memref<2000x32xf32, #tpu.memory_space<vmem>>, vector<2000x32xf32>,
    return
  }
  func.func @transform_0(%arg0: i32) -> (i32, i32) {
    %c0_i32 = arith.constant 0 : i32
    %c0_i32_0 = arith.constant 0 : i32
    return %arg0, %c0_i32 : i32, i32
  }
  func.func @transform_1(%arg0: i32) -> (i32, i32) {
    %c0_i32 = arith.constant 0 : i32
    %c0_i32_0 = arith.constant 0 : i32
    return %arg0, %c0_i32 : i32, i32
  }
  func.func @transform_2(%arg0: i32) -> (i32, i32, i32) {
    %c0_i32 = arith.constant 0 : i32
    %c0_i32_0 = arith.constant 0 : i32
    %c0_i32_1 = arith.constant 0 : i32
    %c0_i32_2 = arith.constant 0 : i32
    return %c0_i32, %c0_i32_0, %c0_i32_1 : i32, i32, i32
  }
  func.func @transform_3(%arg0: i32) -> (i32, i32, i32) {
    %c0_i32 = arith.constant 0 : i32
    %c0_i32_0 = arith.constant 0 : i32
    %c0_i32_1 = arith.constant 0 : i32
    %c0_i32_2 = arith.constant 0 : i32
    return %c0_i32, %c0_i32_0, %c0_i32_1 : i32, i32, i32
  }
  func.func @transform_4(%arg0: i32) -> (i32, i32) {
    %c0_i32 = arith.constant 0 : i32
    %c0_i32_0 = arith.constant 0 : i32
    %c0_i32_1 = arith.constant 0 : i32
    return %c0_i32, %c0_i32_0 : i32, i32
  }
  func.func @transform_5(%arg0: i32) -> (i32, i32) {
    %c0_i32 = arith.constant 0 : i32
    %c0_i32_0 = arith.constant 0 : i32
    %c0_i32_1 = arith.constant 0 : i32
    return %c0_i32, %c0_i32_0 : i32, i32
  }
  func.func @transform_6(%arg0: i32) -> (i32, i32) {
    %c0_i32 = arith.constant 0 : i32
    %c0_i32_0 = arith.constant 0 : i32
    return %arg0, %c0_i32 : i32, i32
  }
  func.func @transform_7(%arg0: i32) -> (i32, i32) {
    %c0_i32 = arith.constant 0 : i32
    %c0_i32_0 = arith.constant 0 : i32
    %c0_i32_1 = arith.constant 0 : i32
    return %c0_i32, %c0_i32_0 : i32, i32
  }
  func.func @transform_8(%arg0: i32) -> (i32, i32) {
    %c0_i32 = arith.constant 0 : i32
    %c0_i32_0 = arith.constant 0 : i32
    %c0_i32_1 = arith.constant 0 : i32
    return %c0_i32, %c0_i32_0 : i32, i32
  }
  func.func @transform_9(%arg0: i32) -> (i32, i32) {
    %c0_i32 = arith.constant 0 : i32
    %c0_i32_0 = arith.constant 0 : i32
    %c0_i32_1 = arith.constant 0 : i32
    return %c0_i32, %c0_i32_0 : i32, i32
  }
  func.func @transform_10(%arg0: i32) -> (i32, i32) {
    %c0_i32 = arith.constant 0 : i32
    %c0_i32_0 = arith.constant 0 : i32
    return %arg0, %c0_i32 : i32, i32
  }
  func.func @transform_11(%arg0: i32) -> (i32, i32) {
    %c0_i32 = arith.constant 0 : i32
    %c0_i32_0 = arith.constant 0 : i32
    return %arg0, %c0_i32 : i32, i32
  }
  func.func @transform_12(%arg0: i32) -> (i32, i32) {
    %c0_i32 = arith.constant 0 : i32
    %c0_i32_0 = arith.constant 0 : i32
    return %arg0, %c0_i32 : i32, i32
  }
}

module attributes {stable_mosaic.version = 14 : i64} {
  func.func @body(%arg0: i32, %arg1: memref<2000x128xf32, #tpu.memory_space<vmem>>, %arg2: memref<2000x1xi32, #tpu.memory_space<vmem>>, %arg3: memref<128x128xf32, #tpu.memory_space<vmem>>, %arg4: memref<128x1xf32, #tpu.memory_space<vmem>>) attributes {dimension_semantics = [#tpu.dimension_semantics<arbitrary>], iteration_bounds = array<i64: 5>, scalar_prefetch = 0 : i64, scratch_operands = 0 : i64, tpu.core_type = #tpu.core_type<tc>, window_params = [{transform_indices = @transform_0, window_bounds = array<i64: 2000, 128>}, {transform_indices = @transform_1, window_bounds = array<i64: 2000, 1>}, {pipeline_mode = #tpu.pipeline_mode<synchronous>, transform_indices = @transform_2, window_bounds = array<i64: 128, 128>}, {pipeline_mode = #tpu.pipeline_mode<synchronous>, transform_indices = @transform_3, window_bounds = array<i64: 128, 1>}]} {
    %iota3A = tpu.iota {dimensions = array<i32: 1>} : vector<1x128xi32>
    %get3A = arith.constant 0 : index
    %get3A_0 = arith.constant 0 : index
    %get3A_1 = vector.load %arg2[%get3A, %get3A_0] : memref<2000x1xi32, #tpu.memory_space<vmem>>, vector<2000x1xi32>
    %eq3A = vector.broadcast %get3A_1 : vector<2000x1xi32> to vector<2000x128xi32>
    %eq3A_2 = vector.broadcast %iota3A : vector<1x128xi32> to vector<2000x128xi32>
    %eq3A_3 = arith.cmpi eq, %eq3A, %eq3A_2 : vector<2000x128xi32>
    %convert_element_type3A = arith.extui %eq3A_3 : vector<2000x128xi1> to vector<2000x128xi32>
    %convert_element_type3A_4 = arith.sitofp %convert_element_type3A : vector<2000x128xi32> to vector<2000x128xf32>
    %eq3A_5 = arith.constant 0 : i32
    %eq3A_6 = arith.cmpi eq, %arg0, %eq3A_5 : i32
    %convert_element_type3A_7 = arith.extui %eq3A_6 : i1 to i32
    %cond3A = arith.constant 0 : i32
    %cond3A_8 = arith.cmpi ne, %convert_element_type3A_7, %cond3A : i32
    scf.if %cond3A_8 {
      %broadcast_in_dim3A_28 = arith.constant 0.000000e+00 : f32
      %broadcast_in_dim3A_29 = vector.broadcast %broadcast_in_dim3A_28 : f32 to vector<128x128xf32>
      %swap3A_30 = arith.constant 0 : index
      %swap3A_31 = arith.constant 0 : index
      %swap3A_32 = vector.load %arg3[%swap3A_30, %swap3A_31] : memref<128x128xf32, #tpu.memory_space<vmem>>, vector<128x128xf32>
      tpu.vector_store %arg3[%swap3A_30, %swap3A_31], %broadcast_in_dim3A_29 {strides = array<i32>} : memref<128x128xf32, #tpu.memory_space<vmem>>, vector<128x128xf32>,
      %broadcast_in_dim3A_33 = arith.constant 0.000000e+00 : f32
      %broadcast_in_dim3A_34 = vector.broadcast %broadcast_in_dim3A_33 : f32 to vector<128x1xf32>
      %swap3A_35 = arith.constant 0 : index
      %swap3A_36 = arith.constant 0 : index
      %swap3A_37 = vector.load %arg4[%swap3A_35, %swap3A_36] : memref<128x1xf32, #tpu.memory_space<vmem>>, vector<128x1xf32>
      tpu.vector_store %arg4[%swap3A_35, %swap3A_36], %broadcast_in_dim3A_34 {strides = array<i32>} : memref<128x1xf32, #tpu.memory_space<vmem>>, vector<128x1xf32>,
    } else {
    }
    %get3A_9 = arith.constant 0 : index
    %get3A_10 = arith.constant 0 : index
    %get3A_11 = vector.load %arg3[%get3A_9, %get3A_10] : memref<128x128xf32, #tpu.memory_space<vmem>>, vector<128x128xf32>
    %get3A_12 = arith.constant 0 : index
    %get3A_13 = arith.constant 0 : index
    %get3A_14 = vector.load %arg1[%get3A_12, %get3A_13] : memref<2000x128xf32, #tpu.memory_space<vmem>>, vector<2000x128xf32>
    %dot_general3A = arith.constant dense<0.000000e+00> : vector<128x128xf32>
    %dot_general3A_15 = tpu.matmul %convert_element_type3A_4, %get3A_14, %dot_general3A {dimension_numbers = #tpu.dot_dimension_numbers<[0], [0], [1], [1], [0, 1, 1, 1], [], []>, transpose_lhs_hint = false} : vector<2000x128xf32>, vector<2000x128xf32>, vector<128x128xf32> -> vector<128x128xf32>
    %add3A = arith.addf %get3A_11, %dot_general3A_15 : vector<128x128xf32>
    %swap3A = arith.constant 0 : index
    %swap3A_16 = arith.constant 0 : index
    %swap3A_17 = vector.load %arg3[%swap3A, %swap3A_16] : memref<128x128xf32, #tpu.memory_space<vmem>>, vector<128x128xf32>
    tpu.vector_store %arg3[%swap3A, %swap3A_16], %add3A {strides = array<i32>} : memref<128x128xf32, #tpu.memory_space<vmem>>, vector<128x128xf32>,
    %get3A_18 = arith.constant 0 : index
    %get3A_19 = arith.constant 0 : index
    %get3A_20 = vector.load %arg4[%get3A_18, %get3A_19] : memref<128x1xf32, #tpu.memory_space<vmem>>, vector<128x1xf32>
    %broadcast_in_dim3A = arith.constant 1.000000e+00 : f32
    %broadcast_in_dim3A_21 = vector.broadcast %broadcast_in_dim3A : f32 to vector<2000x1xf32>
    %dot_general3A_22 = arith.constant dense<0.000000e+00> : vector<128x1xf32>
    %dot_general3A_23 = tpu.matmul %convert_element_type3A_4, %broadcast_in_dim3A_21, %dot_general3A_22 {dimension_numbers = #tpu.dot_dimension_numbers<[0], [0], [1], [1], [0, 1, 1, 1], [], []>, transpose_lhs_hint = false} : vector<2000x128xf32>, vector<2000x1xf32>, vector<128x1xf32> -> vector<128x1xf32>
    %add3A_24 = arith.addf %get3A_20, %dot_general3A_23 : vector<128x1xf32>
    %swap3A_25 = arith.constant 0 : index
    %swap3A_26 = arith.constant 0 : index
    %swap3A_27 = vector.load %arg4[%swap3A_25, %swap3A_26] : memref<128x1xf32, #tpu.memory_space<vmem>>, vector<128x1xf32>
    tpu.vector_store %arg4[%swap3A_25, %swap3A_26], %add3A_24 {strides = array<i32>} : memref<128x1xf32, #tpu.memory_space<vmem>>, vector<128x1xf32>,
    return
  }
  func.func @transform_0(%arg0: i32) -> (i32, i32) {
    %c0_i32 = arith.constant 0 : i32
    %c0_i32_0 = arith.constant 0 : i32
    return %arg0, %c0_i32 : i32, i32
  }
  func.func @transform_1(%arg0: i32) -> (i32, i32) {
    %c0_i32 = arith.constant 0 : i32
    %c0_i32_0 = arith.constant 0 : i32
    return %arg0, %c0_i32 : i32, i32
  }
  func.func @transform_2(%arg0: i32) -> (i32, i32) {
    %c0_i32 = arith.constant 0 : i32
    %c0_i32_0 = arith.constant 0 : i32
    %c0_i32_1 = arith.constant 0 : i32
    return %c0_i32, %c0_i32_0 : i32, i32
  }
  func.func @transform_3(%arg0: i32) -> (i32, i32) {
    %c0_i32 = arith.constant 0 : i32
    %c0_i32_0 = arith.constant 0 : i32
    %c0_i32_1 = arith.constant 0 : i32
    return %c0_i32, %c0_i32_0 : i32, i32
  }
}

module attributes {stable_mosaic.version = 14 : i64} {
  func.func @body(%arg0: memref<128x128xf32, #tpu.memory_space<vmem>>, %arg1: memref<128x1xf32, #tpu.memory_space<vmem>>, %arg2: memref<128x200xf32, #tpu.memory_space<vmem>>, %arg3: memref<128x64xf32, #tpu.memory_space<vmem>>, %arg4: memref<1x64xf32, #tpu.memory_space<vmem>>, %arg5: memref<1x64xf32, #tpu.memory_space<vmem>>, %arg6: memref<64x32xf32, #tpu.memory_space<vmem>>, %arg7: memref<1x32xf32, #tpu.memory_space<vmem>>, %arg8: memref<1x32xf32, #tpu.memory_space<vmem>>, %arg9: memref<32x128xf32, #tpu.memory_space<vmem>>, %arg10: memref<200x128xf32, #tpu.memory_space<vmem>>, %arg11: memref<1x128xf32, #tpu.memory_space<vmem>>, %arg12: memref<1x128xf32, #tpu.memory_space<vmem>>, %arg13: memref<1x128xf32, #tpu.memory_space<vmem>>, %arg14: memref<128x1xf32, #tpu.memory_space<vmem>>, %arg15: memref<1x1xf32, #tpu.memory_space<vmem>>, %arg16: memref<128x1xf32, #tpu.memory_space<vmem>>) attributes {dimension_semantics = [], scalar_prefetch = 0 : i64, scratch_operands = 0 : i64, tpu.core_type = #tpu.core_type<tc>} {
    %get3A = arith.constant 0 : index
    %get3A_0 = arith.constant 0 : index
    %get3A_1 = vector.load %arg0[%get3A, %get3A_0] : memref<128x128xf32, #tpu.memory_space<vmem>>, vector<128x128xf32>
    %get3A_2 = arith.constant 0 : index
    %get3A_3 = arith.constant 0 : index
    %get3A_4 = vector.load %arg1[%get3A_2, %get3A_3] : memref<128x1xf32, #tpu.memory_space<vmem>>, vector<128x1xf32>
    %max3A = arith.constant 1.000000e+00 : f32
    %max3A_5 = vector.broadcast %max3A : f32 to vector<128x1xf32>
    %max3A_6 = arith.maximumf %get3A_4, %max3A_5 : vector<128x1xf32>
    %div3A = arith.constant 1.000000e+00 : f32
    %div3A_7 = vector.broadcast %div3A : f32 to vector<128x1xf32>
    %div3A_8 = arith.divf %div3A_7, %max3A_6 : vector<128x1xf32>
    %mul3A = vector.broadcast %div3A_8 : vector<128x1xf32> to vector<128x128xf32>
    %mul3A_9 = arith.mulf %get3A_1, %mul3A : vector<128x128xf32>
    %get3A_10 = arith.constant 0 : index
    %get3A_11 = arith.constant 0 : index
    %get3A_12 = vector.load %arg3[%get3A_10, %get3A_11] : memref<128x64xf32, #tpu.memory_space<vmem>>, vector<128x64xf32>
    %dot_general3A = arith.constant dense<0.000000e+00> : vector<128x64xf32>
    %dot_general3A_13 = tpu.matmul %mul3A_9, %get3A_12, %dot_general3A {dimension_numbers = #tpu.dot_dimension_numbers<[1], [0], [0], [1], [0, 0, 1, 1], [], []>, transpose_lhs_hint = false} : vector<128x128xf32>, vector<128x64xf32>, vector<128x64xf32> -> vector<128x64xf32>
    %get3A_14 = arith.constant 0 : index
    %get3A_15 = arith.constant 0 : index
    %get3A_16 = vector.load %arg4[%get3A_14, %get3A_15] : memref<1x64xf32, #tpu.memory_space<vmem>>, vector<1x64xf32>
    %get3A_17 = arith.constant 0 : index
    %get3A_18 = arith.constant 0 : index
    %get3A_19 = vector.load %arg5[%get3A_17, %get3A_18] : memref<1x64xf32, #tpu.memory_space<vmem>>, vector<1x64xf32>
    %reduce_sum3A = arith.constant dense<0.000000e+00> : vector<64xf32>
    %reduce_sum3A_20 = vector.multi_reduction <add>, %dot_general3A_13, %reduce_sum3A [0] : vector<128x64xf32> to vector<64xf32>
    %div3A_21 = arith.constant 1.280000e+02 : f32
    %div3A_22 = vector.broadcast %div3A_21 : f32 to vector<64xf32>
    %div3A_23 = arith.divf %reduce_sum3A_20, %div3A_22 : vector<64xf32>
    %jit3A = arith.constant 0 : i32
    %reduce_sum3A_24 = arith.constant dense<0.000000e+00> : vector<64xf32>
    %reduce_sum3A_25 = vector.multi_reduction <add>, %dot_general3A_13, %reduce_sum3A_24 [0] : vector<128x64xf32> to vector<64xf32>
    %broadcast_in_dim3A = vector.shape_cast %reduce_sum3A_25 : vector<64xf32> to vector<1x64xf32>
    %div3A_26 = arith.constant 1.280000e+02 : f32
    %div3A_27 = vector.broadcast %div3A_26 : f32 to vector<1x64xf32>
    %div3A_28 = arith.divf %broadcast_in_dim3A, %div3A_27 : vector<1x64xf32>
    %sub3A = vector.broadcast %div3A_28 : vector<1x64xf32> to vector<128x64xf32>
    %sub3A_29 = arith.subf %dot_general3A_13, %sub3A : vector<128x64xf32>
    %square3A = arith.mulf %sub3A_29, %sub3A_29 : vector<128x64xf32>
    %convert_element_type3A = arith.sitofp %jit3A : i32 to f32
    %sub3A_30 = arith.constant 1.280000e+02 : f32
    %sub3A_31 = arith.subf %sub3A_30, %convert_element_type3A : f32
    %reduce_sum3A_32 = arith.constant dense<0.000000e+00> : vector<64xf32>
    %reduce_sum3A_33 = vector.multi_reduction <add>, %square3A, %reduce_sum3A_32 [0] : vector<128x64xf32> to vector<64xf32>
    %div3A_34 = vector.broadcast %sub3A_31 : f32 to vector<64xf32>
    %div3A_35 = arith.divf %reduce_sum3A_33, %div3A_34 : vector<64xf32>
    %gt3A = arith.constant 0.000000e+00 : f32
    %gt3A_36 = arith.cmpf ogt, %sub3A_31, %gt3A : f32
    %jit3A_37 = arith.constant 0x7FC00000 : f32
    %broadcast_in_dim3A_38 = vector.broadcast %jit3A_37 : f32 to vector<64xf32>
    %select_n3A = arith.select %gt3A_36, %div3A_35, %broadcast_in_dim3A_38 : vector<64xf32>
    %broadcast_in_dim3A_39 = vector.shape_cast %div3A_23 : vector<64xf32> to vector<1x64xf32>
    %sub3A_40 = vector.broadcast %broadcast_in_dim3A_39 : vector<1x64xf32> to vector<128x64xf32>
    %sub3A_41 = arith.subf %dot_general3A_13, %sub3A_40 : vector<128x64xf32>
    %add3A = arith.constant 9.99999974E-6 : f32
    %add3A_42 = vector.broadcast %add3A : f32 to vector<64xf32>
    %add3A_43 = arith.addf %select_n3A, %add3A_42 : vector<64xf32>
    %rsqrt3A = math.rsqrt %add3A_43 : vector<64xf32>
    %broadcast_in_dim3A_44 = vector.shape_cast %rsqrt3A : vector<64xf32> to vector<1x64xf32>
    %mul3A_45 = vector.broadcast %broadcast_in_dim3A_44 : vector<1x64xf32> to vector<128x64xf32>
    %mul3A_46 = arith.mulf %sub3A_41, %mul3A_45 : vector<128x64xf32>
    %mul3A_47 = vector.broadcast %get3A_16 : vector<1x64xf32> to vector<128x64xf32>
    %mul3A_48 = arith.mulf %mul3A_46, %mul3A_47 : vector<128x64xf32>
    %add3A_49 = vector.broadcast %get3A_19 : vector<1x64xf32> to vector<128x64xf32>
    %add3A_50 = arith.addf %mul3A_48, %add3A_49 : vector<128x64xf32>
    %max3A_51 = arith.constant 0.000000e+00 : f32
    %max3A_52 = vector.broadcast %max3A_51 : f32 to vector<128x64xf32>
    %max3A_53 = arith.maximumf %add3A_50, %max3A_52 : vector<128x64xf32>
    %get3A_54 = arith.constant 0 : index
    %get3A_55 = arith.constant 0 : index
    %get3A_56 = vector.load %arg6[%get3A_54, %get3A_55] : memref<64x32xf32, #tpu.memory_space<vmem>>, vector<64x32xf32>
    %dot_general3A_57 = arith.constant dense<0.000000e+00> : vector<128x32xf32>
    %dot_general3A_58 = tpu.matmul %max3A_53, %get3A_56, %dot_general3A_57 {dimension_numbers = #tpu.dot_dimension_numbers<[1], [0], [0], [1], [0, 0, 1, 1], [], []>, transpose_lhs_hint = false} : vector<128x64xf32>, vector<64x32xf32>, vector<128x32xf32> -> vector<128x32xf32>
    %get3A_59 = arith.constant 0 : index
    %get3A_60 = arith.constant 0 : index
    %get3A_61 = vector.load %arg7[%get3A_59, %get3A_60] : memref<1x32xf32, #tpu.memory_space<vmem>>, vector<1x32xf32>
    %get3A_62 = arith.constant 0 : index
    %get3A_63 = arith.constant 0 : index
    %get3A_64 = vector.load %arg8[%get3A_62, %get3A_63] : memref<1x32xf32, #tpu.memory_space<vmem>>, vector<1x32xf32>
    %reduce_sum3A_65 = arith.constant dense<0.000000e+00> : vector<32xf32>
    %reduce_sum3A_66 = vector.multi_reduction <add>, %dot_general3A_58, %reduce_sum3A_65 [0] : vector<128x32xf32> to vector<32xf32>
    %div3A_67 = arith.constant 1.280000e+02 : f32
    %div3A_68 = vector.broadcast %div3A_67 : f32 to vector<32xf32>
    %div3A_69 = arith.divf %reduce_sum3A_66, %div3A_68 : vector<32xf32>
    %jit3A_70 = arith.constant 0 : i32
    %reduce_sum3A_71 = arith.constant dense<0.000000e+00> : vector<32xf32>
    %reduce_sum3A_72 = vector.multi_reduction <add>, %dot_general3A_58, %reduce_sum3A_71 [0] : vector<128x32xf32> to vector<32xf32>
    %broadcast_in_dim3A_73 = vector.shape_cast %reduce_sum3A_72 : vector<32xf32> to vector<1x32xf32>
    %div3A_74 = arith.constant 1.280000e+02 : f32
    %div3A_75 = vector.broadcast %div3A_74 : f32 to vector<1x32xf32>
    %div3A_76 = arith.divf %broadcast_in_dim3A_73, %div3A_75 : vector<1x32xf32>
    %sub3A_77 = vector.broadcast %div3A_76 : vector<1x32xf32> to vector<128x32xf32>
    %sub3A_78 = arith.subf %dot_general3A_58, %sub3A_77 : vector<128x32xf32>
    %square3A_79 = arith.mulf %sub3A_78, %sub3A_78 : vector<128x32xf32>
    %convert_element_type3A_80 = arith.sitofp %jit3A_70 : i32 to f32
    %sub3A_81 = arith.constant 1.280000e+02 : f32
    %sub3A_82 = arith.subf %sub3A_81, %convert_element_type3A_80 : f32
    %reduce_sum3A_83 = arith.constant dense<0.000000e+00> : vector<32xf32>
    %reduce_sum3A_84 = vector.multi_reduction <add>, %square3A_79, %reduce_sum3A_83 [0] : vector<128x32xf32> to vector<32xf32>
    %div3A_85 = vector.broadcast %sub3A_82 : f32 to vector<32xf32>
    %div3A_86 = arith.divf %reduce_sum3A_84, %div3A_85 : vector<32xf32>
    %gt3A_87 = arith.constant 0.000000e+00 : f32
    %gt3A_88 = arith.cmpf ogt, %sub3A_82, %gt3A_87 : f32
    %jit3A_89 = arith.constant 0x7FC00000 : f32
    %broadcast_in_dim3A_90 = vector.broadcast %jit3A_89 : f32 to vector<32xf32>
    %select_n3A_91 = arith.select %gt3A_88, %div3A_86, %broadcast_in_dim3A_90 : vector<32xf32>
    %broadcast_in_dim3A_92 = vector.shape_cast %div3A_69 : vector<32xf32> to vector<1x32xf32>
    %sub3A_93 = vector.broadcast %broadcast_in_dim3A_92 : vector<1x32xf32> to vector<128x32xf32>
    %sub3A_94 = arith.subf %dot_general3A_58, %sub3A_93 : vector<128x32xf32>
    %add3A_95 = arith.constant 9.99999974E-6 : f32
    %add3A_96 = vector.broadcast %add3A_95 : f32 to vector<32xf32>
    %add3A_97 = arith.addf %select_n3A_91, %add3A_96 : vector<32xf32>
    %rsqrt3A_98 = math.rsqrt %add3A_97 : vector<32xf32>
    %broadcast_in_dim3A_99 = vector.shape_cast %rsqrt3A_98 : vector<32xf32> to vector<1x32xf32>
    %mul3A_100 = vector.broadcast %broadcast_in_dim3A_99 : vector<1x32xf32> to vector<128x32xf32>
    %mul3A_101 = arith.mulf %sub3A_94, %mul3A_100 : vector<128x32xf32>
    %mul3A_102 = vector.broadcast %get3A_61 : vector<1x32xf32> to vector<128x32xf32>
    %mul3A_103 = arith.mulf %mul3A_101, %mul3A_102 : vector<128x32xf32>
    %add3A_104 = vector.broadcast %get3A_64 : vector<1x32xf32> to vector<128x32xf32>
    %add3A_105 = arith.addf %mul3A_103, %add3A_104 : vector<128x32xf32>
    %max3A_106 = arith.constant 0.000000e+00 : f32
    %max3A_107 = vector.broadcast %max3A_106 : f32 to vector<128x32xf32>
    %max3A_108 = arith.maximumf %add3A_105, %max3A_107 : vector<128x32xf32>
    %get3A_109 = arith.constant 0 : index
    %get3A_110 = arith.constant 0 : index
    %get3A_111 = vector.load %arg9[%get3A_109, %get3A_110] : memref<32x128xf32, #tpu.memory_space<vmem>>, vector<32x128xf32>
    %dot_general3A_112 = arith.constant dense<0.000000e+00> : vector<128x128xf32>
    %dot_general3A_113 = tpu.matmul %max3A_108, %get3A_111, %dot_general3A_112 {dimension_numbers = #tpu.dot_dimension_numbers<[1], [0], [0], [1], [0, 0, 1, 1], [], []>, transpose_lhs_hint = false} : vector<128x32xf32>, vector<32x128xf32>, vector<128x128xf32> -> vector<128x128xf32>
    %get3A_114 = arith.constant 0 : index
    %get3A_115 = arith.constant 0 : index
    %get3A_116 = vector.load %arg2[%get3A_114, %get3A_115] : memref<128x200xf32, #tpu.memory_space<vmem>>, vector<128x200xf32>
    %get3A_117 = arith.constant 0 : index
    %get3A_118 = arith.constant 0 : index
    %get3A_119 = vector.load %arg10[%get3A_117, %get3A_118] : memref<200x128xf32, #tpu.memory_space<vmem>>, vector<200x128xf32>
    %dot_general3A_120 = arith.constant dense<0.000000e+00> : vector<128x128xf32>
    %dot_general3A_121 = tpu.matmul %get3A_116, %get3A_119, %dot_general3A_120 {dimension_numbers = #tpu.dot_dimension_numbers<[1], [0], [0], [1], [0, 0, 1, 1], [], []>, transpose_lhs_hint = false} : vector<128x200xf32>, vector<200x128xf32>, vector<128x128xf32> -> vector<128x128xf32>
    %add3A_122 = arith.addf %dot_general3A_113, %dot_general3A_121 : vector<128x128xf32>
    %get3A_123 = arith.constant 0 : index
    %get3A_124 = arith.constant 0 : index
    %get3A_125 = vector.load %arg11[%get3A_123, %get3A_124] : memref<1x128xf32, #tpu.memory_space<vmem>>, vector<1x128xf32>
    %add3A_126 = vector.broadcast %get3A_125 : vector<1x128xf32> to vector<128x128xf32>
    %add3A_127 = arith.addf %add3A_122, %add3A_126 : vector<128x128xf32>
    %max3A_128 = arith.constant 0.000000e+00 : f32
    %max3A_129 = vector.broadcast %max3A_128 : f32 to vector<128x128xf32>
    %max3A_130 = arith.maximumf %add3A_127, %max3A_129 : vector<128x128xf32>
    %get3A_131 = arith.constant 0 : index
    %get3A_132 = arith.constant 0 : index
    %get3A_133 = vector.load %arg12[%get3A_131, %get3A_132] : memref<1x128xf32, #tpu.memory_space<vmem>>, vector<1x128xf32>
    %get3A_134 = arith.constant 0 : index
    %get3A_135 = arith.constant 0 : index
    %get3A_136 = vector.load %arg13[%get3A_134, %get3A_135] : memref<1x128xf32, #tpu.memory_space<vmem>>, vector<1x128xf32>
    %reduce_sum3A_137 = arith.constant dense<0.000000e+00> : vector<128xf32>
    %reduce_sum3A_138 = vector.multi_reduction <add>, %max3A_130, %reduce_sum3A_137 [0] : vector<128x128xf32> to vector<128xf32>
    %div3A_139 = arith.constant 1.280000e+02 : f32
    %div3A_140 = vector.broadcast %div3A_139 : f32 to vector<128xf32>
    %div3A_141 = arith.divf %reduce_sum3A_138, %div3A_140 : vector<128xf32>
    %jit3A_142 = arith.constant 0 : i32
    %reduce_sum3A_143 = arith.constant dense<0.000000e+00> : vector<128xf32>
    %reduce_sum3A_144 = vector.multi_reduction <add>, %max3A_130, %reduce_sum3A_143 [0] : vector<128x128xf32> to vector<128xf32>
    %broadcast_in_dim3A_145 = vector.shape_cast %reduce_sum3A_144 : vector<128xf32> to vector<1x128xf32>
    %div3A_146 = arith.constant 1.280000e+02 : f32
    %div3A_147 = vector.broadcast %div3A_146 : f32 to vector<1x128xf32>
    %div3A_148 = arith.divf %broadcast_in_dim3A_145, %div3A_147 : vector<1x128xf32>
    %sub3A_149 = vector.broadcast %div3A_148 : vector<1x128xf32> to vector<128x128xf32>
    %sub3A_150 = arith.subf %max3A_130, %sub3A_149 : vector<128x128xf32>
    %square3A_151 = arith.mulf %sub3A_150, %sub3A_150 : vector<128x128xf32>
    %convert_element_type3A_152 = arith.sitofp %jit3A_142 : i32 to f32
    %sub3A_153 = arith.constant 1.280000e+02 : f32
    %sub3A_154 = arith.subf %sub3A_153, %convert_element_type3A_152 : f32
    %reduce_sum3A_155 = arith.constant dense<0.000000e+00> : vector<128xf32>
    %reduce_sum3A_156 = vector.multi_reduction <add>, %square3A_151, %reduce_sum3A_155 [0] : vector<128x128xf32> to vector<128xf32>
    %div3A_157 = vector.broadcast %sub3A_154 : f32 to vector<128xf32>
    %div3A_158 = arith.divf %reduce_sum3A_156, %div3A_157 : vector<128xf32>
    %gt3A_159 = arith.constant 0.000000e+00 : f32
    %gt3A_160 = arith.cmpf ogt, %sub3A_154, %gt3A_159 : f32
    %jit3A_161 = arith.constant 0x7FC00000 : f32
    %broadcast_in_dim3A_162 = vector.broadcast %jit3A_161 : f32 to vector<128xf32>
    %select_n3A_163 = arith.select %gt3A_160, %div3A_158, %broadcast_in_dim3A_162 : vector<128xf32>
    %broadcast_in_dim3A_164 = vector.shape_cast %div3A_141 : vector<128xf32> to vector<1x128xf32>
    %sub3A_165 = vector.broadcast %broadcast_in_dim3A_164 : vector<1x128xf32> to vector<128x128xf32>
    %sub3A_166 = arith.subf %max3A_130, %sub3A_165 : vector<128x128xf32>
    %add3A_167 = arith.constant 9.99999974E-6 : f32
    %add3A_168 = vector.broadcast %add3A_167 : f32 to vector<128xf32>
    %add3A_169 = arith.addf %select_n3A_163, %add3A_168 : vector<128xf32>
    %rsqrt3A_170 = math.rsqrt %add3A_169 : vector<128xf32>
    %broadcast_in_dim3A_171 = vector.shape_cast %rsqrt3A_170 : vector<128xf32> to vector<1x128xf32>
    %mul3A_172 = vector.broadcast %broadcast_in_dim3A_171 : vector<1x128xf32> to vector<128x128xf32>
    %mul3A_173 = arith.mulf %sub3A_166, %mul3A_172 : vector<128x128xf32>
    %mul3A_174 = vector.broadcast %get3A_133 : vector<1x128xf32> to vector<128x128xf32>
    %mul3A_175 = arith.mulf %mul3A_173, %mul3A_174 : vector<128x128xf32>
    %add3A_176 = vector.broadcast %get3A_136 : vector<1x128xf32> to vector<128x128xf32>
    %add3A_177 = arith.addf %mul3A_175, %add3A_176 : vector<128x128xf32>
    %get3A_178 = arith.constant 0 : index
    %get3A_179 = arith.constant 0 : index
    %get3A_180 = vector.load %arg14[%get3A_178, %get3A_179] : memref<128x1xf32, #tpu.memory_space<vmem>>, vector<128x1xf32>
    %dot_general3A_181 = arith.constant dense<0.000000e+00> : vector<128x1xf32>
    %dot_general3A_182 = tpu.matmul %add3A_177, %get3A_180, %dot_general3A_181 {dimension_numbers = #tpu.dot_dimension_numbers<[1], [0], [0], [1], [0, 0, 1, 1], [], []>, transpose_lhs_hint = false} : vector<128x128xf32>, vector<128x1xf32>, vector<128x1xf32> -> vector<128x1xf32>
    %get3A_183 = arith.constant 0 : index
    %get3A_184 = arith.constant 0 : index
    %get3A_185 = vector.load %arg15[%get3A_183, %get3A_184] : memref<1x1xf32, #tpu.memory_space<vmem>>, vector<1x1xf32>
    %add3A_186 = vector.broadcast %get3A_185 : vector<1x1xf32> to vector<128x1xf32>
    %add3A_187 = arith.addf %dot_general3A_182, %add3A_186 : vector<128x1xf32>
    %swap3A = arith.constant 0 : index
    %swap3A_188 = arith.constant 0 : index
    %swap3A_189 = vector.load %arg16[%swap3A, %swap3A_188] : memref<128x1xf32, #tpu.memory_space<vmem>>, vector<128x1xf32>
    tpu.vector_store %arg16[%swap3A, %swap3A_188], %add3A_187 {strides = array<i32>} : memref<128x1xf32, #tpu.memory_space<vmem>>, vector<128x1xf32>,
    return
  }
}

</mosaic_0001>

<sc_bundles>
// kernel: kernel.19.cloned.1.call-start
scs
__scs_entry_jumppad:
0x0: {  	(pc) =	sbr.rel $0x88, $3  }
0x1: {  	(tag) =	ssettag $0x0;
	lr =	simm.s32 $0x1  }
0x2: {  	[smem:$0x3F87] =	sst lr;
	_ =	strace $0xD0000000  }
0x3: {  	_ = 	snop  }
0x4: {  	_ = 	snop  }
0x5: {  	_ = 	snop  }
0x6: {  	_ = 	snop  }
0x7: {  	_ = 	snop  }
__scs_overlays_trampoline_lowered:
0x8: {  	[smem:$0x3F96] =	sst s0  }
0x9: {  	[smem:$0x3F97] =	sst s1  }
0xa: {  	[smem:$0x3F98] =	sst s2  }
0xb: {  	[smem:$0x3F99] =	sst s3  }
0xc: {  	[smem:$0x3F9A] =	sst s4  }
0xd: {  	[smem:$0x3F9B] =	sst s5  }
0xe: {  	[smem:$0x3F9C] =	sst s6  }
0xf: {  	[smem:$0x3F9D] =	sst s7  }
0x10: {  	[smem:$0x3F9E] =	sst s8  }
0x11: {  	[smem:$0x3F9F] =	sst s9;
	s0 =	simm.s32 @!p0 $0x0  }
0x12: {  	s1 =	sld [smem:$0x3F85];
	s0 =	simm.s32 @p0 $0x1  }
0x13: {  	[smem:$0x3FA0] =	sst s0;
	s0 =	simm.s32 @!p1 $0x0  }
0x14: {  	s2 =	sld [smem:$0x3F84];
	s0 =	simm.s32 @p1 $0x1  }
0x15: {  	[smem:$0x3FA1] =	sst s0;
	s0 =	simm.s32 @!p2 $0x0  }
0x16: {  	s3 =	sld [smem:$0x3FDB];
	s0 =	simm.s32 @p2 $0x1  }
0x17: {  	s4 =	simm.s32 $0x1BF5;
	[smem:$0x3FA3] =	sst s0  }
0x18: {  	s0 =	sld [smem:$0x3F86];
	_ =	swait.ge [sflag:s4], $0x0  }
0x19: {  	s7 =	sld [smem:$0x3F87]  }
0x1a: {  	s8 =	sadd.s32 $0xFFFFE003, lr  }
0x1b: {  	s9 =	sadd.s32 $0xFFFFFEF7, lr;
	s5 =	simm.s32 $0xFFFFFFFF;
	p2 =	slt.u32 s8, $0xFFFFF086  }
0x1c: {  	p1 =	slt.u32 s9, $0xF7A;
	s5 =	simm.s32 @!p2 $0x0  }
0x1d: {  	s5 =	simm.s32 @p1 $0x1;
	p0 =	seq.s32 s7, s2  }
0x1e: {  	s7 =	smul.u32 @!p0 $0xF7A, s2;
	p2 =	seq.s32 @!p0 s5, $0x0  }
0x1f: {  	s9 =	smul.u32 $0xF7A, s1;
	s8 =	simm.s32 @!p0 $0x1BF5;
	p2 =	por !p2, p0  }
0x20: {  	[sflag:s8] =	ssyncset.s32 @!p0 $0xFFFFF086;
	s6 =	sadd.s32 @!p0 s3, s7;
	s7 =	simm.s32 @!p0 $0x108  }
0x21: {  	s3 =	sadd.s32 s3, s9;
	s6 =	sadd.s32 @!p0 $0x88, s6;
	s7 =	simm.s32 @p2 $0x1082  }
0x22: {  	[simem:s7], [sflag:s8] =	dma.local @!p0 [hbm:s6], $0xF7A  }
0x23: {  	s9 =	sor.u32 $0xD0000000, s2;
	s6 =	simm.s32 $0x108;
	_ =	swait.ge @!p0 [sflag:s8], $0x0  }
0x24: {  	s3 =	sadd.s32 $0x88, s3;
	s6 =	simm.s32 @!p1 $0x1082;
	[sflag:s4] =	ssyncset.s32 $0xFFFFF086  }
0x25: {  	[simem:s6], [sflag:s4] =	dma.local [hbm:s3], $0xF7A  }
0x26: {  	[smem:$0x3F87] =	sst s1;
	(tag) =	ssettag s2;
	_ =	strace s9  }
0x27: {  	s1 =	sld [smem:$0x3F97]  }
0x28: {  	s2 =	sld [smem:$0x3F98]  }
0x29: {  	s4 =	sld [smem:$0x3F9A]  }
0x2a: {  	p0 =	seq.s32 s5, $0x0;
	s5 =	sld [smem:$0x3F9B]  }
0x2b: {  	s6 =	sld [smem:$0x3F9C]  }
0x2c: {  	s7 =	sld [smem:$0x3F9D]  }
0x2d: {  	s3 =	simm.s32 $0x108;
	s8 =	sld [smem:$0x3F9E]  }
0x2e: {  	s3 =	simm.s32 @!p0 $0x1082;
	s9 =	sld [smem:$0x3F9F]  }
0x2f: {  	lr =	sadd.s32 s0, s3;
	s0 =	sld [smem:$0x3F96]  }
0x30: {  	s3 =	sld [smem:$0x3F99]  }
0x31: {  	[smem:$0x3FA2] =	sst s10  }
0x32: {  	s10 =	sld [smem:$0x3FA0];
	_ =	sdelay $0x3  }
0x33: {  	p0 =	seq.s32 s10, $0x1;
	s10 =	sld [smem:$0x3FA2];
	_ =	sdelay $0x3  }
0x34: {  	[smem:$0x3FA2] =	sst s10  }
0x35: {  	s10 =	sld [smem:$0x3FA1];
	_ =	sdelay $0x3  }
0x36: {  	p1 =	seq.s32 s10, $0x1;
	s10 =	sld [smem:$0x3FA2];
	_ =	sdelay $0x3  }
0x37: {  	[smem:$0x3FA2] =	sst s10  }
0x38: {  	s10 =	sld [smem:$0x3FA3]  }
0x39: {  	_ = 	snop;
	(pc) =	sbr.ind lr, $3  }
0x3a: {  	_ = 	snop  }
0x3b: {  	_ = 	snop  }
0x3c: {  	p2 =	seq.s32 s10, $0x1;
	s10 =	sld [smem:$0x3FA2]  }
0x3d: {  	_ =	shalt  }
0x3e: {  	_ =	shalt  }
0x3f: {  	_ =	shalt  }
0x40: {  	_ =	shalt  }
0x41: {  	_ =	shalt  }
0x42: {  	_ =	shalt  }
0x43: {  	_ =	shalt  }
0x44: {  	_ =	shalt  }
0x45: {  	_ =	shalt  }
0x46: {  	_ =	shalt  }
0x47: {  	_ =	shalt  }
0x48: {  	_ =	shalt  }
0x49: {  	_ =	shalt  }
0x4a: {  	_ =	shalt  }
0x4b: {  	_ =	shalt  }
0x4c: {  	_ =	shalt  }
0x4d: {  	_ =	shalt  }
0x4e: {  	_ =	shalt  }
0x4f: {  	_ =	shalt  }
0x50: {  	_ =	shalt  }
0x51: {  	_ =	shalt  }
0x52: {  	_ =	shalt  }
0x53: {  	_ =	shalt  }
0x54: {  	_ =	shalt  }
0x55: {  	_ =	shalt  }
0x56: {  	_ =	shalt  }
0x57: {  	_ =	shalt  }
0x58: {  	_ =	shalt  }
0x59: {  	_ =	shalt  }
0x5a: {  	_ =	shalt  }
0x5b: {  	_ =	shalt  }
0x5c: {  	_ =	shalt  }
0x5d: {  	_ =	shalt  }
0x5e: {  	_ =	shalt  }
0x5f: {  	_ =	shalt  }
0x60: {  	_ =	shalt  }
0x61: {  	_ =	shalt  }
0x62: {  	_ =	shalt  }
0x63: {  	_ =	shalt  }
0x64: {  	_ =	shalt  }
0x65: {  	_ =	shalt  }
0x66: {  	_ =	shalt  }
0x67: {  	_ =	shalt  }
0x68: {  	_ =	shalt  }
0x69: {  	_ =	shalt  }
0x6a: {  	_ =	shalt  }
0x6b: {  	_ =	shalt  }
0x6c: {  	_ =	shalt  }
0x6d: {  	_ =	shalt  }
0x6e: {  	_ =	shalt  }
0x6f: {  	_ =	shalt  }
0x70: {  	_ =	shalt  }
0x71: {  	_ =	shalt  }
0x72: {  	_ =	shalt  }
0x73: {  	_ =	shalt  }
0x74: {  	_ =	shalt  }
0x75: {  	_ =	shalt  }
0x76: {  	_ =	shalt  }
0x77: {  	_ =	shalt  }
0x78: {  	_ =	shalt  }
0x79: {  	_ =	shalt  }
0x7a: {  	_ =	shalt  }
0x7b: {  	_ =	shalt  }
0x7c: {  	_ =	shalt  }
0x7d: {  	_ =	shalt  }
0x7e: {  	_ =	shalt  }
0x7f: {  	_ =	shalt  }
0x80: {  	_ =	shalt  }
0x81: {  	_ =	shalt  }
0x82: {  	_ =	shalt  }
0x83: {  	_ =	shalt  }
0x84: {  	_ =	shalt  }
0x85: {  	_ =	shalt  }
0x86: {  	_ =	shalt  }
0x87: {  	_ =	shalt  }
.Lfunc_end0:
.L_simem_size_0:
called_computation_lowered:
.L_overlay_start_0:
0x88: {  	s2 =	sld [smem:$0x3FD9]  }
0x89: {  	s3 =	sld [smem:$0x3FFE];
	_ =	sdelay $0x1  }
0x8a: {  	s1 =	srdreg.scid  }
0x8b: {  	s0 =	sand.u32 $0x1, s1  }
0x8c: {  	s16 =	sshll.u32 s0, $0xA;
	s2 =	sadd.s32 s3, s2  }
0x8d: {  	s2 =	sadd.s32 s2, s16  }
0x8e: {  	[smem:$0x3FAE] =	sst s2  }
0x8f: {  	_ = 	snop  }
0x90: {  	(tm) =	ssettm $0x1  }
0x91: {  	s17 =	sld [smem:$0x3FFB];
	_ =	sdelay $0x3  }
0x92: {  	_ =	strace s17  }
0x93: {  	s2 =	sld [smem:$0x3FFC];
	_ =	sdelay $0x3  }
0x94: {  	_ =	strace s2  }
0x95: {  	s2 =	sld [smem:$0x3FFD];
	_ =	sdelay $0x3  }
0x96: {  	_ =	strace s2  }
0x97: {  	_ =	strace $0x8FFFFFFF  }
0x98: {  	s18 =	sld [smem:$0x3FDB];
	_ =	sdelay $0x1  }
0x99: {  	s19 =	simm.s32 $_scs_section_size  }
0x9a: {  	s4 =	simm.s32 $_size__tile_overlayer_lowered;
	s5 =	simm.s32 $_tile_overlayer_lowered  }
0x9b: {  	s22 =	simm.s32 $0x1BFF;
	s21 =	sshll.u32 s5, $0x1;
	s2 =	sadd.s32 s19, s18  }
0x9c: {  	s6 =	simm.s32 $0x0;
	s20 =	sshll.u32 s4, $0x1;
	s4 =	sadd.s32 s21, s2  }
0x9d: {  	[timem:s6], [sflag:s22] =	dma.local [hbm:s4], s20  }
0x9e: {  	_ =	swait.ge [sflag:s22], s20  }
0x9f: {  	s3 =	ssub.s32 $0x0, s20;
	[sflag:s22] =	ssyncset.done $0x0  }
0xa0: {  	[sflag:s22] =	ssyncadd.s32 s3;
	_ =	sdelay $0x1  }
0xa1: {  	s23 =	simm.s32 $0x1B8B  }
0xa2: {  	_ =	swait.ge [sflag:s23], $0x1  }
0xa3: {  	[sflag:s23] =	ssyncset.done $0x0  }
0xa4: {  	s25 =	simm.s32 $0x1B8E;
	s24 =	sld [smem:$0x3FFE];
	[sflag:s23] =	ssyncadd.s32 $0xFFFFFFFF  }
0xa5: {  	s26 =	simm.s32 $execute0_lowered;
	[smem:$0x3FD2] =	sst s25  }
0xa6: {  	s4 =	sshll.u32 s26, $0x1;
	_ =	strace $0x80000046;
	[dreg:$0x1] =	wrdreg $0xFFFFFFFF  }
0xa7: {  	s28 =	simm.s32 $_size_execute0_lowered;
	s2 =	sadd.s32 s2, s4;
	[dreg:$0x0] =	wrdreg $0x0  }
0xa8: {  	s4 =	sshll.u32 s28, $0x1;
	[dreg:$0x2] =	wrdreg s2  }
0xa9: {  	[dreg:$0x3] =	wrdreg s4  }
0xaa: {  	[dreg:$0x4] =	wrdreg $0xC0  }
0xab: {  	_ =	task [dreg:s6], $0x5FFFF  }
0xac: {  	[dreg:$0x1] =	wrdreg $0xFFFFFFFF  }
0xad: {  	[dreg:$0x0] =	wrdreg $0x60  }
0xae: {  	[dreg:$0x2] =	wrdreg s24  }
0xaf: {  	[dreg:$0x3] =	wrdreg $0x2B000  }
0xb0: {  	[dreg:$0x4] =	wrdreg $0x9  }
0xb1: {  	_ =	task.clear_ibuf [dreg:s6], $0x5FFFF;
	_ =	strace $0x90000046  }
0xb2: {  	s29 =	simm.s32 $0x9;
	_ =	strace $0x80000048  }
0xb3: {  	_ =	swait.ge [sflag:s29], $0x1  }
0xb4: {  	[sflag:s29] =	ssyncadd.s32 $0xFFFFFFFF  }
0xb5: {  	_ =	strace $0x90000048  }
0xb6: {  	_ =	sfence  }
0xb7: {  	s30 =	sld [smem:$0x0];
	_ =	sdelay $0x2  }
0xb8: {  	s31 =	sshll.u32 s1, $0xD;
	s1 =	sshrl.u32 s1, $0x2  }
0xb9: {  	s3 =	sand.u32 $0x4000, s31;
	s1 =	sadd.s32 s1, s30  }
0xba: {  	s0 =	sor.u32 s3, s0;
	s1 =	sshll.u32 s1, $0x11  }
0xbb: {  	s0 =	sor.u32 s1, s0  }
0xbc: {  	s0 =	sadd.s32 $0x8F2B, s0  }
0xbd: {  	[sflag:s0] =	ssyncadd.remote.s32 $0x1  }
0xbe: {  	_ =	sfence.sel $0xFFFF  }
0xbf: {  	[dreg:$0x0] =	wrdreg $0xFFFFFFFF;
	(pc) =	sbr.abs _section_cstart, $3  }
0xc0: {  	[dreg:$0x1] =	wrdreg $0xFFFFFFFF  }
0xc1: {  	_ =	task.clear_ibuf [dreg:s6], $0x2FFFF;
	_ =	strace $0x9FFFFFFF  }
0xc2: {  	(tm) =	ssettm $0x7FFFFFFF  }
0xc3: {  	_ =	shalt  }
tec
execute0_lowered:
.L_overlay_start_1:
0x0: {  	(tag) =	ssettag $0x1  }
0x1: {  	s4 =	rddreg [dreg:$0x0]  }
0x2: {  	s2 =	rddreg [dreg:$0x1]  }
0x3: {  	s3 =	srdreg.scid;
	s1 =	stileid.u32  }
0x4: {  	s0 =	rddreg [dreg:$0x2];
	s10 =	simm.s32 $0x80;
	s11 =	simm.s32 $0x2800  }
0x5: {  	s14 =	simm.s32 $0x20;
	s15 =	simm.s32 $0x10;
	s16 =	simm.s32 $0x0  }
0x6: {  	s5 =	sand.u32 $0x1, s3;
	s6 =	sshll.u32 s1, $0x1;
	s7 =	smul.u32 $0x500, s1  }
0x7: {  	s3 =	simm.s32 $0x0;
	s30 =	smul.u32 $0xA00, s1;
	s12 =	sshll.u32 s1, $0x6  }
0x8: {  	s6 =	sor.u32 s5, s6;
	[smem:$0x7FF] =	sst s3;
	s8 =	sshll.u32 s5, $0x7  }
0x9: {  	s5 =	ssub.s32 $0x2, s5;
	s12 =	sor.u32 $0x1C01, s12;
	s6 =	smul.u32 $0x500, s6  }
0xa: {  	_ =	strace $0x80000047;
	s7 =	sor.u32 s8, s7;
	s31 =	sshrl.u32 s5, $0x1  }
0xb: {  	s8 =	sshrl.u32 s30, $0x2;
	s7 =	sshrl.u32 s7, $0x3;
	s9 =	ssub.s32 s5, s31  }
0xc: {  	s6 =	sadd.s32 s6, s4;
	s7 =	sadd.s32 s7, s4;
	s4 =	sadd.s32 s8, s2  }
0xd: {  	s8 =	simm.s32 $0x2880;
	s5 =	sadd.s32 $0x9C00, s6;
	s6 =	sadd.s32 $0x13C00, s7  }
0xe: {  	v0 =	vimm.f32 $1.000000000e+00;
	v1 =	vimm.f32 $0.0e+00;
	s7 =	smax.u32 s9, $0x1;
	s9 =	simm.s32 $0x1;
	s13 =	sshrl.u32 s4, $0x3  }
.LBB2_1:
0xf: {  	[tilespmem:$0x2800] =	vst v0  }
0x10: {  	[tilespmem:$0x2810] =	vst v0  }
0x11: {  	[tilespmem:$0x2820] =	vst v0  }
0x12: {  	[tilespmem:$0x2830] =	vst v0  }
0x13: {  	[tilespmem:$0x2840] =	vst v0  }
0x14: {  	[tilespmem:$0x2850] =	vst v0  }
0x15: {  	[tilespmem:$0x2860] =	vst v0  }
0x16: {  	[tilespmem:$0x2870] =	vst v0  }
0x17: {  	[tilespmem:$0x2880] =	vst v1  }
0x18: {  	[tilespmem:$0x2890] =	vst v1  }
0x19: {  	[tilespmem:$0x28A0] =	vst v1  }
0x1a: {  	[tilespmem:$0x28B0] =	vst v1  }
0x1b: {  	[tilespmem:$0x28C0] =	vst v1  }
0x1c: {  	[tilespmem:$0x28D0] =	vst v1  }
0x1d: {  	[tilespmem:$0x28E0] =	vst v1  }
0x1e: {  	[tilespmem:$0x28F0] =	vst v1  }
0x1f: {  	[tilespmem:$0x2900] =	vst v1  }
0x20: {  	[tilespmem:$0x2910] =	vst v1  }
0x21: {  	[tilespmem:$0x2920] =	vst v1  }
0x22: {  	[tilespmem:$0x2930] =	vst v1  }
0x23: {  	[tilespmem:$0x2940] =	vst v1  }
0x24: {  	[tilespmem:$0x2950] =	vst v1  }
0x25: {  	[tilespmem:$0x2960] =	vst v1  }
0x26: {  	[tilespmem:$0x2970] =	vst v1  }
0x27: {  	[tilespmem:$0x2980] =	vst v1  }
0x28: {  	[tilespmem:$0x2990] =	vst v1  }
0x29: {  	[tilespmem:$0x29A0] =	vst v1  }
0x2a: {  	[tilespmem:$0x29B0] =	vst v1  }
0x2b: {  	[tilespmem:$0x29C0] =	vst v1  }
0x2c: {  	[tilespmem:$0x29D0] =	vst v1  }
0x2d: {  	[tilespmem:$0x29E0] =	vst v1  }
0x2e: {  	[tilespmem:$0x29F0] =	vst v1  }
0x2f: {  	[tilespmem:$0x2A00] =	vst v1  }
0x30: {  	[tilespmem:$0x2A10] =	vst v1  }
0x31: {  	[tilespmem:$0x2A20] =	vst v1  }
0x32: {  	[tilespmem:$0x2A30] =	vst v1  }
0x33: {  	[tilespmem:$0x2A40] =	vst v1  }
0x34: {  	[tilespmem:$0x2A50] =	vst v1  }
0x35: {  	[tilespmem:$0x2A60] =	vst v1  }
0x36: {  	[tilespmem:$0x2A70] =	vst v1  }
0x37: {  	[tilespmem:$0x2A80] =	vst v1  }
0x38: {  	[tilespmem:$0x2A90] =	vst v1  }
0x39: {  	[tilespmem:$0x2AA0] =	vst v1  }
0x3a: {  	[tilespmem:$0x2AB0] =	vst v1  }
0x3b: {  	[tilespmem:$0x2AC0] =	vst v1  }
0x3c: {  	[tilespmem:$0x2AD0] =	vst v1  }
0x3d: {  	[tilespmem:$0x2AE0] =	vst v1  }
0x3e: {  	[tilespmem:$0x2AF0] =	vst v1  }
0x3f: {  	[spmem:s4] =	stream.linear.scatter [tilespmem:s8], [sflag:$0x1], $0x280, $0x38;
	[tilespmem:$0x2D80] =	vst v63  }
0x40: {  	_ =	swait.ge [sflag:s9], $0x280  }
0x41: {  	[sflag:s9] =	ssyncset.done $0x0  }
0x42: {  	[sflag:s9] =	ssyncadd.s32 $0xFFFFFD80  }
0x43: {  	[tilespmem:s3], [sflag:$0x1] =	stream.linear.gather [hbm4b:s5+s3], $0x2780, $0x38;
	[tilespmem:$0x2D80] =	vst v63  }
0x44: {  	_ =	swait.ge [sflag:s9], $0x2780  }
0x45: {  	[sflag:s9] =	ssyncset.done $0x0  }
0x46: {  	[sflag:s9] =	ssyncadd.s32 $0xFFFFD880  }
0x47: {  	s17 =	simm.s32 $0x0;
	[bflag:$0x0] =	sbarrier.arrive $0xFFFF  }
0x48: {  	[spmem:s2] =	stream.indirect.scatter.add.f32 [tilespmem:s11], [sflag:$0x1], $0x1, s17, s10, $0xb8;
	[tilespmem:$0x2D80] =	vst v63  }
0x49: {  	_ =	swait.ge [sflag:s9], $0x80  }
0x4a: {  	s17 =	simm.s32 $0x200;
	[sflag:s9] =	ssyncset.done $0x0  }
.LBB2_2:
0x4b: {  	s18 =	sshra.s32 s17, $0x2;
	[sflag:s9] =	ssyncadd.s32 $0xFFFFFF80;
	p0 =	sne.s32 s17, $0x9C00  }
0x4c: {  	[spmem:s2] =	stream.indirect.scatter.add.f32 [tilespmem:s11], [sflag:$0x1], $0x1, s18, s10, $0xb8;
	[tilespmem:$0x2D80] =	vst v63  }
.Ltmp0:
0x4d: {  	_ = 	snop;
	(pc) =	sbr.rel @p0 .LBB2_2-.Ltmp0, $4  }
0x4e: {  	_ = 	snop  }
0x4f: {  	s17 =	sadd.s32 $0x200, s17  }
0x50: {  	_ =	swait.ge [sflag:s9], $0x80  }
0x51: {  	[sflag:s9] =	ssyncset.done $0x0  }
0x52: {  	s16 =	sadd.s32 $0x1, s16  }
0x53: {  	[sflag:s9] =	ssyncadd.s32 $0xFFFFFF80;
	p0 =	sne.s32 s16, s7  }
.Ltmp1:
0x54: {  	[bflag:$0x0] =	sbarrier.arrive $0xFFFF;
	(pc) =	sbr.rel @p0 .LBB2_1-.Ltmp1, $4  }
0x55: {  	[hbm:s6@s14], [sflag:s12] =	dma.strided [spmem:s13@s15], $0x50, s9, $0x10   }
0x56: {  	_ =	swait.ge [sflag:s9], $0x50  }
0x57: {  	[sflag:s9] =	ssyncset.done $0x0  }
0x58: {  	[sflag:s9] =	ssyncadd.s32 $0xFFFFFFB0  }
0x59: {  	_ =	sfence.sel $0x180000  }
0x5a: {  	[bflag:$0x0] =	sbarrier.arrive $0xFFFF  }
0x5b: {  	p0 =	sne.s32 s1, $0x0;
	_ =	strace $0x90000047  }
0x5c: {  	s0 =	sadd.s32 @!p0 $0x100000, s0;
	[bflag:$0x2] =	sbarrier.arrive $0xFFFF  }
0x5d: {  	[sflag:s0] =	ssyncadd.tile.s32 @!p0 $0x1;
	_ =	shalt  }
.Lfunc_end2:
_tile_overlayer_lowered:
.L_overlay_start_2:
0x5e: {  	(tag) =	ssettag $0x2  }
0x5f: {  	s0 =	rddreg [dreg:$0x0];
	s2 =	stileid.u32  }
0x60: {  	s1 =	rddreg [dreg:$0x1];
	p0 =	sne.s32 s2, $0x0  }
0x61: {  	s3 =	rddreg [dreg:$0x2];
	[bflag:$0x3] =	sbarrier.arrive $0xFFFF;
	s2 =	simm.s32 @!p0 $0x1C01  }
0x62: {  	[timem:s3], [sflag:s2] =	dma.local @!p0 [hbm:s0], s1  }
0x63: {  	s0 =	simm.s32 @!p0 $0x1  }
0x64: {  	_ =	swait.ge @!p0 [sflag:s0], s1  }
0x65: {  	s1 =	ssub.s32 @!p0 $0x0, s1;
	[sflag:s0] =	ssyncset.done @!p0 $0x0  }
0x66: {  	[sflag:s0] =	ssyncadd.s32 @!p0 s1  }
0x67: {  	[bflag:$0x3] =	sbarrier.arrive $0xFFFF  }
0x68: {  	_ =	shalt  }

// kernel: kernel.22.cloned.1.call-start
scs
__scs_entry_jumppad:
0x0: {  	(pc) =	sbr.rel $0x88, $3  }
0x1: {  	(tag) =	ssettag $0x0;
	lr =	simm.s32 $0x1  }
0x2: {  	[smem:$0x3F87] =	sst lr;
	_ =	strace $0xD0000000  }
0x3: {  	_ = 	snop  }
0x4: {  	_ = 	snop  }
0x5: {  	_ = 	snop  }
0x6: {  	_ = 	snop  }
0x7: {  	_ = 	snop  }
__scs_overlays_trampoline_lowered:
0x8: {  	[smem:$0x3F96] =	sst s0  }
0x9: {  	[smem:$0x3F97] =	sst s1  }
0xa: {  	[smem:$0x3F98] =	sst s2  }
0xb: {  	[smem:$0x3F99] =	sst s3  }
0xc: {  	[smem:$0x3F9A] =	sst s4  }
0xd: {  	[smem:$0x3F9B] =	sst s5  }
0xe: {  	[smem:$0x3F9C] =	sst s6  }
0xf: {  	[smem:$0x3F9D] =	sst s7  }
0x10: {  	[smem:$0x3F9E] =	sst s8  }
0x11: {  	[smem:$0x3F9F] =	sst s9;
	s0 =	simm.s32 @!p0 $0x0  }
0x12: {  	s1 =	sld [smem:$0x3F85];
	s0 =	simm.s32 @p0 $0x1  }
0x13: {  	[smem:$0x3FA0] =	sst s0;
	s0 =	simm.s32 @!p1 $0x0  }
0x14: {  	s2 =	sld [smem:$0x3F84];
	s0 =	simm.s32 @p1 $0x1  }
0x15: {  	[smem:$0x3FA1] =	sst s0;
	s0 =	simm.s32 @!p2 $0x0  }
0x16: {  	s3 =	sld [smem:$0x3FDB];
	s0 =	simm.s32 @p2 $0x1  }
0x17: {  	s4 =	simm.s32 $0x1BF5;
	[smem:$0x3FA3] =	sst s0  }
0x18: {  	s0 =	sld [smem:$0x3F86];
	_ =	swait.ge [sflag:s4], $0x0  }
0x19: {  	s7 =	sld [smem:$0x3F87]  }
0x1a: {  	s8 =	sadd.s32 $0xFFFFE003, lr  }
0x1b: {  	s9 =	sadd.s32 $0xFFFFFEF7, lr;
	s5 =	simm.s32 $0xFFFFFFFF;
	p2 =	slt.u32 s8, $0xFFFFF086  }
0x1c: {  	p1 =	slt.u32 s9, $0xF7A;
	s5 =	simm.s32 @!p2 $0x0  }
0x1d: {  	s5 =	simm.s32 @p1 $0x1;
	p0 =	seq.s32 s7, s2  }
0x1e: {  	s7 =	smul.u32 @!p0 $0xF7A, s2;
	p2 =	seq.s32 @!p0 s5, $0x0  }
0x1f: {  	s9 =	smul.u32 $0xF7A, s1;
	s8 =	simm.s32 @!p0 $0x1BF5;
	p2 =	por !p2, p0  }
0x20: {  	[sflag:s8] =	ssyncset.s32 @!p0 $0xFFFFF086;
	s6 =	sadd.s32 @!p0 s3, s7;
	s7 =	simm.s32 @!p0 $0x108  }
0x21: {  	s3 =	sadd.s32 s3, s9;
	s6 =	sadd.s32 @!p0 $0x88, s6;
	s7 =	simm.s32 @p2 $0x1082  }
0x22: {  	[simem:s7], [sflag:s8] =	dma.local @!p0 [hbm:s6], $0xF7A  }
0x23: {  	s9 =	sor.u32 $0xD0000000, s2;
	s6 =	simm.s32 $0x108;
	_ =	swait.ge @!p0 [sflag:s8], $0x0  }
0x24: {  	s3 =	sadd.s32 $0x88, s3;
	s6 =	simm.s32 @!p1 $0x1082;
	[sflag:s4] =	ssyncset.s32 $0xFFFFF086  }
0x25: {  	[simem:s6], [sflag:s4] =	dma.local [hbm:s3], $0xF7A  }
0x26: {  	[smem:$0x3F87] =	sst s1;
	(tag) =	ssettag s2;
	_ =	strace s9  }
0x27: {  	s1 =	sld [smem:$0x3F97]  }
0x28: {  	s2 =	sld [smem:$0x3F98]  }
0x29: {  	s4 =	sld [smem:$0x3F9A]  }
0x2a: {  	p0 =	seq.s32 s5, $0x0;
	s5 =	sld [smem:$0x3F9B]  }
0x2b: {  	s6 =	sld [smem:$0x3F9C]  }
0x2c: {  	s7 =	sld [smem:$0x3F9D]  }
0x2d: {  	s3 =	simm.s32 $0x108;
	s8 =	sld [smem:$0x3F9E]  }
0x2e: {  	s3 =	simm.s32 @!p0 $0x1082;
	s9 =	sld [smem:$0x3F9F]  }
0x2f: {  	lr =	sadd.s32 s0, s3;
	s0 =	sld [smem:$0x3F96]  }
0x30: {  	s3 =	sld [smem:$0x3F99]  }
0x31: {  	[smem:$0x3FA2] =	sst s10  }
0x32: {  	s10 =	sld [smem:$0x3FA0];
	_ =	sdelay $0x3  }
0x33: {  	p0 =	seq.s32 s10, $0x1;
	s10 =	sld [smem:$0x3FA2];
	_ =	sdelay $0x3  }
0x34: {  	[smem:$0x3FA2] =	sst s10  }
0x35: {  	s10 =	sld [smem:$0x3FA1];
	_ =	sdelay $0x3  }
0x36: {  	p1 =	seq.s32 s10, $0x1;
	s10 =	sld [smem:$0x3FA2];
	_ =	sdelay $0x3  }
0x37: {  	[smem:$0x3FA2] =	sst s10  }
0x38: {  	s10 =	sld [smem:$0x3FA3]  }
0x39: {  	_ = 	snop;
	(pc) =	sbr.ind lr, $3  }
0x3a: {  	_ = 	snop  }
0x3b: {  	_ = 	snop  }
0x3c: {  	p2 =	seq.s32 s10, $0x1;
	s10 =	sld [smem:$0x3FA2]  }
0x3d: {  	_ =	shalt  }
0x3e: {  	_ =	shalt  }
0x3f: {  	_ =	shalt  }
0x40: {  	_ =	shalt  }
0x41: {  	_ =	shalt  }
0x42: {  	_ =	shalt  }
0x43: {  	_ =	shalt  }
0x44: {  	_ =	shalt  }
0x45: {  	_ =	shalt  }
0x46: {  	_ =	shalt  }
0x47: {  	_ =	shalt  }
0x48: {  	_ =	shalt  }
0x49: {  	_ =	shalt  }
0x4a: {  	_ =	shalt  }
0x4b: {  	_ =	shalt  }
0x4c: {  	_ =	shalt  }
0x4d: {  	_ =	shalt  }
0x4e: {  	_ =	shalt  }
0x4f: {  	_ =	shalt  }
0x50: {  	_ =	shalt  }
0x51: {  	_ =	shalt  }
0x52: {  	_ =	shalt  }
0x53: {  	_ =	shalt  }
0x54: {  	_ =	shalt  }
0x55: {  	_ =	shalt  }
0x56: {  	_ =	shalt  }
0x57: {  	_ =	shalt  }
0x58: {  	_ =	shalt  }
0x59: {  	_ =	shalt  }
0x5a: {  	_ =	shalt  }
0x5b: {  	_ =	shalt  }
0x5c: {  	_ =	shalt  }
0x5d: {  	_ =	shalt  }
0x5e: {  	_ =	shalt  }
0x5f: {  	_ =	shalt  }
0x60: {  	_ =	shalt  }
0x61: {  	_ =	shalt  }
0x62: {  	_ =	shalt  }
0x63: {  	_ =	shalt  }
0x64: {  	_ =	shalt  }
0x65: {  	_ =	shalt  }
0x66: {  	_ =	shalt  }
0x67: {  	_ =	shalt  }
0x68: {  	_ =	shalt  }
0x69: {  	_ =	shalt  }
0x6a: {  	_ =	shalt  }
0x6b: {  	_ =	shalt  }
0x6c: {  	_ =	shalt  }
0x6d: {  	_ =	shalt  }
0x6e: {  	_ =	shalt  }
0x6f: {  	_ =	shalt  }
0x70: {  	_ =	shalt  }
0x71: {  	_ =	shalt  }
0x72: {  	_ =	shalt  }
0x73: {  	_ =	shalt  }
0x74: {  	_ =	shalt  }
0x75: {  	_ =	shalt  }
0x76: {  	_ =	shalt  }
0x77: {  	_ =	shalt  }
0x78: {  	_ =	shalt  }
0x79: {  	_ =	shalt  }
0x7a: {  	_ =	shalt  }
0x7b: {  	_ =	shalt  }
0x7c: {  	_ =	shalt  }
0x7d: {  	_ =	shalt  }
0x7e: {  	_ =	shalt  }
0x7f: {  	_ =	shalt  }
0x80: {  	_ =	shalt  }
0x81: {  	_ =	shalt  }
0x82: {  	_ =	shalt  }
0x83: {  	_ =	shalt  }
0x84: {  	_ =	shalt  }
0x85: {  	_ =	shalt  }
0x86: {  	_ =	shalt  }
0x87: {  	_ =	shalt  }
.Lfunc_end0:
.L_simem_size_0:
called_computation.1_lowered:
.L_overlay_start_0:
0x88: {  	s2 =	sld [smem:$0x3FD9]  }
0x89: {  	s3 =	sld [smem:$0x3FFE];
	_ =	sdelay $0x1  }
0x8a: {  	s1 =	srdreg.scid  }
0x8b: {  	s0 =	sand.u32 $0x1, s1  }
0x8c: {  	s16 =	sshll.u32 s0, $0xA;
	s2 =	sadd.s32 s3, s2  }
0x8d: {  	s2 =	sadd.s32 s2, s16  }
0x8e: {  	[smem:$0x3FAE] =	sst s2  }
0x8f: {  	_ = 	snop  }
0x90: {  	(tm) =	ssettm $0x1  }
0x91: {  	s17 =	sld [smem:$0x3FFB];
	_ =	sdelay $0x3  }
0x92: {  	_ =	strace s17  }
0x93: {  	s2 =	sld [smem:$0x3FFC];
	_ =	sdelay $0x3  }
0x94: {  	_ =	strace s2  }
0x95: {  	s2 =	sld [smem:$0x3FFD];
	_ =	sdelay $0x3  }
0x96: {  	_ =	strace s2  }
0x97: {  	_ =	strace $0x8FFFFFFF  }
0x98: {  	s18 =	sld [smem:$0x3FDB];
	_ =	sdelay $0x1  }
0x99: {  	s19 =	simm.s32 $_scs_section_size  }
0x9a: {  	s4 =	simm.s32 $_size__tile_overlayer_lowered;
	s5 =	simm.s32 $_tile_overlayer_lowered  }
0x9b: {  	s22 =	simm.s32 $0x1BFF;
	s21 =	sshll.u32 s5, $0x1;
	s2 =	sadd.s32 s19, s18  }
0x9c: {  	s6 =	simm.s32 $0x0;
	s20 =	sshll.u32 s4, $0x1;
	s4 =	sadd.s32 s21, s2  }
0x9d: {  	[timem:s6], [sflag:s22] =	dma.local [hbm:s4], s20  }
0x9e: {  	_ =	swait.ge [sflag:s22], s20  }
0x9f: {  	s3 =	ssub.s32 $0x0, s20;
	[sflag:s22] =	ssyncset.done $0x0  }
0xa0: {  	[sflag:s22] =	ssyncadd.s32 s3;
	_ =	sdelay $0x1  }
0xa1: {  	s23 =	simm.s32 $0x1B8B  }
0xa2: {  	_ =	swait.ge [sflag:s23], $0x1  }
0xa3: {  	[sflag:s23] =	ssyncset.done $0x0  }
0xa4: {  	s25 =	simm.s32 $0x1B8E;
	s24 =	sld [smem:$0x3FFE];
	[sflag:s23] =	ssyncadd.s32 $0xFFFFFFFF  }
0xa5: {  	s26 =	simm.s32 $execute0_lowered;
	[smem:$0x3FD2] =	sst s25  }
0xa6: {  	s4 =	sshll.u32 s26, $0x1;
	_ =	strace $0x80000049;
	[dreg:$0x1] =	wrdreg $0xFFFFFFFF  }
0xa7: {  	s28 =	simm.s32 $_size_execute0_lowered;
	s2 =	sadd.s32 s2, s4;
	[dreg:$0x0] =	wrdreg $0x0  }
0xa8: {  	s4 =	sshll.u32 s28, $0x1;
	[dreg:$0x2] =	wrdreg s2  }
0xa9: {  	[dreg:$0x3] =	wrdreg s4  }
0xaa: {  	[dreg:$0x4] =	wrdreg $0xC0  }
0xab: {  	_ =	task [dreg:s6], $0x5FFFF  }
0xac: {  	[dreg:$0x1] =	wrdreg $0xFFFFFFFF  }
0xad: {  	[dreg:$0x0] =	wrdreg $0x60  }
0xae: {  	[dreg:$0x2] =	wrdreg s24  }
0xaf: {  	[dreg:$0x3] =	wrdreg $0xD1000  }
0xb0: {  	[dreg:$0x4] =	wrdreg $0x9  }
0xb1: {  	_ =	task.clear_ibuf [dreg:s6], $0x5FFFF;
	_ =	strace $0x90000049  }
0xb2: {  	s29 =	simm.s32 $0x9;
	_ =	strace $0x8000004B  }
0xb3: {  	_ =	swait.ge [sflag:s29], $0x1  }
0xb4: {  	[sflag:s29] =	ssyncadd.s32 $0xFFFFFFFF  }
0xb5: {  	_ =	strace $0x9000004B  }
0xb6: {  	_ =	sfence  }
0xb7: {  	s30 =	sld [smem:$0x0];
	_ =	sdelay $0x2  }
0xb8: {  	s31 =	sshll.u32 s1, $0xD;
	s1 =	sshrl.u32 s1, $0x2  }
0xb9: {  	s3 =	sand.u32 $0x4000, s31;
	s1 =	sadd.s32 s1, s30  }
0xba: {  	s0 =	sor.u32 s3, s0;
	s1 =	sshll.u32 s1, $0x11  }
0xbb: {  	s0 =	sor.u32 s1, s0  }
0xbc: {  	s0 =	sadd.s32 $0x8F2B, s0  }
0xbd: {  	[sflag:s0] =	ssyncadd.remote.s32 $0x1  }
0xbe: {  	_ =	sfence.sel $0xFFFF  }
0xbf: {  	[dreg:$0x0] =	wrdreg $0xFFFFFFFF;
	(pc) =	sbr.abs _section_cstart, $3  }
0xc0: {  	[dreg:$0x1] =	wrdreg $0xFFFFFFFF  }
0xc1: {  	_ =	task.clear_ibuf [dreg:s6], $0x2FFFF;
	_ =	strace $0x9FFFFFFF  }
0xc2: {  	(tm) =	ssettm $0x7FFFFFFF  }
0xc3: {  	_ =	shalt  }
tec
execute0_lowered:
.L_overlay_start_1:
0x0: {  	(tag) =	ssettag $0x1  }
0x1: {  	s1 =	srdreg.scid;
	s6 =	rddreg [dreg:$0x0]  }
0x2: {  	s0 =	stileid.u32;
	s2 =	rddreg [dreg:$0x1];
	s3 =	simm.s32 $0x0  }
0x3: {  	s14 =	simm.s32 $0x5100;
	s15 =	simm.s32 $0x4;
	s17 =	simm.s32 $0x80  }
0x4: {  	s18 =	simm.s32 $0x7100;
	s19 =	simm.s32 $0x9100;
	s20 =	simm.s32 $0xB100  }
0x5: {  	s21 =	simm.s32 $0x1;
	s22 =	simm.s32 $0x2;
	s23 =	simm.s32 $0x3  }
0x6: {  	s24 =	simm.s32 $0x2800;
	s26 =	simm.s32 $0x4F80;
	s28 =	simm.s32 $0x5000  }
0x7: {  	s29 =	simm.s32 $0x5080;
	s5 =	sand.u32 $0x1, s1;
	s9 =	smul.u32 $0xA000, s0  }
0x8: {  	s31 =	sshll.u32 s0, $0x1;
	[smem:$0x7FF] =	sst s3;
	s10 =	smul.u32 $0x28000, s0  }
0x9: {  	s1 =	sor.u32 s5, s31;
	s7 =	smul.u32 $0xA0000, s5;
	s5 =	ssub.s32 $0x2, s5  }
0xa: {  	_ =	strace $0x8000004A;
	s4 =	smul.u32 $0x510, s1;
	s11 =	sshrl.u32 s5, $0x1  }
0xb: {  	s10 =	sshrl.u32 s10, $0x2;
	s25 =	sadd.s32 s9, s2;
	s7 =	sadd.s32 s9, s7  }
0xc: {  	s11 =	ssub.s32 s5, s11;
	s5 =	sadd.s32 s10, s2;
	s25 =	sshrl.u32 s25, $0x3  }
0xd: {  	s8 =	sadd.s32 s4, s6;
	s4 =	sadd.s32 $0x4FC00, s6;
	s7 =	sshrl.u32 s7, $0x3  }
0xe: {  	s9 =	smax.u32 s11, $0x1;
	s10 =	sadd.s32 $0x2000, s5;
	s11 =	sadd.s32 $0x4000, s5  }
0xf: {  	s13 =	sadd.s32 $0x8000, s5;
	s12 =	sadd.s32 s7, s6;
	s6 =	sadd.s32 $0x1E800, s8  }
0x10: {  	v0 =	vimm.f32 $0.0e+00;
	s7 =	sadd.s32 $0x14600, s8;
	s8 =	sadd.s32 $0x63600, s12;
	s12 =	sadd.s32 $0x6000, s5  }
.LBB2_1:
0x11: {  	s31 =	simm.s32 $0x100;
	s30 =	simm.s32 $0x0  }
.LBB2_2:
0x12: {  	p0 =	sne.s32 s31, $0x7F00;
	[tilespmem:s30+$0x5130] =	vst v0;
	s1 =	smov.u32 s31;
	s31 =	sadd.s32 $0x100, s31  }
.Ltmp0:
0x13: {  	[tilespmem:s30+$0x5120] =	vst v0;
	(pc) =	sbr.rel @p0 .LBB2_2-.Ltmp0, $3  }
0x14: {  	[tilespmem:s30+$0x5100] =	vst v0  }
0x15: {  	[tilespmem:s30+$0x5110] =	vst v0;
	_ =	sdelay $0x1  }
0x16: {  	s30 =	sshra.s32 s1, $0x2  }
0x17: {  	[tilespmem:s30+$0x5130] =	vst v0  }
0x18: {  	[tilespmem:s30+$0x5120] =	vst v0  }
0x19: {  	[tilespmem:s30+$0x5100] =	vst v0  }
0x1a: {  	[tilespmem:s30+$0x5110] =	vst v0  }
0x1b: {  	[spmem:s5] =	stream.linear.scatter [tilespmem:s14], [sflag:$0x4], $0x2000, $0x38;
	[tilespmem:$0x17100] =	vst v63  }
0x1c: {  	_ =	swait.ge [sflag:s15], $0x2000  }
0x1d: {  	[sflag:s15] =	ssyncset.done $0x0  }
0x1e: {  	[sflag:s15] =	ssyncadd.s32 $0xFFFFE000  }
0x1f: {  	[spmem:s10] =	stream.linear.scatter [tilespmem:s14], [sflag:$0x4], $0x2000, $0x38;
	[tilespmem:$0x17100] =	vst v63  }
0x20: {  	_ =	swait.ge [sflag:s15], $0x2000  }
0x21: {  	[sflag:s15] =	ssyncset.done $0x0  }
0x22: {  	[sflag:s15] =	ssyncadd.s32 $0xFFFFE000  }
0x23: {  	[spmem:s11] =	stream.linear.scatter [tilespmem:s14], [sflag:$0x4], $0x2000, $0x38;
	[tilespmem:$0x17100] =	vst v63  }
0x24: {  	_ =	swait.ge [sflag:s15], $0x2000  }
0x25: {  	[sflag:s15] =	ssyncset.done $0x0  }
0x26: {  	[sflag:s15] =	ssyncadd.s32 $0xFFFFE000  }
0x27: {  	[spmem:s12] =	stream.linear.scatter [tilespmem:s14], [sflag:$0x4], $0x2000, $0x38;
	[tilespmem:$0x17100] =	vst v63  }
0x28: {  	_ =	swait.ge [sflag:s15], $0x2000  }
0x29: {  	[sflag:s15] =	ssyncset.done $0x0  }
0x2a: {  	[sflag:s15] =	ssyncadd.s32 $0xFFFFE000  }
0x2b: {  	[spmem:s13] =	stream.linear.scatter [tilespmem:s14], [sflag:$0x4], $0x2000, $0x38;
	[tilespmem:$0x17100] =	vst v63  }
0x2c: {  	_ =	swait.ge [sflag:s15], $0x2000  }
0x2d: {  	[sflag:s15] =	ssyncset.done $0x0  }
0x2e: {  	s1 =	simm.s32 $0x0;
	[sflag:s15] =	ssyncadd.s32 $0xFFFFE000  }
0x2f: {  	[tilespmem:s1], [sflag:$0x4] =	stream.linear.gather [hbm4b:s6+s1], $0x2880, $0x38;
	[tilespmem:$0x17100] =	vst v63  }
0x30: {  	_ =	swait.ge [sflag:s15], $0x2880  }
0x31: {  	[sflag:s15] =	ssyncset.done $0x0  }
0x32: {  	s0 =	simm.s32 $0x2880;
	[sflag:s15] =	ssyncadd.s32 $0xFFFFD780  }
0x33: {  	[tilespmem:s0], [sflag:$0x4] =	stream.linear.gather [hbm4b:s7+s1], $0x2880, $0x38;
	[tilespmem:$0x17100] =	vst v63  }
0x34: {  	_ =	swait.ge [sflag:s15], $0x2880  }
0x35: {  	[sflag:s15] =	ssyncset.done $0x0  }
0x36: {  	[sflag:s15] =	ssyncadd.s32 $0xFFFFD780  }
0x37: {  	[bflag:$0x0] =	sbarrier.arrive $0xFFFF  }
0x38: {  	[tilespmem:s18], [sflag:$0x1] =	stream.indirect.gather [hbm4b:s4+s17], $0x40, s1, s17, $0xb8;
	[tilespmem:$0x17100] =	vst v63  }
0x39: {  	_ = 	snop  }
0x3a: {  	[tilespmem:s19], [sflag:$0x2] =	stream.indirect.gather [hbm4b:s4+s17], $0x40, s17, s17, $0xb8;
	[tilespmem:$0x17100] =	vst v63  }
0x3b: {  	s0 =	simm.s32 $0x100  }
0x3c: {  	[tilespmem:s20], [sflag:$0x3] =	stream.indirect.gather [hbm4b:s4+s17], $0x40, s0, s17, $0xb8;
	[tilespmem:$0x17100] =	vst v63  }
0x3d: {  	_ =	swait.ge [sflag:s21], $0x2000  }
0x3e: {  	[sflag:s21] =	ssyncset.done $0x0  }
0x3f: {  	s16 =	simm.s32 $0x2880;
	[sflag:s21] =	ssyncadd.s32 $0xFFFFE000  }
0x40: {  	[spmem:s2] =	stream.indirect.scatter.add.f32 [tilespmem:s18], [sflag:$0x4], $0x40, s16, s17, $0xb8;
	[tilespmem:$0x17100] =	vst v63  }
0x41: {  	_ =	swait.ge [sflag:s15], $0x2000  }
0x42: {  	[sflag:s15] =	ssyncset.done $0x0  }
0x43: {  	s0 =	simm.s32 $0x180;
	[sflag:s15] =	ssyncadd.s32 $0xFFFFE000  }
0x44: {  	[tilespmem:s18], [sflag:$0x1] =	stream.indirect.gather [hbm4b:s4+s17], $0x40, s0, s17, $0xb8;
	[tilespmem:$0x17100] =	vst v63  }
0x45: {  	_ =	swait.ge [sflag:s22], $0x2000  }
0x46: {  	[sflag:s22] =	ssyncset.done $0x0  }
0x47: {  	s16 =	simm.s32 $0x2900;
	[sflag:s22] =	ssyncadd.s32 $0xFFFFE000  }
0x48: {  	[spmem:s2] =	stream.indirect.scatter.add.f32 [tilespmem:s19], [sflag:$0x4], $0x40, s16, s17, $0xb8;
	[tilespmem:$0x17100] =	vst v63  }
0x49: {  	_ =	swait.ge [sflag:s15], $0x2000  }
0x4a: {  	[sflag:s15] =	ssyncset.done $0x0  }
0x4b: {  	s0 =	simm.s32 $0x200;
	[sflag:s15] =	ssyncadd.s32 $0xFFFFE000  }
0x4c: {  	[tilespmem:s19], [sflag:$0x2] =	stream.indirect.gather [hbm4b:s4+s17], $0x40, s0, s17, $0xb8;
	[tilespmem:$0x17100] =	vst v63  }
0x4d: {  	_ =	swait.ge [sflag:s23], $0x2000  }
0x4e: {  	[sflag:s23] =	ssyncset.done $0x0  }
0x4f: {  	s16 =	simm.s32 $0x2980;
	[sflag:s23] =	ssyncadd.s32 $0xFFFFE000  }
0x50: {  	[spmem:s2] =	stream.indirect.scatter.add.f32 [tilespmem:s20], [sflag:$0x4], $0x40, s16, s17, $0xb8;
	[tilespmem:$0x17100] =	vst v63  }
0x51: {  	_ =	swait.ge [sflag:s15], $0x2000  }
0x52: {  	s31 =	simm.s32 $0xC00;
	s30 =	simm.s32 $0x180;
	[sflag:s15] =	ssyncset.done $0x0  }
.LBB2_4:
0x53: {  	s1 =	sadd.s32 $0x100, s30  }
0x54: {  	[sflag:s15] =	ssyncadd.s32 $0xFFFFE000;
	s0 =	smov.u32 s31;
	s16 =	sadd.s32 $0x600, s31  }
0x55: {  	[tilespmem:s20], [sflag:$0x3] =	stream.indirect.gather [hbm4b:s4+s17], $0x40, s1, s17, $0xb8;
	[tilespmem:$0x17100] =	vst v63  }
0x56: {  	p0 =	sne.s32 s31, $0x9600;
	_ =	swait.ge [sflag:s21], $0x2000  }
0x57: {  	[sflag:s21] =	ssyncset.done $0x0  }
0x58: {  	s1 =	sadd.s32 $0x2880, s30;
	[sflag:s21] =	ssyncadd.s32 $0xFFFFE000  }
0x59: {  	[spmem:s2] =	stream.indirect.scatter.add.f32 [tilespmem:s18], [sflag:$0x4], $0x40, s1, s17, $0xb8;
	[tilespmem:$0x17100] =	vst v63  }
0x5a: {  	_ =	swait.ge [sflag:s15], $0x2000  }
0x5b: {  	[sflag:s15] =	ssyncset.done $0x0  }
0x5c: {  	s1 =	sadd.s32 $0x180, s30;
	[sflag:s15] =	ssyncadd.s32 $0xFFFFE000  }
0x5d: {  	[tilespmem:s18], [sflag:$0x1] =	stream.indirect.gather [hbm4b:s4+s17], $0x40, s1, s17, $0xb8;
	[tilespmem:$0x17100] =	vst v63  }
0x5e: {  	_ =	swait.ge [sflag:s22], $0x2000  }
0x5f: {  	[sflag:s22] =	ssyncset.done $0x0  }
0x60: {  	s1 =	sadd.s32 $0x2900, s30;
	[sflag:s22] =	ssyncadd.s32 $0xFFFFE000  }
0x61: {  	[spmem:s2] =	stream.indirect.scatter.add.f32 [tilespmem:s19], [sflag:$0x4], $0x40, s1, s17, $0xb8;
	[tilespmem:$0x17100] =	vst v63  }
0x62: {  	_ =	swait.ge [sflag:s15], $0x2000  }
0x63: {  	[sflag:s15] =	ssyncset.done $0x0  }
0x64: {  	s1 =	sadd.s32 $0x200, s30;
	[sflag:s15] =	ssyncadd.s32 $0xFFFFE000  }
0x65: {  	[tilespmem:s19], [sflag:$0x2] =	stream.indirect.gather [hbm4b:s4+s17], $0x40, s1, s17, $0xb8;
	[tilespmem:$0x17100] =	vst v63  }
0x66: {  	_ =	swait.ge [sflag:s23], $0x2000  }
.Ltmp1:
0x67: {  	[sflag:s23] =	ssyncset.done $0x0;
	(pc) =	sbr.rel @p0 .LBB2_4-.Ltmp1, $4  }
0x68: {  	s1 =	sadd.s32 $0x2980, s30;
	[sflag:s23] =	ssyncadd.s32 $0xFFFFE000  }
0x69: {  	[spmem:s2] =	stream.indirect.scatter.add.f32 [tilespmem:s20], [sflag:$0x4], $0x40, s1, s17, $0xb8;
	[tilespmem:$0x17100] =	vst v63  }
0x6a: {  	_ =	swait.ge [sflag:s15], $0x2000  }
0x6b: {  	s31 =	smov.u32 s16;
	s30 =	sshra.s32 s0, $0x2;
	[sflag:s15] =	ssyncset.done $0x0  }
0x6c: {  	s0 =	sadd.s32 $0x100, s30;
	[sflag:s15] =	ssyncadd.s32 $0xFFFFE000  }
0x6d: {  	[tilespmem:s20], [sflag:$0x3] =	stream.indirect.gather [hbm4b:s4+s17], $0x40, s0, s17, $0xb8;
	[tilespmem:$0x17100] =	vst v63  }
0x6e: {  	_ =	swait.ge [sflag:s21], $0x2000  }
0x6f: {  	[sflag:s21] =	ssyncset.done $0x0  }
0x70: {  	s16 =	sadd.s32 $0x2880, s30;
	[sflag:s21] =	ssyncadd.s32 $0xFFFFE000  }
0x71: {  	[spmem:s2] =	stream.indirect.scatter.add.f32 [tilespmem:s18], [sflag:$0x4], $0x40, s16, s17, $0xb8;
	[tilespmem:$0x17100] =	vst v63  }
0x72: {  	_ =	swait.ge [sflag:s15], $0x2000  }
0x73: {  	[sflag:s15] =	ssyncset.done $0x0  }
0x74: {  	s31 =	sadd.s32 $0x180, s30;
	[sflag:s15] =	ssyncadd.s32 $0xFFFFE000  }
0x75: {  	[tilespmem:s18], [sflag:$0x1] =	stream.indirect.gather [hbm4b:s4+s17], $0x40, s31, s17, $0xb8;
	[tilespmem:$0x17100] =	vst v63  }
0x76: {  	_ =	swait.ge [sflag:s22], $0x2000  }
0x77: {  	[sflag:s22] =	ssyncset.done $0x0  }
0x78: {  	s1 =	sadd.s32 $0x2900, s30;
	[sflag:s22] =	ssyncadd.s32 $0xFFFFE000  }
0x79: {  	[spmem:s2] =	stream.indirect.scatter.add.f32 [tilespmem:s19], [sflag:$0x4], $0x40, s1, s17, $0xb8;
	[tilespmem:$0x17100] =	vst v63  }
0x7a: {  	_ =	swait.ge [sflag:s15], $0x2000  }
0x7b: {  	[sflag:s15] =	ssyncset.done $0x0  }
0x7c: {  	s16 =	sadd.s32 $0x200, s30;
	[sflag:s15] =	ssyncadd.s32 $0xFFFFE000  }
0x7d: {  	[tilespmem:s19], [sflag:$0x2] =	stream.indirect.gather [hbm4b:s4+s17], $0x40, s16, s17, $0xb8;
	[tilespmem:$0x17100] =	vst v63  }
0x7e: {  	_ =	swait.ge [sflag:s23], $0x2000  }
0x7f: {  	[sflag:s23] =	ssyncset.done $0x0  }
0x80: {  	s30 =	sadd.s32 $0x2980, s30;
	[sflag:s23] =	ssyncadd.s32 $0xFFFFE000  }
0x81: {  	[spmem:s2] =	stream.indirect.scatter.add.f32 [tilespmem:s20], [sflag:$0x4], $0x40, s30, s17, $0xb8;
	[tilespmem:$0x17100] =	vst v63  }
0x82: {  	_ =	swait.ge [sflag:s15], $0x2000  }
0x83: {  	[sflag:s15] =	ssyncset.done $0x0  }
0x84: {  	[sflag:s15] =	ssyncadd.s32 $0xFFFFE000  }
0x85: {  	[tilespmem:s20], [sflag:$0x3] =	stream.indirect.gather [hbm4b:s4+s17], $0x40, s24, s17, $0xb8;
	[tilespmem:$0x17100] =	vst v63  }
0x86: {  	_ =	swait.ge [sflag:s21], $0x2000  }
0x87: {  	[sflag:s21] =	ssyncset.done $0x0  }
0x88: {  	[sflag:s21] =	ssyncadd.s32 $0xFFFFE000  }
0x89: {  	[spmem:s2] =	stream.indirect.scatter.add.f32 [tilespmem:s18], [sflag:$0x4], $0x40, s26, s17, $0xb8;
	[tilespmem:$0x17100] =	vst v63  }
0x8a: {  	_ =	swait.ge [sflag:s15], $0x2000  }
0x8b: {  	[sflag:s15] =	ssyncset.done $0x0  }
0x8c: {  	[sflag:s15] =	ssyncadd.s32 $0xFFFFE000  }
0x8d: {  	_ =	swait.ge [sflag:s22], $0x2000  }
0x8e: {  	[sflag:s22] =	ssyncset.done $0x0  }
0x8f: {  	[sflag:s22] =	ssyncadd.s32 $0xFFFFE000  }
0x90: {  	[spmem:s2] =	stream.indirect.scatter.add.f32 [tilespmem:s19], [sflag:$0x4], $0x40, s28, s17, $0xb8;
	[tilespmem:$0x17100] =	vst v63  }
0x91: {  	_ =	swait.ge [sflag:s15], $0x2000  }
0x92: {  	[sflag:s15] =	ssyncset.done $0x0  }
0x93: {  	[sflag:s15] =	ssyncadd.s32 $0xFFFFE000  }
0x94: {  	_ =	swait.ge [sflag:s23], $0x2000  }
0x95: {  	[sflag:s23] =	ssyncset.done $0x0  }
0x96: {  	[sflag:s23] =	ssyncadd.s32 $0xFFFFE000  }
0x97: {  	[spmem:s2] =	stream.indirect.scatter.add.f32 [tilespmem:s20], [sflag:$0x4], $0x40, s29, s17, $0xb8;
	[tilespmem:$0x17100] =	vst v63  }
0x98: {  	_ =	swait.ge [sflag:s15], $0x2000  }
0x99: {  	s3 =	sadd.s32 $0x1, s3;
	s31 =	stileid.u32;
	[sflag:s15] =	ssyncset.done $0x0  }
0x9a: {  	p0 =	sne.s32 s3, s9;
	s0 =	sshll.u32 s31, $0x6;
	[sflag:s15] =	ssyncadd.s32 $0xFFFFE000  }
.Ltmp2:
0x9b: {  	s0 =	sor.u32 $0x1C04, s0;
	[bflag:$0x0] =	sbarrier.arrive $0xFFFF;
	(pc) =	sbr.rel @p0 .LBB2_1-.Ltmp2, $4  }
0x9c: {  	[hbm:s8], [sflag:s0] =	dma.local [spmem:s25], $0x1400  }
0x9d: {  	_ =	swait.ge [sflag:s15], $0x1400  }
0x9e: {  	[sflag:s15] =	ssyncset.done $0x0  }
0x9f: {  	[sflag:s15] =	ssyncadd.s32 $0xFFFFEC00  }
0xa0: {  	_ =	sfence.sel $0x180000  }
0xa1: {  	[bflag:$0x0] =	sbarrier.arrive $0xFFFF  }
0xa2: {  	_ =	strace $0x9000004A  }
0xa3: {  	s0 =	stileid.u32;
	[bflag:$0x2] =	sbarrier.arrive $0xFFFF  }
0xa4: {  	p0 =	sne.s32 s0, $0x0;
	s0 =	rddreg [dreg:$0x2]  }
0xa5: {  	s0 =	sadd.s32 @!p0 $0x100000, s0  }
0xa6: {  	[sflag:s0] =	ssyncadd.tile.s32 @!p0 $0x1;
	_ =	shalt  }
.Lfunc_end2:
_tile_overlayer_lowered:
.L_overlay_start_2:
0xa7: {  	(tag) =	ssettag $0x2  }
0xa8: {  	s0 =	rddreg [dreg:$0x0];
	s2 =	stileid.u32  }
0xa9: {  	s1 =	rddreg [dreg:$0x1];
	p0 =	sne.s32 s2, $0x0  }
0xaa: {  	s3 =	rddreg [dreg:$0x2];
	[bflag:$0x3] =	sbarrier.arrive $0xFFFF;
	s2 =	simm.s32 @!p0 $0x1C04  }
0xab: {  	[timem:s3], [sflag:s2] =	dma.local @!p0 [hbm:s0], s1  }
0xac: {  	s0 =	simm.s32 @!p0 $0x4  }
0xad: {  	_ =	swait.ge @!p0 [sflag:s0], s1  }
0xae: {  	s1 =	ssub.s32 @!p0 $0x0, s1;
	[sflag:s0] =	ssyncset.done @!p0 $0x0  }
0xaf: {  	[sflag:s0] =	ssyncadd.s32 @!p0 s1  }
0xb0: {  	[bflag:$0x3] =	sbarrier.arrive $0xFFFF  }
0xb1: {  	_ =	shalt  }

// kernel: kernel.25.cloned.1.call-start
scs
__scs_entry_jumppad:
0x0: {  	(pc) =	sbr.rel $0x88, $3  }
0x1: {  	(tag) =	ssettag $0x0;
	lr =	simm.s32 $0x1  }
0x2: {  	[smem:$0x3F87] =	sst lr;
	_ =	strace $0xD0000000  }
0x3: {  	_ = 	snop  }
0x4: {  	_ = 	snop  }
0x5: {  	_ = 	snop  }
0x6: {  	_ = 	snop  }
0x7: {  	_ = 	snop  }
__scs_overlays_trampoline_lowered:
0x8: {  	[smem:$0x3F96] =	sst s0  }
0x9: {  	[smem:$0x3F97] =	sst s1  }
0xa: {  	[smem:$0x3F98] =	sst s2  }
0xb: {  	[smem:$0x3F99] =	sst s3  }
0xc: {  	[smem:$0x3F9A] =	sst s4  }
0xd: {  	[smem:$0x3F9B] =	sst s5  }
0xe: {  	[smem:$0x3F9C] =	sst s6  }
0xf: {  	[smem:$0x3F9D] =	sst s7  }
0x10: {  	[smem:$0x3F9E] =	sst s8  }
0x11: {  	[smem:$0x3F9F] =	sst s9;
	s0 =	simm.s32 @!p0 $0x0  }
0x12: {  	s1 =	sld [smem:$0x3F85];
	s0 =	simm.s32 @p0 $0x1  }
0x13: {  	[smem:$0x3FA0] =	sst s0;
	s0 =	simm.s32 @!p1 $0x0  }
0x14: {  	s2 =	sld [smem:$0x3F84];
	s0 =	simm.s32 @p1 $0x1  }
0x15: {  	[smem:$0x3FA1] =	sst s0;
	s0 =	simm.s32 @!p2 $0x0  }
0x16: {  	s3 =	sld [smem:$0x3FDB];
	s0 =	simm.s32 @p2 $0x1  }
0x17: {  	s4 =	simm.s32 $0x1BF5;
	[smem:$0x3FA3] =	sst s0  }
0x18: {  	s0 =	sld [smem:$0x3F86];
	_ =	swait.ge [sflag:s4], $0x0  }
0x19: {  	s7 =	sld [smem:$0x3F87]  }
0x1a: {  	s8 =	sadd.s32 $0xFFFFE003, lr  }
0x1b: {  	s9 =	sadd.s32 $0xFFFFFEF7, lr;
	s5 =	simm.s32 $0xFFFFFFFF;
	p2 =	slt.u32 s8, $0xFFFFF086  }
0x1c: {  	p1 =	slt.u32 s9, $0xF7A;
	s5 =	simm.s32 @!p2 $0x0  }
0x1d: {  	s5 =	simm.s32 @p1 $0x1;
	p0 =	seq.s32 s7, s2  }
0x1e: {  	s7 =	smul.u32 @!p0 $0xF7A, s2;
	p2 =	seq.s32 @!p0 s5, $0x0  }
0x1f: {  	s9 =	smul.u32 $0xF7A, s1;
	s8 =	simm.s32 @!p0 $0x1BF5;
	p2 =	por !p2, p0  }
0x20: {  	[sflag:s8] =	ssyncset.s32 @!p0 $0xFFFFF086;
	s6 =	sadd.s32 @!p0 s3, s7;
	s7 =	simm.s32 @!p0 $0x108  }
0x21: {  	s3 =	sadd.s32 s3, s9;
	s6 =	sadd.s32 @!p0 $0x88, s6;
	s7 =	simm.s32 @p2 $0x1082  }
0x22: {  	[simem:s7], [sflag:s8] =	dma.local @!p0 [hbm:s6], $0xF7A  }
0x23: {  	s9 =	sor.u32 $0xD0000000, s2;
	s6 =	simm.s32 $0x108;
	_ =	swait.ge @!p0 [sflag:s8], $0x0  }
0x24: {  	s3 =	sadd.s32 $0x88, s3;
	s6 =	simm.s32 @!p1 $0x1082;
	[sflag:s4] =	ssyncset.s32 $0xFFFFF086  }
0x25: {  	[simem:s6], [sflag:s4] =	dma.local [hbm:s3], $0xF7A  }
0x26: {  	[smem:$0x3F87] =	sst s1;
	(tag) =	ssettag s2;
	_ =	strace s9  }
0x27: {  	s1 =	sld [smem:$0x3F97]  }
0x28: {  	s2 =	sld [smem:$0x3F98]  }
0x29: {  	s4 =	sld [smem:$0x3F9A]  }
0x2a: {  	p0 =	seq.s32 s5, $0x0;
	s5 =	sld [smem:$0x3F9B]  }
0x2b: {  	s6 =	sld [smem:$0x3F9C]  }
0x2c: {  	s7 =	sld [smem:$0x3F9D]  }
0x2d: {  	s3 =	simm.s32 $0x108;
	s8 =	sld [smem:$0x3F9E]  }
0x2e: {  	s3 =	simm.s32 @!p0 $0x1082;
	s9 =	sld [smem:$0x3F9F]  }
0x2f: {  	lr =	sadd.s32 s0, s3;
	s0 =	sld [smem:$0x3F96]  }
0x30: {  	s3 =	sld [smem:$0x3F99]  }
0x31: {  	[smem:$0x3FA2] =	sst s10  }
0x32: {  	s10 =	sld [smem:$0x3FA0];
	_ =	sdelay $0x3  }
0x33: {  	p0 =	seq.s32 s10, $0x1;
	s10 =	sld [smem:$0x3FA2];
	_ =	sdelay $0x3  }
0x34: {  	[smem:$0x3FA2] =	sst s10  }
0x35: {  	s10 =	sld [smem:$0x3FA1];
	_ =	sdelay $0x3  }
0x36: {  	p1 =	seq.s32 s10, $0x1;
	s10 =	sld [smem:$0x3FA2];
	_ =	sdelay $0x3  }
0x37: {  	[smem:$0x3FA2] =	sst s10  }
0x38: {  	s10 =	sld [smem:$0x3FA3]  }
0x39: {  	_ = 	snop;
	(pc) =	sbr.ind lr, $3  }
0x3a: {  	_ = 	snop  }
0x3b: {  	_ = 	snop  }
0x3c: {  	p2 =	seq.s32 s10, $0x1;
	s10 =	sld [smem:$0x3FA2]  }
0x3d: {  	_ =	shalt  }
0x3e: {  	_ =	shalt  }
0x3f: {  	_ =	shalt  }
0x40: {  	_ =	shalt  }
0x41: {  	_ =	shalt  }
0x42: {  	_ =	shalt  }
0x43: {  	_ =	shalt  }
0x44: {  	_ =	shalt  }
0x45: {  	_ =	shalt  }
0x46: {  	_ =	shalt  }
0x47: {  	_ =	shalt  }
0x48: {  	_ =	shalt  }
0x49: {  	_ =	shalt  }
0x4a: {  	_ =	shalt  }
0x4b: {  	_ =	shalt  }
0x4c: {  	_ =	shalt  }
0x4d: {  	_ =	shalt  }
0x4e: {  	_ =	shalt  }
0x4f: {  	_ =	shalt  }
0x50: {  	_ =	shalt  }
0x51: {  	_ =	shalt  }
0x52: {  	_ =	shalt  }
0x53: {  	_ =	shalt  }
0x54: {  	_ =	shalt  }
0x55: {  	_ =	shalt  }
0x56: {  	_ =	shalt  }
0x57: {  	_ =	shalt  }
0x58: {  	_ =	shalt  }
0x59: {  	_ =	shalt  }
0x5a: {  	_ =	shalt  }
0x5b: {  	_ =	shalt  }
0x5c: {  	_ =	shalt  }
0x5d: {  	_ =	shalt  }
0x5e: {  	_ =	shalt  }
0x5f: {  	_ =	shalt  }
0x60: {  	_ =	shalt  }
0x61: {  	_ =	shalt  }
0x62: {  	_ =	shalt  }
0x63: {  	_ =	shalt  }
0x64: {  	_ =	shalt  }
0x65: {  	_ =	shalt  }
0x66: {  	_ =	shalt  }
0x67: {  	_ =	shalt  }
0x68: {  	_ =	shalt  }
0x69: {  	_ =	shalt  }
0x6a: {  	_ =	shalt  }
0x6b: {  	_ =	shalt  }
0x6c: {  	_ =	shalt  }
0x6d: {  	_ =	shalt  }
0x6e: {  	_ =	shalt  }
0x6f: {  	_ =	shalt  }
0x70: {  	_ =	shalt  }
0x71: {  	_ =	shalt  }
0x72: {  	_ =	shalt  }
0x73: {  	_ =	shalt  }
0x74: {  	_ =	shalt  }
0x75: {  	_ =	shalt  }
0x76: {  	_ =	shalt  }
0x77: {  	_ =	shalt  }
0x78: {  	_ =	shalt  }
0x79: {  	_ =	shalt  }
0x7a: {  	_ =	shalt  }
0x7b: {  	_ =	shalt  }
0x7c: {  	_ =	shalt  }
0x7d: {  	_ =	shalt  }
0x7e: {  	_ =	shalt  }
0x7f: {  	_ =	shalt  }
0x80: {  	_ =	shalt  }
0x81: {  	_ =	shalt  }
0x82: {  	_ =	shalt  }
0x83: {  	_ =	shalt  }
0x84: {  	_ =	shalt  }
0x85: {  	_ =	shalt  }
0x86: {  	_ =	shalt  }
0x87: {  	_ =	shalt  }
.Lfunc_end0:
.L_simem_size_0:
called_computation.2_lowered:
.L_overlay_start_0:
0x88: {  	s2 =	sld [smem:$0x3FD9]  }
0x89: {  	s3 =	sld [smem:$0x3FFE];
	_ =	sdelay $0x1  }
0x8a: {  	s1 =	srdreg.scid  }
0x8b: {  	s0 =	sand.u32 $0x1, s1  }
0x8c: {  	s16 =	sshll.u32 s0, $0xA;
	s2 =	sadd.s32 s3, s2  }
0x8d: {  	s2 =	sadd.s32 s2, s16  }
0x8e: {  	[smem:$0x3FAE] =	sst s2  }
0x8f: {  	_ = 	snop  }
0x90: {  	(tm) =	ssettm $0x1  }
0x91: {  	s17 =	sld [smem:$0x3FFB];
	_ =	sdelay $0x3  }
0x92: {  	_ =	strace s17  }
0x93: {  	s2 =	sld [smem:$0x3FFC];
	_ =	sdelay $0x3  }
0x94: {  	_ =	strace s2  }
0x95: {  	s2 =	sld [smem:$0x3FFD];
	_ =	sdelay $0x3  }
0x96: {  	_ =	strace s2  }
0x97: {  	_ =	strace $0x8FFFFFFF  }
0x98: {  	s18 =	sld [smem:$0x3FDB];
	_ =	sdelay $0x1  }
0x99: {  	s19 =	simm.s32 $_scs_section_size  }
0x9a: {  	s4 =	simm.s32 $_size__tile_overlayer_lowered;
	s5 =	simm.s32 $_tile_overlayer_lowered  }
0x9b: {  	s22 =	simm.s32 $0x1BFF;
	s21 =	sshll.u32 s5, $0x1;
	s2 =	sadd.s32 s19, s18  }
0x9c: {  	s6 =	simm.s32 $0x0;
	s20 =	sshll.u32 s4, $0x1;
	s4 =	sadd.s32 s21, s2  }
0x9d: {  	[timem:s6], [sflag:s22] =	dma.local [hbm:s4], s20  }
0x9e: {  	_ =	swait.ge [sflag:s22], s20  }
0x9f: {  	s3 =	ssub.s32 $0x0, s20;
	[sflag:s22] =	ssyncset.done $0x0  }
0xa0: {  	[sflag:s22] =	ssyncadd.s32 s3;
	_ =	sdelay $0x1  }
0xa1: {  	s23 =	simm.s32 $0x1B8B  }
0xa2: {  	_ =	swait.ge [sflag:s23], $0x1  }
0xa3: {  	[sflag:s23] =	ssyncset.done $0x0  }
0xa4: {  	s25 =	simm.s32 $0x1B8E;
	s24 =	sld [smem:$0x3FFE];
	[sflag:s23] =	ssyncadd.s32 $0xFFFFFFFF  }
0xa5: {  	s26 =	simm.s32 $execute0_lowered;
	[smem:$0x3FD2] =	sst s25  }
0xa6: {  	s4 =	sshll.u32 s26, $0x1;
	_ =	strace $0x8000004C;
	[dreg:$0x1] =	wrdreg $0xFFFFFFFF  }
0xa7: {  	s28 =	simm.s32 $_size_execute0_lowered;
	s2 =	sadd.s32 s2, s4;
	[dreg:$0x0] =	wrdreg $0x0  }
0xa8: {  	s4 =	sshll.u32 s28, $0x1;
	[dreg:$0x2] =	wrdreg s2  }
0xa9: {  	[dreg:$0x3] =	wrdreg s4  }
0xaa: {  	[dreg:$0x4] =	wrdreg $0xC0  }
0xab: {  	_ =	task [dreg:s6], $0x5FFFF  }
0xac: {  	[dreg:$0x1] =	wrdreg $0xFFFFFFFF  }
0xad: {  	[dreg:$0x0] =	wrdreg $0x60  }
0xae: {  	[dreg:$0x2] =	wrdreg s24  }
0xaf: {  	[dreg:$0x3] =	wrdreg $0xD1000  }
0xb0: {  	[dreg:$0x4] =	wrdreg $0x9  }
0xb1: {  	_ =	task.clear_ibuf [dreg:s6], $0x5FFFF;
	_ =	strace $0x9000004C  }
0xb2: {  	s29 =	simm.s32 $0x9;
	_ =	strace $0x8000004E  }
0xb3: {  	_ =	swait.ge [sflag:s29], $0x1  }
0xb4: {  	[sflag:s29] =	ssyncadd.s32 $0xFFFFFFFF  }
0xb5: {  	_ =	strace $0x9000004E  }
0xb6: {  	_ =	sfence  }
0xb7: {  	s30 =	sld [smem:$0x0];
	_ =	sdelay $0x2  }
0xb8: {  	s31 =	sshll.u32 s1, $0xD;
	s1 =	sshrl.u32 s1, $0x2  }
0xb9: {  	s3 =	sand.u32 $0x4000, s31;
	s1 =	sadd.s32 s1, s30  }
0xba: {  	s0 =	sor.u32 s3, s0;
	s1 =	sshll.u32 s1, $0x11  }
0xbb: {  	s0 =	sor.u32 s1, s0  }
0xbc: {  	s0 =	sadd.s32 $0x8F2B, s0  }
0xbd: {  	[sflag:s0] =	ssyncadd.remote.s32 $0x1  }
0xbe: {  	_ =	sfence.sel $0xFFFF  }
0xbf: {  	[dreg:$0x0] =	wrdreg $0xFFFFFFFF;
	(pc) =	sbr.abs _section_cstart, $3  }
0xc0: {  	[dreg:$0x1] =	wrdreg $0xFFFFFFFF  }
0xc1: {  	_ =	task.clear_ibuf [dreg:s6], $0x2FFFF;
	_ =	strace $0x9FFFFFFF  }
0xc2: {  	(tm) =	ssettm $0x7FFFFFFF  }
0xc3: {  	_ =	shalt  }
tec
execute0_lowered:
.L_overlay_start_1:
0x0: {  	(tag) =	ssettag $0x1  }
0x1: {  	s1 =	srdreg.scid;
	s6 =	rddreg [dreg:$0x0]  }
0x2: {  	s0 =	stileid.u32;
	s2 =	rddreg [dreg:$0x1];
	s3 =	simm.s32 $0x0  }
0x3: {  	s14 =	simm.s32 $0x5100;
	s15 =	simm.s32 $0x4;
	s17 =	simm.s32 $0x80  }
0x4: {  	s18 =	simm.s32 $0x7100;
	s19 =	simm.s32 $0x9100;
	s20 =	simm.s32 $0xB100  }
0x5: {  	s21 =	simm.s32 $0x1;
	s22 =	simm.s32 $0x2;
	s23 =	simm.s32 $0x3  }
0x6: {  	s24 =	simm.s32 $0x2800;
	s26 =	simm.s32 $0x4F80;
	s28 =	simm.s32 $0x5000  }
0x7: {  	s29 =	simm.s32 $0x5080;
	s5 =	sand.u32 $0x1, s1;
	s9 =	smul.u32 $0xA000, s0  }
0x8: {  	s31 =	sshll.u32 s0, $0x1;
	[smem:$0x7FF] =	sst s3;
	s10 =	smul.u32 $0x28000, s0  }
0x9: {  	s1 =	sor.u32 s5, s31;
	s7 =	smul.u32 $0xA0000, s5;
	s5 =	ssub.s32 $0x2, s5  }
0xa: {  	_ =	strace $0x8000004D;
	s4 =	smul.u32 $0x510, s1;
	s11 =	sshrl.u32 s5, $0x1  }
0xb: {  	s10 =	sshrl.u32 s10, $0x2;
	s25 =	sadd.s32 s9, s2;
	s7 =	sadd.s32 s9, s7  }
0xc: {  	s11 =	ssub.s32 s5, s11;
	s5 =	sadd.s32 s10, s2;
	s25 =	sshrl.u32 s25, $0x3  }
0xd: {  	s8 =	sadd.s32 s4, s6;
	s4 =	sadd.s32 $0x76E00, s6;
	s7 =	sshrl.u32 s7, $0x3  }
0xe: {  	s9 =	smax.u32 s11, $0x1;
	s10 =	sadd.s32 $0x2000, s5;
	s11 =	sadd.s32 $0x4000, s5  }
0xf: {  	s13 =	sadd.s32 $0x8000, s5;
	s12 =	sadd.s32 s7, s6;
	s6 =	sadd.s32 $0x1E800, s8  }
0x10: {  	v0 =	vimm.f32 $0.0e+00;
	s7 =	sadd.s32 $0x14600, s8;
	s8 =	sadd.s32 $0x8A800, s12;
	s12 =	sadd.s32 $0x6000, s5  }
.LBB2_1:
0x11: {  	s31 =	simm.s32 $0x100;
	s30 =	simm.s32 $0x0  }
.LBB2_2:
0x12: {  	p0 =	sne.s32 s31, $0x7F00;
	[tilespmem:s30+$0x5130] =	vst v0;
	s1 =	smov.u32 s31;
	s31 =	sadd.s32 $0x100, s31  }
.Ltmp0:
0x13: {  	[tilespmem:s30+$0x5120] =	vst v0;
	(pc) =	sbr.rel @p0 .LBB2_2-.Ltmp0, $3  }
0x14: {  	[tilespmem:s30+$0x5100] =	vst v0  }
0x15: {  	[tilespmem:s30+$0x5110] =	vst v0;
	_ =	sdelay $0x1  }
0x16: {  	s30 =	sshra.s32 s1, $0x2  }
0x17: {  	[tilespmem:s30+$0x5130] =	vst v0  }
0x18: {  	[tilespmem:s30+$0x5120] =	vst v0  }
0x19: {  	[tilespmem:s30+$0x5100] =	vst v0  }
0x1a: {  	[tilespmem:s30+$0x5110] =	vst v0  }
0x1b: {  	[spmem:s5] =	stream.linear.scatter [tilespmem:s14], [sflag:$0x4], $0x2000, $0x38;
	[tilespmem:$0x17100] =	vst v63  }
0x1c: {  	_ =	swait.ge [sflag:s15], $0x2000  }
0x1d: {  	[sflag:s15] =	ssyncset.done $0x0  }
0x1e: {  	[sflag:s15] =	ssyncadd.s32 $0xFFFFE000  }
0x1f: {  	[spmem:s10] =	stream.linear.scatter [tilespmem:s14], [sflag:$0x4], $0x2000, $0x38;
	[tilespmem:$0x17100] =	vst v63  }
0x20: {  	_ =	swait.ge [sflag:s15], $0x2000  }
0x21: {  	[sflag:s15] =	ssyncset.done $0x0  }
0x22: {  	[sflag:s15] =	ssyncadd.s32 $0xFFFFE000  }
0x23: {  	[spmem:s11] =	stream.linear.scatter [tilespmem:s14], [sflag:$0x4], $0x2000, $0x38;
	[tilespmem:$0x17100] =	vst v63  }
0x24: {  	_ =	swait.ge [sflag:s15], $0x2000  }
0x25: {  	[sflag:s15] =	ssyncset.done $0x0  }
0x26: {  	[sflag:s15] =	ssyncadd.s32 $0xFFFFE000  }
0x27: {  	[spmem:s12] =	stream.linear.scatter [tilespmem:s14], [sflag:$0x4], $0x2000, $0x38;
	[tilespmem:$0x17100] =	vst v63  }
0x28: {  	_ =	swait.ge [sflag:s15], $0x2000  }
0x29: {  	[sflag:s15] =	ssyncset.done $0x0  }
0x2a: {  	[sflag:s15] =	ssyncadd.s32 $0xFFFFE000  }
0x2b: {  	[spmem:s13] =	stream.linear.scatter [tilespmem:s14], [sflag:$0x4], $0x2000, $0x38;
	[tilespmem:$0x17100] =	vst v63  }
0x2c: {  	_ =	swait.ge [sflag:s15], $0x2000  }
0x2d: {  	[sflag:s15] =	ssyncset.done $0x0  }
0x2e: {  	s1 =	simm.s32 $0x0;
	[sflag:s15] =	ssyncadd.s32 $0xFFFFE000  }
0x2f: {  	[tilespmem:s1], [sflag:$0x4] =	stream.linear.gather [hbm4b:s6+s1], $0x2880, $0x38;
	[tilespmem:$0x17100] =	vst v63  }
0x30: {  	_ =	swait.ge [sflag:s15], $0x2880  }
0x31: {  	[sflag:s15] =	ssyncset.done $0x0  }
0x32: {  	s0 =	simm.s32 $0x2880;
	[sflag:s15] =	ssyncadd.s32 $0xFFFFD780  }
0x33: {  	[tilespmem:s0], [sflag:$0x4] =	stream.linear.gather [hbm4b:s7+s1], $0x2880, $0x38;
	[tilespmem:$0x17100] =	vst v63  }
0x34: {  	_ =	swait.ge [sflag:s15], $0x2880  }
0x35: {  	[sflag:s15] =	ssyncset.done $0x0  }
0x36: {  	[sflag:s15] =	ssyncadd.s32 $0xFFFFD780  }
0x37: {  	[bflag:$0x0] =	sbarrier.arrive $0xFFFF  }
0x38: {  	[tilespmem:s18], [sflag:$0x1] =	stream.indirect.gather [hbm4b:s4+s17], $0x40, s1, s17, $0xb8;
	[tilespmem:$0x17100] =	vst v63  }
0x39: {  	_ = 	snop  }
0x3a: {  	[tilespmem:s19], [sflag:$0x2] =	stream.indirect.gather [hbm4b:s4+s17], $0x40, s17, s17, $0xb8;
	[tilespmem:$0x17100] =	vst v63  }
0x3b: {  	s0 =	simm.s32 $0x100  }
0x3c: {  	[tilespmem:s20], [sflag:$0x3] =	stream.indirect.gather [hbm4b:s4+s17], $0x40, s0, s17, $0xb8;
	[tilespmem:$0x17100] =	vst v63  }
0x3d: {  	_ =	swait.ge [sflag:s21], $0x2000  }
0x3e: {  	[sflag:s21] =	ssyncset.done $0x0  }
0x3f: {  	s16 =	simm.s32 $0x2880;
	[sflag:s21] =	ssyncadd.s32 $0xFFFFE000  }
0x40: {  	[spmem:s2] =	stream.indirect.scatter.add.f32 [tilespmem:s18], [sflag:$0x4], $0x40, s16, s17, $0xb8;
	[tilespmem:$0x17100] =	vst v63  }
0x41: {  	_ =	swait.ge [sflag:s15], $0x2000  }
0x42: {  	[sflag:s15] =	ssyncset.done $0x0  }
0x43: {  	s0 =	simm.s32 $0x180;
	[sflag:s15] =	ssyncadd.s32 $0xFFFFE000  }
0x44: {  	[tilespmem:s18], [sflag:$0x1] =	stream.indirect.gather [hbm4b:s4+s17], $0x40, s0, s17, $0xb8;
	[tilespmem:$0x17100] =	vst v63  }
0x45: {  	_ =	swait.ge [sflag:s22], $0x2000  }
0x46: {  	[sflag:s22] =	ssyncset.done $0x0  }
0x47: {  	s16 =	simm.s32 $0x2900;
	[sflag:s22] =	ssyncadd.s32 $0xFFFFE000  }
0x48: {  	[spmem:s2] =	stream.indirect.scatter.add.f32 [tilespmem:s19], [sflag:$0x4], $0x40, s16, s17, $0xb8;
	[tilespmem:$0x17100] =	vst v63  }
0x49: {  	_ =	swait.ge [sflag:s15], $0x2000  }
0x4a: {  	[sflag:s15] =	ssyncset.done $0x0  }
0x4b: {  	s0 =	simm.s32 $0x200;
	[sflag:s15] =	ssyncadd.s32 $0xFFFFE000  }
0x4c: {  	[tilespmem:s19], [sflag:$0x2] =	stream.indirect.gather [hbm4b:s4+s17], $0x40, s0, s17, $0xb8;
	[tilespmem:$0x17100] =	vst v63  }
0x4d: {  	_ =	swait.ge [sflag:s23], $0x2000  }
0x4e: {  	[sflag:s23] =	ssyncset.done $0x0  }
0x4f: {  	s16 =	simm.s32 $0x2980;
	[sflag:s23] =	ssyncadd.s32 $0xFFFFE000  }
0x50: {  	[spmem:s2] =	stream.indirect.scatter.add.f32 [tilespmem:s20], [sflag:$0x4], $0x40, s16, s17, $0xb8;
	[tilespmem:$0x17100] =	vst v63  }
0x51: {  	_ =	swait.ge [sflag:s15], $0x2000  }
0x52: {  	s31 =	simm.s32 $0xC00;
	s30 =	simm.s32 $0x180;
	[sflag:s15] =	ssyncset.done $0x0  }
.LBB2_4:
0x53: {  	s1 =	sadd.s32 $0x100, s30  }
0x54: {  	[sflag:s15] =	ssyncadd.s32 $0xFFFFE000;
	s0 =	smov.u32 s31;
	s16 =	sadd.s32 $0x600, s31  }
0x55: {  	[tilespmem:s20], [sflag:$0x3] =	stream.indirect.gather [hbm4b:s4+s17], $0x40, s1, s17, $0xb8;
	[tilespmem:$0x17100] =	vst v63  }
0x56: {  	p0 =	sne.s32 s31, $0x9600;
	_ =	swait.ge [sflag:s21], $0x2000  }
0x57: {  	[sflag:s21] =	ssyncset.done $0x0  }
0x58: {  	s1 =	sadd.s32 $0x2880, s30;
	[sflag:s21] =	ssyncadd.s32 $0xFFFFE000  }
0x59: {  	[spmem:s2] =	stream.indirect.scatter.add.f32 [tilespmem:s18], [sflag:$0x4], $0x40, s1, s17, $0xb8;
	[tilespmem:$0x17100] =	vst v63  }
0x5a: {  	_ =	swait.ge [sflag:s15], $0x2000  }
0x5b: {  	[sflag:s15] =	ssyncset.done $0x0  }
0x5c: {  	s1 =	sadd.s32 $0x180, s30;
	[sflag:s15] =	ssyncadd.s32 $0xFFFFE000  }
0x5d: {  	[tilespmem:s18], [sflag:$0x1] =	stream.indirect.gather [hbm4b:s4+s17], $0x40, s1, s17, $0xb8;
	[tilespmem:$0x17100] =	vst v63  }
0x5e: {  	_ =	swait.ge [sflag:s22], $0x2000  }
0x5f: {  	[sflag:s22] =	ssyncset.done $0x0  }
0x60: {  	s1 =	sadd.s32 $0x2900, s30;
	[sflag:s22] =	ssyncadd.s32 $0xFFFFE000  }
0x61: {  	[spmem:s2] =	stream.indirect.scatter.add.f32 [tilespmem:s19], [sflag:$0x4], $0x40, s1, s17, $0xb8;
	[tilespmem:$0x17100] =	vst v63  }
0x62: {  	_ =	swait.ge [sflag:s15], $0x2000  }
0x63: {  	[sflag:s15] =	ssyncset.done $0x0  }
0x64: {  	s1 =	sadd.s32 $0x200, s30;
	[sflag:s15] =	ssyncadd.s32 $0xFFFFE000  }
0x65: {  	[tilespmem:s19], [sflag:$0x2] =	stream.indirect.gather [hbm4b:s4+s17], $0x40, s1, s17, $0xb8;
	[tilespmem:$0x17100] =	vst v63  }
0x66: {  	_ =	swait.ge [sflag:s23], $0x2000  }
.Ltmp1:
0x67: {  	[sflag:s23] =	ssyncset.done $0x0;
	(pc) =	sbr.rel @p0 .LBB2_4-.Ltmp1, $4  }
0x68: {  	s1 =	sadd.s32 $0x2980, s30;
	[sflag:s23] =	ssyncadd.s32 $0xFFFFE000  }
0x69: {  	[spmem:s2] =	stream.indirect.scatter.add.f32 [tilespmem:s20], [sflag:$0x4], $0x40, s1, s17, $0xb8;
	[tilespmem:$0x17100] =	vst v63  }
0x6a: {  	_ =	swait.ge [sflag:s15], $0x2000  }
0x6b: {  	s31 =	smov.u32 s16;
	s30 =	sshra.s32 s0, $0x2;
	[sflag:s15] =	ssyncset.done $0x0  }
0x6c: {  	s0 =	sadd.s32 $0x100, s30;
	[sflag:s15] =	ssyncadd.s32 $0xFFFFE000  }
0x6d: {  	[tilespmem:s20], [sflag:$0x3] =	stream.indirect.gather [hbm4b:s4+s17], $0x40, s0, s17, $0xb8;
	[tilespmem:$0x17100] =	vst v63  }
0x6e: {  	_ =	swait.ge [sflag:s21], $0x2000  }
0x6f: {  	[sflag:s21] =	ssyncset.done $0x0  }
0x70: {  	s16 =	sadd.s32 $0x2880, s30;
	[sflag:s21] =	ssyncadd.s32 $0xFFFFE000  }
0x71: {  	[spmem:s2] =	stream.indirect.scatter.add.f32 [tilespmem:s18], [sflag:$0x4], $0x40, s16, s17, $0xb8;
	[tilespmem:$0x17100] =	vst v63  }
0x72: {  	_ =	swait.ge [sflag:s15], $0x2000  }
0x73: {  	[sflag:s15] =	ssyncset.done $0x0  }
0x74: {  	s31 =	sadd.s32 $0x180, s30;
	[sflag:s15] =	ssyncadd.s32 $0xFFFFE000  }
0x75: {  	[tilespmem:s18], [sflag:$0x1] =	stream.indirect.gather [hbm4b:s4+s17], $0x40, s31, s17, $0xb8;
	[tilespmem:$0x17100] =	vst v63  }
0x76: {  	_ =	swait.ge [sflag:s22], $0x2000  }
0x77: {  	[sflag:s22] =	ssyncset.done $0x0  }
0x78: {  	s1 =	sadd.s32 $0x2900, s30;
	[sflag:s22] =	ssyncadd.s32 $0xFFFFE000  }
0x79: {  	[spmem:s2] =	stream.indirect.scatter.add.f32 [tilespmem:s19], [sflag:$0x4], $0x40, s1, s17, $0xb8;
	[tilespmem:$0x17100] =	vst v63  }
0x7a: {  	_ =	swait.ge [sflag:s15], $0x2000  }
0x7b: {  	[sflag:s15] =	ssyncset.done $0x0  }
0x7c: {  	s16 =	sadd.s32 $0x200, s30;
	[sflag:s15] =	ssyncadd.s32 $0xFFFFE000  }
0x7d: {  	[tilespmem:s19], [sflag:$0x2] =	stream.indirect.gather [hbm4b:s4+s17], $0x40, s16, s17, $0xb8;
	[tilespmem:$0x17100] =	vst v63  }
0x7e: {  	_ =	swait.ge [sflag:s23], $0x2000  }
0x7f: {  	[sflag:s23] =	ssyncset.done $0x0  }
0x80: {  	s30 =	sadd.s32 $0x2980, s30;
	[sflag:s23] =	ssyncadd.s32 $0xFFFFE000  }
0x81: {  	[spmem:s2] =	stream.indirect.scatter.add.f32 [tilespmem:s20], [sflag:$0x4], $0x40, s30, s17, $0xb8;
	[tilespmem:$0x17100] =	vst v63  }
0x82: {  	_ =	swait.ge [sflag:s15], $0x2000  }
0x83: {  	[sflag:s15] =	ssyncset.done $0x0  }
0x84: {  	[sflag:s15] =	ssyncadd.s32 $0xFFFFE000  }
0x85: {  	[tilespmem:s20], [sflag:$0x3] =	stream.indirect.gather [hbm4b:s4+s17], $0x40, s24, s17, $0xb8;
	[tilespmem:$0x17100] =	vst v63  }
0x86: {  	_ =	swait.ge [sflag:s21], $0x2000  }
0x87: {  	[sflag:s21] =	ssyncset.done $0x0  }
0x88: {  	[sflag:s21] =	ssyncadd.s32 $0xFFFFE000  }
0x89: {  	[spmem:s2] =	stream.indirect.scatter.add.f32 [tilespmem:s18], [sflag:$0x4], $0x40, s26, s17, $0xb8;
	[tilespmem:$0x17100] =	vst v63  }
0x8a: {  	_ =	swait.ge [sflag:s15], $0x2000  }
0x8b: {  	[sflag:s15] =	ssyncset.done $0x0  }
0x8c: {  	[sflag:s15] =	ssyncadd.s32 $0xFFFFE000  }
0x8d: {  	_ =	swait.ge [sflag:s22], $0x2000  }
0x8e: {  	[sflag:s22] =	ssyncset.done $0x0  }
0x8f: {  	[sflag:s22] =	ssyncadd.s32 $0xFFFFE000  }
0x90: {  	[spmem:s2] =	stream.indirect.scatter.add.f32 [tilespmem:s19], [sflag:$0x4], $0x40, s28, s17, $0xb8;
	[tilespmem:$0x17100] =	vst v63  }
0x91: {  	_ =	swait.ge [sflag:s15], $0x2000  }
0x92: {  	[sflag:s15] =	ssyncset.done $0x0  }
0x93: {  	[sflag:s15] =	ssyncadd.s32 $0xFFFFE000  }
0x94: {  	_ =	swait.ge [sflag:s23], $0x2000  }
0x95: {  	[sflag:s23] =	ssyncset.done $0x0  }
0x96: {  	[sflag:s23] =	ssyncadd.s32 $0xFFFFE000  }
0x97: {  	[spmem:s2] =	stream.indirect.scatter.add.f32 [tilespmem:s20], [sflag:$0x4], $0x40, s29, s17, $0xb8;
	[tilespmem:$0x17100] =	vst v63  }
0x98: {  	_ =	swait.ge [sflag:s15], $0x2000  }
0x99: {  	s3 =	sadd.s32 $0x1, s3;
	s31 =	stileid.u32;
	[sflag:s15] =	ssyncset.done $0x0  }
0x9a: {  	p0 =	sne.s32 s3, s9;
	s0 =	sshll.u32 s31, $0x6;
	[sflag:s15] =	ssyncadd.s32 $0xFFFFE000  }
.Ltmp2:
0x9b: {  	s0 =	sor.u32 $0x1C04, s0;
	[bflag:$0x0] =	sbarrier.arrive $0xFFFF;
	(pc) =	sbr.rel @p0 .LBB2_1-.Ltmp2, $4  }
0x9c: {  	[hbm:s8], [sflag:s0] =	dma.local [spmem:s25], $0x1400  }
0x9d: {  	_ =	swait.ge [sflag:s15], $0x1400  }
0x9e: {  	[sflag:s15] =	ssyncset.done $0x0  }
0x9f: {  	[sflag:s15] =	ssyncadd.s32 $0xFFFFEC00  }
0xa0: {  	_ =	sfence.sel $0x180000  }
0xa1: {  	[bflag:$0x0] =	sbarrier.arrive $0xFFFF  }
0xa2: {  	_ =	strace $0x9000004D  }
0xa3: {  	s0 =	stileid.u32;
	[bflag:$0x2] =	sbarrier.arrive $0xFFFF  }
0xa4: {  	p0 =	sne.s32 s0, $0x0;
	s0 =	rddreg [dreg:$0x2]  }
0xa5: {  	s0 =	sadd.s32 @!p0 $0x100000, s0  }
0xa6: {  	[sflag:s0] =	ssyncadd.tile.s32 @!p0 $0x1;
	_ =	shalt  }
.Lfunc_end2:
_tile_overlayer_lowered:
.L_overlay_start_2:
0xa7: {  	(tag) =	ssettag $0x2  }
0xa8: {  	s0 =	rddreg [dreg:$0x0];
	s2 =	stileid.u32  }
0xa9: {  	s1 =	rddreg [dreg:$0x1];
	p0 =	sne.s32 s2, $0x0  }
0xaa: {  	s3 =	rddreg [dreg:$0x2];
	[bflag:$0x3] =	sbarrier.arrive $0xFFFF;
	s2 =	simm.s32 @!p0 $0x1C04  }
0xab: {  	[timem:s3], [sflag:s2] =	dma.local @!p0 [hbm:s0], s1  }
0xac: {  	s0 =	simm.s32 @!p0 $0x4  }
0xad: {  	_ =	swait.ge @!p0 [sflag:s0], s1  }
0xae: {  	s1 =	ssub.s32 @!p0 $0x0, s1;
	[sflag:s0] =	ssyncset.done @!p0 $0x0  }
0xaf: {  	[sflag:s0] =	ssyncadd.s32 @!p0 s1  }
0xb0: {  	[bflag:$0x3] =	sbarrier.arrive $0xFFFF  }
0xb1: {  	_ =	shalt  }

// kernel: kernel.28.cloned.1.call-start
scs
__scs_entry_jumppad:
0x0: {  	(pc) =	sbr.rel $0x88, $3  }
0x1: {  	(tag) =	ssettag $0x0;
	lr =	simm.s32 $0x1  }
0x2: {  	[smem:$0x3F87] =	sst lr;
	_ =	strace $0xD0000000  }
0x3: {  	_ = 	snop  }
0x4: {  	_ = 	snop  }
0x5: {  	_ = 	snop  }
0x6: {  	_ = 	snop  }
0x7: {  	_ = 	snop  }
__scs_overlays_trampoline_lowered:
0x8: {  	[smem:$0x3F96] =	sst s0  }
0x9: {  	[smem:$0x3F97] =	sst s1  }
0xa: {  	[smem:$0x3F98] =	sst s2  }
0xb: {  	[smem:$0x3F99] =	sst s3  }
0xc: {  	[smem:$0x3F9A] =	sst s4  }
0xd: {  	[smem:$0x3F9B] =	sst s5  }
0xe: {  	[smem:$0x3F9C] =	sst s6  }
0xf: {  	[smem:$0x3F9D] =	sst s7  }
0x10: {  	[smem:$0x3F9E] =	sst s8  }
0x11: {  	[smem:$0x3F9F] =	sst s9;
	s0 =	simm.s32 @!p0 $0x0  }
0x12: {  	s1 =	sld [smem:$0x3F85];
	s0 =	simm.s32 @p0 $0x1  }
0x13: {  	[smem:$0x3FA0] =	sst s0;
	s0 =	simm.s32 @!p1 $0x0  }
0x14: {  	s2 =	sld [smem:$0x3F84];
	s0 =	simm.s32 @p1 $0x1  }
0x15: {  	[smem:$0x3FA1] =	sst s0;
	s0 =	simm.s32 @!p2 $0x0  }
0x16: {  	s3 =	sld [smem:$0x3FDB];
	s0 =	simm.s32 @p2 $0x1  }
0x17: {  	s4 =	simm.s32 $0x1BF5;
	[smem:$0x3FA3] =	sst s0  }
0x18: {  	s0 =	sld [smem:$0x3F86];
	_ =	swait.ge [sflag:s4], $0x0  }
0x19: {  	s7 =	sld [smem:$0x3F87]  }
0x1a: {  	s8 =	sadd.s32 $0xFFFFE003, lr  }
0x1b: {  	s9 =	sadd.s32 $0xFFFFFEF7, lr;
	s5 =	simm.s32 $0xFFFFFFFF;
	p2 =	slt.u32 s8, $0xFFFFF086  }
0x1c: {  	p1 =	slt.u32 s9, $0xF7A;
	s5 =	simm.s32 @!p2 $0x0  }
0x1d: {  	s5 =	simm.s32 @p1 $0x1;
	p0 =	seq.s32 s7, s2  }
0x1e: {  	s7 =	smul.u32 @!p0 $0xF7A, s2;
	p2 =	seq.s32 @!p0 s5, $0x0  }
0x1f: {  	s9 =	smul.u32 $0xF7A, s1;
	s8 =	simm.s32 @!p0 $0x1BF5;
	p2 =	por !p2, p0  }
0x20: {  	[sflag:s8] =	ssyncset.s32 @!p0 $0xFFFFF086;
	s6 =	sadd.s32 @!p0 s3, s7;
	s7 =	simm.s32 @!p0 $0x108  }
0x21: {  	s3 =	sadd.s32 s3, s9;
	s6 =	sadd.s32 @!p0 $0x88, s6;
	s7 =	simm.s32 @p2 $0x1082  }
0x22: {  	[simem:s7], [sflag:s8] =	dma.local @!p0 [hbm:s6], $0xF7A  }
0x23: {  	s9 =	sor.u32 $0xD0000000, s2;
	s6 =	simm.s32 $0x108;
	_ =	swait.ge @!p0 [sflag:s8], $0x0  }
0x24: {  	s3 =	sadd.s32 $0x88, s3;
	s6 =	simm.s32 @!p1 $0x1082;
	[sflag:s4] =	ssyncset.s32 $0xFFFFF086  }
0x25: {  	[simem:s6], [sflag:s4] =	dma.local [hbm:s3], $0xF7A  }
0x26: {  	[smem:$0x3F87] =	sst s1;
	(tag) =	ssettag s2;
	_ =	strace s9  }
0x27: {  	s1 =	sld [smem:$0x3F97]  }
0x28: {  	s2 =	sld [smem:$0x3F98]  }
0x29: {  	s4 =	sld [smem:$0x3F9A]  }
0x2a: {  	p0 =	seq.s32 s5, $0x0;
	s5 =	sld [smem:$0x3F9B]  }
0x2b: {  	s6 =	sld [smem:$0x3F9C]  }
0x2c: {  	s7 =	sld [smem:$0x3F9D]  }
0x2d: {  	s3 =	simm.s32 $0x108;
	s8 =	sld [smem:$0x3F9E]  }
0x2e: {  	s3 =	simm.s32 @!p0 $0x1082;
	s9 =	sld [smem:$0x3F9F]  }
0x2f: {  	lr =	sadd.s32 s0, s3;
	s0 =	sld [smem:$0x3F96]  }
0x30: {  	s3 =	sld [smem:$0x3F99]  }
0x31: {  	[smem:$0x3FA2] =	sst s10  }
0x32: {  	s10 =	sld [smem:$0x3FA0];
	_ =	sdelay $0x3  }
0x33: {  	p0 =	seq.s32 s10, $0x1;
	s10 =	sld [smem:$0x3FA2];
	_ =	sdelay $0x3  }
0x34: {  	[smem:$0x3FA2] =	sst s10  }
0x35: {  	s10 =	sld [smem:$0x3FA1];
	_ =	sdelay $0x3  }
0x36: {  	p1 =	seq.s32 s10, $0x1;
	s10 =	sld [smem:$0x3FA2];
	_ =	sdelay $0x3  }
0x37: {  	[smem:$0x3FA2] =	sst s10  }
0x38: {  	s10 =	sld [smem:$0x3FA3]  }
0x39: {  	_ = 	snop;
	(pc) =	sbr.ind lr, $3  }
0x3a: {  	_ = 	snop  }
0x3b: {  	_ = 	snop  }
0x3c: {  	p2 =	seq.s32 s10, $0x1;
	s10 =	sld [smem:$0x3FA2]  }
0x3d: {  	_ =	shalt  }
0x3e: {  	_ =	shalt  }
0x3f: {  	_ =	shalt  }
0x40: {  	_ =	shalt  }
0x41: {  	_ =	shalt  }
0x42: {  	_ =	shalt  }
0x43: {  	_ =	shalt  }
0x44: {  	_ =	shalt  }
0x45: {  	_ =	shalt  }
0x46: {  	_ =	shalt  }
0x47: {  	_ =	shalt  }
0x48: {  	_ =	shalt  }
0x49: {  	_ =	shalt  }
0x4a: {  	_ =	shalt  }
0x4b: {  	_ =	shalt  }
0x4c: {  	_ =	shalt  }
0x4d: {  	_ =	shalt  }
0x4e: {  	_ =	shalt  }
0x4f: {  	_ =	shalt  }
0x50: {  	_ =	shalt  }
0x51: {  	_ =	shalt  }
0x52: {  	_ =	shalt  }
0x53: {  	_ =	shalt  }
0x54: {  	_ =	shalt  }
0x55: {  	_ =	shalt  }
0x56: {  	_ =	shalt  }
0x57: {  	_ =	shalt  }
0x58: {  	_ =	shalt  }
0x59: {  	_ =	shalt  }
0x5a: {  	_ =	shalt  }
0x5b: {  	_ =	shalt  }
0x5c: {  	_ =	shalt  }
0x5d: {  	_ =	shalt  }
0x5e: {  	_ =	shalt  }
0x5f: {  	_ =	shalt  }
0x60: {  	_ =	shalt  }
0x61: {  	_ =	shalt  }
0x62: {  	_ =	shalt  }
0x63: {  	_ =	shalt  }
0x64: {  	_ =	shalt  }
0x65: {  	_ =	shalt  }
0x66: {  	_ =	shalt  }
0x67: {  	_ =	shalt  }
0x68: {  	_ =	shalt  }
0x69: {  	_ =	shalt  }
0x6a: {  	_ =	shalt  }
0x6b: {  	_ =	shalt  }
0x6c: {  	_ =	shalt  }
0x6d: {  	_ =	shalt  }
0x6e: {  	_ =	shalt  }
0x6f: {  	_ =	shalt  }
0x70: {  	_ =	shalt  }
0x71: {  	_ =	shalt  }
0x72: {  	_ =	shalt  }
0x73: {  	_ =	shalt  }
0x74: {  	_ =	shalt  }
0x75: {  	_ =	shalt  }
0x76: {  	_ =	shalt  }
0x77: {  	_ =	shalt  }
0x78: {  	_ =	shalt  }
0x79: {  	_ =	shalt  }
0x7a: {  	_ =	shalt  }
0x7b: {  	_ =	shalt  }
0x7c: {  	_ =	shalt  }
0x7d: {  	_ =	shalt  }
0x7e: {  	_ =	shalt  }
0x7f: {  	_ =	shalt  }
0x80: {  	_ =	shalt  }
0x81: {  	_ =	shalt  }
0x82: {  	_ =	shalt  }
0x83: {  	_ =	shalt  }
0x84: {  	_ =	shalt  }
0x85: {  	_ =	shalt  }
0x86: {  	_ =	shalt  }
0x87: {  	_ =	shalt  }
.Lfunc_end0:
.L_simem_size_0:
called_computation.3_lowered:
.L_overlay_start_0:
0x88: {  	s2 =	sld [smem:$0x3FD9]  }
0x89: {  	s3 =	sld [smem:$0x3FFE];
	_ =	sdelay $0x1  }
0x8a: {  	s1 =	srdreg.scid  }
0x8b: {  	s0 =	sand.u32 $0x1, s1  }
0x8c: {  	s16 =	sshll.u32 s0, $0xA;
	s2 =	sadd.s32 s3, s2  }
0x8d: {  	s2 =	sadd.s32 s2, s16  }
0x8e: {  	[smem:$0x3FAE] =	sst s2  }
0x8f: {  	_ = 	snop  }
0x90: {  	(tm) =	ssettm $0x1  }
0x91: {  	s17 =	sld [smem:$0x3FFB];
	_ =	sdelay $0x3  }
0x92: {  	_ =	strace s17  }
0x93: {  	s2 =	sld [smem:$0x3FFC];
	_ =	sdelay $0x3  }
0x94: {  	_ =	strace s2  }
0x95: {  	s2 =	sld [smem:$0x3FFD];
	_ =	sdelay $0x3  }
0x96: {  	_ =	strace s2  }
0x97: {  	_ =	strace $0x8FFFFFFF  }
0x98: {  	s18 =	sld [smem:$0x3FDB];
	_ =	sdelay $0x1  }
0x99: {  	s19 =	simm.s32 $_scs_section_size  }
0x9a: {  	s4 =	simm.s32 $_size__tile_overlayer_lowered;
	s5 =	simm.s32 $_tile_overlayer_lowered  }
0x9b: {  	s22 =	simm.s32 $0x1BFF;
	s21 =	sshll.u32 s5, $0x1;
	s2 =	sadd.s32 s19, s18  }
0x9c: {  	s6 =	simm.s32 $0x0;
	s20 =	sshll.u32 s4, $0x1;
	s4 =	sadd.s32 s21, s2  }
0x9d: {  	[timem:s6], [sflag:s22] =	dma.local [hbm:s4], s20  }
0x9e: {  	_ =	swait.ge [sflag:s22], s20  }
0x9f: {  	s3 =	ssub.s32 $0x0, s20;
	[sflag:s22] =	ssyncset.done $0x0  }
0xa0: {  	[sflag:s22] =	ssyncadd.s32 s3;
	_ =	sdelay $0x1  }
0xa1: {  	s23 =	simm.s32 $0x1B8B  }
0xa2: {  	_ =	swait.ge [sflag:s23], $0x1  }
0xa3: {  	[sflag:s23] =	ssyncset.done $0x0  }
0xa4: {  	s25 =	simm.s32 $0x1B8E;
	s24 =	sld [smem:$0x3FFE];
	[sflag:s23] =	ssyncadd.s32 $0xFFFFFFFF  }
0xa5: {  	s26 =	simm.s32 $execute0_lowered;
	[smem:$0x3FD2] =	sst s25  }
0xa6: {  	s4 =	sshll.u32 s26, $0x1;
	_ =	strace $0x8000004F;
	[dreg:$0x1] =	wrdreg $0xFFFFFFFF  }
0xa7: {  	s28 =	simm.s32 $_size_execute0_lowered;
	s2 =	sadd.s32 s2, s4;
	[dreg:$0x0] =	wrdreg $0x0  }
0xa8: {  	s4 =	sshll.u32 s28, $0x1;
	[dreg:$0x2] =	wrdreg s2  }
0xa9: {  	[dreg:$0x3] =	wrdreg s4  }
0xaa: {  	[dreg:$0x4] =	wrdreg $0xC0  }
0xab: {  	_ =	task [dreg:s6], $0x5FFFF  }
0xac: {  	[dreg:$0x1] =	wrdreg $0xFFFFFFFF  }
0xad: {  	[dreg:$0x0] =	wrdreg $0x60  }
0xae: {  	[dreg:$0x2] =	wrdreg s24  }
0xaf: {  	[dreg:$0x3] =	wrdreg $0xD1000  }
0xb0: {  	[dreg:$0x4] =	wrdreg $0x9  }
0xb1: {  	_ =	task.clear_ibuf [dreg:s6], $0x5FFFF;
	_ =	strace $0x9000004F  }
0xb2: {  	s29 =	simm.s32 $0x9;
	_ =	strace $0x80000051  }
0xb3: {  	_ =	swait.ge [sflag:s29], $0x1  }
0xb4: {  	[sflag:s29] =	ssyncadd.s32 $0xFFFFFFFF  }
0xb5: {  	_ =	strace $0x90000051  }
0xb6: {  	_ =	sfence  }
0xb7: {  	s30 =	sld [smem:$0x0];
	_ =	sdelay $0x2  }
0xb8: {  	s31 =	sshll.u32 s1, $0xD;
	s1 =	sshrl.u32 s1, $0x2  }
0xb9: {  	s3 =	sand.u32 $0x4000, s31;
	s1 =	sadd.s32 s1, s30  }
0xba: {  	s0 =	sor.u32 s3, s0;
	s1 =	sshll.u32 s1, $0x11  }
0xbb: {  	s0 =	sor.u32 s1, s0  }
0xbc: {  	s0 =	sadd.s32 $0x8F2B, s0  }
0xbd: {  	[sflag:s0] =	ssyncadd.remote.s32 $0x1  }
0xbe: {  	_ =	sfence.sel $0xFFFF  }
0xbf: {  	[dreg:$0x0] =	wrdreg $0xFFFFFFFF;
	(pc) =	sbr.abs _section_cstart, $3  }
0xc0: {  	[dreg:$0x1] =	wrdreg $0xFFFFFFFF  }
0xc1: {  	_ =	task.clear_ibuf [dreg:s6], $0x2FFFF;
	_ =	strace $0x9FFFFFFF  }
0xc2: {  	(tm) =	ssettm $0x7FFFFFFF  }
0xc3: {  	_ =	shalt  }
tec
execute0_lowered:
.L_overlay_start_1:
0x0: {  	(tag) =	ssettag $0x1  }
0x1: {  	s1 =	srdreg.scid;
	s6 =	rddreg [dreg:$0x0]  }
0x2: {  	s0 =	stileid.u32;
	s2 =	rddreg [dreg:$0x1];
	s3 =	simm.s32 $0x0  }
0x3: {  	s14 =	simm.s32 $0x5100;
	s15 =	simm.s32 $0x4;
	s17 =	simm.s32 $0x80  }
0x4: {  	s18 =	simm.s32 $0x7100;
	s19 =	simm.s32 $0x9100;
	s20 =	simm.s32 $0xB100  }
0x5: {  	s21 =	simm.s32 $0x1;
	s22 =	simm.s32 $0x2;
	s23 =	simm.s32 $0x3  }
0x6: {  	s24 =	simm.s32 $0x2800;
	s26 =	simm.s32 $0x4F80;
	s28 =	simm.s32 $0x5000  }
0x7: {  	s29 =	simm.s32 $0x5080;
	s5 =	sand.u32 $0x1, s1;
	s9 =	smul.u32 $0xA000, s0  }
0x8: {  	s31 =	sshll.u32 s0, $0x1;
	[smem:$0x7FF] =	sst s3;
	s10 =	smul.u32 $0x28000, s0  }
0x9: {  	s1 =	sor.u32 s5, s31;
	s7 =	smul.u32 $0xA0000, s5;
	s5 =	ssub.s32 $0x2, s5  }
0xa: {  	_ =	strace $0x80000050;
	s4 =	smul.u32 $0x510, s1;
	s11 =	sshrl.u32 s5, $0x1  }
0xb: {  	s10 =	sshrl.u32 s10, $0x2;
	s25 =	sadd.s32 s9, s2;
	s7 =	sadd.s32 s9, s7  }
0xc: {  	s11 =	ssub.s32 s5, s11;
	s5 =	sadd.s32 s10, s2;
	s25 =	sshrl.u32 s25, $0x3  }
0xd: {  	s8 =	sadd.s32 s4, s6;
	s4 =	sadd.s32 $0x4FC00, s6;
	s7 =	sshrl.u32 s7, $0x3  }
0xe: {  	s9 =	smax.u32 s11, $0x1;
	s10 =	sadd.s32 $0x2000, s5;
	s11 =	sadd.s32 $0x4000, s5  }
0xf: {  	s13 =	sadd.s32 $0x8000, s5;
	s12 =	sadd.s32 s7, s6;
	s6 =	sadd.s32 $0x1E800, s8  }
0x10: {  	v0 =	vimm.f32 $0.0e+00;
	s7 =	sadd.s32 $0x14600, s8;
	s8 =	sadd.s32 $0x63600, s12;
	s12 =	sadd.s32 $0x6000, s5  }
.LBB2_1:
0x11: {  	s31 =	simm.s32 $0x100;
	s30 =	simm.s32 $0x0  }
.LBB2_2:
0x12: {  	p0 =	sne.s32 s31, $0x7F00;
	[tilespmem:s30+$0x5130] =	vst v0;
	s1 =	smov.u32 s31;
	s31 =	sadd.s32 $0x100, s31  }
.Ltmp0:
0x13: {  	[tilespmem:s30+$0x5120] =	vst v0;
	(pc) =	sbr.rel @p0 .LBB2_2-.Ltmp0, $3  }
0x14: {  	[tilespmem:s30+$0x5100] =	vst v0  }
0x15: {  	[tilespmem:s30+$0x5110] =	vst v0;
	_ =	sdelay $0x1  }
0x16: {  	s30 =	sshra.s32 s1, $0x2  }
0x17: {  	[tilespmem:s30+$0x5130] =	vst v0  }
0x18: {  	[tilespmem:s30+$0x5120] =	vst v0  }
0x19: {  	[tilespmem:s30+$0x5100] =	vst v0  }
0x1a: {  	[tilespmem:s30+$0x5110] =	vst v0  }
0x1b: {  	[spmem:s5] =	stream.linear.scatter [tilespmem:s14], [sflag:$0x4], $0x2000, $0x38;
	[tilespmem:$0x17100] =	vst v63  }
0x1c: {  	_ =	swait.ge [sflag:s15], $0x2000  }
0x1d: {  	[sflag:s15] =	ssyncset.done $0x0  }
0x1e: {  	[sflag:s15] =	ssyncadd.s32 $0xFFFFE000  }
0x1f: {  	[spmem:s10] =	stream.linear.scatter [tilespmem:s14], [sflag:$0x4], $0x2000, $0x38;
	[tilespmem:$0x17100] =	vst v63  }
0x20: {  	_ =	swait.ge [sflag:s15], $0x2000  }
0x21: {  	[sflag:s15] =	ssyncset.done $0x0  }
0x22: {  	[sflag:s15] =	ssyncadd.s32 $0xFFFFE000  }
0x23: {  	[spmem:s11] =	stream.linear.scatter [tilespmem:s14], [sflag:$0x4], $0x2000, $0x38;
	[tilespmem:$0x17100] =	vst v63  }
0x24: {  	_ =	swait.ge [sflag:s15], $0x2000  }
0x25: {  	[sflag:s15] =	ssyncset.done $0x0  }
0x26: {  	[sflag:s15] =	ssyncadd.s32 $0xFFFFE000  }
0x27: {  	[spmem:s12] =	stream.linear.scatter [tilespmem:s14], [sflag:$0x4], $0x2000, $0x38;
	[tilespmem:$0x17100] =	vst v63  }
0x28: {  	_ =	swait.ge [sflag:s15], $0x2000  }
0x29: {  	[sflag:s15] =	ssyncset.done $0x0  }
0x2a: {  	[sflag:s15] =	ssyncadd.s32 $0xFFFFE000  }
0x2b: {  	[spmem:s13] =	stream.linear.scatter [tilespmem:s14], [sflag:$0x4], $0x2000, $0x38;
	[tilespmem:$0x17100] =	vst v63  }
0x2c: {  	_ =	swait.ge [sflag:s15], $0x2000  }
0x2d: {  	[sflag:s15] =	ssyncset.done $0x0  }
0x2e: {  	s1 =	simm.s32 $0x0;
	[sflag:s15] =	ssyncadd.s32 $0xFFFFE000  }
0x2f: {  	[tilespmem:s1], [sflag:$0x4] =	stream.linear.gather [hbm4b:s6+s1], $0x2880, $0x38;
	[tilespmem:$0x17100] =	vst v63  }
0x30: {  	_ =	swait.ge [sflag:s15], $0x2880  }
0x31: {  	[sflag:s15] =	ssyncset.done $0x0  }
0x32: {  	s0 =	simm.s32 $0x2880;
	[sflag:s15] =	ssyncadd.s32 $0xFFFFD780  }
0x33: {  	[tilespmem:s0], [sflag:$0x4] =	stream.linear.gather [hbm4b:s7+s1], $0x2880, $0x38;
	[tilespmem:$0x17100] =	vst v63  }
0x34: {  	_ =	swait.ge [sflag:s15], $0x2880  }
0x35: {  	[sflag:s15] =	ssyncset.done $0x0  }
0x36: {  	[sflag:s15] =	ssyncadd.s32 $0xFFFFD780  }
0x37: {  	[bflag:$0x0] =	sbarrier.arrive $0xFFFF  }
0x38: {  	[tilespmem:s18], [sflag:$0x1] =	stream.indirect.gather [hbm4b:s4+s17], $0x40, s1, s17, $0xb8;
	[tilespmem:$0x17100] =	vst v63  }
0x39: {  	_ = 	snop  }
0x3a: {  	[tilespmem:s19], [sflag:$0x2] =	stream.indirect.gather [hbm4b:s4+s17], $0x40, s17, s17, $0xb8;
	[tilespmem:$0x17100] =	vst v63  }
0x3b: {  	s0 =	simm.s32 $0x100  }
0x3c: {  	[tilespmem:s20], [sflag:$0x3] =	stream.indirect.gather [hbm4b:s4+s17], $0x40, s0, s17, $0xb8;
	[tilespmem:$0x17100] =	vst v63  }
0x3d: {  	_ =	swait.ge [sflag:s21], $0x2000  }
0x3e: {  	[sflag:s21] =	ssyncset.done $0x0  }
0x3f: {  	s16 =	simm.s32 $0x2880;
	[sflag:s21] =	ssyncadd.s32 $0xFFFFE000  }
0x40: {  	[spmem:s2] =	stream.indirect.scatter.add.f32 [tilespmem:s18], [sflag:$0x4], $0x40, s16, s17, $0xb8;
	[tilespmem:$0x17100] =	vst v63  }
0x41: {  	_ =	swait.ge [sflag:s15], $0x2000  }
0x42: {  	[sflag:s15] =	ssyncset.done $0x0  }
0x43: {  	s0 =	simm.s32 $0x180;
	[sflag:s15] =	ssyncadd.s32 $0xFFFFE000  }
0x44: {  	[tilespmem:s18], [sflag:$0x1] =	stream.indirect.gather [hbm4b:s4+s17], $0x40, s0, s17, $0xb8;
	[tilespmem:$0x17100] =	vst v63  }
0x45: {  	_ =	swait.ge [sflag:s22], $0x2000  }
0x46: {  	[sflag:s22] =	ssyncset.done $0x0  }
0x47: {  	s16 =	simm.s32 $0x2900;
	[sflag:s22] =	ssyncadd.s32 $0xFFFFE000  }
0x48: {  	[spmem:s2] =	stream.indirect.scatter.add.f32 [tilespmem:s19], [sflag:$0x4], $0x40, s16, s17, $0xb8;
	[tilespmem:$0x17100] =	vst v63  }
0x49: {  	_ =	swait.ge [sflag:s15], $0x2000  }
0x4a: {  	[sflag:s15] =	ssyncset.done $0x0  }
0x4b: {  	s0 =	simm.s32 $0x200;
	[sflag:s15] =	ssyncadd.s32 $0xFFFFE000  }
0x4c: {  	[tilespmem:s19], [sflag:$0x2] =	stream.indirect.gather [hbm4b:s4+s17], $0x40, s0, s17, $0xb8;
	[tilespmem:$0x17100] =	vst v63  }
0x4d: {  	_ =	swait.ge [sflag:s23], $0x2000  }
0x4e: {  	[sflag:s23] =	ssyncset.done $0x0  }
0x4f: {  	s16 =	simm.s32 $0x2980;
	[sflag:s23] =	ssyncadd.s32 $0xFFFFE000  }
0x50: {  	[spmem:s2] =	stream.indirect.scatter.add.f32 [tilespmem:s20], [sflag:$0x4], $0x40, s16, s17, $0xb8;
	[tilespmem:$0x17100] =	vst v63  }
0x51: {  	_ =	swait.ge [sflag:s15], $0x2000  }
0x52: {  	s31 =	simm.s32 $0xC00;
	s30 =	simm.s32 $0x180;
	[sflag:s15] =	ssyncset.done $0x0  }
.LBB2_4:
0x53: {  	s1 =	sadd.s32 $0x100, s30  }
0x54: {  	[sflag:s15] =	ssyncadd.s32 $0xFFFFE000;
	s0 =	smov.u32 s31;
	s16 =	sadd.s32 $0x600, s31  }
0x55: {  	[tilespmem:s20], [sflag:$0x3] =	stream.indirect.gather [hbm4b:s4+s17], $0x40, s1, s17, $0xb8;
	[tilespmem:$0x17100] =	vst v63  }
0x56: {  	p0 =	sne.s32 s31, $0x9600;
	_ =	swait.ge [sflag:s21], $0x2000  }
0x57: {  	[sflag:s21] =	ssyncset.done $0x0  }
0x58: {  	s1 =	sadd.s32 $0x2880, s30;
	[sflag:s21] =	ssyncadd.s32 $0xFFFFE000  }
0x59: {  	[spmem:s2] =	stream.indirect.scatter.add.f32 [tilespmem:s18], [sflag:$0x4], $0x40, s1, s17, $0xb8;
	[tilespmem:$0x17100] =	vst v63  }
0x5a: {  	_ =	swait.ge [sflag:s15], $0x2000  }
0x5b: {  	[sflag:s15] =	ssyncset.done $0x0  }
0x5c: {  	s1 =	sadd.s32 $0x180, s30;
	[sflag:s15] =	ssyncadd.s32 $0xFFFFE000  }
0x5d: {  	[tilespmem:s18], [sflag:$0x1] =	stream.indirect.gather [hbm4b:s4+s17], $0x40, s1, s17, $0xb8;
	[tilespmem:$0x17100] =	vst v63  }
0x5e: {  	_ =	swait.ge [sflag:s22], $0x2000  }
0x5f: {  	[sflag:s22] =	ssyncset.done $0x0  }
0x60: {  	s1 =	sadd.s32 $0x2900, s30;
	[sflag:s22] =	ssyncadd.s32 $0xFFFFE000  }
0x61: {  	[spmem:s2] =	stream.indirect.scatter.add.f32 [tilespmem:s19], [sflag:$0x4], $0x40, s1, s17, $0xb8;
	[tilespmem:$0x17100] =	vst v63  }
0x62: {  	_ =	swait.ge [sflag:s15], $0x2000  }
0x63: {  	[sflag:s15] =	ssyncset.done $0x0  }
0x64: {  	s1 =	sadd.s32 $0x200, s30;
	[sflag:s15] =	ssyncadd.s32 $0xFFFFE000  }
0x65: {  	[tilespmem:s19], [sflag:$0x2] =	stream.indirect.gather [hbm4b:s4+s17], $0x40, s1, s17, $0xb8;
	[tilespmem:$0x17100] =	vst v63  }
0x66: {  	_ =	swait.ge [sflag:s23], $0x2000  }
.Ltmp1:
0x67: {  	[sflag:s23] =	ssyncset.done $0x0;
	(pc) =	sbr.rel @p0 .LBB2_4-.Ltmp1, $4  }
0x68: {  	s1 =	sadd.s32 $0x2980, s30;
	[sflag:s23] =	ssyncadd.s32 $0xFFFFE000  }
0x69: {  	[spmem:s2] =	stream.indirect.scatter.add.f32 [tilespmem:s20], [sflag:$0x4], $0x40, s1, s17, $0xb8;
	[tilespmem:$0x17100] =	vst v63  }
0x6a: {  	_ =	swait.ge [sflag:s15], $0x2000  }
0x6b: {  	s31 =	smov.u32 s16;
	s30 =	sshra.s32 s0, $0x2;
	[sflag:s15] =	ssyncset.done $0x0  }
0x6c: {  	s0 =	sadd.s32 $0x100, s30;
	[sflag:s15] =	ssyncadd.s32 $0xFFFFE000  }
0x6d: {  	[tilespmem:s20], [sflag:$0x3] =	stream.indirect.gather [hbm4b:s4+s17], $0x40, s0, s17, $0xb8;
	[tilespmem:$0x17100] =	vst v63  }
0x6e: {  	_ =	swait.ge [sflag:s21], $0x2000  }
0x6f: {  	[sflag:s21] =	ssyncset.done $0x0  }
0x70: {  	s16 =	sadd.s32 $0x2880, s30;
	[sflag:s21] =	ssyncadd.s32 $0xFFFFE000  }
0x71: {  	[spmem:s2] =	stream.indirect.scatter.add.f32 [tilespmem:s18], [sflag:$0x4], $0x40, s16, s17, $0xb8;
	[tilespmem:$0x17100] =	vst v63  }
0x72: {  	_ =	swait.ge [sflag:s15], $0x2000  }
0x73: {  	[sflag:s15] =	ssyncset.done $0x0  }
0x74: {  	s31 =	sadd.s32 $0x180, s30;
	[sflag:s15] =	ssyncadd.s32 $0xFFFFE000  }
0x75: {  	[tilespmem:s18], [sflag:$0x1] =	stream.indirect.gather [hbm4b:s4+s17], $0x40, s31, s17, $0xb8;
	[tilespmem:$0x17100] =	vst v63  }
0x76: {  	_ =	swait.ge [sflag:s22], $0x2000  }
0x77: {  	[sflag:s22] =	ssyncset.done $0x0  }
0x78: {  	s1 =	sadd.s32 $0x2900, s30;
	[sflag:s22] =	ssyncadd.s32 $0xFFFFE000  }
0x79: {  	[spmem:s2] =	stream.indirect.scatter.add.f32 [tilespmem:s19], [sflag:$0x4], $0x40, s1, s17, $0xb8;
	[tilespmem:$0x17100] =	vst v63  }
0x7a: {  	_ =	swait.ge [sflag:s15], $0x2000  }
0x7b: {  	[sflag:s15] =	ssyncset.done $0x0  }
0x7c: {  	s16 =	sadd.s32 $0x200, s30;
	[sflag:s15] =	ssyncadd.s32 $0xFFFFE000  }
0x7d: {  	[tilespmem:s19], [sflag:$0x2] =	stream.indirect.gather [hbm4b:s4+s17], $0x40, s16, s17, $0xb8;
	[tilespmem:$0x17100] =	vst v63  }
0x7e: {  	_ =	swait.ge [sflag:s23], $0x2000  }
0x7f: {  	[sflag:s23] =	ssyncset.done $0x0  }
0x80: {  	s30 =	sadd.s32 $0x2980, s30;
	[sflag:s23] =	ssyncadd.s32 $0xFFFFE000  }
0x81: {  	[spmem:s2] =	stream.indirect.scatter.add.f32 [tilespmem:s20], [sflag:$0x4], $0x40, s30, s17, $0xb8;
	[tilespmem:$0x17100] =	vst v63  }
0x82: {  	_ =	swait.ge [sflag:s15], $0x2000  }
0x83: {  	[sflag:s15] =	ssyncset.done $0x0  }
0x84: {  	[sflag:s15] =	ssyncadd.s32 $0xFFFFE000  }
0x85: {  	[tilespmem:s20], [sflag:$0x3] =	stream.indirect.gather [hbm4b:s4+s17], $0x40, s24, s17, $0xb8;
	[tilespmem:$0x17100] =	vst v63  }
0x86: {  	_ =	swait.ge [sflag:s21], $0x2000  }
0x87: {  	[sflag:s21] =	ssyncset.done $0x0  }
0x88: {  	[sflag:s21] =	ssyncadd.s32 $0xFFFFE000  }
0x89: {  	[spmem:s2] =	stream.indirect.scatter.add.f32 [tilespmem:s18], [sflag:$0x4], $0x40, s26, s17, $0xb8;
	[tilespmem:$0x17100] =	vst v63  }
0x8a: {  	_ =	swait.ge [sflag:s15], $0x2000  }
0x8b: {  	[sflag:s15] =	ssyncset.done $0x0  }
0x8c: {  	[sflag:s15] =	ssyncadd.s32 $0xFFFFE000  }
0x8d: {  	_ =	swait.ge [sflag:s22], $0x2000  }
0x8e: {  	[sflag:s22] =	ssyncset.done $0x0  }
0x8f: {  	[sflag:s22] =	ssyncadd.s32 $0xFFFFE000  }
0x90: {  	[spmem:s2] =	stream.indirect.scatter.add.f32 [tilespmem:s19], [sflag:$0x4], $0x40, s28, s17, $0xb8;
	[tilespmem:$0x17100] =	vst v63  }
0x91: {  	_ =	swait.ge [sflag:s15], $0x2000  }
0x92: {  	[sflag:s15] =	ssyncset.done $0x0  }
0x93: {  	[sflag:s15] =	ssyncadd.s32 $0xFFFFE000  }
0x94: {  	_ =	swait.ge [sflag:s23], $0x2000  }
0x95: {  	[sflag:s23] =	ssyncset.done $0x0  }
0x96: {  	[sflag:s23] =	ssyncadd.s32 $0xFFFFE000  }
0x97: {  	[spmem:s2] =	stream.indirect.scatter.add.f32 [tilespmem:s20], [sflag:$0x4], $0x40, s29, s17, $0xb8;
	[tilespmem:$0x17100] =	vst v63  }
0x98: {  	_ =	swait.ge [sflag:s15], $0x2000  }
0x99: {  	s3 =	sadd.s32 $0x1, s3;
	s31 =	stileid.u32;
	[sflag:s15] =	ssyncset.done $0x0  }
0x9a: {  	p0 =	sne.s32 s3, s9;
	s0 =	sshll.u32 s31, $0x6;
	[sflag:s15] =	ssyncadd.s32 $0xFFFFE000  }
.Ltmp2:
0x9b: {  	s0 =	sor.u32 $0x1C04, s0;
	[bflag:$0x0] =	sbarrier.arrive $0xFFFF;
	(pc) =	sbr.rel @p0 .LBB2_1-.Ltmp2, $4  }
0x9c: {  	[hbm:s8], [sflag:s0] =	dma.local [spmem:s25], $0x1400  }
0x9d: {  	_ =	swait.ge [sflag:s15], $0x1400  }
0x9e: {  	[sflag:s15] =	ssyncset.done $0x0  }
0x9f: {  	[sflag:s15] =	ssyncadd.s32 $0xFFFFEC00  }
0xa0: {  	_ =	sfence.sel $0x180000  }
0xa1: {  	[bflag:$0x0] =	sbarrier.arrive $0xFFFF  }
0xa2: {  	_ =	strace $0x90000050  }
0xa3: {  	s0 =	stileid.u32;
	[bflag:$0x2] =	sbarrier.arrive $0xFFFF  }
0xa4: {  	p0 =	sne.s32 s0, $0x0;
	s0 =	rddreg [dreg:$0x2]  }
0xa5: {  	s0 =	sadd.s32 @!p0 $0x100000, s0  }
0xa6: {  	[sflag:s0] =	ssyncadd.tile.s32 @!p0 $0x1;
	_ =	shalt  }
.Lfunc_end2:
_tile_overlayer_lowered:
.L_overlay_start_2:
0xa7: {  	(tag) =	ssettag $0x2  }
0xa8: {  	s0 =	rddreg [dreg:$0x0];
	s2 =	stileid.u32  }
0xa9: {  	s1 =	rddreg [dreg:$0x1];
	p0 =	sne.s32 s2, $0x0  }
0xaa: {  	s3 =	rddreg [dreg:$0x2];
	[bflag:$0x3] =	sbarrier.arrive $0xFFFF;
	s2 =	simm.s32 @!p0 $0x1C04  }
0xab: {  	[timem:s3], [sflag:s2] =	dma.local @!p0 [hbm:s0], s1  }
0xac: {  	s0 =	simm.s32 @!p0 $0x4  }
0xad: {  	_ =	swait.ge @!p0 [sflag:s0], s1  }
0xae: {  	s1 =	ssub.s32 @!p0 $0x0, s1;
	[sflag:s0] =	ssyncset.done @!p0 $0x0  }
0xaf: {  	[sflag:s0] =	ssyncadd.s32 @!p0 s1  }
0xb0: {  	[bflag:$0x3] =	sbarrier.arrive $0xFFFF  }
0xb1: {  	_ =	shalt  }

// kernel: kernel.31.cloned.1.call-start
scs
__scs_entry_jumppad:
0x0: {  	(pc) =	sbr.rel $0x88, $3  }
0x1: {  	(tag) =	ssettag $0x0;
	lr =	simm.s32 $0x1  }
0x2: {  	[smem:$0x3F87] =	sst lr;
	_ =	strace $0xD0000000  }
0x3: {  	_ = 	snop  }
0x4: {  	_ = 	snop  }
0x5: {  	_ = 	snop  }
0x6: {  	_ = 	snop  }
0x7: {  	_ = 	snop  }
__scs_overlays_trampoline_lowered:
0x8: {  	[smem:$0x3F96] =	sst s0  }
0x9: {  	[smem:$0x3F97] =	sst s1  }
0xa: {  	[smem:$0x3F98] =	sst s2  }
0xb: {  	[smem:$0x3F99] =	sst s3  }
0xc: {  	[smem:$0x3F9A] =	sst s4  }
0xd: {  	[smem:$0x3F9B] =	sst s5  }
0xe: {  	[smem:$0x3F9C] =	sst s6  }
0xf: {  	[smem:$0x3F9D] =	sst s7  }
0x10: {  	[smem:$0x3F9E] =	sst s8  }
0x11: {  	[smem:$0x3F9F] =	sst s9;
	s0 =	simm.s32 @!p0 $0x0  }
0x12: {  	s1 =	sld [smem:$0x3F85];
	s0 =	simm.s32 @p0 $0x1  }
0x13: {  	[smem:$0x3FA0] =	sst s0;
	s0 =	simm.s32 @!p1 $0x0  }
0x14: {  	s2 =	sld [smem:$0x3F84];
	s0 =	simm.s32 @p1 $0x1  }
0x15: {  	[smem:$0x3FA1] =	sst s0;
	s0 =	simm.s32 @!p2 $0x0  }
0x16: {  	s3 =	sld [smem:$0x3FDB];
	s0 =	simm.s32 @p2 $0x1  }
0x17: {  	s4 =	simm.s32 $0x1BF5;
	[smem:$0x3FA3] =	sst s0  }
0x18: {  	s0 =	sld [smem:$0x3F86];
	_ =	swait.ge [sflag:s4], $0x0  }
0x19: {  	s7 =	sld [smem:$0x3F87]  }
0x1a: {  	s8 =	sadd.s32 $0xFFFFE003, lr  }
0x1b: {  	s9 =	sadd.s32 $0xFFFFFEF7, lr;
	s5 =	simm.s32 $0xFFFFFFFF;
	p2 =	slt.u32 s8, $0xFFFFF086  }
0x1c: {  	p1 =	slt.u32 s9, $0xF7A;
	s5 =	simm.s32 @!p2 $0x0  }
0x1d: {  	s5 =	simm.s32 @p1 $0x1;
	p0 =	seq.s32 s7, s2  }
0x1e: {  	s7 =	smul.u32 @!p0 $0xF7A, s2;
	p2 =	seq.s32 @!p0 s5, $0x0  }
0x1f: {  	s9 =	smul.u32 $0xF7A, s1;
	s8 =	simm.s32 @!p0 $0x1BF5;
	p2 =	por !p2, p0  }
0x20: {  	[sflag:s8] =	ssyncset.s32 @!p0 $0xFFFFF086;
	s6 =	sadd.s32 @!p0 s3, s7;
	s7 =	simm.s32 @!p0 $0x108  }
0x21: {  	s3 =	sadd.s32 s3, s9;
	s6 =	sadd.s32 @!p0 $0x88, s6;
	s7 =	simm.s32 @p2 $0x1082  }
0x22: {  	[simem:s7], [sflag:s8] =	dma.local @!p0 [hbm:s6], $0xF7A  }
0x23: {  	s9 =	sor.u32 $0xD0000000, s2;
	s6 =	simm.s32 $0x108;
	_ =	swait.ge @!p0 [sflag:s8], $0x0  }
0x24: {  	s3 =	sadd.s32 $0x88, s3;
	s6 =	simm.s32 @!p1 $0x1082;
	[sflag:s4] =	ssyncset.s32 $0xFFFFF086  }
0x25: {  	[simem:s6], [sflag:s4] =	dma.local [hbm:s3], $0xF7A  }
0x26: {  	[smem:$0x3F87] =	sst s1;
	(tag) =	ssettag s2;
	_ =	strace s9  }
0x27: {  	s1 =	sld [smem:$0x3F97]  }
0x28: {  	s2 =	sld [smem:$0x3F98]  }
0x29: {  	s4 =	sld [smem:$0x3F9A]  }
0x2a: {  	p0 =	seq.s32 s5, $0x0;
	s5 =	sld [smem:$0x3F9B]  }
0x2b: {  	s6 =	sld [smem:$0x3F9C]  }
0x2c: {  	s7 =	sld [smem:$0x3F9D]  }
0x2d: {  	s3 =	simm.s32 $0x108;
	s8 =	sld [smem:$0x3F9E]  }
0x2e: {  	s3 =	simm.s32 @!p0 $0x1082;
	s9 =	sld [smem:$0x3F9F]  }
0x2f: {  	lr =	sadd.s32 s0, s3;
	s0 =	sld [smem:$0x3F96]  }
0x30: {  	s3 =	sld [smem:$0x3F99]  }
0x31: {  	[smem:$0x3FA2] =	sst s10  }
0x32: {  	s10 =	sld [smem:$0x3FA0];
	_ =	sdelay $0x3  }
0x33: {  	p0 =	seq.s32 s10, $0x1;
	s10 =	sld [smem:$0x3FA2];
	_ =	sdelay $0x3  }
0x34: {  	[smem:$0x3FA2] =	sst s10  }
0x35: {  	s10 =	sld [smem:$0x3FA1];
	_ =	sdelay $0x3  }
0x36: {  	p1 =	seq.s32 s10, $0x1;
	s10 =	sld [smem:$0x3FA2];
	_ =	sdelay $0x3  }
0x37: {  	[smem:$0x3FA2] =	sst s10  }
0x38: {  	s10 =	sld [smem:$0x3FA3]  }
0x39: {  	_ = 	snop;
	(pc) =	sbr.ind lr, $3  }
0x3a: {  	_ = 	snop  }
0x3b: {  	_ = 	snop  }
0x3c: {  	p2 =	seq.s32 s10, $0x1;
	s10 =	sld [smem:$0x3FA2]  }
0x3d: {  	_ =	shalt  }
0x3e: {  	_ =	shalt  }
0x3f: {  	_ =	shalt  }
0x40: {  	_ =	shalt  }
0x41: {  	_ =	shalt  }
0x42: {  	_ =	shalt  }
0x43: {  	_ =	shalt  }
0x44: {  	_ =	shalt  }
0x45: {  	_ =	shalt  }
0x46: {  	_ =	shalt  }
0x47: {  	_ =	shalt  }
0x48: {  	_ =	shalt  }
0x49: {  	_ =	shalt  }
0x4a: {  	_ =	shalt  }
0x4b: {  	_ =	shalt  }
0x4c: {  	_ =	shalt  }
0x4d: {  	_ =	shalt  }
0x4e: {  	_ =	shalt  }
0x4f: {  	_ =	shalt  }
0x50: {  	_ =	shalt  }
0x51: {  	_ =	shalt  }
0x52: {  	_ =	shalt  }
0x53: {  	_ =	shalt  }
0x54: {  	_ =	shalt  }
0x55: {  	_ =	shalt  }
0x56: {  	_ =	shalt  }
0x57: {  	_ =	shalt  }
0x58: {  	_ =	shalt  }
0x59: {  	_ =	shalt  }
0x5a: {  	_ =	shalt  }
0x5b: {  	_ =	shalt  }
0x5c: {  	_ =	shalt  }
0x5d: {  	_ =	shalt  }
0x5e: {  	_ =	shalt  }
0x5f: {  	_ =	shalt  }
0x60: {  	_ =	shalt  }
0x61: {  	_ =	shalt  }
0x62: {  	_ =	shalt  }
0x63: {  	_ =	shalt  }
0x64: {  	_ =	shalt  }
0x65: {  	_ =	shalt  }
0x66: {  	_ =	shalt  }
0x67: {  	_ =	shalt  }
0x68: {  	_ =	shalt  }
0x69: {  	_ =	shalt  }
0x6a: {  	_ =	shalt  }
0x6b: {  	_ =	shalt  }
0x6c: {  	_ =	shalt  }
0x6d: {  	_ =	shalt  }
0x6e: {  	_ =	shalt  }
0x6f: {  	_ =	shalt  }
0x70: {  	_ =	shalt  }
0x71: {  	_ =	shalt  }
0x72: {  	_ =	shalt  }
0x73: {  	_ =	shalt  }
0x74: {  	_ =	shalt  }
0x75: {  	_ =	shalt  }
0x76: {  	_ =	shalt  }
0x77: {  	_ =	shalt  }
0x78: {  	_ =	shalt  }
0x79: {  	_ =	shalt  }
0x7a: {  	_ =	shalt  }
0x7b: {  	_ =	shalt  }
0x7c: {  	_ =	shalt  }
0x7d: {  	_ =	shalt  }
0x7e: {  	_ =	shalt  }
0x7f: {  	_ =	shalt  }
0x80: {  	_ =	shalt  }
0x81: {  	_ =	shalt  }
0x82: {  	_ =	shalt  }
0x83: {  	_ =	shalt  }
0x84: {  	_ =	shalt  }
0x85: {  	_ =	shalt  }
0x86: {  	_ =	shalt  }
0x87: {  	_ =	shalt  }
.Lfunc_end0:
.L_simem_size_0:
called_computation.4_lowered:
.L_overlay_start_0:
0x88: {  	s2 =	sld [smem:$0x3FD9]  }
0x89: {  	s3 =	sld [smem:$0x3FFE];
	_ =	sdelay $0x1  }
0x8a: {  	s1 =	srdreg.scid  }
0x8b: {  	s0 =	sand.u32 $0x1, s1  }
0x8c: {  	s16 =	sshll.u32 s0, $0xA;
	s2 =	sadd.s32 s3, s2  }
0x8d: {  	s2 =	sadd.s32 s2, s16  }
0x8e: {  	[smem:$0x3FAE] =	sst s2  }
0x8f: {  	_ = 	snop  }
0x90: {  	(tm) =	ssettm $0x1  }
0x91: {  	s17 =	sld [smem:$0x3FFB];
	_ =	sdelay $0x3  }
0x92: {  	_ =	strace s17  }
0x93: {  	s2 =	sld [smem:$0x3FFC];
	_ =	sdelay $0x3  }
0x94: {  	_ =	strace s2  }
0x95: {  	s2 =	sld [smem:$0x3FFD];
	_ =	sdelay $0x3  }
0x96: {  	_ =	strace s2  }
0x97: {  	_ =	strace $0x8FFFFFFF  }
0x98: {  	s18 =	sld [smem:$0x3FDB];
	_ =	sdelay $0x1  }
0x99: {  	s19 =	simm.s32 $_scs_section_size  }
0x9a: {  	s4 =	simm.s32 $_size__tile_overlayer_lowered;
	s5 =	simm.s32 $_tile_overlayer_lowered  }
0x9b: {  	s22 =	simm.s32 $0x1BFF;
	s21 =	sshll.u32 s5, $0x1;
	s2 =	sadd.s32 s19, s18  }
0x9c: {  	s6 =	simm.s32 $0x0;
	s20 =	sshll.u32 s4, $0x1;
	s4 =	sadd.s32 s21, s2  }
0x9d: {  	[timem:s6], [sflag:s22] =	dma.local [hbm:s4], s20  }
0x9e: {  	_ =	swait.ge [sflag:s22], s20  }
0x9f: {  	s3 =	ssub.s32 $0x0, s20;
	[sflag:s22] =	ssyncset.done $0x0  }
0xa0: {  	[sflag:s22] =	ssyncadd.s32 s3;
	_ =	sdelay $0x1  }
0xa1: {  	s23 =	simm.s32 $0x1B8B  }
0xa2: {  	_ =	swait.ge [sflag:s23], $0x1  }
0xa3: {  	[sflag:s23] =	ssyncset.done $0x0  }
0xa4: {  	s25 =	simm.s32 $0x1B8E;
	s24 =	sld [smem:$0x3FFE];
	[sflag:s23] =	ssyncadd.s32 $0xFFFFFFFF  }
0xa5: {  	s26 =	simm.s32 $execute0_lowered;
	[smem:$0x3FD2] =	sst s25  }
0xa6: {  	s4 =	sshll.u32 s26, $0x1;
	_ =	strace $0x80000052;
	[dreg:$0x1] =	wrdreg $0xFFFFFFFF  }
0xa7: {  	s28 =	simm.s32 $_size_execute0_lowered;
	s2 =	sadd.s32 s2, s4;
	[dreg:$0x0] =	wrdreg $0x0  }
0xa8: {  	s4 =	sshll.u32 s28, $0x1;
	[dreg:$0x2] =	wrdreg s2  }
0xa9: {  	[dreg:$0x3] =	wrdreg s4  }
0xaa: {  	[dreg:$0x4] =	wrdreg $0xC0  }
0xab: {  	_ =	task [dreg:s6], $0x5FFFF  }
0xac: {  	[dreg:$0x1] =	wrdreg $0xFFFFFFFF  }
0xad: {  	[dreg:$0x0] =	wrdreg $0x60  }
0xae: {  	[dreg:$0x2] =	wrdreg s24  }
0xaf: {  	[dreg:$0x3] =	wrdreg $0xD1000  }
0xb0: {  	[dreg:$0x4] =	wrdreg $0x9  }
0xb1: {  	_ =	task.clear_ibuf [dreg:s6], $0x5FFFF;
	_ =	strace $0x90000052  }
0xb2: {  	s29 =	simm.s32 $0x9;
	_ =	strace $0x80000054  }
0xb3: {  	_ =	swait.ge [sflag:s29], $0x1  }
0xb4: {  	[sflag:s29] =	ssyncadd.s32 $0xFFFFFFFF  }
0xb5: {  	_ =	strace $0x90000054  }
0xb6: {  	_ =	sfence  }
0xb7: {  	s30 =	sld [smem:$0x0];
	_ =	sdelay $0x2  }
0xb8: {  	s31 =	sshll.u32 s1, $0xD;
	s1 =	sshrl.u32 s1, $0x2  }
0xb9: {  	s3 =	sand.u32 $0x4000, s31;
	s1 =	sadd.s32 s1, s30  }
0xba: {  	s0 =	sor.u32 s3, s0;
	s1 =	sshll.u32 s1, $0x11  }
0xbb: {  	s0 =	sor.u32 s1, s0  }
0xbc: {  	s0 =	sadd.s32 $0x8F2B, s0  }
0xbd: {  	[sflag:s0] =	ssyncadd.remote.s32 $0x1  }
0xbe: {  	_ =	sfence.sel $0xFFFF  }
0xbf: {  	[dreg:$0x0] =	wrdreg $0xFFFFFFFF;
	(pc) =	sbr.abs _section_cstart, $3  }
0xc0: {  	[dreg:$0x1] =	wrdreg $0xFFFFFFFF  }
0xc1: {  	_ =	task.clear_ibuf [dreg:s6], $0x2FFFF;
	_ =	strace $0x9FFFFFFF  }
0xc2: {  	(tm) =	ssettm $0x7FFFFFFF  }
0xc3: {  	_ =	shalt  }
tec
execute0_lowered:
.L_overlay_start_1:
0x0: {  	(tag) =	ssettag $0x1  }
0x1: {  	s1 =	srdreg.scid;
	s6 =	rddreg [dreg:$0x0]  }
0x2: {  	s0 =	stileid.u32;
	s2 =	rddreg [dreg:$0x1];
	s3 =	simm.s32 $0x0  }
0x3: {  	s14 =	simm.s32 $0x5100;
	s15 =	simm.s32 $0x4;
	s17 =	simm.s32 $0x80  }
0x4: {  	s18 =	simm.s32 $0x7100;
	s19 =	simm.s32 $0x9100;
	s20 =	simm.s32 $0xB100  }
0x5: {  	s21 =	simm.s32 $0x1;
	s22 =	simm.s32 $0x2;
	s23 =	simm.s32 $0x3  }
0x6: {  	s24 =	simm.s32 $0x2800;
	s26 =	simm.s32 $0x4F80;
	s28 =	simm.s32 $0x5000  }
0x7: {  	s29 =	simm.s32 $0x5080;
	s5 =	sand.u32 $0x1, s1;
	s9 =	smul.u32 $0xA000, s0  }
0x8: {  	s31 =	sshll.u32 s0, $0x1;
	[smem:$0x7FF] =	sst s3;
	s10 =	smul.u32 $0x28000, s0  }
0x9: {  	s1 =	sor.u32 s5, s31;
	s7 =	smul.u32 $0xA0000, s5;
	s5 =	ssub.s32 $0x2, s5  }
0xa: {  	_ =	strace $0x80000053;
	s4 =	smul.u32 $0x510, s1;
	s11 =	sshrl.u32 s5, $0x1  }
0xb: {  	s10 =	sshrl.u32 s10, $0x2;
	s25 =	sadd.s32 s9, s2;
	s7 =	sadd.s32 s9, s7  }
0xc: {  	s11 =	ssub.s32 s5, s11;
	s5 =	sadd.s32 s10, s2;
	s25 =	sshrl.u32 s25, $0x3  }
0xd: {  	s8 =	sadd.s32 s4, s6;
	s4 =	sadd.s32 $0x76E00, s6;
	s7 =	sshrl.u32 s7, $0x3  }
0xe: {  	s9 =	smax.u32 s11, $0x1;
	s10 =	sadd.s32 $0x2000, s5;
	s11 =	sadd.s32 $0x4000, s5  }
0xf: {  	s13 =	sadd.s32 $0x8000, s5;
	s12 =	sadd.s32 s7, s6;
	s6 =	sadd.s32 $0x1E800, s8  }
0x10: {  	v0 =	vimm.f32 $0.0e+00;
	s7 =	sadd.s32 $0x14600, s8;
	s8 =	sadd.s32 $0x8A800, s12;
	s12 =	sadd.s32 $0x6000, s5  }
.LBB2_1:
0x11: {  	s31 =	simm.s32 $0x100;
	s30 =	simm.s32 $0x0  }
.LBB2_2:
0x12: {  	p0 =	sne.s32 s31, $0x7F00;
	[tilespmem:s30+$0x5130] =	vst v0;
	s1 =	smov.u32 s31;
	s31 =	sadd.s32 $0x100, s31  }
.Ltmp0:
0x13: {  	[tilespmem:s30+$0x5120] =	vst v0;
	(pc) =	sbr.rel @p0 .LBB2_2-.Ltmp0, $3  }
0x14: {  	[tilespmem:s30+$0x5100] =	vst v0  }
0x15: {  	[tilespmem:s30+$0x5110] =	vst v0;
	_ =	sdelay $0x1  }
0x16: {  	s30 =	sshra.s32 s1, $0x2  }
0x17: {  	[tilespmem:s30+$0x5130] =	vst v0  }
0x18: {  	[tilespmem:s30+$0x5120] =	vst v0  }
0x19: {  	[tilespmem:s30+$0x5100] =	vst v0  }
0x1a: {  	[tilespmem:s30+$0x5110] =	vst v0  }
0x1b: {  	[spmem:s5] =	stream.linear.scatter [tilespmem:s14], [sflag:$0x4], $0x2000, $0x38;
	[tilespmem:$0x17100] =	vst v63  }
0x1c: {  	_ =	swait.ge [sflag:s15], $0x2000  }
0x1d: {  	[sflag:s15] =	ssyncset.done $0x0  }
0x1e: {  	[sflag:s15] =	ssyncadd.s32 $0xFFFFE000  }
0x1f: {  	[spmem:s10] =	stream.linear.scatter [tilespmem:s14], [sflag:$0x4], $0x2000, $0x38;
	[tilespmem:$0x17100] =	vst v63  }
0x20: {  	_ =	swait.ge [sflag:s15], $0x2000  }
0x21: {  	[sflag:s15] =	ssyncset.done $0x0  }
0x22: {  	[sflag:s15] =	ssyncadd.s32 $0xFFFFE000  }
0x23: {  	[spmem:s11] =	stream.linear.scatter [tilespmem:s14], [sflag:$0x4], $0x2000, $0x38;
	[tilespmem:$0x17100] =	vst v63  }
0x24: {  	_ =	swait.ge [sflag:s15], $0x2000  }
0x25: {  	[sflag:s15] =	ssyncset.done $0x0  }
0x26: {  	[sflag:s15] =	ssyncadd.s32 $0xFFFFE000  }
0x27: {  	[spmem:s12] =	stream.linear.scatter [tilespmem:s14], [sflag:$0x4], $0x2000, $0x38;
	[tilespmem:$0x17100] =	vst v63  }
0x28: {  	_ =	swait.ge [sflag:s15], $0x2000  }
0x29: {  	[sflag:s15] =	ssyncset.done $0x0  }
0x2a: {  	[sflag:s15] =	ssyncadd.s32 $0xFFFFE000  }
0x2b: {  	[spmem:s13] =	stream.linear.scatter [tilespmem:s14], [sflag:$0x4], $0x2000, $0x38;
	[tilespmem:$0x17100] =	vst v63  }
0x2c: {  	_ =	swait.ge [sflag:s15], $0x2000  }
0x2d: {  	[sflag:s15] =	ssyncset.done $0x0  }
0x2e: {  	s1 =	simm.s32 $0x0;
	[sflag:s15] =	ssyncadd.s32 $0xFFFFE000  }
0x2f: {  	[tilespmem:s1], [sflag:$0x4] =	stream.linear.gather [hbm4b:s6+s1], $0x2880, $0x38;
	[tilespmem:$0x17100] =	vst v63  }
0x30: {  	_ =	swait.ge [sflag:s15], $0x2880  }
0x31: {  	[sflag:s15] =	ssyncset.done $0x0  }
0x32: {  	s0 =	simm.s32 $0x2880;
	[sflag:s15] =	ssyncadd.s32 $0xFFFFD780  }
0x33: {  	[tilespmem:s0], [sflag:$0x4] =	stream.linear.gather [hbm4b:s7+s1], $0x2880, $0x38;
	[tilespmem:$0x17100] =	vst v63  }
0x34: {  	_ =	swait.ge [sflag:s15], $0x2880  }
0x35: {  	[sflag:s15] =	ssyncset.done $0x0  }
0x36: {  	[sflag:s15] =	ssyncadd.s32 $0xFFFFD780  }
0x37: {  	[bflag:$0x0] =	sbarrier.arrive $0xFFFF  }
0x38: {  	[tilespmem:s18], [sflag:$0x1] =	stream.indirect.gather [hbm4b:s4+s17], $0x40, s1, s17, $0xb8;
	[tilespmem:$0x17100] =	vst v63  }
0x39: {  	_ = 	snop  }
0x3a: {  	[tilespmem:s19], [sflag:$0x2] =	stream.indirect.gather [hbm4b:s4+s17], $0x40, s17, s17, $0xb8;
	[tilespmem:$0x17100] =	vst v63  }
0x3b: {  	s0 =	simm.s32 $0x100  }
0x3c: {  	[tilespmem:s20], [sflag:$0x3] =	stream.indirect.gather [hbm4b:s4+s17], $0x40, s0, s17, $0xb8;
	[tilespmem:$0x17100] =	vst v63  }
0x3d: {  	_ =	swait.ge [sflag:s21], $0x2000  }
0x3e: {  	[sflag:s21] =	ssyncset.done $0x0  }
0x3f: {  	s16 =	simm.s32 $0x2880;
	[sflag:s21] =	ssyncadd.s32 $0xFFFFE000  }
0x40: {  	[spmem:s2] =	stream.indirect.scatter.add.f32 [tilespmem:s18], [sflag:$0x4], $0x40, s16, s17, $0xb8;
	[tilespmem:$0x17100] =	vst v63  }
0x41: {  	_ =	swait.ge [sflag:s15], $0x2000  }
0x42: {  	[sflag:s15] =	ssyncset.done $0x0  }
0x43: {  	s0 =	simm.s32 $0x180;
	[sflag:s15] =	ssyncadd.s32 $0xFFFFE000  }
0x44: {  	[tilespmem:s18], [sflag:$0x1] =	stream.indirect.gather [hbm4b:s4+s17], $0x40, s0, s17, $0xb8;
	[tilespmem:$0x17100] =	vst v63  }
0x45: {  	_ =	swait.ge [sflag:s22], $0x2000  }
0x46: {  	[sflag:s22] =	ssyncset.done $0x0  }
0x47: {  	s16 =	simm.s32 $0x2900;
	[sflag:s22] =	ssyncadd.s32 $0xFFFFE000  }
0x48: {  	[spmem:s2] =	stream.indirect.scatter.add.f32 [tilespmem:s19], [sflag:$0x4], $0x40, s16, s17, $0xb8;
	[tilespmem:$0x17100] =	vst v63  }
0x49: {  	_ =	swait.ge [sflag:s15], $0x2000  }
0x4a: {  	[sflag:s15] =	ssyncset.done $0x0  }
0x4b: {  	s0 =	simm.s32 $0x200;
	[sflag:s15] =	ssyncadd.s32 $0xFFFFE000  }
0x4c: {  	[tilespmem:s19], [sflag:$0x2] =	stream.indirect.gather [hbm4b:s4+s17], $0x40, s0, s17, $0xb8;
	[tilespmem:$0x17100] =	vst v63  }
0x4d: {  	_ =	swait.ge [sflag:s23], $0x2000  }
0x4e: {  	[sflag:s23] =	ssyncset.done $0x0  }
0x4f: {  	s16 =	simm.s32 $0x2980;
	[sflag:s23] =	ssyncadd.s32 $0xFFFFE000  }
0x50: {  	[spmem:s2] =	stream.indirect.scatter.add.f32 [tilespmem:s20], [sflag:$0x4], $0x40, s16, s17, $0xb8;
	[tilespmem:$0x17100] =	vst v63  }
0x51: {  	_ =	swait.ge [sflag:s15], $0x2000  }
0x52: {  	s31 =	simm.s32 $0xC00;
	s30 =	simm.s32 $0x180;
	[sflag:s15] =	ssyncset.done $0x0  }
.LBB2_4:
0x53: {  	s1 =	sadd.s32 $0x100, s30  }
0x54: {  	[sflag:s15] =	ssyncadd.s32 $0xFFFFE000;
	s0 =	smov.u32 s31;
	s16 =	sadd.s32 $0x600, s31  }
0x55: {  	[tilespmem:s20], [sflag:$0x3] =	stream.indirect.gather [hbm4b:s4+s17], $0x40, s1, s17, $0xb8;
	[tilespmem:$0x17100] =	vst v63  }
0x56: {  	p0 =	sne.s32 s31, $0x9600;
	_ =	swait.ge [sflag:s21], $0x2000  }
0x57: {  	[sflag:s21] =	ssyncset.done $0x0  }
0x58: {  	s1 =	sadd.s32 $0x2880, s30;
	[sflag:s21] =	ssyncadd.s32 $0xFFFFE000  }
0x59: {  	[spmem:s2] =	stream.indirect.scatter.add.f32 [tilespmem:s18], [sflag:$0x4], $0x40, s1, s17, $0xb8;
	[tilespmem:$0x17100] =	vst v63  }
0x5a: {  	_ =	swait.ge [sflag:s15], $0x2000  }
0x5b: {  	[sflag:s15] =	ssyncset.done $0x0  }
0x5c: {  	s1 =	sadd.s32 $0x180, s30;
	[sflag:s15] =	ssyncadd.s32 $0xFFFFE000  }
0x5d: {  	[tilespmem:s18], [sflag:$0x1] =	stream.indirect.gather [hbm4b:s4+s17], $0x40, s1, s17, $0xb8;
	[tilespmem:$0x17100] =	vst v63  }
0x5e: {  	_ =	swait.ge [sflag:s22], $0x2000  }
0x5f: {  	[sflag:s22] =	ssyncset.done $0x0  }
0x60: {  	s1 =	sadd.s32 $0x2900, s30;
	[sflag:s22] =	ssyncadd.s32 $0xFFFFE000  }
0x61: {  	[spmem:s2] =	stream.indirect.scatter.add.f32 [tilespmem:s19], [sflag:$0x4], $0x40, s1, s17, $0xb8;
	[tilespmem:$0x17100] =	vst v63  }
0x62: {  	_ =	swait.ge [sflag:s15], $0x2000  }
0x63: {  	[sflag:s15] =	ssyncset.done $0x0  }
0x64: {  	s1 =	sadd.s32 $0x200, s30;
	[sflag:s15] =	ssyncadd.s32 $0xFFFFE000  }
0x65: {  	[tilespmem:s19], [sflag:$0x2] =	stream.indirect.gather [hbm4b:s4+s17], $0x40, s1, s17, $0xb8;
	[tilespmem:$0x17100] =	vst v63  }
0x66: {  	_ =	swait.ge [sflag:s23], $0x2000  }
.Ltmp1:
0x67: {  	[sflag:s23] =	ssyncset.done $0x0;
	(pc) =	sbr.rel @p0 .LBB2_4-.Ltmp1, $4  }
0x68: {  	s1 =	sadd.s32 $0x2980, s30;
	[sflag:s23] =	ssyncadd.s32 $0xFFFFE000  }
0x69: {  	[spmem:s2] =	stream.indirect.scatter.add.f32 [tilespmem:s20], [sflag:$0x4], $0x40, s1, s17, $0xb8;
	[tilespmem:$0x17100] =	vst v63  }
0x6a: {  	_ =	swait.ge [sflag:s15], $0x2000  }
0x6b: {  	s31 =	smov.u32 s16;
	s30 =	sshra.s32 s0, $0x2;
	[sflag:s15] =	ssyncset.done $0x0  }
0x6c: {  	s0 =	sadd.s32 $0x100, s30;
	[sflag:s15] =	ssyncadd.s32 $0xFFFFE000  }
0x6d: {  	[tilespmem:s20], [sflag:$0x3] =	stream.indirect.gather [hbm4b:s4+s17], $0x40, s0, s17, $0xb8;
	[tilespmem:$0x17100] =	vst v63  }
0x6e: {  	_ =	swait.ge [sflag:s21], $0x2000  }
0x6f: {  	[sflag:s21] =	ssyncset.done $0x0  }
0x70: {  	s16 =	sadd.s32 $0x2880, s30;
	[sflag:s21] =	ssyncadd.s32 $0xFFFFE000  }
0x71: {  	[spmem:s2] =	stream.indirect.scatter.add.f32 [tilespmem:s18], [sflag:$0x4], $0x40, s16, s17, $0xb8;
	[tilespmem:$0x17100] =	vst v63  }
0x72: {  	_ =	swait.ge [sflag:s15], $0x2000  }
0x73: {  	[sflag:s15] =	ssyncset.done $0x0  }
0x74: {  	s31 =	sadd.s32 $0x180, s30;
	[sflag:s15] =	ssyncadd.s32 $0xFFFFE000  }
0x75: {  	[tilespmem:s18], [sflag:$0x1] =	stream.indirect.gather [hbm4b:s4+s17], $0x40, s31, s17, $0xb8;
	[tilespmem:$0x17100] =	vst v63  }
0x76: {  	_ =	swait.ge [sflag:s22], $0x2000  }
0x77: {  	[sflag:s22] =	ssyncset.done $0x0  }
0x78: {  	s1 =	sadd.s32 $0x2900, s30;
	[sflag:s22] =	ssyncadd.s32 $0xFFFFE000  }
0x79: {  	[spmem:s2] =	stream.indirect.scatter.add.f32 [tilespmem:s19], [sflag:$0x4], $0x40, s1, s17, $0xb8;
	[tilespmem:$0x17100] =	vst v63  }
0x7a: {  	_ =	swait.ge [sflag:s15], $0x2000  }
0x7b: {  	[sflag:s15] =	ssyncset.done $0x0  }
0x7c: {  	s16 =	sadd.s32 $0x200, s30;
	[sflag:s15] =	ssyncadd.s32 $0xFFFFE000  }
0x7d: {  	[tilespmem:s19], [sflag:$0x2] =	stream.indirect.gather [hbm4b:s4+s17], $0x40, s16, s17, $0xb8;
	[tilespmem:$0x17100] =	vst v63  }
0x7e: {  	_ =	swait.ge [sflag:s23], $0x2000  }
0x7f: {  	[sflag:s23] =	ssyncset.done $0x0  }
0x80: {  	s30 =	sadd.s32 $0x2980, s30;
	[sflag:s23] =	ssyncadd.s32 $0xFFFFE000  }
0x81: {  	[spmem:s2] =	stream.indirect.scatter.add.f32 [tilespmem:s20], [sflag:$0x4], $0x40, s30, s17, $0xb8;
	[tilespmem:$0x17100] =	vst v63  }
0x82: {  	_ =	swait.ge [sflag:s15], $0x2000  }
0x83: {  	[sflag:s15] =	ssyncset.done $0x0  }
0x84: {  	[sflag:s15] =	ssyncadd.s32 $0xFFFFE000  }
0x85: {  	[tilespmem:s20], [sflag:$0x3] =	stream.indirect.gather [hbm4b:s4+s17], $0x40, s24, s17, $0xb8;
	[tilespmem:$0x17100] =	vst v63  }
0x86: {  	_ =	swait.ge [sflag:s21], $0x2000  }
0x87: {  	[sflag:s21] =	ssyncset.done $0x0  }
0x88: {  	[sflag:s21] =	ssyncadd.s32 $0xFFFFE000  }
0x89: {  	[spmem:s2] =	stream.indirect.scatter.add.f32 [tilespmem:s18], [sflag:$0x4], $0x40, s26, s17, $0xb8;
	[tilespmem:$0x17100] =	vst v63  }
0x8a: {  	_ =	swait.ge [sflag:s15], $0x2000  }
0x8b: {  	[sflag:s15] =	ssyncset.done $0x0  }
0x8c: {  	[sflag:s15] =	ssyncadd.s32 $0xFFFFE000  }
0x8d: {  	_ =	swait.ge [sflag:s22], $0x2000  }
0x8e: {  	[sflag:s22] =	ssyncset.done $0x0  }
0x8f: {  	[sflag:s22] =	ssyncadd.s32 $0xFFFFE000  }
0x90: {  	[spmem:s2] =	stream.indirect.scatter.add.f32 [tilespmem:s19], [sflag:$0x4], $0x40, s28, s17, $0xb8;
	[tilespmem:$0x17100] =	vst v63  }
0x91: {  	_ =	swait.ge [sflag:s15], $0x2000  }
0x92: {  	[sflag:s15] =	ssyncset.done $0x0  }
0x93: {  	[sflag:s15] =	ssyncadd.s32 $0xFFFFE000  }
0x94: {  	_ =	swait.ge [sflag:s23], $0x2000  }
0x95: {  	[sflag:s23] =	ssyncset.done $0x0  }
0x96: {  	[sflag:s23] =	ssyncadd.s32 $0xFFFFE000  }
0x97: {  	[spmem:s2] =	stream.indirect.scatter.add.f32 [tilespmem:s20], [sflag:$0x4], $0x40, s29, s17, $0xb8;
	[tilespmem:$0x17100] =	vst v63  }
0x98: {  	_ =	swait.ge [sflag:s15], $0x2000  }
0x99: {  	s3 =	sadd.s32 $0x1, s3;
	s31 =	stileid.u32;
	[sflag:s15] =	ssyncset.done $0x0  }
0x9a: {  	p0 =	sne.s32 s3, s9;
	s0 =	sshll.u32 s31, $0x6;
	[sflag:s15] =	ssyncadd.s32 $0xFFFFE000  }
.Ltmp2:
0x9b: {  	s0 =	sor.u32 $0x1C04, s0;
	[bflag:$0x0] =	sbarrier.arrive $0xFFFF;
	(pc) =	sbr.rel @p0 .LBB2_1-.Ltmp2, $4  }
0x9c: {  	[hbm:s8], [sflag:s0] =	dma.local [spmem:s25], $0x1400  }
0x9d: {  	_ =	swait.ge [sflag:s15], $0x1400  }
0x9e: {  	[sflag:s15] =	ssyncset.done $0x0  }
0x9f: {  	[sflag:s15] =	ssyncadd.s32 $0xFFFFEC00  }
0xa0: {  	_ =	sfence.sel $0x180000  }
0xa1: {  	[bflag:$0x0] =	sbarrier.arrive $0xFFFF  }
0xa2: {  	_ =	strace $0x90000053  }
0xa3: {  	s0 =	stileid.u32;
	[bflag:$0x2] =	sbarrier.arrive $0xFFFF  }
0xa4: {  	p0 =	sne.s32 s0, $0x0;
	s0 =	rddreg [dreg:$0x2]  }
0xa5: {  	s0 =	sadd.s32 @!p0 $0x100000, s0  }
0xa6: {  	[sflag:s0] =	ssyncadd.tile.s32 @!p0 $0x1;
	_ =	shalt  }
.Lfunc_end2:
_tile_overlayer_lowered:
.L_overlay_start_2:
0xa7: {  	(tag) =	ssettag $0x2  }
0xa8: {  	s0 =	rddreg [dreg:$0x0];
	s2 =	stileid.u32  }
0xa9: {  	s1 =	rddreg [dreg:$0x1];
	p0 =	sne.s32 s2, $0x0  }
0xaa: {  	s3 =	rddreg [dreg:$0x2];
	[bflag:$0x3] =	sbarrier.arrive $0xFFFF;
	s2 =	simm.s32 @!p0 $0x1C04  }
0xab: {  	[timem:s3], [sflag:s2] =	dma.local @!p0 [hbm:s0], s1  }
0xac: {  	s0 =	simm.s32 @!p0 $0x4  }
0xad: {  	_ =	swait.ge @!p0 [sflag:s0], s1  }
0xae: {  	s1 =	ssub.s32 @!p0 $0x0, s1;
	[sflag:s0] =	ssyncset.done @!p0 $0x0  }
0xaf: {  	[sflag:s0] =	ssyncadd.s32 @!p0 s1  }
0xb0: {  	[bflag:$0x3] =	sbarrier.arrive $0xFFFF  }
0xb1: {  	_ =	shalt  }

</sc_bundles>
